<compile_context>
chip_gen: v7x
topology: tpu7x:2x2x1
jax: 0.10.2.dev20260603
libtpu: 0.0.44.dev20260713+nightly
codegen_flags: <defaults>
</compile_context>

<pallas_src>
import functools

import jax
import jax.numpy as jnp
from jax import lax
from jax.experimental import pallas as pl
from jax.experimental.pallas import tpu as pltpu
from jax.experimental.pallas import tpu_sc as plsc

N = 10000
D = 128
E = 320000

NC = 2
NS = 16
NW = NC * NS
CHUNK = 64
CPT = 160
NCHUNKS = NW * CPT
E_PAD = NCHUNKS * CHUNK
NPAD = 10112
ROWS_PER_TILE = NPAD // NS
NB = 4
NPIECE = 5
HCH = CPT // NPIECE


def _sc_agg_body(x_hbm, zeros_hbm, src_hbm, dst_hbm, out_hbm,
                 is0, is1, id0, id1, b0, b1, b2, b3,
                 s0, s1, s2, s3, isem, acc):
    c = lax.axis_index("c")
    s = lax.axis_index("s")
    wid = c * NS + s

    row0 = s * ROWS_PER_TILE
    pltpu.sync_copy(zeros_hbm.at[pl.ds(row0, ROWS_PER_TILE)],
                    acc.at[pl.ds(row0, ROWS_PER_TILE)])
    plsc.subcore_barrier()

    bufs = [b0, b1, b2, b3]
    gsems = [s0, s1, s2, s3]
    isrc = [is0, is1]
    idst = [id0, id1]

    def pbase(p):
        return wid * CPT + p * HCH

    pltpu.sync_copy(src_hbm.at[pl.ds(pbase(0), HCH)], isrc[0])
    pltpu.sync_copy(dst_hbm.at[pl.ds(pbase(0), HCH)], idst[0])
    for b in range(NB):
        pltpu.async_copy(x_hbm.at[isrc[0].at[b]], bufs[b], gsems[b])
    pltpu.async_copy(src_hbm.at[pl.ds(pbase(1), HCH)], isrc[1], isem)
    pltpu.async_copy(dst_hbm.at[pl.ds(pbase(1), HCH)], idst[1], isem)

    for p in range(NPIECE):
        cur_s, cur_d = isrc[p % 2], idst[p % 2]
        nxt_s, nxt_d = isrc[(p + 1) % 2], idst[(p + 1) % 2]
        last = p == NPIECE - 1

        @pl.loop(0, HCH, step=NB)
        def _(g):
            if not last:
                @pl.when(g == HCH - NB)
                def _():
                    pltpu.make_async_copy(
                        src_hbm.at[pl.ds(pbase(p + 1), HCH)], nxt_s,
                        isem).wait()
                    pltpu.make_async_copy(
                        dst_hbm.at[pl.ds(pbase(p + 1), HCH)], nxt_d,
                        isem).wait()
            for b in range(NB):
                j = g + b
                pltpu.make_async_copy(x_hbm.at[cur_s.at[j]], bufs[b],
                                      gsems[b]).wait()
                pltpu.sync_copy(bufs[b], acc.at[cur_d.at[j]], add=True)

                @pl.when(j + NB < HCH)
                def _():
                    pltpu.async_copy(x_hbm.at[cur_s.at[j + NB]], bufs[b],
                                     gsems[b])

                if not last:
                    @pl.when(j + NB >= HCH)
                    def _():
                        pltpu.async_copy(x_hbm.at[nxt_s.at[j + NB - HCH]],
                                         bufs[b], gsems[b])

        if p + 2 < NPIECE:
            pltpu.async_copy(src_hbm.at[pl.ds(pbase(p + 2), HCH)], cur_s,
                             isem)
            pltpu.async_copy(dst_hbm.at[pl.ds(pbase(p + 2), HCH)], cur_d,
                             isem)

    plsc.subcore_barrier()
    pltpu.sync_copy(acc.at[pl.ds(row0, ROWS_PER_TILE)],
                    out_hbm.at[c, pl.ds(row0, ROWS_PER_TILE)])


_sc_agg = pl.kernel(
    _sc_agg_body,
    out_type=jax.ShapeDtypeStruct((NC, NPAD, D), jnp.float32),
    mesh=plsc.VectorSubcoreMesh(core_axis_name="c", subcore_axis_name="s"),
    scratch_types=[
        pltpu.VMEM((HCH, CHUNK), jnp.int32),
        pltpu.VMEM((HCH, CHUNK), jnp.int32),
        pltpu.VMEM((HCH, CHUNK), jnp.int32),
        pltpu.VMEM((HCH, CHUNK), jnp.int32),
        pltpu.VMEM((CHUNK, D), jnp.float32),
        pltpu.VMEM((CHUNK, D), jnp.float32),
        pltpu.VMEM((CHUNK, D), jnp.float32),
        pltpu.VMEM((CHUNK, D), jnp.float32),
        pltpu.SemaphoreType.DMA,
        pltpu.SemaphoreType.DMA,
        pltpu.SemaphoreType.DMA,
        pltpu.SemaphoreType.DMA,
        pltpu.SemaphoreType.DMA,
        pltpu.VMEM_SHARED((NPAD, D), jnp.float32),
    ],
)


def _mlp_body(x_ref, p_ref, wa_ref, ba_ref, wb_ref, bb_ref, out_ref, *,
              final_relu):
    h = x_ref[...] + p_ref[0] + p_ref[1]
    dn = (((1,), (1,)), ((), ()))
    h1 = lax.dot_general(h, wa_ref[...], dn,
                         preferred_element_type=jnp.float32) + ba_ref[...]
    h1 = jnp.maximum(h1, 0.0)
    y = lax.dot_general(h1, wb_ref[...], dn,
                        preferred_element_type=jnp.float32) + bb_ref[...]
    if final_relu:
        y = jnp.maximum(y, 0.0)
    out_ref[...] = y


_MLP_BLK = 1000


def _mlp(x, partials, Wa, ba, Wb, bb, final_relu):
    return pl.pallas_call(
        functools.partial(_mlp_body, final_relu=final_relu),
        out_shape=jax.ShapeDtypeStruct((N, D), jnp.float32),
        grid=(N // _MLP_BLK,),
        in_specs=[
            pl.BlockSpec((_MLP_BLK, D), lambda i: (i, 0)),
            pl.BlockSpec((NC, _MLP_BLK, D), lambda i: (0, i, 0)),
            pl.BlockSpec((D, D), lambda i: (0, 0)),
            pl.BlockSpec((1, D), lambda i: (0, 0)),
            pl.BlockSpec((D, D), lambda i: (0, 0)),
            pl.BlockSpec((1, D), lambda i: (0, 0)),
        ],
        out_specs=pl.BlockSpec((_MLP_BLK, D), lambda i: (i, 0)),
    )(x, partials, Wa, ba.reshape(1, D), Wb, bb.reshape(1, D))


def kernel(x, edge_index, W1a, b1a, W1b, b1b, W2a, b2a, W2b, b2b):
    ei = edge_index.astype(jnp.int32)
    src = jnp.concatenate(
        [ei[0], jnp.zeros((E_PAD - E,), jnp.int32)]).reshape(NCHUNKS, CHUNK)
    dst = jnp.concatenate(
        [ei[1], jnp.full((E_PAD - E,), N, jnp.int32)]).reshape(NCHUNKS, CHUNK)
    zeros = jnp.zeros((NPAD, D), jnp.float32)

    p1 = _sc_agg(x, zeros, src, dst)
    h = _mlp(x, p1, W1a, b1a, W1b, b1b, final_relu=True)
    p2 = _sc_agg(h, zeros, src, dst)
    out = _mlp(h, p2, W2a, b2a, W2b, b2b, final_relu=False)
    return out

# --- scband reference (transcript-rebuilt; emitter-appended) ---
"""Pipeline reference for scband-graph-gin-55662776156308 (READ-ONLY COPY).

The authoritative reference and input builder live on the scoring server;
editing this copy changes nothing except your own understanding.
"""

import jax, jax.numpy as jnp
import numpy as np

N_NODES = 10000
N_EDGES = 320000
D_IN = 128
D_HID = 128
D_OUT = 128


def setup_inputs(seed: int = 0) -> dict:
    key = jax.random.key(seed)
    ks = jax.random.split(key, 12)
    x = jax.random.normal(ks[0], (N_NODES, D_IN), dtype=jnp.float32)
    edge_index = jax.random.randint(ks[1], (2, N_EDGES), 0, N_NODES, dtype=jnp.int64)
    s1 = 1.0 / np.sqrt(D_IN)
    s2 = 1.0 / np.sqrt(D_HID)
    W1a = jax.random.uniform(ks[2], (D_HID, D_IN), dtype=jnp.float32, minval=-s1, maxval=s1)
    b1a = jax.random.uniform(ks[3], (D_HID,), dtype=jnp.float32, minval=-s1, maxval=s1)
    W1b = jax.random.uniform(ks[4], (D_HID, D_HID), dtype=jnp.float32, minval=-s2, maxval=s2)
    b1b = jax.random.uniform(ks[5], (D_HID,), dtype=jnp.float32, minval=-s2, maxval=s2)
    W2a = jax.random.uniform(ks[6], (D_HID, D_HID), dtype=jnp.float32, minval=-s2, maxval=s2)
    b2a = jax.random.uniform(ks[7], (D_HID,), dtype=jnp.float32, minval=-s2, maxval=s2)
    W2b = jax.random.uniform(ks[8], (D_OUT, D_HID), dtype=jnp.float32, minval=-s2, maxval=s2)
    b2b = jax.random.uniform(ks[9], (D_OUT,), dtype=jnp.float32, minval=-s2, maxval=s2)
    return {"x": x, "edge_index": edge_index, "W1a": W1a, "b1a": b1a, "W1b": W1b, "b1b": b1b,
            "W2a": W2a, "b2a": b2a, "W2b": W2b, "b2b": b2b}


def _gin_conv(x, edge_index, Wa, ba, Wb, bb, eps=0.0):
    src = edge_index[0]
    dst = edge_index[1]
    msgs = jnp.take(x, src, axis=0)
    agg = jax.ops.segment_sum(msgs, dst, num_segments=x.shape[0])
    h = (1.0 + eps) * x + agg
    h = jnp.maximum(h @ Wa.T + ba, 0.0)
    h = h @ Wb.T + bb
    return h


def reference(x, edge_index, W1a, b1a, W1b, b1b, W2a, b2a, W2b, b2b):
    # layer 1 (all but last): conv -> relu -> dropout(eval mode = identity)
    h = _gin_conv(x, edge_index, W1a, b1a, W1b, b1b)
    h = jnp.maximum(h, 0.0)
    # dropout p=0.5 in eval mode is identity
    # last layer: conv only
    out = _gin_conv(h, edge_index, W2a, b2a, W2b, b2b)
    return out

if __name__ == "__main__":
    import jax
    _d = setup_inputs()
    print(jax.jit(kernel)(*tuple(_d.values())))

</pallas_src>

<mosaic_0001>
#map = affine_map<(d0, d1) -> (0, 0)>
#map1 = affine_map<(d0, d1) -> (0, 0, 0)>
module attributes {stable_mosaic.version = 14 : i64} {
  func.func @_sc_agg_body(%arg0: i32, %arg1: i32, %arg2: memref<10000x128xf32, #tpu.memory_space<hbm>>, %arg3: memref<10112x128xf32, #tpu.memory_space<hbm>>, %arg4: memref<5120x64xi32, #tpu.memory_space<hbm>>, %arg5: memref<5120x64xi32, #tpu.memory_space<hbm>>, %arg6: memref<2x10112x128xf32, #tpu.memory_space<hbm>>, %arg7: memref<32x64xi32, #tpu.memory_space<vmem>>, %arg8: memref<32x64xi32, #tpu.memory_space<vmem>>, %arg9: memref<32x64xi32, #tpu.memory_space<vmem>>, %arg10: memref<32x64xi32, #tpu.memory_space<vmem>>, %arg11: memref<64x128xf32, #tpu.memory_space<vmem>>, %arg12: memref<64x128xf32, #tpu.memory_space<vmem>>, %arg13: memref<64x128xf32, #tpu.memory_space<vmem>>, %arg14: memref<64x128xf32, #tpu.memory_space<vmem>>, %arg15: memref<!tpu.dma_semaphore, #tpu.memory_space<semaphore_mem>>, %arg16: memref<!tpu.dma_semaphore, #tpu.memory_space<semaphore_mem>>, %arg17: memref<!tpu.dma_semaphore, #tpu.memory_space<semaphore_mem>>, %arg18: memref<!tpu.dma_semaphore, #tpu.memory_space<semaphore_mem>>, %arg19: memref<!tpu.dma_semaphore, #tpu.memory_space<semaphore_mem>>, %arg20: memref<10112x128xf32, #tpu.memory_space<vmem_shared>>) attributes {dimension_semantics = [#tpu.dimension_semantics<core_parallel>, #tpu.dimension_semantics<subcore_parallel>], iteration_bounds = array<i64: 2, 16>, scalar_prefetch = 0 : i64, scratch_operands = 14 : i64, tpu.core_type = #tpu.core_type<sc_vector_subcore>, window_params = [{transform_indices = #map}, {transform_indices = #map}, {transform_indices = #map}, {transform_indices = #map}, {transform_indices = #map1}]} {
    %mul3A = arith.constant 16 : i32
    %mul3A_0 = arith.muli %arg0, %mul3A : i32
    %add3A = arith.addi %mul3A_0, %arg1 : i32
    %mul3A_1 = arith.constant 632 : i32
    %mul3A_2 = arith.muli %arg1, %mul3A_1 : i32
    "tpu.region"() ({
      %run_scoped3A = tpu.sem_alloc : memref<!tpu.dma_semaphore, #tpu.memory_space<semaphore_mem>>
      %dma_start3A_127 = arith.constant 0 : i32
      %dma_start3A_128 = tpu.memref_slice %arg20[%mul3A_2, %dma_start3A_127] : memref<10112x128xf32, #tpu.memory_space<vmem_shared>> -> memref<632x128xf32, #tpu.memory_space<vmem_shared>>
      %dma_start3A_129 = arith.constant 0 : i32
      %dma_start3A_130 = tpu.memref_slice %arg3[%mul3A_2, %dma_start3A_129] : memref<10112x128xf32, #tpu.memory_space<hbm>> -> memref<632x128xf32, #tpu.memory_space<hbm>>
      tpu.enqueue_dma source(%dma_start3A_130 : memref<632x128xf32, #tpu.memory_space<hbm>>) target(%dma_start3A_128 : memref<632x128xf32, #tpu.memory_space<vmem_shared>>) target_semaphore(%run_scoped3A : memref<!tpu.dma_semaphore, #tpu.memory_space<semaphore_mem>>)
      %dma_wait3A = arith.constant 0 : i32
      %dma_wait3A_131 = tpu.memref_slice %arg20[%mul3A_2, %dma_wait3A] : memref<10112x128xf32, #tpu.memory_space<vmem_shared>> -> memref<632x128xf32, #tpu.memory_space<vmem_shared>>
      %dma_wait3A_132 = arith.constant 0 : i32
      %dma_wait3A_133 = tpu.memref_slice %arg3[%mul3A_2, %dma_wait3A_132] : memref<10112x128xf32, #tpu.memory_space<hbm>> -> memref<632x128xf32, #tpu.memory_space<hbm>>
      tpu.wait_dma2 semaphore(%run_scoped3A : memref<!tpu.dma_semaphore, #tpu.memory_space<semaphore_mem>>) src(%dma_wait3A_133 : memref<632x128xf32, #tpu.memory_space<hbm>>) dst(%dma_wait3A_131 : memref<632x128xf32, #tpu.memory_space<vmem_shared>>)
      tpu.yield
    }) : () -> ()
    %barrier3A = arith.constant 0 : index
    tpu.barrier barrier_id(%barrier3A)
    %mul3A_3 = arith.constant 160 : i32
    %mul3A_4 = arith.muli %add3A, %mul3A_3 : i32
    %add3A_5 = arith.constant 0 : i32
    %add3A_6 = arith.addi %mul3A_4, %add3A_5 : i32
    "tpu.region"() ({
      %run_scoped3A = tpu.sem_alloc : memref<!tpu.dma_semaphore, #tpu.memory_space<semaphore_mem>>
      %dma_start3A_127 = arith.constant 0 : i32
      %dma_start3A_128 = tpu.memref_slice %arg4[%add3A_6, %dma_start3A_127] : memref<5120x64xi32, #tpu.memory_space<hbm>> -> memref<32x64xi32, #tpu.memory_space<hbm>>
      %dma_start3A_129 = arith.constant 0 : i32
      %dma_start3A_130 = tpu.memref_slice %arg4[%add3A_6, %dma_start3A_129] : memref<5120x64xi32, #tpu.memory_space<hbm>> -> memref<32x64xi32, #tpu.memory_space<hbm>>
      tpu.enqueue_dma source(%dma_start3A_130 : memref<32x64xi32, #tpu.memory_space<hbm>>) target(%arg7 : memref<32x64xi32, #tpu.memory_space<vmem>>) target_semaphore(%run_scoped3A : memref<!tpu.dma_semaphore, #tpu.memory_space<semaphore_mem>>)
      %dma_wait3A = arith.constant 0 : i32
      %dma_wait3A_131 = tpu.memref_slice %arg4[%add3A_6, %dma_wait3A] : memref<5120x64xi32, #tpu.memory_space<hbm>> -> memref<32x64xi32, #tpu.memory_space<hbm>>
      %dma_wait3A_132 = arith.constant 0 : i32
      %dma_wait3A_133 = tpu.memref_slice %arg4[%add3A_6, %dma_wait3A_132] : memref<5120x64xi32, #tpu.memory_space<hbm>> -> memref<32x64xi32, #tpu.memory_space<hbm>>
      tpu.wait_dma2 semaphore(%run_scoped3A : memref<!tpu.dma_semaphore, #tpu.memory_space<semaphore_mem>>) src(%dma_wait3A_133 : memref<32x64xi32, #tpu.memory_space<hbm>>) dst(%arg7 : memref<32x64xi32, #tpu.memory_space<vmem>>)
      tpu.yield
    }) : () -> ()
    %mul3A_7 = arith.constant 160 : i32
    %mul3A_8 = arith.muli %add3A, %mul3A_7 : i32
    %add3A_9 = arith.constant 0 : i32
    %add3A_10 = arith.addi %mul3A_8, %add3A_9 : i32
    "tpu.region"() ({
      %run_scoped3A = tpu.sem_alloc : memref<!tpu.dma_semaphore, #tpu.memory_space<semaphore_mem>>
      %dma_start3A_127 = arith.constant 0 : i32
      %dma_start3A_128 = tpu.memref_slice %arg5[%add3A_10, %dma_start3A_127] : memref<5120x64xi32, #tpu.memory_space<hbm>> -> memref<32x64xi32, #tpu.memory_space<hbm>>
      %dma_start3A_129 = arith.constant 0 : i32
      %dma_start3A_130 = tpu.memref_slice %arg5[%add3A_10, %dma_start3A_129] : memref<5120x64xi32, #tpu.memory_space<hbm>> -> memref<32x64xi32, #tpu.memory_space<hbm>>
      tpu.enqueue_dma source(%dma_start3A_130 : memref<32x64xi32, #tpu.memory_space<hbm>>) target(%arg9 : memref<32x64xi32, #tpu.memory_space<vmem>>) target_semaphore(%run_scoped3A : memref<!tpu.dma_semaphore, #tpu.memory_space<semaphore_mem>>)
      %dma_wait3A = arith.constant 0 : i32
      %dma_wait3A_131 = tpu.memref_slice %arg5[%add3A_10, %dma_wait3A] : memref<5120x64xi32, #tpu.memory_space<hbm>> -> memref<32x64xi32, #tpu.memory_space<hbm>>
      %dma_wait3A_132 = arith.constant 0 : i32
      %dma_wait3A_133 = tpu.memref_slice %arg5[%add3A_10, %dma_wait3A_132] : memref<5120x64xi32, #tpu.memory_space<hbm>> -> memref<32x64xi32, #tpu.memory_space<hbm>>
      tpu.wait_dma2 semaphore(%run_scoped3A : memref<!tpu.dma_semaphore, #tpu.memory_space<semaphore_mem>>) src(%dma_wait3A_133 : memref<32x64xi32, #tpu.memory_space<hbm>>) dst(%arg9 : memref<32x64xi32, #tpu.memory_space<vmem>>)
      tpu.yield
    }) : () -> ()
    %dma_start3A = arith.constant 0 : i32
    %dma_start3A_11 = arith.constant 0 : i32
    %dma_start3A_12 = tpu.memref_slice %arg7[%dma_start3A, %dma_start3A_11] : memref<32x64xi32, #tpu.memory_space<vmem>> -> memref<1x64xi32, #tpu.memory_space<vmem>>
    %dma_start3A_13 = tpu.memref_squeeze %dma_start3A_12 : memref<1x64xi32, #tpu.memory_space<vmem>> -> memref<64xi32, #tpu.memory_space<vmem>>
    %dma_start3A_14 = arith.constant 0 : i32
    %dma_start3A_15 = arith.constant 0 : i32
    %dma_start3A_16 = tpu.memref_slice %arg2[%dma_start3A_14, %dma_start3A_15] : memref<10000x128xf32, #tpu.memory_space<hbm>> -> memref<10000x128xf32, #tpu.memory_space<hbm>>
    tpu.enqueue_indirect_dma source(%dma_start3A_16 : memref<10000x128xf32, #tpu.memory_space<hbm>>) target(%arg11 : memref<64x128xf32, #tpu.memory_space<vmem>>) offsets(%dma_start3A_13 : memref<64xi32, #tpu.memory_space<vmem>>) semaphore(%arg15 : memref<!tpu.dma_semaphore, #tpu.memory_space<semaphore_mem>>)
    %dma_start3A_17 = arith.constant 1 : i32
    %dma_start3A_18 = arith.constant 0 : i32
    %dma_start3A_19 = tpu.memref_slice %arg7[%dma_start3A_17, %dma_start3A_18] : memref<32x64xi32, #tpu.memory_space<vmem>> -> memref<1x64xi32, #tpu.memory_space<vmem>>
    %dma_start3A_20 = tpu.memref_squeeze %dma_start3A_19 : memref<1x64xi32, #tpu.memory_space<vmem>> -> memref<64xi32, #tpu.memory_space<vmem>>
    %dma_start3A_21 = arith.constant 0 : i32
    %dma_start3A_22 = arith.constant 0 : i32
    %dma_start3A_23 = tpu.memref_slice %arg2[%dma_start3A_21, %dma_start3A_22] : memref<10000x128xf32, #tpu.memory_space<hbm>> -> memref<10000x128xf32, #tpu.memory_space<hbm>>
    tpu.enqueue_indirect_dma source(%dma_start3A_23 : memref<10000x128xf32, #tpu.memory_space<hbm>>) target(%arg12 : memref<64x128xf32, #tpu.memory_space<vmem>>) offsets(%dma_start3A_20 : memref<64xi32, #tpu.memory_space<vmem>>) semaphore(%arg16 : memref<!tpu.dma_semaphore, #tpu.memory_space<semaphore_mem>>)
    %dma_start3A_24 = arith.constant 2 : i32
    %dma_start3A_25 = arith.constant 0 : i32
    %dma_start3A_26 = tpu.memref_slice %arg7[%dma_start3A_24, %dma_start3A_25] : memref<32x64xi32, #tpu.memory_space<vmem>> -> memref<1x64xi32, #tpu.memory_space<vmem>>
    %dma_start3A_27 = tpu.memref_squeeze %dma_start3A_26 : memref<1x64xi32, #tpu.memory_space<vmem>> -> memref<64xi32, #tpu.memory_space<vmem>>
    %dma_start3A_28 = arith.constant 0 : i32
    %dma_start3A_29 = arith.constant 0 : i32
    %dma_start3A_30 = tpu.memref_slice %arg2[%dma_start3A_28, %dma_start3A_29] : memref<10000x128xf32, #tpu.memory_space<hbm>> -> memref<10000x128xf32, #tpu.memory_space<hbm>>
    tpu.enqueue_indirect_dma source(%dma_start3A_30 : memref<10000x128xf32, #tpu.memory_space<hbm>>) target(%arg13 : memref<64x128xf32, #tpu.memory_space<vmem>>) offsets(%dma_start3A_27 : memref<64xi32, #tpu.memory_space<vmem>>) semaphore(%arg17 : memref<!tpu.dma_semaphore, #tpu.memory_space<semaphore_mem>>)
    %dma_start3A_31 = arith.constant 3 : i32
    %dma_start3A_32 = arith.constant 0 : i32
    %dma_start3A_33 = tpu.memref_slice %arg7[%dma_start3A_31, %dma_start3A_32] : memref<32x64xi32, #tpu.memory_space<vmem>> -> memref<1x64xi32, #tpu.memory_space<vmem>>
    %dma_start3A_34 = tpu.memref_squeeze %dma_start3A_33 : memref<1x64xi32, #tpu.memory_space<vmem>> -> memref<64xi32, #tpu.memory_space<vmem>>
    %dma_start3A_35 = arith.constant 0 : i32
    %dma_start3A_36 = arith.constant 0 : i32
    %dma_start3A_37 = tpu.memref_slice %arg2[%dma_start3A_35, %dma_start3A_36] : memref<10000x128xf32, #tpu.memory_space<hbm>> -> memref<10000x128xf32, #tpu.memory_space<hbm>>
    tpu.enqueue_indirect_dma source(%dma_start3A_37 : memref<10000x128xf32, #tpu.memory_space<hbm>>) target(%arg14 : memref<64x128xf32, #tpu.memory_space<vmem>>) offsets(%dma_start3A_34 : memref<64xi32, #tpu.memory_space<vmem>>) semaphore(%arg18 : memref<!tpu.dma_semaphore, #tpu.memory_space<semaphore_mem>>)
    %mul3A_38 = arith.constant 160 : i32
    %mul3A_39 = arith.muli %add3A, %mul3A_38 : i32
    %add3A_40 = arith.constant 32 : i32
    %add3A_41 = arith.addi %mul3A_39, %add3A_40 : i32
    %dma_start3A_42 = arith.constant 0 : i32
    %dma_start3A_43 = tpu.memref_slice %arg4[%add3A_41, %dma_start3A_42] : memref<5120x64xi32, #tpu.memory_space<hbm>> -> memref<32x64xi32, #tpu.memory_space<hbm>>
    %dma_start3A_44 = arith.constant 0 : i32
    %dma_start3A_45 = tpu.memref_slice %arg4[%add3A_41, %dma_start3A_44] : memref<5120x64xi32, #tpu.memory_space<hbm>> -> memref<32x64xi32, #tpu.memory_space<hbm>>
    tpu.enqueue_dma source(%dma_start3A_45 : memref<32x64xi32, #tpu.memory_space<hbm>>) target(%arg8 : memref<32x64xi32, #tpu.memory_space<vmem>>) target_semaphore(%arg19 : memref<!tpu.dma_semaphore, #tpu.memory_space<semaphore_mem>>)
    %mul3A_46 = arith.constant 160 : i32
    %mul3A_47 = arith.muli %add3A, %mul3A_46 : i32
    %add3A_48 = arith.constant 32 : i32
    %add3A_49 = arith.addi %mul3A_47, %add3A_48 : i32
    %dma_start3A_50 = arith.constant 0 : i32
    %dma_start3A_51 = tpu.memref_slice %arg5[%add3A_49, %dma_start3A_50] : memref<5120x64xi32, #tpu.memory_space<hbm>> -> memref<32x64xi32, #tpu.memory_space<hbm>>
    %dma_start3A_52 = arith.constant 0 : i32
    %dma_start3A_53 = tpu.memref_slice %arg5[%add3A_49, %dma_start3A_52] : memref<5120x64xi32, #tpu.memory_space<hbm>> -> memref<32x64xi32, #tpu.memory_space<hbm>>
    tpu.enqueue_dma source(%dma_start3A_53 : memref<32x64xi32, #tpu.memory_space<hbm>>) target(%arg10 : memref<32x64xi32, #tpu.memory_space<vmem>>) target_semaphore(%arg19 : memref<!tpu.dma_semaphore, #tpu.memory_space<semaphore_mem>>)
    %scan3A = arith.constant 0 : i32
    %scan3A_54 = arith.constant 8 : i32
    %scan3A_55 = arith.addi %scan3A, %scan3A_54 : i32
    %scan3A_56 = arith.constant 1 : i32
    scf.for %scan3A_127 = %scan3A to %scan3A_55 step %scan3A_56  : i32 {
      %mul3A_128 = arith.constant 4 : i32
      %mul3A_129 = arith.muli %scan3A_127, %mul3A_128 : i32
      %add3A_130 = arith.constant 0 : i32
      %add3A_131 = arith.addi %add3A_130, %mul3A_129 : i32
      %eq3A = arith.constant 28 : i32
      %eq3A_132 = arith.cmpi eq, %add3A_131, %eq3A : i32
      %convert_element_type3A = arith.extui %eq3A_132 : i1 to i32
      %cond3A = arith.constant 0 : i32
      %cond3A_133 = arith.cmpi ne, %convert_element_type3A, %cond3A : i32
      scf.if %cond3A_133 {
        %mul3A_219 = arith.constant 160 : i32
        %mul3A_220 = arith.muli %add3A, %mul3A_219 : i32
        %add3A_221 = arith.constant 32 : i32
        %add3A_222 = arith.addi %mul3A_220, %add3A_221 : i32
        %dma_wait3A_223 = arith.constant 0 : i32
        %dma_wait3A_224 = tpu.memref_slice %arg4[%add3A_222, %dma_wait3A_223] : memref<5120x64xi32, #tpu.memory_space<hbm>> -> memref<32x64xi32, #tpu.memory_space<hbm>>
        %dma_wait3A_225 = arith.constant 0 : i32
        %dma_wait3A_226 = tpu.memref_slice %arg4[%add3A_222, %dma_wait3A_225] : memref<5120x64xi32, #tpu.memory_space<hbm>> -> memref<32x64xi32, #tpu.memory_space<hbm>>
        tpu.wait_dma2 semaphore(%arg19 : memref<!tpu.dma_semaphore, #tpu.memory_space<semaphore_mem>>) src(%dma_wait3A_226 : memref<32x64xi32, #tpu.memory_space<hbm>>) dst(%arg8 : memref<32x64xi32, #tpu.memory_space<vmem>>)
        %mul3A_227 = arith.constant 160 : i32
        %mul3A_228 = arith.muli %add3A, %mul3A_227 : i32
        %add3A_229 = arith.constant 32 : i32
        %add3A_230 = arith.addi %mul3A_228, %add3A_229 : i32
        %dma_wait3A_231 = arith.constant 0 : i32
        %dma_wait3A_232 = tpu.memref_slice %arg5[%add3A_230, %dma_wait3A_231] : memref<5120x64xi32, #tpu.memory_space<hbm>> -> memref<32x64xi32, #tpu.memory_space<hbm>>
        %dma_wait3A_233 = arith.constant 0 : i32
        %dma_wait3A_234 = tpu.memref_slice %arg5[%add3A_230, %dma_wait3A_233] : memref<5120x64xi32, #tpu.memory_space<hbm>> -> memref<32x64xi32, #tpu.memory_space<hbm>>
        tpu.wait_dma2 semaphore(%arg19 : memref<!tpu.dma_semaphore, #tpu.memory_space<semaphore_mem>>) src(%dma_wait3A_234 : memref<32x64xi32, #tpu.memory_space<hbm>>) dst(%arg10 : memref<32x64xi32, #tpu.memory_space<vmem>>)
      } else {
      }
      %add3A_134 = arith.constant 0 : i32
      %add3A_135 = arith.addi %add3A_131, %add3A_134 : i32
      %dma_wait3A = arith.constant 0 : i32
      %dma_wait3A_136 = tpu.memref_slice %arg7[%add3A_135, %dma_wait3A] : memref<32x64xi32, #tpu.memory_space<vmem>> -> memref<1x64xi32, #tpu.memory_space<vmem>>
      %dma_wait3A_137 = tpu.memref_squeeze %dma_wait3A_136 : memref<1x64xi32, #tpu.memory_space<vmem>> -> memref<64xi32, #tpu.memory_space<vmem>>
      %dma_wait3A_138 = arith.constant 0 : i32
      %dma_wait3A_139 = arith.constant 0 : i32
      %dma_wait3A_140 = tpu.memref_slice %arg2[%dma_wait3A_138, %dma_wait3A_139] : memref<10000x128xf32, #tpu.memory_space<hbm>> -> memref<10000x128xf32, #tpu.memory_space<hbm>>
      tpu.wait_indirect_dma semaphore(%arg15 : memref<!tpu.dma_semaphore, #tpu.memory_space<semaphore_mem>>) src(%dma_wait3A_140 : memref<10000x128xf32, #tpu.memory_space<hbm>>) dst(%arg11 : memref<64x128xf32, #tpu.memory_space<vmem>>)
      "tpu.region"() ({
        %run_scoped3A = tpu.sem_alloc : memref<!tpu.dma_semaphore, #tpu.memory_space<semaphore_mem>>
        %dma_start3A_219 = arith.constant 0 : i32
        %dma_start3A_220 = tpu.memref_slice %arg9[%add3A_135, %dma_start3A_219] : memref<32x64xi32, #tpu.memory_space<vmem>> -> memref<1x64xi32, #tpu.memory_space<vmem>>
        %dma_start3A_221 = tpu.memref_squeeze %dma_start3A_220 : memref<1x64xi32, #tpu.memory_space<vmem>> -> memref<64xi32, #tpu.memory_space<vmem>>
        %dma_start3A_222 = arith.constant 0 : i32
        %dma_start3A_223 = arith.constant 0 : i32
        %dma_start3A_224 = tpu.memref_slice %arg20[%dma_start3A_222, %dma_start3A_223] : memref<10112x128xf32, #tpu.memory_space<vmem_shared>> -> memref<10112x128xf32, #tpu.memory_space<vmem_shared>>
        tpu.enqueue_indirect_dma source(%arg11 : memref<64x128xf32, #tpu.memory_space<vmem>>) target(%dma_start3A_224 : memref<10112x128xf32, #tpu.memory_space<vmem_shared>>) offsets(%dma_start3A_221 : memref<64xi32, #tpu.memory_space<vmem>>) semaphore(%run_scoped3A : memref<!tpu.dma_semaphore, #tpu.memory_space<semaphore_mem>>) {add = true}
        %dma_wait3A_225 = arith.constant 0 : i32
        %dma_wait3A_226 = tpu.memref_slice %arg9[%add3A_135, %dma_wait3A_225] : memref<32x64xi32, #tpu.memory_space<vmem>> -> memref<1x64xi32, #tpu.memory_space<vmem>>
        %dma_wait3A_227 = tpu.memref_squeeze %dma_wait3A_226 : memref<1x64xi32, #tpu.memory_space<vmem>> -> memref<64xi32, #tpu.memory_space<vmem>>
        %dma_wait3A_228 = arith.constant 0 : i32
        %dma_wait3A_229 = arith.constant 0 : i32
        %dma_wait3A_230 = tpu.memref_slice %arg20[%dma_wait3A_228, %dma_wait3A_229] : memref<10112x128xf32, #tpu.memory_space<vmem_shared>> -> memref<10112x128xf32, #tpu.memory_space<vmem_shared>>
        tpu.wait_indirect_dma semaphore(%run_scoped3A : memref<!tpu.dma_semaphore, #tpu.memory_space<semaphore_mem>>) src(%arg11 : memref<64x128xf32, #tpu.memory_space<vmem>>) dst(%dma_wait3A_230 : memref<10112x128xf32, #tpu.memory_space<vmem_shared>>)
        tpu.yield
      }) : () -> ()
      %add3A_141 = arith.constant 4 : i32
      %add3A_142 = arith.addi %add3A_135, %add3A_141 : i32
      %lt3A = arith.constant 32 : i32
      %lt3A_143 = arith.cmpi slt, %add3A_142, %lt3A : i32
      %convert_element_type3A_144 = arith.extui %lt3A_143 : i1 to i32
      %cond3A_145 = arith.constant 0 : i32
      %cond3A_146 = arith.cmpi ne, %convert_element_type3A_144, %cond3A_145 : i32
      scf.if %cond3A_146 {
        %add3A_219 = arith.constant 4 : i32
        %add3A_220 = arith.addi %add3A_135, %add3A_219 : i32
        %dma_start3A_221 = arith.constant 0 : i32
        %dma_start3A_222 = tpu.memref_slice %arg7[%add3A_220, %dma_start3A_221] : memref<32x64xi32, #tpu.memory_space<vmem>> -> memref<1x64xi32, #tpu.memory_space<vmem>>
        %dma_start3A_223 = tpu.memref_squeeze %dma_start3A_222 : memref<1x64xi32, #tpu.memory_space<vmem>> -> memref<64xi32, #tpu.memory_space<vmem>>
        %dma_start3A_224 = arith.constant 0 : i32
        %dma_start3A_225 = arith.constant 0 : i32
        %dma_start3A_226 = tpu.memref_slice %arg2[%dma_start3A_224, %dma_start3A_225] : memref<10000x128xf32, #tpu.memory_space<hbm>> -> memref<10000x128xf32, #tpu.memory_space<hbm>>
        tpu.enqueue_indirect_dma source(%dma_start3A_226 : memref<10000x128xf32, #tpu.memory_space<hbm>>) target(%arg11 : memref<64x128xf32, #tpu.memory_space<vmem>>) offsets(%dma_start3A_223 : memref<64xi32, #tpu.memory_space<vmem>>) semaphore(%arg15 : memref<!tpu.dma_semaphore, #tpu.memory_space<semaphore_mem>>)
      } else {
      }
      %add3A_147 = arith.constant 4 : i32
      %add3A_148 = arith.addi %add3A_135, %add3A_147 : i32
      %ge3A = arith.constant 32 : i32
      %ge3A_149 = arith.cmpi sge, %add3A_148, %ge3A : i32
      %convert_element_type3A_150 = arith.extui %ge3A_149 : i1 to i32
      %cond3A_151 = arith.constant 0 : i32
      %cond3A_152 = arith.cmpi ne, %convert_element_type3A_150, %cond3A_151 : i32
      scf.if %cond3A_152 {
        %add3A_219 = arith.constant 4 : i32
        %add3A_220 = arith.addi %add3A_135, %add3A_219 : i32
        %sub3A = arith.constant 32 : i32
        %sub3A_221 = arith.subi %add3A_220, %sub3A : i32
        %dma_start3A_222 = arith.constant 0 : i32
        %dma_start3A_223 = tpu.memref_slice %arg8[%sub3A_221, %dma_start3A_222] : memref<32x64xi32, #tpu.memory_space<vmem>> -> memref<1x64xi32, #tpu.memory_space<vmem>>
        %dma_start3A_224 = tpu.memref_squeeze %dma_start3A_223 : memref<1x64xi32, #tpu.memory_space<vmem>> -> memref<64xi32, #tpu.memory_space<vmem>>
        %dma_start3A_225 = arith.constant 0 : i32
        %dma_start3A_226 = arith.constant 0 : i32
        %dma_start3A_227 = tpu.memref_slice %arg2[%dma_start3A_225, %dma_start3A_226] : memref<10000x128xf32, #tpu.memory_space<hbm>> -> memref<10000x128xf32, #tpu.memory_space<hbm>>
        tpu.enqueue_indirect_dma source(%dma_start3A_227 : memref<10000x128xf32, #tpu.memory_space<hbm>>) target(%arg11 : memref<64x128xf32, #tpu.memory_space<vmem>>) offsets(%dma_start3A_224 : memref<64xi32, #tpu.memory_space<vmem>>) semaphore(%arg15 : memref<!tpu.dma_semaphore, #tpu.memory_space<semaphore_mem>>)
      } else {
      }
      %add3A_153 = arith.constant 1 : i32
      %add3A_154 = arith.addi %add3A_131, %add3A_153 : i32
      %dma_wait3A_155 = arith.constant 0 : i32
      %dma_wait3A_156 = tpu.memref_slice %arg7[%add3A_154, %dma_wait3A_155] : memref<32x64xi32, #tpu.memory_space<vmem>> -> memref<1x64xi32, #tpu.memory_space<vmem>>
      %dma_wait3A_157 = tpu.memref_squeeze %dma_wait3A_156 : memref<1x64xi32, #tpu.memory_space<vmem>> -> memref<64xi32, #tpu.memory_space<vmem>>
      %dma_wait3A_158 = arith.constant 0 : i32
      %dma_wait3A_159 = arith.constant 0 : i32
      %dma_wait3A_160 = tpu.memref_slice %arg2[%dma_wait3A_158, %dma_wait3A_159] : memref<10000x128xf32, #tpu.memory_space<hbm>> -> memref<10000x128xf32, #tpu.memory_space<hbm>>
      tpu.wait_indirect_dma semaphore(%arg16 : memref<!tpu.dma_semaphore, #tpu.memory_space<semaphore_mem>>) src(%dma_wait3A_160 : memref<10000x128xf32, #tpu.memory_space<hbm>>) dst(%arg12 : memref<64x128xf32, #tpu.memory_space<vmem>>)
      "tpu.region"() ({
        %run_scoped3A = tpu.sem_alloc : memref<!tpu.dma_semaphore, #tpu.memory_space<semaphore_mem>>
        %dma_start3A_219 = arith.constant 0 : i32
        %dma_start3A_220 = tpu.memref_slice %arg9[%add3A_154, %dma_start3A_219] : memref<32x64xi32, #tpu.memory_space<vmem>> -> memref<1x64xi32, #tpu.memory_space<vmem>>
        %dma_start3A_221 = tpu.memref_squeeze %dma_start3A_220 : memref<1x64xi32, #tpu.memory_space<vmem>> -> memref<64xi32, #tpu.memory_space<vmem>>
        %dma_start3A_222 = arith.constant 0 : i32
        %dma_start3A_223 = arith.constant 0 : i32
        %dma_start3A_224 = tpu.memref_slice %arg20[%dma_start3A_222, %dma_start3A_223] : memref<10112x128xf32, #tpu.memory_space<vmem_shared>> -> memref<10112x128xf32, #tpu.memory_space<vmem_shared>>
        tpu.enqueue_indirect_dma source(%arg12 : memref<64x128xf32, #tpu.memory_space<vmem>>) target(%dma_start3A_224 : memref<10112x128xf32, #tpu.memory_space<vmem_shared>>) offsets(%dma_start3A_221 : memref<64xi32, #tpu.memory_space<vmem>>) semaphore(%run_scoped3A : memref<!tpu.dma_semaphore, #tpu.memory_space<semaphore_mem>>) {add = true}
        %dma_wait3A_225 = arith.constant 0 : i32
        %dma_wait3A_226 = tpu.memref_slice %arg9[%add3A_154, %dma_wait3A_225] : memref<32x64xi32, #tpu.memory_space<vmem>> -> memref<1x64xi32, #tpu.memory_space<vmem>>
        %dma_wait3A_227 = tpu.memref_squeeze %dma_wait3A_226 : memref<1x64xi32, #tpu.memory_space<vmem>> -> memref<64xi32, #tpu.memory_space<vmem>>
        %dma_wait3A_228 = arith.constant 0 : i32
        %dma_wait3A_229 = arith.constant 0 : i32
        %dma_wait3A_230 = tpu.memref_slice %arg20[%dma_wait3A_228, %dma_wait3A_229] : memref<10112x128xf32, #tpu.memory_space<vmem_shared>> -> memref<10112x128xf32, #tpu.memory_space<vmem_shared>>
        tpu.wait_indirect_dma semaphore(%run_scoped3A : memref<!tpu.dma_semaphore, #tpu.memory_space<semaphore_mem>>) src(%arg12 : memref<64x128xf32, #tpu.memory_space<vmem>>) dst(%dma_wait3A_230 : memref<10112x128xf32, #tpu.memory_space<vmem_shared>>)
        tpu.yield
      }) : () -> ()
      %add3A_161 = arith.constant 4 : i32
      %add3A_162 = arith.addi %add3A_154, %add3A_161 : i32
      %lt3A_163 = arith.constant 32 : i32
      %lt3A_164 = arith.cmpi slt, %add3A_162, %lt3A_163 : i32
      %convert_element_type3A_165 = arith.extui %lt3A_164 : i1 to i32
      %cond3A_166 = arith.constant 0 : i32
      %cond3A_167 = arith.cmpi ne, %convert_element_type3A_165, %cond3A_166 : i32
      scf.if %cond3A_167 {
        %add3A_219 = arith.constant 4 : i32
        %add3A_220 = arith.addi %add3A_154, %add3A_219 : i32
        %dma_start3A_221 = arith.constant 0 : i32
        %dma_start3A_222 = tpu.memref_slice %arg7[%add3A_220, %dma_start3A_221] : memref<32x64xi32, #tpu.memory_space<vmem>> -> memref<1x64xi32, #tpu.memory_space<vmem>>
        %dma_start3A_223 = tpu.memref_squeeze %dma_start3A_222 : memref<1x64xi32, #tpu.memory_space<vmem>> -> memref<64xi32, #tpu.memory_space<vmem>>
        %dma_start3A_224 = arith.constant 0 : i32
        %dma_start3A_225 = arith.constant 0 : i32
        %dma_start3A_226 = tpu.memref_slice %arg2[%dma_start3A_224, %dma_start3A_225] : memref<10000x128xf32, #tpu.memory_space<hbm>> -> memref<10000x128xf32, #tpu.memory_space<hbm>>
        tpu.enqueue_indirect_dma source(%dma_start3A_226 : memref<10000x128xf32, #tpu.memory_space<hbm>>) target(%arg12 : memref<64x128xf32, #tpu.memory_space<vmem>>) offsets(%dma_start3A_223 : memref<64xi32, #tpu.memory_space<vmem>>) semaphore(%arg16 : memref<!tpu.dma_semaphore, #tpu.memory_space<semaphore_mem>>)
      } else {
      }
      %add3A_168 = arith.constant 4 : i32
      %add3A_169 = arith.addi %add3A_154, %add3A_168 : i32
      %ge3A_170 = arith.constant 32 : i32
      %ge3A_171 = arith.cmpi sge, %add3A_169, %ge3A_170 : i32
      %convert_element_type3A_172 = arith.extui %ge3A_171 : i1 to i32
      %cond3A_173 = arith.constant 0 : i32
      %cond3A_174 = arith.cmpi ne, %convert_element_type3A_172, %cond3A_173 : i32
      scf.if %cond3A_174 {
        %add3A_219 = arith.constant 4 : i32
        %add3A_220 = arith.addi %add3A_154, %add3A_219 : i32
        %sub3A = arith.constant 32 : i32
        %sub3A_221 = arith.subi %add3A_220, %sub3A : i32
        %dma_start3A_222 = arith.constant 0 : i32
        %dma_start3A_223 = tpu.memref_slice %arg8[%sub3A_221, %dma_start3A_222] : memref<32x64xi32, #tpu.memory_space<vmem>> -> memref<1x64xi32, #tpu.memory_space<vmem>>
        %dma_start3A_224 = tpu.memref_squeeze %dma_start3A_223 : memref<1x64xi32, #tpu.memory_space<vmem>> -> memref<64xi32, #tpu.memory_space<vmem>>
        %dma_start3A_225 = arith.constant 0 : i32
        %dma_start3A_226 = arith.constant 0 : i32
        %dma_start3A_227 = tpu.memref_slice %arg2[%dma_start3A_225, %dma_start3A_226] : memref<10000x128xf32, #tpu.memory_space<hbm>> -> memref<10000x128xf32, #tpu.memory_space<hbm>>
        tpu.enqueue_indirect_dma source(%dma_start3A_227 : memref<10000x128xf32, #tpu.memory_space<hbm>>) target(%arg12 : memref<64x128xf32, #tpu.memory_space<vmem>>) offsets(%dma_start3A_224 : memref<64xi32, #tpu.memory_space<vmem>>) semaphore(%arg16 : memref<!tpu.dma_semaphore, #tpu.memory_space<semaphore_mem>>)
      } else {
      }
      %add3A_175 = arith.constant 2 : i32
      %add3A_176 = arith.addi %add3A_131, %add3A_175 : i32
      %dma_wait3A_177 = arith.constant 0 : i32
      %dma_wait3A_178 = tpu.memref_slice %arg7[%add3A_176, %dma_wait3A_177] : memref<32x64xi32, #tpu.memory_space<vmem>> -> memref<1x64xi32, #tpu.memory_space<vmem>>
      %dma_wait3A_179 = tpu.memref_squeeze %dma_wait3A_178 : memref<1x64xi32, #tpu.memory_space<vmem>> -> memref<64xi32, #tpu.memory_space<vmem>>
      %dma_wait3A_180 = arith.constant 0 : i32
      %dma_wait3A_181 = arith.constant 0 : i32
      %dma_wait3A_182 = tpu.memref_slice %arg2[%dma_wait3A_180, %dma_wait3A_181] : memref<10000x128xf32, #tpu.memory_space<hbm>> -> memref<10000x128xf32, #tpu.memory_space<hbm>>
      tpu.wait_indirect_dma semaphore(%arg17 : memref<!tpu.dma_semaphore, #tpu.memory_space<semaphore_mem>>) src(%dma_wait3A_182 : memref<10000x128xf32, #tpu.memory_space<hbm>>) dst(%arg13 : memref<64x128xf32, #tpu.memory_space<vmem>>)
      "tpu.region"() ({
        %run_scoped3A = tpu.sem_alloc : memref<!tpu.dma_semaphore, #tpu.memory_space<semaphore_mem>>
        %dma_start3A_219 = arith.constant 0 : i32
        %dma_start3A_220 = tpu.memref_slice %arg9[%add3A_176, %dma_start3A_219] : memref<32x64xi32, #tpu.memory_space<vmem>> -> memref<1x64xi32, #tpu.memory_space<vmem>>
        %dma_start3A_221 = tpu.memref_squeeze %dma_start3A_220 : memref<1x64xi32, #tpu.memory_space<vmem>> -> memref<64xi32, #tpu.memory_space<vmem>>
        %dma_start3A_222 = arith.constant 0 : i32
        %dma_start3A_223 = arith.constant 0 : i32
        %dma_start3A_224 = tpu.memref_slice %arg20[%dma_start3A_222, %dma_start3A_223] : memref<10112x128xf32, #tpu.memory_space<vmem_shared>> -> memref<10112x128xf32, #tpu.memory_space<vmem_shared>>
        tpu.enqueue_indirect_dma source(%arg13 : memref<64x128xf32, #tpu.memory_space<vmem>>) target(%dma_start3A_224 : memref<10112x128xf32, #tpu.memory_space<vmem_shared>>) offsets(%dma_start3A_221 : memref<64xi32, #tpu.memory_space<vmem>>) semaphore(%run_scoped3A : memref<!tpu.dma_semaphore, #tpu.memory_space<semaphore_mem>>) {add = true}
        %dma_wait3A_225 = arith.constant 0 : i32
        %dma_wait3A_226 = tpu.memref_slice %arg9[%add3A_176, %dma_wait3A_225] : memref<32x64xi32, #tpu.memory_space<vmem>> -> memref<1x64xi32, #tpu.memory_space<vmem>>
        %dma_wait3A_227 = tpu.memref_squeeze %dma_wait3A_226 : memref<1x64xi32, #tpu.memory_space<vmem>> -> memref<64xi32, #tpu.memory_space<vmem>>
        %dma_wait3A_228 = arith.constant 0 : i32
        %dma_wait3A_229 = arith.constant 0 : i32
        %dma_wait3A_230 = tpu.memref_slice %arg20[%dma_wait3A_228, %dma_wait3A_229] : memref<10112x128xf32, #tpu.memory_space<vmem_shared>> -> memref<10112x128xf32, #tpu.memory_space<vmem_shared>>
        tpu.wait_indirect_dma semaphore(%run_scoped3A : memref<!tpu.dma_semaphore, #tpu.memory_space<semaphore_mem>>) src(%arg13 : memref<64x128xf32, #tpu.memory_space<vmem>>) dst(%dma_wait3A_230 : memref<10112x128xf32, #tpu.memory_space<vmem_shared>>)
        tpu.yield
      }) : () -> ()
      %add3A_183 = arith.constant 4 : i32
      %add3A_184 = arith.addi %add3A_176, %add3A_183 : i32
      %lt3A_185 = arith.constant 32 : i32
      %lt3A_186 = arith.cmpi slt, %add3A_184, %lt3A_185 : i32
      %convert_element_type3A_187 = arith.extui %lt3A_186 : i1 to i32
      %cond3A_188 = arith.constant 0 : i32
      %cond3A_189 = arith.cmpi ne, %convert_element_type3A_187, %cond3A_188 : i32
      scf.if %cond3A_189 {
        %add3A_219 = arith.constant 4 : i32
        %add3A_220 = arith.addi %add3A_176, %add3A_219 : i32
        %dma_start3A_221 = arith.constant 0 : i32
        %dma_start3A_222 = tpu.memref_slice %arg7[%add3A_220, %dma_start3A_221] : memref<32x64xi32, #tpu.memory_space<vmem>> -> memref<1x64xi32, #tpu.memory_space<vmem>>
        %dma_start3A_223 = tpu.memref_squeeze %dma_start3A_222 : memref<1x64xi32, #tpu.memory_space<vmem>> -> memref<64xi32, #tpu.memory_space<vmem>>
        %dma_start3A_224 = arith.constant 0 : i32
        %dma_start3A_225 = arith.constant 0 : i32
        %dma_start3A_226 = tpu.memref_slice %arg2[%dma_start3A_224, %dma_start3A_225] : memref<10000x128xf32, #tpu.memory_space<hbm>> -> memref<10000x128xf32, #tpu.memory_space<hbm>>
        tpu.enqueue_indirect_dma source(%dma_start3A_226 : memref<10000x128xf32, #tpu.memory_space<hbm>>) target(%arg13 : memref<64x128xf32, #tpu.memory_space<vmem>>) offsets(%dma_start3A_223 : memref<64xi32, #tpu.memory_space<vmem>>) semaphore(%arg17 : memref<!tpu.dma_semaphore, #tpu.memory_space<semaphore_mem>>)
      } else {
      }
      %add3A_190 = arith.constant 4 : i32
      %add3A_191 = arith.addi %add3A_176, %add3A_190 : i32
      %ge3A_192 = arith.constant 32 : i32
      %ge3A_193 = arith.cmpi sge, %add3A_191, %ge3A_192 : i32
      %convert_element_type3A_194 = arith.extui %ge3A_193 : i1 to i32
      %cond3A_195 = arith.constant 0 : i32
      %cond3A_196 = arith.cmpi ne, %convert_element_type3A_194, %cond3A_195 : i32
      scf.if %cond3A_196 {
        %add3A_219 = arith.constant 4 : i32
        %add3A_220 = arith.addi %add3A_176, %add3A_219 : i32
        %sub3A = arith.constant 32 : i32
        %sub3A_221 = arith.subi %add3A_220, %sub3A : i32
        %dma_start3A_222 = arith.constant 0 : i32
        %dma_start3A_223 = tpu.memref_slice %arg8[%sub3A_221, %dma_start3A_222] : memref<32x64xi32, #tpu.memory_space<vmem>> -> memref<1x64xi32, #tpu.memory_space<vmem>>
        %dma_start3A_224 = tpu.memref_squeeze %dma_start3A_223 : memref<1x64xi32, #tpu.memory_space<vmem>> -> memref<64xi32, #tpu.memory_space<vmem>>
        %dma_start3A_225 = arith.constant 0 : i32
        %dma_start3A_226 = arith.constant 0 : i32
        %dma_start3A_227 = tpu.memref_slice %arg2[%dma_start3A_225, %dma_start3A_226] : memref<10000x128xf32, #tpu.memory_space<hbm>> -> memref<10000x128xf32, #tpu.memory_space<hbm>>
        tpu.enqueue_indirect_dma source(%dma_start3A_227 : memref<10000x128xf32, #tpu.memory_space<hbm>>) target(%arg13 : memref<64x128xf32, #tpu.memory_space<vmem>>) offsets(%dma_start3A_224 : memref<64xi32, #tpu.memory_space<vmem>>) semaphore(%arg17 : memref<!tpu.dma_semaphore, #tpu.memory_space<semaphore_mem>>)
      } else {
      }
      %add3A_197 = arith.constant 3 : i32
      %add3A_198 = arith.addi %add3A_131, %add3A_197 : i32
      %dma_wait3A_199 = arith.constant 0 : i32
      %dma_wait3A_200 = tpu.memref_slice %arg7[%add3A_198, %dma_wait3A_199] : memref<32x64xi32, #tpu.memory_space<vmem>> -> memref<1x64xi32, #tpu.memory_space<vmem>>
      %dma_wait3A_201 = tpu.memref_squeeze %dma_wait3A_200 : memref<1x64xi32, #tpu.memory_space<vmem>> -> memref<64xi32, #tpu.memory_space<vmem>>
      %dma_wait3A_202 = arith.constant 0 : i32
      %dma_wait3A_203 = arith.constant 0 : i32
      %dma_wait3A_204 = tpu.memref_slice %arg2[%dma_wait3A_202, %dma_wait3A_203] : memref<10000x128xf32, #tpu.memory_space<hbm>> -> memref<10000x128xf32, #tpu.memory_space<hbm>>
      tpu.wait_indirect_dma semaphore(%arg18 : memref<!tpu.dma_semaphore, #tpu.memory_space<semaphore_mem>>) src(%dma_wait3A_204 : memref<10000x128xf32, #tpu.memory_space<hbm>>) dst(%arg14 : memref<64x128xf32, #tpu.memory_space<vmem>>)
      "tpu.region"() ({
        %run_scoped3A = tpu.sem_alloc : memref<!tpu.dma_semaphore, #tpu.memory_space<semaphore_mem>>
        %dma_start3A_219 = arith.constant 0 : i32
        %dma_start3A_220 = tpu.memref_slice %arg9[%add3A_198, %dma_start3A_219] : memref<32x64xi32, #tpu.memory_space<vmem>> -> memref<1x64xi32, #tpu.memory_space<vmem>>
        %dma_start3A_221 = tpu.memref_squeeze %dma_start3A_220 : memref<1x64xi32, #tpu.memory_space<vmem>> -> memref<64xi32, #tpu.memory_space<vmem>>
        %dma_start3A_222 = arith.constant 0 : i32
        %dma_start3A_223 = arith.constant 0 : i32
        %dma_start3A_224 = tpu.memref_slice %arg20[%dma_start3A_222, %dma_start3A_223] : memref<10112x128xf32, #tpu.memory_space<vmem_shared>> -> memref<10112x128xf32, #tpu.memory_space<vmem_shared>>
        tpu.enqueue_indirect_dma source(%arg14 : memref<64x128xf32, #tpu.memory_space<vmem>>) target(%dma_start3A_224 : memref<10112x128xf32, #tpu.memory_space<vmem_shared>>) offsets(%dma_start3A_221 : memref<64xi32, #tpu.memory_space<vmem>>) semaphore(%run_scoped3A : memref<!tpu.dma_semaphore, #tpu.memory_space<semaphore_mem>>) {add = true}
        %dma_wait3A_225 = arith.constant 0 : i32
        %dma_wait3A_226 = tpu.memref_slice %arg9[%add3A_198, %dma_wait3A_225] : memref<32x64xi32, #tpu.memory_space<vmem>> -> memref<1x64xi32, #tpu.memory_space<vmem>>
        %dma_wait3A_227 = tpu.memref_squeeze %dma_wait3A_226 : memref<1x64xi32, #tpu.memory_space<vmem>> -> memref<64xi32, #tpu.memory_space<vmem>>
        %dma_wait3A_228 = arith.constant 0 : i32
        %dma_wait3A_229 = arith.constant 0 : i32
        %dma_wait3A_230 = tpu.memref_slice %arg20[%dma_wait3A_228, %dma_wait3A_229] : memref<10112x128xf32, #tpu.memory_space<vmem_shared>> -> memref<10112x128xf32, #tpu.memory_space<vmem_shared>>
        tpu.wait_indirect_dma semaphore(%run_scoped3A : memref<!tpu.dma_semaphore, #tpu.memory_space<semaphore_mem>>) src(%arg14 : memref<64x128xf32, #tpu.memory_space<vmem>>) dst(%dma_wait3A_230 : memref<10112x128xf32, #tpu.memory_space<vmem_shared>>)
        tpu.yield
      }) : () -> ()
      %add3A_205 = arith.constant 4 : i32
      %add3A_206 = arith.addi %add3A_198, %add3A_205 : i32
      %lt3A_207 = arith.constant 32 : i32
      %lt3A_208 = arith.cmpi slt, %add3A_206, %lt3A_207 : i32
      %convert_element_type3A_209 = arith.extui %lt3A_208 : i1 to i32
      %cond3A_210 = arith.constant 0 : i32
      %cond3A_211 = arith.cmpi ne, %convert_element_type3A_209, %cond3A_210 : i32
      scf.if %cond3A_211 {
        %add3A_219 = arith.constant 4 : i32
        %add3A_220 = arith.addi %add3A_198, %add3A_219 : i32
        %dma_start3A_221 = arith.constant 0 : i32
        %dma_start3A_222 = tpu.memref_slice %arg7[%add3A_220, %dma_start3A_221] : memref<32x64xi32, #tpu.memory_space<vmem>> -> memref<1x64xi32, #tpu.memory_space<vmem>>
        %dma_start3A_223 = tpu.memref_squeeze %dma_start3A_222 : memref<1x64xi32, #tpu.memory_space<vmem>> -> memref<64xi32, #tpu.memory_space<vmem>>
        %dma_start3A_224 = arith.constant 0 : i32
        %dma_start3A_225 = arith.constant 0 : i32
        %dma_start3A_226 = tpu.memref_slice %arg2[%dma_start3A_224, %dma_start3A_225] : memref<10000x128xf32, #tpu.memory_space<hbm>> -> memref<10000x128xf32, #tpu.memory_space<hbm>>
        tpu.enqueue_indirect_dma source(%dma_start3A_226 : memref<10000x128xf32, #tpu.memory_space<hbm>>) target(%arg14 : memref<64x128xf32, #tpu.memory_space<vmem>>) offsets(%dma_start3A_223 : memref<64xi32, #tpu.memory_space<vmem>>) semaphore(%arg18 : memref<!tpu.dma_semaphore, #tpu.memory_space<semaphore_mem>>)
      } else {
      }
      %add3A_212 = arith.constant 4 : i32
      %add3A_213 = arith.addi %add3A_198, %add3A_212 : i32
      %ge3A_214 = arith.constant 32 : i32
      %ge3A_215 = arith.cmpi sge, %add3A_213, %ge3A_214 : i32
      %convert_element_type3A_216 = arith.extui %ge3A_215 : i1 to i32
      %cond3A_217 = arith.constant 0 : i32
      %cond3A_218 = arith.cmpi ne, %convert_element_type3A_216, %cond3A_217 : i32
      scf.if %cond3A_218 {
        %add3A_219 = arith.constant 4 : i32
        %add3A_220 = arith.addi %add3A_198, %add3A_219 : i32
        %sub3A = arith.constant 32 : i32
        %sub3A_221 = arith.subi %add3A_220, %sub3A : i32
        %dma_start3A_222 = arith.constant 0 : i32
        %dma_start3A_223 = tpu.memref_slice %arg8[%sub3A_221, %dma_start3A_222] : memref<32x64xi32, #tpu.memory_space<vmem>> -> memref<1x64xi32, #tpu.memory_space<vmem>>
        %dma_start3A_224 = tpu.memref_squeeze %dma_start3A_223 : memref<1x64xi32, #tpu.memory_space<vmem>> -> memref<64xi32, #tpu.memory_space<vmem>>
        %dma_start3A_225 = arith.constant 0 : i32
        %dma_start3A_226 = arith.constant 0 : i32
        %dma_start3A_227 = tpu.memref_slice %arg2[%dma_start3A_225, %dma_start3A_226] : memref<10000x128xf32, #tpu.memory_space<hbm>> -> memref<10000x128xf32, #tpu.memory_space<hbm>>
        tpu.enqueue_indirect_dma source(%dma_start3A_227 : memref<10000x128xf32, #tpu.memory_space<hbm>>) target(%arg14 : memref<64x128xf32, #tpu.memory_space<vmem>>) offsets(%dma_start3A_224 : memref<64xi32, #tpu.memory_space<vmem>>) semaphore(%arg18 : memref<!tpu.dma_semaphore, #tpu.memory_space<semaphore_mem>>)
      } else {
      }
    }
    %scan3A_57 = arith.constant 8 : i32
    %mul3A_58 = arith.constant 160 : i32
    %mul3A_59 = arith.muli %add3A, %mul3A_58 : i32
    %add3A_60 = arith.constant 64 : i32
    %add3A_61 = arith.addi %mul3A_59, %add3A_60 : i32
    %dma_start3A_62 = arith.constant 0 : i32
    %dma_start3A_63 = tpu.memref_slice %arg4[%add3A_61, %dma_start3A_62] : memref<5120x64xi32, #tpu.memory_space<hbm>> -> memref<32x64xi32, #tpu.memory_space<hbm>>
    %dma_start3A_64 = arith.constant 0 : i32
    %dma_start3A_65 = tpu.memref_slice %arg4[%add3A_61, %dma_start3A_64] : memref<5120x64xi32, #tpu.memory_space<hbm>> -> memref<32x64xi32, #tpu.memory_space<hbm>>
    tpu.enqueue_dma source(%dma_start3A_65 : memref<32x64xi32, #tpu.memory_space<hbm>>) target(%arg7 : memref<32x64xi32, #tpu.memory_space<vmem>>) target_semaphore(%arg19 : memref<!tpu.dma_semaphore, #tpu.memory_space<semaphore_mem>>)
    %mul3A_66 = arith.constant 160 : i32
    %mul3A_67 = arith.muli %add3A, %mul3A_66 : i32
    %add3A_68 = arith.constant 64 : i32
    %add3A_69 = arith.addi %mul3A_67, %add3A_68 : i32
    %dma_start3A_70 = arith.constant 0 : i32
    %dma_start3A_71 = tpu.memref_slice %arg5[%add3A_69, %dma_start3A_70] : memref<5120x64xi32, #tpu.memory_space<hbm>> -> memref<32x64xi32, #tpu.memory_space<hbm>>
    %dma_start3A_72 = arith.constant 0 : i32
    %dma_start3A_73 = tpu.memref_slice %arg5[%add3A_69, %dma_start3A_72] : memref<5120x64xi32, #tpu.memory_space<hbm>> -> memref<32x64xi32, #tpu.memory_space<hbm>>
    tpu.enqueue_dma source(%dma_start3A_73 : memref<32x64xi32, #tpu.memory_space<hbm>>) target(%arg9 : memref<32x64xi32, #tpu.memory_space<vmem>>) target_semaphore(%arg19 : memref<!tpu.dma_semaphore, #tpu.memory_space<semaphore_mem>>)
    %scan3A_74 = arith.constant 0 : i32
    %scan3A_75 = arith.constant 8 : i32
    %scan3A_76 = arith.addi %scan3A_74, %scan3A_75 : i32
    %scan3A_77 = arith.constant 1 : i32
    scf.for %scan3A_127 = %scan3A_74 to %scan3A_76 step %scan3A_77  : i32 {
      %mul3A_128 = arith.constant 4 : i32
      %mul3A_129 = arith.muli %scan3A_127, %mul3A_128 : i32
      %add3A_130 = arith.constant 0 : i32
      %add3A_131 = arith.addi %add3A_130, %mul3A_129 : i32
      %eq3A = arith.constant 28 : i32
      %eq3A_132 = arith.cmpi eq, %add3A_131, %eq3A : i32
      %convert_element_type3A = arith.extui %eq3A_132 : i1 to i32
      %cond3A = arith.constant 0 : i32
      %cond3A_133 = arith.cmpi ne, %convert_element_type3A, %cond3A : i32
      scf.if %cond3A_133 {
        %mul3A_219 = arith.constant 160 : i32
        %mul3A_220 = arith.muli %add3A, %mul3A_219 : i32
        %add3A_221 = arith.constant 64 : i32
        %add3A_222 = arith.addi %mul3A_220, %add3A_221 : i32
        %dma_wait3A_223 = arith.constant 0 : i32
        %dma_wait3A_224 = tpu.memref_slice %arg4[%add3A_222, %dma_wait3A_223] : memref<5120x64xi32, #tpu.memory_space<hbm>> -> memref<32x64xi32, #tpu.memory_space<hbm>>
        %dma_wait3A_225 = arith.constant 0 : i32
        %dma_wait3A_226 = tpu.memref_slice %arg4[%add3A_222, %dma_wait3A_225] : memref<5120x64xi32, #tpu.memory_space<hbm>> -> memref<32x64xi32, #tpu.memory_space<hbm>>
        tpu.wait_dma2 semaphore(%arg19 : memref<!tpu.dma_semaphore, #tpu.memory_space<semaphore_mem>>) src(%dma_wait3A_226 : memref<32x64xi32, #tpu.memory_space<hbm>>) dst(%arg7 : memref<32x64xi32, #tpu.memory_space<vmem>>)
        %mul3A_227 = arith.constant 160 : i32
        %mul3A_228 = arith.muli %add3A, %mul3A_227 : i32
        %add3A_229 = arith.constant 64 : i32
        %add3A_230 = arith.addi %mul3A_228, %add3A_229 : i32
        %dma_wait3A_231 = arith.constant 0 : i32
        %dma_wait3A_232 = tpu.memref_slice %arg5[%add3A_230, %dma_wait3A_231] : memref<5120x64xi32, #tpu.memory_space<hbm>> -> memref<32x64xi32, #tpu.memory_space<hbm>>
        %dma_wait3A_233 = arith.constant 0 : i32
        %dma_wait3A_234 = tpu.memref_slice %arg5[%add3A_230, %dma_wait3A_233] : memref<5120x64xi32, #tpu.memory_space<hbm>> -> memref<32x64xi32, #tpu.memory_space<hbm>>
        tpu.wait_dma2 semaphore(%arg19 : memref<!tpu.dma_semaphore, #tpu.memory_space<semaphore_mem>>) src(%dma_wait3A_234 : memref<32x64xi32, #tpu.memory_space<hbm>>) dst(%arg9 : memref<32x64xi32, #tpu.memory_space<vmem>>)
      } else {
      }
      %add3A_134 = arith.constant 0 : i32
      %add3A_135 = arith.addi %add3A_131, %add3A_134 : i32
      %dma_wait3A = arith.constant 0 : i32
      %dma_wait3A_136 = tpu.memref_slice %arg8[%add3A_135, %dma_wait3A] : memref<32x64xi32, #tpu.memory_space<vmem>> -> memref<1x64xi32, #tpu.memory_space<vmem>>
      %dma_wait3A_137 = tpu.memref_squeeze %dma_wait3A_136 : memref<1x64xi32, #tpu.memory_space<vmem>> -> memref<64xi32, #tpu.memory_space<vmem>>
      %dma_wait3A_138 = arith.constant 0 : i32
      %dma_wait3A_139 = arith.constant 0 : i32
      %dma_wait3A_140 = tpu.memref_slice %arg2[%dma_wait3A_138, %dma_wait3A_139] : memref<10000x128xf32, #tpu.memory_space<hbm>> -> memref<10000x128xf32, #tpu.memory_space<hbm>>
      tpu.wait_indirect_dma semaphore(%arg15 : memref<!tpu.dma_semaphore, #tpu.memory_space<semaphore_mem>>) src(%dma_wait3A_140 : memref<10000x128xf32, #tpu.memory_space<hbm>>) dst(%arg11 : memref<64x128xf32, #tpu.memory_space<vmem>>)
      "tpu.region"() ({
        %run_scoped3A = tpu.sem_alloc : memref<!tpu.dma_semaphore, #tpu.memory_space<semaphore_mem>>
        %dma_start3A_219 = arith.constant 0 : i32
        %dma_start3A_220 = tpu.memref_slice %arg10[%add3A_135, %dma_start3A_219] : memref<32x64xi32, #tpu.memory_space<vmem>> -> memref<1x64xi32, #tpu.memory_space<vmem>>
        %dma_start3A_221 = tpu.memref_squeeze %dma_start3A_220 : memref<1x64xi32, #tpu.memory_space<vmem>> -> memref<64xi32, #tpu.memory_space<vmem>>
        %dma_start3A_222 = arith.constant 0 : i32
        %dma_start3A_223 = arith.constant 0 : i32
        %dma_start3A_224 = tpu.memref_slice %arg20[%dma_start3A_222, %dma_start3A_223] : memref<10112x128xf32, #tpu.memory_space<vmem_shared>> -> memref<10112x128xf32, #tpu.memory_space<vmem_shared>>
        tpu.enqueue_indirect_dma source(%arg11 : memref<64x128xf32, #tpu.memory_space<vmem>>) target(%dma_start3A_224 : memref<10112x128xf32, #tpu.memory_space<vmem_shared>>) offsets(%dma_start3A_221 : memref<64xi32, #tpu.memory_space<vmem>>) semaphore(%run_scoped3A : memref<!tpu.dma_semaphore, #tpu.memory_space<semaphore_mem>>) {add = true}
        %dma_wait3A_225 = arith.constant 0 : i32
        %dma_wait3A_226 = tpu.memref_slice %arg10[%add3A_135, %dma_wait3A_225] : memref<32x64xi32, #tpu.memory_space<vmem>> -> memref<1x64xi32, #tpu.memory_space<vmem>>
        %dma_wait3A_227 = tpu.memref_squeeze %dma_wait3A_226 : memref<1x64xi32, #tpu.memory_space<vmem>> -> memref<64xi32, #tpu.memory_space<vmem>>
        %dma_wait3A_228 = arith.constant 0 : i32
        %dma_wait3A_229 = arith.constant 0 : i32
        %dma_wait3A_230 = tpu.memref_slice %arg20[%dma_wait3A_228, %dma_wait3A_229] : memref<10112x128xf32, #tpu.memory_space<vmem_shared>> -> memref<10112x128xf32, #tpu.memory_space<vmem_shared>>
        tpu.wait_indirect_dma semaphore(%run_scoped3A : memref<!tpu.dma_semaphore, #tpu.memory_space<semaphore_mem>>) src(%arg11 : memref<64x128xf32, #tpu.memory_space<vmem>>) dst(%dma_wait3A_230 : memref<10112x128xf32, #tpu.memory_space<vmem_shared>>)
        tpu.yield
      }) : () -> ()
      %add3A_141 = arith.constant 4 : i32
      %add3A_142 = arith.addi %add3A_135, %add3A_141 : i32
      %lt3A = arith.constant 32 : i32
      %lt3A_143 = arith.cmpi slt, %add3A_142, %lt3A : i32
      %convert_element_type3A_144 = arith.extui %lt3A_143 : i1 to i32
      %cond3A_145 = arith.constant 0 : i32
      %cond3A_146 = arith.cmpi ne, %convert_element_type3A_144, %cond3A_145 : i32
      scf.if %cond3A_146 {
        %add3A_219 = arith.constant 4 : i32
        %add3A_220 = arith.addi %add3A_135, %add3A_219 : i32
        %dma_start3A_221 = arith.constant 0 : i32
        %dma_start3A_222 = tpu.memref_slice %arg8[%add3A_220, %dma_start3A_221] : memref<32x64xi32, #tpu.memory_space<vmem>> -> memref<1x64xi32, #tpu.memory_space<vmem>>
        %dma_start3A_223 = tpu.memref_squeeze %dma_start3A_222 : memref<1x64xi32, #tpu.memory_space<vmem>> -> memref<64xi32, #tpu.memory_space<vmem>>
        %dma_start3A_224 = arith.constant 0 : i32
        %dma_start3A_225 = arith.constant 0 : i32
        %dma_start3A_226 = tpu.memref_slice %arg2[%dma_start3A_224, %dma_start3A_225] : memref<10000x128xf32, #tpu.memory_space<hbm>> -> memref<10000x128xf32, #tpu.memory_space<hbm>>
        tpu.enqueue_indirect_dma source(%dma_start3A_226 : memref<10000x128xf32, #tpu.memory_space<hbm>>) target(%arg11 : memref<64x128xf32, #tpu.memory_space<vmem>>) offsets(%dma_start3A_223 : memref<64xi32, #tpu.memory_space<vmem>>) semaphore(%arg15 : memref<!tpu.dma_semaphore, #tpu.memory_space<semaphore_mem>>)
      } else {
      }
      %add3A_147 = arith.constant 4 : i32
      %add3A_148 = arith.addi %add3A_135, %add3A_147 : i32
      %ge3A = arith.constant 32 : i32
      %ge3A_149 = arith.cmpi sge, %add3A_148, %ge3A : i32
      %convert_element_type3A_150 = arith.extui %ge3A_149 : i1 to i32
      %cond3A_151 = arith.constant 0 : i32
      %cond3A_152 = arith.cmpi ne, %convert_element_type3A_150, %cond3A_151 : i32
      scf.if %cond3A_152 {
        %add3A_219 = arith.constant 4 : i32
        %add3A_220 = arith.addi %add3A_135, %add3A_219 : i32
        %sub3A = arith.constant 32 : i32
        %sub3A_221 = arith.subi %add3A_220, %sub3A : i32
        %dma_start3A_222 = arith.constant 0 : i32
        %dma_start3A_223 = tpu.memref_slice %arg7[%sub3A_221, %dma_start3A_222] : memref<32x64xi32, #tpu.memory_space<vmem>> -> memref<1x64xi32, #tpu.memory_space<vmem>>
        %dma_start3A_224 = tpu.memref_squeeze %dma_start3A_223 : memref<1x64xi32, #tpu.memory_space<vmem>> -> memref<64xi32, #tpu.memory_space<vmem>>
        %dma_start3A_225 = arith.constant 0 : i32
        %dma_start3A_226 = arith.constant 0 : i32
        %dma_start3A_227 = tpu.memref_slice %arg2[%dma_start3A_225, %dma_start3A_226] : memref<10000x128xf32, #tpu.memory_space<hbm>> -> memref<10000x128xf32, #tpu.memory_space<hbm>>
        tpu.enqueue_indirect_dma source(%dma_start3A_227 : memref<10000x128xf32, #tpu.memory_space<hbm>>) target(%arg11 : memref<64x128xf32, #tpu.memory_space<vmem>>) offsets(%dma_start3A_224 : memref<64xi32, #tpu.memory_space<vmem>>) semaphore(%arg15 : memref<!tpu.dma_semaphore, #tpu.memory_space<semaphore_mem>>)
      } else {
      }
      %add3A_153 = arith.constant 1 : i32
      %add3A_154 = arith.addi %add3A_131, %add3A_153 : i32
      %dma_wait3A_155 = arith.constant 0 : i32
      %dma_wait3A_156 = tpu.memref_slice %arg8[%add3A_154, %dma_wait3A_155] : memref<32x64xi32, #tpu.memory_space<vmem>> -> memref<1x64xi32, #tpu.memory_space<vmem>>
      %dma_wait3A_157 = tpu.memref_squeeze %dma_wait3A_156 : memref<1x64xi32, #tpu.memory_space<vmem>> -> memref<64xi32, #tpu.memory_space<vmem>>
      %dma_wait3A_158 = arith.constant 0 : i32
      %dma_wait3A_159 = arith.constant 0 : i32
      %dma_wait3A_160 = tpu.memref_slice %arg2[%dma_wait3A_158, %dma_wait3A_159] : memref<10000x128xf32, #tpu.memory_space<hbm>> -> memref<10000x128xf32, #tpu.memory_space<hbm>>
      tpu.wait_indirect_dma semaphore(%arg16 : memref<!tpu.dma_semaphore, #tpu.memory_space<semaphore_mem>>) src(%dma_wait3A_160 : memref<10000x128xf32, #tpu.memory_space<hbm>>) dst(%arg12 : memref<64x128xf32, #tpu.memory_space<vmem>>)
      "tpu.region"() ({
        %run_scoped3A = tpu.sem_alloc : memref<!tpu.dma_semaphore, #tpu.memory_space<semaphore_mem>>
        %dma_start3A_219 = arith.constant 0 : i32
        %dma_start3A_220 = tpu.memref_slice %arg10[%add3A_154, %dma_start3A_219] : memref<32x64xi32, #tpu.memory_space<vmem>> -> memref<1x64xi32, #tpu.memory_space<vmem>>
        %dma_start3A_221 = tpu.memref_squeeze %dma_start3A_220 : memref<1x64xi32, #tpu.memory_space<vmem>> -> memref<64xi32, #tpu.memory_space<vmem>>
        %dma_start3A_222 = arith.constant 0 : i32
        %dma_start3A_223 = arith.constant 0 : i32
        %dma_start3A_224 = tpu.memref_slice %arg20[%dma_start3A_222, %dma_start3A_223] : memref<10112x128xf32, #tpu.memory_space<vmem_shared>> -> memref<10112x128xf32, #tpu.memory_space<vmem_shared>>
        tpu.enqueue_indirect_dma source(%arg12 : memref<64x128xf32, #tpu.memory_space<vmem>>) target(%dma_start3A_224 : memref<10112x128xf32, #tpu.memory_space<vmem_shared>>) offsets(%dma_start3A_221 : memref<64xi32, #tpu.memory_space<vmem>>) semaphore(%run_scoped3A : memref<!tpu.dma_semaphore, #tpu.memory_space<semaphore_mem>>) {add = true}
        %dma_wait3A_225 = arith.constant 0 : i32
        %dma_wait3A_226 = tpu.memref_slice %arg10[%add3A_154, %dma_wait3A_225] : memref<32x64xi32, #tpu.memory_space<vmem>> -> memref<1x64xi32, #tpu.memory_space<vmem>>
        %dma_wait3A_227 = tpu.memref_squeeze %dma_wait3A_226 : memref<1x64xi32, #tpu.memory_space<vmem>> -> memref<64xi32, #tpu.memory_space<vmem>>
        %dma_wait3A_228 = arith.constant 0 : i32
        %dma_wait3A_229 = arith.constant 0 : i32
        %dma_wait3A_230 = tpu.memref_slice %arg20[%dma_wait3A_228, %dma_wait3A_229] : memref<10112x128xf32, #tpu.memory_space<vmem_shared>> -> memref<10112x128xf32, #tpu.memory_space<vmem_shared>>
        tpu.wait_indirect_dma semaphore(%run_scoped3A : memref<!tpu.dma_semaphore, #tpu.memory_space<semaphore_mem>>) src(%arg12 : memref<64x128xf32, #tpu.memory_space<vmem>>) dst(%dma_wait3A_230 : memref<10112x128xf32, #tpu.memory_space<vmem_shared>>)
        tpu.yield
      }) : () -> ()
      %add3A_161 = arith.constant 4 : i32
      %add3A_162 = arith.addi %add3A_154, %add3A_161 : i32
      %lt3A_163 = arith.constant 32 : i32
      %lt3A_164 = arith.cmpi slt, %add3A_162, %lt3A_163 : i32
      %convert_element_type3A_165 = arith.extui %lt3A_164 : i1 to i32
      %cond3A_166 = arith.constant 0 : i32
      %cond3A_167 = arith.cmpi ne, %convert_element_type3A_165, %cond3A_166 : i32
      scf.if %cond3A_167 {
        %add3A_219 = arith.constant 4 : i32
        %add3A_220 = arith.addi %add3A_154, %add3A_219 : i32
        %dma_start3A_221 = arith.constant 0 : i32
        %dma_start3A_222 = tpu.memref_slice %arg8[%add3A_220, %dma_start3A_221] : memref<32x64xi32, #tpu.memory_space<vmem>> -> memref<1x64xi32, #tpu.memory_space<vmem>>
        %dma_start3A_223 = tpu.memref_squeeze %dma_start3A_222 : memref<1x64xi32, #tpu.memory_space<vmem>> -> memref<64xi32, #tpu.memory_space<vmem>>
        %dma_start3A_224 = arith.constant 0 : i32
        %dma_start3A_225 = arith.constant 0 : i32
        %dma_start3A_226 = tpu.memref_slice %arg2[%dma_start3A_224, %dma_start3A_225] : memref<10000x128xf32, #tpu.memory_space<hbm>> -> memref<10000x128xf32, #tpu.memory_space<hbm>>
        tpu.enqueue_indirect_dma source(%dma_start3A_226 : memref<10000x128xf32, #tpu.memory_space<hbm>>) target(%arg12 : memref<64x128xf32, #tpu.memory_space<vmem>>) offsets(%dma_start3A_223 : memref<64xi32, #tpu.memory_space<vmem>>) semaphore(%arg16 : memref<!tpu.dma_semaphore, #tpu.memory_space<semaphore_mem>>)
      } else {
      }
      %add3A_168 = arith.constant 4 : i32
      %add3A_169 = arith.addi %add3A_154, %add3A_168 : i32
      %ge3A_170 = arith.constant 32 : i32
      %ge3A_171 = arith.cmpi sge, %add3A_169, %ge3A_170 : i32
      %convert_element_type3A_172 = arith.extui %ge3A_171 : i1 to i32
      %cond3A_173 = arith.constant 0 : i32
      %cond3A_174 = arith.cmpi ne, %convert_element_type3A_172, %cond3A_173 : i32
      scf.if %cond3A_174 {
        %add3A_219 = arith.constant 4 : i32
        %add3A_220 = arith.addi %add3A_154, %add3A_219 : i32
        %sub3A = arith.constant 32 : i32
        %sub3A_221 = arith.subi %add3A_220, %sub3A : i32
        %dma_start3A_222 = arith.constant 0 : i32
        %dma_start3A_223 = tpu.memref_slice %arg7[%sub3A_221, %dma_start3A_222] : memref<32x64xi32, #tpu.memory_space<vmem>> -> memref<1x64xi32, #tpu.memory_space<vmem>>
        %dma_start3A_224 = tpu.memref_squeeze %dma_start3A_223 : memref<1x64xi32, #tpu.memory_space<vmem>> -> memref<64xi32, #tpu.memory_space<vmem>>
        %dma_start3A_225 = arith.constant 0 : i32
        %dma_start3A_226 = arith.constant 0 : i32
        %dma_start3A_227 = tpu.memref_slice %arg2[%dma_start3A_225, %dma_start3A_226] : memref<10000x128xf32, #tpu.memory_space<hbm>> -> memref<10000x128xf32, #tpu.memory_space<hbm>>
        tpu.enqueue_indirect_dma source(%dma_start3A_227 : memref<10000x128xf32, #tpu.memory_space<hbm>>) target(%arg12 : memref<64x128xf32, #tpu.memory_space<vmem>>) offsets(%dma_start3A_224 : memref<64xi32, #tpu.memory_space<vmem>>) semaphore(%arg16 : memref<!tpu.dma_semaphore, #tpu.memory_space<semaphore_mem>>)
      } else {
      }
      %add3A_175 = arith.constant 2 : i32
      %add3A_176 = arith.addi %add3A_131, %add3A_175 : i32
      %dma_wait3A_177 = arith.constant 0 : i32
      %dma_wait3A_178 = tpu.memref_slice %arg8[%add3A_176, %dma_wait3A_177] : memref<32x64xi32, #tpu.memory_space<vmem>> -> memref<1x64xi32, #tpu.memory_space<vmem>>
      %dma_wait3A_179 = tpu.memref_squeeze %dma_wait3A_178 : memref<1x64xi32, #tpu.memory_space<vmem>> -> memref<64xi32, #tpu.memory_space<vmem>>
      %dma_wait3A_180 = arith.constant 0 : i32
      %dma_wait3A_181 = arith.constant 0 : i32
      %dma_wait3A_182 = tpu.memref_slice %arg2[%dma_wait3A_180, %dma_wait3A_181] : memref<10000x128xf32, #tpu.memory_space<hbm>> -> memref<10000x128xf32, #tpu.memory_space<hbm>>
      tpu.wait_indirect_dma semaphore(%arg17 : memref<!tpu.dma_semaphore, #tpu.memory_space<semaphore_mem>>) src(%dma_wait3A_182 : memref<10000x128xf32, #tpu.memory_space<hbm>>) dst(%arg13 : memref<64x128xf32, #tpu.memory_space<vmem>>)
      "tpu.region"() ({
        %run_scoped3A = tpu.sem_alloc : memref<!tpu.dma_semaphore, #tpu.memory_space<semaphore_mem>>
        %dma_start3A_219 = arith.constant 0 : i32
        %dma_start3A_220 = tpu.memref_slice %arg10[%add3A_176, %dma_start3A_219] : memref<32x64xi32, #tpu.memory_space<vmem>> -> memref<1x64xi32, #tpu.memory_space<vmem>>
        %dma_start3A_221 = tpu.memref_squeeze %dma_start3A_220 : memref<1x64xi32, #tpu.memory_space<vmem>> -> memref<64xi32, #tpu.memory_space<vmem>>
        %dma_start3A_222 = arith.constant 0 : i32
        %dma_start3A_223 = arith.constant 0 : i32
        %dma_start3A_224 = tpu.memref_slice %arg20[%dma_start3A_222, %dma_start3A_223] : memref<10112x128xf32, #tpu.memory_space<vmem_shared>> -> memref<10112x128xf32, #tpu.memory_space<vmem_shared>>
        tpu.enqueue_indirect_dma source(%arg13 : memref<64x128xf32, #tpu.memory_space<vmem>>) target(%dma_start3A_224 : memref<10112x128xf32, #tpu.memory_space<vmem_shared>>) offsets(%dma_start3A_221 : memref<64xi32, #tpu.memory_space<vmem>>) semaphore(%run_scoped3A : memref<!tpu.dma_semaphore, #tpu.memory_space<semaphore_mem>>) {add = true}
        %dma_wait3A_225 = arith.constant 0 : i32
        %dma_wait3A_226 = tpu.memref_slice %arg10[%add3A_176, %dma_wait3A_225] : memref<32x64xi32, #tpu.memory_space<vmem>> -> memref<1x64xi32, #tpu.memory_space<vmem>>
        %dma_wait3A_227 = tpu.memref_squeeze %dma_wait3A_226 : memref<1x64xi32, #tpu.memory_space<vmem>> -> memref<64xi32, #tpu.memory_space<vmem>>
        %dma_wait3A_228 = arith.constant 0 : i32
        %dma_wait3A_229 = arith.constant 0 : i32
        %dma_wait3A_230 = tpu.memref_slice %arg20[%dma_wait3A_228, %dma_wait3A_229] : memref<10112x128xf32, #tpu.memory_space<vmem_shared>> -> memref<10112x128xf32, #tpu.memory_space<vmem_shared>>
        tpu.wait_indirect_dma semaphore(%run_scoped3A : memref<!tpu.dma_semaphore, #tpu.memory_space<semaphore_mem>>) src(%arg13 : memref<64x128xf32, #tpu.memory_space<vmem>>) dst(%dma_wait3A_230 : memref<10112x128xf32, #tpu.memory_space<vmem_shared>>)
        tpu.yield
      }) : () -> ()
      %add3A_183 = arith.constant 4 : i32
      %add3A_184 = arith.addi %add3A_176, %add3A_183 : i32
      %lt3A_185 = arith.constant 32 : i32
      %lt3A_186 = arith.cmpi slt, %add3A_184, %lt3A_185 : i32
      %convert_element_type3A_187 = arith.extui %lt3A_186 : i1 to i32
      %cond3A_188 = arith.constant 0 : i32
      %cond3A_189 = arith.cmpi ne, %convert_element_type3A_187, %cond3A_188 : i32
      scf.if %cond3A_189 {
        %add3A_219 = arith.constant 4 : i32
        %add3A_220 = arith.addi %add3A_176, %add3A_219 : i32
        %dma_start3A_221 = arith.constant 0 : i32
        %dma_start3A_222 = tpu.memref_slice %arg8[%add3A_220, %dma_start3A_221] : memref<32x64xi32, #tpu.memory_space<vmem>> -> memref<1x64xi32, #tpu.memory_space<vmem>>
        %dma_start3A_223 = tpu.memref_squeeze %dma_start3A_222 : memref<1x64xi32, #tpu.memory_space<vmem>> -> memref<64xi32, #tpu.memory_space<vmem>>
        %dma_start3A_224 = arith.constant 0 : i32
        %dma_start3A_225 = arith.constant 0 : i32
        %dma_start3A_226 = tpu.memref_slice %arg2[%dma_start3A_224, %dma_start3A_225] : memref<10000x128xf32, #tpu.memory_space<hbm>> -> memref<10000x128xf32, #tpu.memory_space<hbm>>
        tpu.enqueue_indirect_dma source(%dma_start3A_226 : memref<10000x128xf32, #tpu.memory_space<hbm>>) target(%arg13 : memref<64x128xf32, #tpu.memory_space<vmem>>) offsets(%dma_start3A_223 : memref<64xi32, #tpu.memory_space<vmem>>) semaphore(%arg17 : memref<!tpu.dma_semaphore, #tpu.memory_space<semaphore_mem>>)
      } else {
      }
      %add3A_190 = arith.constant 4 : i32
      %add3A_191 = arith.addi %add3A_176, %add3A_190 : i32
      %ge3A_192 = arith.constant 32 : i32
      %ge3A_193 = arith.cmpi sge, %add3A_191, %ge3A_192 : i32
      %convert_element_type3A_194 = arith.extui %ge3A_193 : i1 to i32
      %cond3A_195 = arith.constant 0 : i32
      %cond3A_196 = arith.cmpi ne, %convert_element_type3A_194, %cond3A_195 : i32
      scf.if %cond3A_196 {
        %add3A_219 = arith.constant 4 : i32
        %add3A_220 = arith.addi %add3A_176, %add3A_219 : i32
        %sub3A = arith.constant 32 : i32
        %sub3A_221 = arith.subi %add3A_220, %sub3A : i32
        %dma_start3A_222 = arith.constant 0 : i32
        %dma_start3A_223 = tpu.memref_slice %arg7[%sub3A_221, %dma_start3A_222] : memref<32x64xi32, #tpu.memory_space<vmem>> -> memref<1x64xi32, #tpu.memory_space<vmem>>
        %dma_start3A_224 = tpu.memref_squeeze %dma_start3A_223 : memref<1x64xi32, #tpu.memory_space<vmem>> -> memref<64xi32, #tpu.memory_space<vmem>>
        %dma_start3A_225 = arith.constant 0 : i32
        %dma_start3A_226 = arith.constant 0 : i32
        %dma_start3A_227 = tpu.memref_slice %arg2[%dma_start3A_225, %dma_start3A_226] : memref<10000x128xf32, #tpu.memory_space<hbm>> -> memref<10000x128xf32, #tpu.memory_space<hbm>>
        tpu.enqueue_indirect_dma source(%dma_start3A_227 : memref<10000x128xf32, #tpu.memory_space<hbm>>) target(%arg13 : memref<64x128xf32, #tpu.memory_space<vmem>>) offsets(%dma_start3A_224 : memref<64xi32, #tpu.memory_space<vmem>>) semaphore(%arg17 : memref<!tpu.dma_semaphore, #tpu.memory_space<semaphore_mem>>)
      } else {
      }
      %add3A_197 = arith.constant 3 : i32
      %add3A_198 = arith.addi %add3A_131, %add3A_197 : i32
      %dma_wait3A_199 = arith.constant 0 : i32
      %dma_wait3A_200 = tpu.memref_slice %arg8[%add3A_198, %dma_wait3A_199] : memref<32x64xi32, #tpu.memory_space<vmem>> -> memref<1x64xi32, #tpu.memory_space<vmem>>
      %dma_wait3A_201 = tpu.memref_squeeze %dma_wait3A_200 : memref<1x64xi32, #tpu.memory_space<vmem>> -> memref<64xi32, #tpu.memory_space<vmem>>
      %dma_wait3A_202 = arith.constant 0 : i32
      %dma_wait3A_203 = arith.constant 0 : i32
      %dma_wait3A_204 = tpu.memref_slice %arg2[%dma_wait3A_202, %dma_wait3A_203] : memref<10000x128xf32, #tpu.memory_space<hbm>> -> memref<10000x128xf32, #tpu.memory_space<hbm>>
      tpu.wait_indirect_dma semaphore(%arg18 : memref<!tpu.dma_semaphore, #tpu.memory_space<semaphore_mem>>) src(%dma_wait3A_204 : memref<10000x128xf32, #tpu.memory_space<hbm>>) dst(%arg14 : memref<64x128xf32, #tpu.memory_space<vmem>>)
      "tpu.region"() ({
        %run_scoped3A = tpu.sem_alloc : memref<!tpu.dma_semaphore, #tpu.memory_space<semaphore_mem>>
        %dma_start3A_219 = arith.constant 0 : i32
        %dma_start3A_220 = tpu.memref_slice %arg10[%add3A_198, %dma_start3A_219] : memref<32x64xi32, #tpu.memory_space<vmem>> -> memref<1x64xi32, #tpu.memory_space<vmem>>
        %dma_start3A_221 = tpu.memref_squeeze %dma_start3A_220 : memref<1x64xi32, #tpu.memory_space<vmem>> -> memref<64xi32, #tpu.memory_space<vmem>>
        %dma_start3A_222 = arith.constant 0 : i32
        %dma_start3A_223 = arith.constant 0 : i32
        %dma_start3A_224 = tpu.memref_slice %arg20[%dma_start3A_222, %dma_start3A_223] : memref<10112x128xf32, #tpu.memory_space<vmem_shared>> -> memref<10112x128xf32, #tpu.memory_space<vmem_shared>>
        tpu.enqueue_indirect_dma source(%arg14 : memref<64x128xf32, #tpu.memory_space<vmem>>) target(%dma_start3A_224 : memref<10112x128xf32, #tpu.memory_space<vmem_shared>>) offsets(%dma_start3A_221 : memref<64xi32, #tpu.memory_space<vmem>>) semaphore(%run_scoped3A : memref<!tpu.dma_semaphore, #tpu.memory_space<semaphore_mem>>) {add = true}
        %dma_wait3A_225 = arith.constant 0 : i32
        %dma_wait3A_226 = tpu.memref_slice %arg10[%add3A_198, %dma_wait3A_225] : memref<32x64xi32, #tpu.memory_space<vmem>> -> memref<1x64xi32, #tpu.memory_space<vmem>>
        %dma_wait3A_227 = tpu.memref_squeeze %dma_wait3A_226 : memref<1x64xi32, #tpu.memory_space<vmem>> -> memref<64xi32, #tpu.memory_space<vmem>>
        %dma_wait3A_228 = arith.constant 0 : i32
        %dma_wait3A_229 = arith.constant 0 : i32
        %dma_wait3A_230 = tpu.memref_slice %arg20[%dma_wait3A_228, %dma_wait3A_229] : memref<10112x128xf32, #tpu.memory_space<vmem_shared>> -> memref<10112x128xf32, #tpu.memory_space<vmem_shared>>
        tpu.wait_indirect_dma semaphore(%run_scoped3A : memref<!tpu.dma_semaphore, #tpu.memory_space<semaphore_mem>>) src(%arg14 : memref<64x128xf32, #tpu.memory_space<vmem>>) dst(%dma_wait3A_230 : memref<10112x128xf32, #tpu.memory_space<vmem_shared>>)
        tpu.yield
      }) : () -> ()
      %add3A_205 = arith.constant 4 : i32
      %add3A_206 = arith.addi %add3A_198, %add3A_205 : i32
      %lt3A_207 = arith.constant 32 : i32
      %lt3A_208 = arith.cmpi slt, %add3A_206, %lt3A_207 : i32
      %convert_element_type3A_209 = arith.extui %lt3A_208 : i1 to i32
      %cond3A_210 = arith.constant 0 : i32
      %cond3A_211 = arith.cmpi ne, %convert_element_type3A_209, %cond3A_210 : i32
      scf.if %cond3A_211 {
        %add3A_219 = arith.constant 4 : i32
        %add3A_220 = arith.addi %add3A_198, %add3A_219 : i32
        %dma_start3A_221 = arith.constant 0 : i32
        %dma_start3A_222 = tpu.memref_slice %arg8[%add3A_220, %dma_start3A_221] : memref<32x64xi32, #tpu.memory_space<vmem>> -> memref<1x64xi32, #tpu.memory_space<vmem>>
        %dma_start3A_223 = tpu.memref_squeeze %dma_start3A_222 : memref<1x64xi32, #tpu.memory_space<vmem>> -> memref<64xi32, #tpu.memory_space<vmem>>
        %dma_start3A_224 = arith.constant 0 : i32
        %dma_start3A_225 = arith.constant 0 : i32
        %dma_start3A_226 = tpu.memref_slice %arg2[%dma_start3A_224, %dma_start3A_225] : memref<10000x128xf32, #tpu.memory_space<hbm>> -> memref<10000x128xf32, #tpu.memory_space<hbm>>
        tpu.enqueue_indirect_dma source(%dma_start3A_226 : memref<10000x128xf32, #tpu.memory_space<hbm>>) target(%arg14 : memref<64x128xf32, #tpu.memory_space<vmem>>) offsets(%dma_start3A_223 : memref<64xi32, #tpu.memory_space<vmem>>) semaphore(%arg18 : memref<!tpu.dma_semaphore, #tpu.memory_space<semaphore_mem>>)
      } else {
      }
      %add3A_212 = arith.constant 4 : i32
      %add3A_213 = arith.addi %add3A_198, %add3A_212 : i32
      %ge3A_214 = arith.constant 32 : i32
      %ge3A_215 = arith.cmpi sge, %add3A_213, %ge3A_214 : i32
      %convert_element_type3A_216 = arith.extui %ge3A_215 : i1 to i32
      %cond3A_217 = arith.constant 0 : i32
      %cond3A_218 = arith.cmpi ne, %convert_element_type3A_216, %cond3A_217 : i32
      scf.if %cond3A_218 {
        %add3A_219 = arith.constant 4 : i32
        %add3A_220 = arith.addi %add3A_198, %add3A_219 : i32
        %sub3A = arith.constant 32 : i32
        %sub3A_221 = arith.subi %add3A_220, %sub3A : i32
        %dma_start3A_222 = arith.constant 0 : i32
        %dma_start3A_223 = tpu.memref_slice %arg7[%sub3A_221, %dma_start3A_222] : memref<32x64xi32, #tpu.memory_space<vmem>> -> memref<1x64xi32, #tpu.memory_space<vmem>>
        %dma_start3A_224 = tpu.memref_squeeze %dma_start3A_223 : memref<1x64xi32, #tpu.memory_space<vmem>> -> memref<64xi32, #tpu.memory_space<vmem>>
        %dma_start3A_225 = arith.constant 0 : i32
        %dma_start3A_226 = arith.constant 0 : i32
        %dma_start3A_227 = tpu.memref_slice %arg2[%dma_start3A_225, %dma_start3A_226] : memref<10000x128xf32, #tpu.memory_space<hbm>> -> memref<10000x128xf32, #tpu.memory_space<hbm>>
        tpu.enqueue_indirect_dma source(%dma_start3A_227 : memref<10000x128xf32, #tpu.memory_space<hbm>>) target(%arg14 : memref<64x128xf32, #tpu.memory_space<vmem>>) offsets(%dma_start3A_224 : memref<64xi32, #tpu.memory_space<vmem>>) semaphore(%arg18 : memref<!tpu.dma_semaphore, #tpu.memory_space<semaphore_mem>>)
      } else {
      }
    }
    %scan3A_78 = arith.constant 8 : i32
    %mul3A_79 = arith.constant 160 : i32
    %mul3A_80 = arith.muli %add3A, %mul3A_79 : i32
    %add3A_81 = arith.constant 96 : i32
    %add3A_82 = arith.addi %mul3A_80, %add3A_81 : i32
    %dma_start3A_83 = arith.constant 0 : i32
    %dma_start3A_84 = tpu.memref_slice %arg4[%add3A_82, %dma_start3A_83] : memref<5120x64xi32, #tpu.memory_space<hbm>> -> memref<32x64xi32, #tpu.memory_space<hbm>>
    %dma_start3A_85 = arith.constant 0 : i32
    %dma_start3A_86 = tpu.memref_slice %arg4[%add3A_82, %dma_start3A_85] : memref<5120x64xi32, #tpu.memory_space<hbm>> -> memref<32x64xi32, #tpu.memory_space<hbm>>
    tpu.enqueue_dma source(%dma_start3A_86 : memref<32x64xi32, #tpu.memory_space<hbm>>) target(%arg8 : memref<32x64xi32, #tpu.memory_space<vmem>>) target_semaphore(%arg19 : memref<!tpu.dma_semaphore, #tpu.memory_space<semaphore_mem>>)
    %mul3A_87 = arith.constant 160 : i32
    %mul3A_88 = arith.muli %add3A, %mul3A_87 : i32
    %add3A_89 = arith.constant 96 : i32
    %add3A_90 = arith.addi %mul3A_88, %add3A_89 : i32
    %dma_start3A_91 = arith.constant 0 : i32
    %dma_start3A_92 = tpu.memref_slice %arg5[%add3A_90, %dma_start3A_91] : memref<5120x64xi32, #tpu.memory_space<hbm>> -> memref<32x64xi32, #tpu.memory_space<hbm>>
    %dma_start3A_93 = arith.constant 0 : i32
    %dma_start3A_94 = tpu.memref_slice %arg5[%add3A_90, %dma_start3A_93] : memref<5120x64xi32, #tpu.memory_space<hbm>> -> memref<32x64xi32, #tpu.memory_space<hbm>>
    tpu.enqueue_dma source(%dma_start3A_94 : memref<32x64xi32, #tpu.memory_space<hbm>>) target(%arg10 : memref<32x64xi32, #tpu.memory_space<vmem>>) target_semaphore(%arg19 : memref<!tpu.dma_semaphore, #tpu.memory_space<semaphore_mem>>)
    %scan3A_95 = arith.constant 0 : i32
    %scan3A_96 = arith.constant 8 : i32
    %scan3A_97 = arith.addi %scan3A_95, %scan3A_96 : i32
    %scan3A_98 = arith.constant 1 : i32
    scf.for %scan3A_127 = %scan3A_95 to %scan3A_97 step %scan3A_98  : i32 {
      %mul3A_128 = arith.constant 4 : i32
      %mul3A_129 = arith.muli %scan3A_127, %mul3A_128 : i32
      %add3A_130 = arith.constant 0 : i32
      %add3A_131 = arith.addi %add3A_130, %mul3A_129 : i32
      %eq3A = arith.constant 28 : i32
      %eq3A_132 = arith.cmpi eq, %add3A_131, %eq3A : i32
      %convert_element_type3A = arith.extui %eq3A_132 : i1 to i32
      %cond3A = arith.constant 0 : i32
      %cond3A_133 = arith.cmpi ne, %convert_element_type3A, %cond3A : i32
      scf.if %cond3A_133 {
        %mul3A_219 = arith.constant 160 : i32
        %mul3A_220 = arith.muli %add3A, %mul3A_219 : i32
        %add3A_221 = arith.constant 96 : i32
        %add3A_222 = arith.addi %mul3A_220, %add3A_221 : i32
        %dma_wait3A_223 = arith.constant 0 : i32
        %dma_wait3A_224 = tpu.memref_slice %arg4[%add3A_222, %dma_wait3A_223] : memref<5120x64xi32, #tpu.memory_space<hbm>> -> memref<32x64xi32, #tpu.memory_space<hbm>>
        %dma_wait3A_225 = arith.constant 0 : i32
        %dma_wait3A_226 = tpu.memref_slice %arg4[%add3A_222, %dma_wait3A_225] : memref<5120x64xi32, #tpu.memory_space<hbm>> -> memref<32x64xi32, #tpu.memory_space<hbm>>
        tpu.wait_dma2 semaphore(%arg19 : memref<!tpu.dma_semaphore, #tpu.memory_space<semaphore_mem>>) src(%dma_wait3A_226 : memref<32x64xi32, #tpu.memory_space<hbm>>) dst(%arg8 : memref<32x64xi32, #tpu.memory_space<vmem>>)
        %mul3A_227 = arith.constant 160 : i32
        %mul3A_228 = arith.muli %add3A, %mul3A_227 : i32
        %add3A_229 = arith.constant 96 : i32
        %add3A_230 = arith.addi %mul3A_228, %add3A_229 : i32
        %dma_wait3A_231 = arith.constant 0 : i32
        %dma_wait3A_232 = tpu.memref_slice %arg5[%add3A_230, %dma_wait3A_231] : memref<5120x64xi32, #tpu.memory_space<hbm>> -> memref<32x64xi32, #tpu.memory_space<hbm>>
        %dma_wait3A_233 = arith.constant 0 : i32
        %dma_wait3A_234 = tpu.memref_slice %arg5[%add3A_230, %dma_wait3A_233] : memref<5120x64xi32, #tpu.memory_space<hbm>> -> memref<32x64xi32, #tpu.memory_space<hbm>>
        tpu.wait_dma2 semaphore(%arg19 : memref<!tpu.dma_semaphore, #tpu.memory_space<semaphore_mem>>) src(%dma_wait3A_234 : memref<32x64xi32, #tpu.memory_space<hbm>>) dst(%arg10 : memref<32x64xi32, #tpu.memory_space<vmem>>)
      } else {
      }
      %add3A_134 = arith.constant 0 : i32
      %add3A_135 = arith.addi %add3A_131, %add3A_134 : i32
      %dma_wait3A = arith.constant 0 : i32
      %dma_wait3A_136 = tpu.memref_slice %arg7[%add3A_135, %dma_wait3A] : memref<32x64xi32, #tpu.memory_space<vmem>> -> memref<1x64xi32, #tpu.memory_space<vmem>>
      %dma_wait3A_137 = tpu.memref_squeeze %dma_wait3A_136 : memref<1x64xi32, #tpu.memory_space<vmem>> -> memref<64xi32, #tpu.memory_space<vmem>>
      %dma_wait3A_138 = arith.constant 0 : i32
      %dma_wait3A_139 = arith.constant 0 : i32
      %dma_wait3A_140 = tpu.memref_slice %arg2[%dma_wait3A_138, %dma_wait3A_139] : memref<10000x128xf32, #tpu.memory_space<hbm>> -> memref<10000x128xf32, #tpu.memory_space<hbm>>
      tpu.wait_indirect_dma semaphore(%arg15 : memref<!tpu.dma_semaphore, #tpu.memory_space<semaphore_mem>>) src(%dma_wait3A_140 : memref<10000x128xf32, #tpu.memory_space<hbm>>) dst(%arg11 : memref<64x128xf32, #tpu.memory_space<vmem>>)
      "tpu.region"() ({
        %run_scoped3A = tpu.sem_alloc : memref<!tpu.dma_semaphore, #tpu.memory_space<semaphore_mem>>
        %dma_start3A_219 = arith.constant 0 : i32
        %dma_start3A_220 = tpu.memref_slice %arg9[%add3A_135, %dma_start3A_219] : memref<32x64xi32, #tpu.memory_space<vmem>> -> memref<1x64xi32, #tpu.memory_space<vmem>>
        %dma_start3A_221 = tpu.memref_squeeze %dma_start3A_220 : memref<1x64xi32, #tpu.memory_space<vmem>> -> memref<64xi32, #tpu.memory_space<vmem>>
        %dma_start3A_222 = arith.constant 0 : i32
        %dma_start3A_223 = arith.constant 0 : i32
        %dma_start3A_224 = tpu.memref_slice %arg20[%dma_start3A_222, %dma_start3A_223] : memref<10112x128xf32, #tpu.memory_space<vmem_shared>> -> memref<10112x128xf32, #tpu.memory_space<vmem_shared>>
        tpu.enqueue_indirect_dma source(%arg11 : memref<64x128xf32, #tpu.memory_space<vmem>>) target(%dma_start3A_224 : memref<10112x128xf32, #tpu.memory_space<vmem_shared>>) offsets(%dma_start3A_221 : memref<64xi32, #tpu.memory_space<vmem>>) semaphore(%run_scoped3A : memref<!tpu.dma_semaphore, #tpu.memory_space<semaphore_mem>>) {add = true}
        %dma_wait3A_225 = arith.constant 0 : i32
        %dma_wait3A_226 = tpu.memref_slice %arg9[%add3A_135, %dma_wait3A_225] : memref<32x64xi32, #tpu.memory_space<vmem>> -> memref<1x64xi32, #tpu.memory_space<vmem>>
        %dma_wait3A_227 = tpu.memref_squeeze %dma_wait3A_226 : memref<1x64xi32, #tpu.memory_space<vmem>> -> memref<64xi32, #tpu.memory_space<vmem>>
        %dma_wait3A_228 = arith.constant 0 : i32
        %dma_wait3A_229 = arith.constant 0 : i32
        %dma_wait3A_230 = tpu.memref_slice %arg20[%dma_wait3A_228, %dma_wait3A_229] : memref<10112x128xf32, #tpu.memory_space<vmem_shared>> -> memref<10112x128xf32, #tpu.memory_space<vmem_shared>>
        tpu.wait_indirect_dma semaphore(%run_scoped3A : memref<!tpu.dma_semaphore, #tpu.memory_space<semaphore_mem>>) src(%arg11 : memref<64x128xf32, #tpu.memory_space<vmem>>) dst(%dma_wait3A_230 : memref<10112x128xf32, #tpu.memory_space<vmem_shared>>)
        tpu.yield
      }) : () -> ()
      %add3A_141 = arith.constant 4 : i32
      %add3A_142 = arith.addi %add3A_135, %add3A_141 : i32
      %lt3A = arith.constant 32 : i32
      %lt3A_143 = arith.cmpi slt, %add3A_142, %lt3A : i32
      %convert_element_type3A_144 = arith.extui %lt3A_143 : i1 to i32
      %cond3A_145 = arith.constant 0 : i32
      %cond3A_146 = arith.cmpi ne, %convert_element_type3A_144, %cond3A_145 : i32
      scf.if %cond3A_146 {
        %add3A_219 = arith.constant 4 : i32
        %add3A_220 = arith.addi %add3A_135, %add3A_219 : i32
        %dma_start3A_221 = arith.constant 0 : i32
        %dma_start3A_222 = tpu.memref_slice %arg7[%add3A_220, %dma_start3A_221] : memref<32x64xi32, #tpu.memory_space<vmem>> -> memref<1x64xi32, #tpu.memory_space<vmem>>
        %dma_start3A_223 = tpu.memref_squeeze %dma_start3A_222 : memref<1x64xi32, #tpu.memory_space<vmem>> -> memref<64xi32, #tpu.memory_space<vmem>>
        %dma_start3A_224 = arith.constant 0 : i32
        %dma_start3A_225 = arith.constant 0 : i32
        %dma_start3A_226 = tpu.memref_slice %arg2[%dma_start3A_224, %dma_start3A_225] : memref<10000x128xf32, #tpu.memory_space<hbm>> -> memref<10000x128xf32, #tpu.memory_space<hbm>>
        tpu.enqueue_indirect_dma source(%dma_start3A_226 : memref<10000x128xf32, #tpu.memory_space<hbm>>) target(%arg11 : memref<64x128xf32, #tpu.memory_space<vmem>>) offsets(%dma_start3A_223 : memref<64xi32, #tpu.memory_space<vmem>>) semaphore(%arg15 : memref<!tpu.dma_semaphore, #tpu.memory_space<semaphore_mem>>)
      } else {
      }
      %add3A_147 = arith.constant 4 : i32
      %add3A_148 = arith.addi %add3A_135, %add3A_147 : i32
      %ge3A = arith.constant 32 : i32
      %ge3A_149 = arith.cmpi sge, %add3A_148, %ge3A : i32
      %convert_element_type3A_150 = arith.extui %ge3A_149 : i1 to i32
      %cond3A_151 = arith.constant 0 : i32
      %cond3A_152 = arith.cmpi ne, %convert_element_type3A_150, %cond3A_151 : i32
      scf.if %cond3A_152 {
        %add3A_219 = arith.constant 4 : i32
        %add3A_220 = arith.addi %add3A_135, %add3A_219 : i32
        %sub3A = arith.constant 32 : i32
        %sub3A_221 = arith.subi %add3A_220, %sub3A : i32
        %dma_start3A_222 = arith.constant 0 : i32
        %dma_start3A_223 = tpu.memref_slice %arg8[%sub3A_221, %dma_start3A_222] : memref<32x64xi32, #tpu.memory_space<vmem>> -> memref<1x64xi32, #tpu.memory_space<vmem>>
        %dma_start3A_224 = tpu.memref_squeeze %dma_start3A_223 : memref<1x64xi32, #tpu.memory_space<vmem>> -> memref<64xi32, #tpu.memory_space<vmem>>
        %dma_start3A_225 = arith.constant 0 : i32
        %dma_start3A_226 = arith.constant 0 : i32
        %dma_start3A_227 = tpu.memref_slice %arg2[%dma_start3A_225, %dma_start3A_226] : memref<10000x128xf32, #tpu.memory_space<hbm>> -> memref<10000x128xf32, #tpu.memory_space<hbm>>
        tpu.enqueue_indirect_dma source(%dma_start3A_227 : memref<10000x128xf32, #tpu.memory_space<hbm>>) target(%arg11 : memref<64x128xf32, #tpu.memory_space<vmem>>) offsets(%dma_start3A_224 : memref<64xi32, #tpu.memory_space<vmem>>) semaphore(%arg15 : memref<!tpu.dma_semaphore, #tpu.memory_space<semaphore_mem>>)
      } else {
      }
      %add3A_153 = arith.constant 1 : i32
      %add3A_154 = arith.addi %add3A_131, %add3A_153 : i32
      %dma_wait3A_155 = arith.constant 0 : i32
      %dma_wait3A_156 = tpu.memref_slice %arg7[%add3A_154, %dma_wait3A_155] : memref<32x64xi32, #tpu.memory_space<vmem>> -> memref<1x64xi32, #tpu.memory_space<vmem>>
      %dma_wait3A_157 = tpu.memref_squeeze %dma_wait3A_156 : memref<1x64xi32, #tpu.memory_space<vmem>> -> memref<64xi32, #tpu.memory_space<vmem>>
      %dma_wait3A_158 = arith.constant 0 : i32
      %dma_wait3A_159 = arith.constant 0 : i32
      %dma_wait3A_160 = tpu.memref_slice %arg2[%dma_wait3A_158, %dma_wait3A_159] : memref<10000x128xf32, #tpu.memory_space<hbm>> -> memref<10000x128xf32, #tpu.memory_space<hbm>>
      tpu.wait_indirect_dma semaphore(%arg16 : memref<!tpu.dma_semaphore, #tpu.memory_space<semaphore_mem>>) src(%dma_wait3A_160 : memref<10000x128xf32, #tpu.memory_space<hbm>>) dst(%arg12 : memref<64x128xf32, #tpu.memory_space<vmem>>)
      "tpu.region"() ({
        %run_scoped3A = tpu.sem_alloc : memref<!tpu.dma_semaphore, #tpu.memory_space<semaphore_mem>>
        %dma_start3A_219 = arith.constant 0 : i32
        %dma_start3A_220 = tpu.memref_slice %arg9[%add3A_154, %dma_start3A_219] : memref<32x64xi32, #tpu.memory_space<vmem>> -> memref<1x64xi32, #tpu.memory_space<vmem>>
        %dma_start3A_221 = tpu.memref_squeeze %dma_start3A_220 : memref<1x64xi32, #tpu.memory_space<vmem>> -> memref<64xi32, #tpu.memory_space<vmem>>
        %dma_start3A_222 = arith.constant 0 : i32
        %dma_start3A_223 = arith.constant 0 : i32
        %dma_start3A_224 = tpu.memref_slice %arg20[%dma_start3A_222, %dma_start3A_223] : memref<10112x128xf32, #tpu.memory_space<vmem_shared>> -> memref<10112x128xf32, #tpu.memory_space<vmem_shared>>
        tpu.enqueue_indirect_dma source(%arg12 : memref<64x128xf32, #tpu.memory_space<vmem>>) target(%dma_start3A_224 : memref<10112x128xf32, #tpu.memory_space<vmem_shared>>) offsets(%dma_start3A_221 : memref<64xi32, #tpu.memory_space<vmem>>) semaphore(%run_scoped3A : memref<!tpu.dma_semaphore, #tpu.memory_space<semaphore_mem>>) {add = true}
        %dma_wait3A_225 = arith.constant 0 : i32
        %dma_wait3A_226 = tpu.memref_slice %arg9[%add3A_154, %dma_wait3A_225] : memref<32x64xi32, #tpu.memory_space<vmem>> -> memref<1x64xi32, #tpu.memory_space<vmem>>
        %dma_wait3A_227 = tpu.memref_squeeze %dma_wait3A_226 : memref<1x64xi32, #tpu.memory_space<vmem>> -> memref<64xi32, #tpu.memory_space<vmem>>
        %dma_wait3A_228 = arith.constant 0 : i32
        %dma_wait3A_229 = arith.constant 0 : i32
        %dma_wait3A_230 = tpu.memref_slice %arg20[%dma_wait3A_228, %dma_wait3A_229] : memref<10112x128xf32, #tpu.memory_space<vmem_shared>> -> memref<10112x128xf32, #tpu.memory_space<vmem_shared>>
        tpu.wait_indirect_dma semaphore(%run_scoped3A : memref<!tpu.dma_semaphore, #tpu.memory_space<semaphore_mem>>) src(%arg12 : memref<64x128xf32, #tpu.memory_space<vmem>>) dst(%dma_wait3A_230 : memref<10112x128xf32, #tpu.memory_space<vmem_shared>>)
        tpu.yield
      }) : () -> ()
      %add3A_161 = arith.constant 4 : i32
      %add3A_162 = arith.addi %add3A_154, %add3A_161 : i32
      %lt3A_163 = arith.constant 32 : i32
      %lt3A_164 = arith.cmpi slt, %add3A_162, %lt3A_163 : i32
      %convert_element_type3A_165 = arith.extui %lt3A_164 : i1 to i32
      %cond3A_166 = arith.constant 0 : i32
      %cond3A_167 = arith.cmpi ne, %convert_element_type3A_165, %cond3A_166 : i32
      scf.if %cond3A_167 {
        %add3A_219 = arith.constant 4 : i32
        %add3A_220 = arith.addi %add3A_154, %add3A_219 : i32
        %dma_start3A_221 = arith.constant 0 : i32
        %dma_start3A_222 = tpu.memref_slice %arg7[%add3A_220, %dma_start3A_221] : memref<32x64xi32, #tpu.memory_space<vmem>> -> memref<1x64xi32, #tpu.memory_space<vmem>>
        %dma_start3A_223 = tpu.memref_squeeze %dma_start3A_222 : memref<1x64xi32, #tpu.memory_space<vmem>> -> memref<64xi32, #tpu.memory_space<vmem>>
        %dma_start3A_224 = arith.constant 0 : i32
        %dma_start3A_225 = arith.constant 0 : i32
        %dma_start3A_226 = tpu.memref_slice %arg2[%dma_start3A_224, %dma_start3A_225] : memref<10000x128xf32, #tpu.memory_space<hbm>> -> memref<10000x128xf32, #tpu.memory_space<hbm>>
        tpu.enqueue_indirect_dma source(%dma_start3A_226 : memref<10000x128xf32, #tpu.memory_space<hbm>>) target(%arg12 : memref<64x128xf32, #tpu.memory_space<vmem>>) offsets(%dma_start3A_223 : memref<64xi32, #tpu.memory_space<vmem>>) semaphore(%arg16 : memref<!tpu.dma_semaphore, #tpu.memory_space<semaphore_mem>>)
      } else {
      }
      %add3A_168 = arith.constant 4 : i32
      %add3A_169 = arith.addi %add3A_154, %add3A_168 : i32
      %ge3A_170 = arith.constant 32 : i32
      %ge3A_171 = arith.cmpi sge, %add3A_169, %ge3A_170 : i32
      %convert_element_type3A_172 = arith.extui %ge3A_171 : i1 to i32
      %cond3A_173 = arith.constant 0 : i32
      %cond3A_174 = arith.cmpi ne, %convert_element_type3A_172, %cond3A_173 : i32
      scf.if %cond3A_174 {
        %add3A_219 = arith.constant 4 : i32
        %add3A_220 = arith.addi %add3A_154, %add3A_219 : i32
        %sub3A = arith.constant 32 : i32
        %sub3A_221 = arith.subi %add3A_220, %sub3A : i32
        %dma_start3A_222 = arith.constant 0 : i32
        %dma_start3A_223 = tpu.memref_slice %arg8[%sub3A_221, %dma_start3A_222] : memref<32x64xi32, #tpu.memory_space<vmem>> -> memref<1x64xi32, #tpu.memory_space<vmem>>
        %dma_start3A_224 = tpu.memref_squeeze %dma_start3A_223 : memref<1x64xi32, #tpu.memory_space<vmem>> -> memref<64xi32, #tpu.memory_space<vmem>>
        %dma_start3A_225 = arith.constant 0 : i32
        %dma_start3A_226 = arith.constant 0 : i32
        %dma_start3A_227 = tpu.memref_slice %arg2[%dma_start3A_225, %dma_start3A_226] : memref<10000x128xf32, #tpu.memory_space<hbm>> -> memref<10000x128xf32, #tpu.memory_space<hbm>>
        tpu.enqueue_indirect_dma source(%dma_start3A_227 : memref<10000x128xf32, #tpu.memory_space<hbm>>) target(%arg12 : memref<64x128xf32, #tpu.memory_space<vmem>>) offsets(%dma_start3A_224 : memref<64xi32, #tpu.memory_space<vmem>>) semaphore(%arg16 : memref<!tpu.dma_semaphore, #tpu.memory_space<semaphore_mem>>)
      } else {
      }
      %add3A_175 = arith.constant 2 : i32
      %add3A_176 = arith.addi %add3A_131, %add3A_175 : i32
      %dma_wait3A_177 = arith.constant 0 : i32
      %dma_wait3A_178 = tpu.memref_slice %arg7[%add3A_176, %dma_wait3A_177] : memref<32x64xi32, #tpu.memory_space<vmem>> -> memref<1x64xi32, #tpu.memory_space<vmem>>
      %dma_wait3A_179 = tpu.memref_squeeze %dma_wait3A_178 : memref<1x64xi32, #tpu.memory_space<vmem>> -> memref<64xi32, #tpu.memory_space<vmem>>
      %dma_wait3A_180 = arith.constant 0 : i32
      %dma_wait3A_181 = arith.constant 0 : i32
      %dma_wait3A_182 = tpu.memref_slice %arg2[%dma_wait3A_180, %dma_wait3A_181] : memref<10000x128xf32, #tpu.memory_space<hbm>> -> memref<10000x128xf32, #tpu.memory_space<hbm>>
      tpu.wait_indirect_dma semaphore(%arg17 : memref<!tpu.dma_semaphore, #tpu.memory_space<semaphore_mem>>) src(%dma_wait3A_182 : memref<10000x128xf32, #tpu.memory_space<hbm>>) dst(%arg13 : memref<64x128xf32, #tpu.memory_space<vmem>>)
      "tpu.region"() ({
        %run_scoped3A = tpu.sem_alloc : memref<!tpu.dma_semaphore, #tpu.memory_space<semaphore_mem>>
        %dma_start3A_219 = arith.constant 0 : i32
        %dma_start3A_220 = tpu.memref_slice %arg9[%add3A_176, %dma_start3A_219] : memref<32x64xi32, #tpu.memory_space<vmem>> -> memref<1x64xi32, #tpu.memory_space<vmem>>
        %dma_start3A_221 = tpu.memref_squeeze %dma_start3A_220 : memref<1x64xi32, #tpu.memory_space<vmem>> -> memref<64xi32, #tpu.memory_space<vmem>>
        %dma_start3A_222 = arith.constant 0 : i32
        %dma_start3A_223 = arith.constant 0 : i32
        %dma_start3A_224 = tpu.memref_slice %arg20[%dma_start3A_222, %dma_start3A_223] : memref<10112x128xf32, #tpu.memory_space<vmem_shared>> -> memref<10112x128xf32, #tpu.memory_space<vmem_shared>>
        tpu.enqueue_indirect_dma source(%arg13 : memref<64x128xf32, #tpu.memory_space<vmem>>) target(%dma_start3A_224 : memref<10112x128xf32, #tpu.memory_space<vmem_shared>>) offsets(%dma_start3A_221 : memref<64xi32, #tpu.memory_space<vmem>>) semaphore(%run_scoped3A : memref<!tpu.dma_semaphore, #tpu.memory_space<semaphore_mem>>) {add = true}
        %dma_wait3A_225 = arith.constant 0 : i32
        %dma_wait3A_226 = tpu.memref_slice %arg9[%add3A_176, %dma_wait3A_225] : memref<32x64xi32, #tpu.memory_space<vmem>> -> memref<1x64xi32, #tpu.memory_space<vmem>>
        %dma_wait3A_227 = tpu.memref_squeeze %dma_wait3A_226 : memref<1x64xi32, #tpu.memory_space<vmem>> -> memref<64xi32, #tpu.memory_space<vmem>>
        %dma_wait3A_228 = arith.constant 0 : i32
        %dma_wait3A_229 = arith.constant 0 : i32
        %dma_wait3A_230 = tpu.memref_slice %arg20[%dma_wait3A_228, %dma_wait3A_229] : memref<10112x128xf32, #tpu.memory_space<vmem_shared>> -> memref<10112x128xf32, #tpu.memory_space<vmem_shared>>
        tpu.wait_indirect_dma semaphore(%run_scoped3A : memref<!tpu.dma_semaphore, #tpu.memory_space<semaphore_mem>>) src(%arg13 : memref<64x128xf32, #tpu.memory_space<vmem>>) dst(%dma_wait3A_230 : memref<10112x128xf32, #tpu.memory_space<vmem_shared>>)
        tpu.yield
      }) : () -> ()
      %add3A_183 = arith.constant 4 : i32
      %add3A_184 = arith.addi %add3A_176, %add3A_183 : i32
      %lt3A_185 = arith.constant 32 : i32
      %lt3A_186 = arith.cmpi slt, %add3A_184, %lt3A_185 : i32
      %convert_element_type3A_187 = arith.extui %lt3A_186 : i1 to i32
      %cond3A_188 = arith.constant 0 : i32
      %cond3A_189 = arith.cmpi ne, %convert_element_type3A_187, %cond3A_188 : i32
      scf.if %cond3A_189 {
        %add3A_219 = arith.constant 4 : i32
        %add3A_220 = arith.addi %add3A_176, %add3A_219 : i32
        %dma_start3A_221 = arith.constant 0 : i32
        %dma_start3A_222 = tpu.memref_slice %arg7[%add3A_220, %dma_start3A_221] : memref<32x64xi32, #tpu.memory_space<vmem>> -> memref<1x64xi32, #tpu.memory_space<vmem>>
        %dma_start3A_223 = tpu.memref_squeeze %dma_start3A_222 : memref<1x64xi32, #tpu.memory_space<vmem>> -> memref<64xi32, #tpu.memory_space<vmem>>
        %dma_start3A_224 = arith.constant 0 : i32
        %dma_start3A_225 = arith.constant 0 : i32
        %dma_start3A_226 = tpu.memref_slice %arg2[%dma_start3A_224, %dma_start3A_225] : memref<10000x128xf32, #tpu.memory_space<hbm>> -> memref<10000x128xf32, #tpu.memory_space<hbm>>
        tpu.enqueue_indirect_dma source(%dma_start3A_226 : memref<10000x128xf32, #tpu.memory_space<hbm>>) target(%arg13 : memref<64x128xf32, #tpu.memory_space<vmem>>) offsets(%dma_start3A_223 : memref<64xi32, #tpu.memory_space<vmem>>) semaphore(%arg17 : memref<!tpu.dma_semaphore, #tpu.memory_space<semaphore_mem>>)
      } else {
      }
      %add3A_190 = arith.constant 4 : i32
      %add3A_191 = arith.addi %add3A_176, %add3A_190 : i32
      %ge3A_192 = arith.constant 32 : i32
      %ge3A_193 = arith.cmpi sge, %add3A_191, %ge3A_192 : i32
      %convert_element_type3A_194 = arith.extui %ge3A_193 : i1 to i32
      %cond3A_195 = arith.constant 0 : i32
      %cond3A_196 = arith.cmpi ne, %convert_element_type3A_194, %cond3A_195 : i32
      scf.if %cond3A_196 {
        %add3A_219 = arith.constant 4 : i32
        %add3A_220 = arith.addi %add3A_176, %add3A_219 : i32
        %sub3A = arith.constant 32 : i32
        %sub3A_221 = arith.subi %add3A_220, %sub3A : i32
        %dma_start3A_222 = arith.constant 0 : i32
        %dma_start3A_223 = tpu.memref_slice %arg8[%sub3A_221, %dma_start3A_222] : memref<32x64xi32, #tpu.memory_space<vmem>> -> memref<1x64xi32, #tpu.memory_space<vmem>>
        %dma_start3A_224 = tpu.memref_squeeze %dma_start3A_223 : memref<1x64xi32, #tpu.memory_space<vmem>> -> memref<64xi32, #tpu.memory_space<vmem>>
        %dma_start3A_225 = arith.constant 0 : i32
        %dma_start3A_226 = arith.constant 0 : i32
        %dma_start3A_227 = tpu.memref_slice %arg2[%dma_start3A_225, %dma_start3A_226] : memref<10000x128xf32, #tpu.memory_space<hbm>> -> memref<10000x128xf32, #tpu.memory_space<hbm>>
        tpu.enqueue_indirect_dma source(%dma_start3A_227 : memref<10000x128xf32, #tpu.memory_space<hbm>>) target(%arg13 : memref<64x128xf32, #tpu.memory_space<vmem>>) offsets(%dma_start3A_224 : memref<64xi32, #tpu.memory_space<vmem>>) semaphore(%arg17 : memref<!tpu.dma_semaphore, #tpu.memory_space<semaphore_mem>>)
      } else {
      }
      %add3A_197 = arith.constant 3 : i32
      %add3A_198 = arith.addi %add3A_131, %add3A_197 : i32
      %dma_wait3A_199 = arith.constant 0 : i32
      %dma_wait3A_200 = tpu.memref_slice %arg7[%add3A_198, %dma_wait3A_199] : memref<32x64xi32, #tpu.memory_space<vmem>> -> memref<1x64xi32, #tpu.memory_space<vmem>>
      %dma_wait3A_201 = tpu.memref_squeeze %dma_wait3A_200 : memref<1x64xi32, #tpu.memory_space<vmem>> -> memref<64xi32, #tpu.memory_space<vmem>>
      %dma_wait3A_202 = arith.constant 0 : i32
      %dma_wait3A_203 = arith.constant 0 : i32
      %dma_wait3A_204 = tpu.memref_slice %arg2[%dma_wait3A_202, %dma_wait3A_203] : memref<10000x128xf32, #tpu.memory_space<hbm>> -> memref<10000x128xf32, #tpu.memory_space<hbm>>
      tpu.wait_indirect_dma semaphore(%arg18 : memref<!tpu.dma_semaphore, #tpu.memory_space<semaphore_mem>>) src(%dma_wait3A_204 : memref<10000x128xf32, #tpu.memory_space<hbm>>) dst(%arg14 : memref<64x128xf32, #tpu.memory_space<vmem>>)
      "tpu.region"() ({
        %run_scoped3A = tpu.sem_alloc : memref<!tpu.dma_semaphore, #tpu.memory_space<semaphore_mem>>
        %dma_start3A_219 = arith.constant 0 : i32
        %dma_start3A_220 = tpu.memref_slice %arg9[%add3A_198, %dma_start3A_219] : memref<32x64xi32, #tpu.memory_space<vmem>> -> memref<1x64xi32, #tpu.memory_space<vmem>>
        %dma_start3A_221 = tpu.memref_squeeze %dma_start3A_220 : memref<1x64xi32, #tpu.memory_space<vmem>> -> memref<64xi32, #tpu.memory_space<vmem>>
        %dma_start3A_222 = arith.constant 0 : i32
        %dma_start3A_223 = arith.constant 0 : i32
        %dma_start3A_224 = tpu.memref_slice %arg20[%dma_start3A_222, %dma_start3A_223] : memref<10112x128xf32, #tpu.memory_space<vmem_shared>> -> memref<10112x128xf32, #tpu.memory_space<vmem_shared>>
        tpu.enqueue_indirect_dma source(%arg14 : memref<64x128xf32, #tpu.memory_space<vmem>>) target(%dma_start3A_224 : memref<10112x128xf32, #tpu.memory_space<vmem_shared>>) offsets(%dma_start3A_221 : memref<64xi32, #tpu.memory_space<vmem>>) semaphore(%run_scoped3A : memref<!tpu.dma_semaphore, #tpu.memory_space<semaphore_mem>>) {add = true}
        %dma_wait3A_225 = arith.constant 0 : i32
        %dma_wait3A_226 = tpu.memref_slice %arg9[%add3A_198, %dma_wait3A_225] : memref<32x64xi32, #tpu.memory_space<vmem>> -> memref<1x64xi32, #tpu.memory_space<vmem>>
        %dma_wait3A_227 = tpu.memref_squeeze %dma_wait3A_226 : memref<1x64xi32, #tpu.memory_space<vmem>> -> memref<64xi32, #tpu.memory_space<vmem>>
        %dma_wait3A_228 = arith.constant 0 : i32
        %dma_wait3A_229 = arith.constant 0 : i32
        %dma_wait3A_230 = tpu.memref_slice %arg20[%dma_wait3A_228, %dma_wait3A_229] : memref<10112x128xf32, #tpu.memory_space<vmem_shared>> -> memref<10112x128xf32, #tpu.memory_space<vmem_shared>>
        tpu.wait_indirect_dma semaphore(%run_scoped3A : memref<!tpu.dma_semaphore, #tpu.memory_space<semaphore_mem>>) src(%arg14 : memref<64x128xf32, #tpu.memory_space<vmem>>) dst(%dma_wait3A_230 : memref<10112x128xf32, #tpu.memory_space<vmem_shared>>)
        tpu.yield
      }) : () -> ()
      %add3A_205 = arith.constant 4 : i32
      %add3A_206 = arith.addi %add3A_198, %add3A_205 : i32
      %lt3A_207 = arith.constant 32 : i32
      %lt3A_208 = arith.cmpi slt, %add3A_206, %lt3A_207 : i32
      %convert_element_type3A_209 = arith.extui %lt3A_208 : i1 to i32
      %cond3A_210 = arith.constant 0 : i32
      %cond3A_211 = arith.cmpi ne, %convert_element_type3A_209, %cond3A_210 : i32
      scf.if %cond3A_211 {
        %add3A_219 = arith.constant 4 : i32
        %add3A_220 = arith.addi %add3A_198, %add3A_219 : i32
        %dma_start3A_221 = arith.constant 0 : i32
        %dma_start3A_222 = tpu.memref_slice %arg7[%add3A_220, %dma_start3A_221] : memref<32x64xi32, #tpu.memory_space<vmem>> -> memref<1x64xi32, #tpu.memory_space<vmem>>
        %dma_start3A_223 = tpu.memref_squeeze %dma_start3A_222 : memref<1x64xi32, #tpu.memory_space<vmem>> -> memref<64xi32, #tpu.memory_space<vmem>>
        %dma_start3A_224 = arith.constant 0 : i32
        %dma_start3A_225 = arith.constant 0 : i32
        %dma_start3A_226 = tpu.memref_slice %arg2[%dma_start3A_224, %dma_start3A_225] : memref<10000x128xf32, #tpu.memory_space<hbm>> -> memref<10000x128xf32, #tpu.memory_space<hbm>>
        tpu.enqueue_indirect_dma source(%dma_start3A_226 : memref<10000x128xf32, #tpu.memory_space<hbm>>) target(%arg14 : memref<64x128xf32, #tpu.memory_space<vmem>>) offsets(%dma_start3A_223 : memref<64xi32, #tpu.memory_space<vmem>>) semaphore(%arg18 : memref<!tpu.dma_semaphore, #tpu.memory_space<semaphore_mem>>)
      } else {
      }
      %add3A_212 = arith.constant 4 : i32
      %add3A_213 = arith.addi %add3A_198, %add3A_212 : i32
      %ge3A_214 = arith.constant 32 : i32
      %ge3A_215 = arith.cmpi sge, %add3A_213, %ge3A_214 : i32
      %convert_element_type3A_216 = arith.extui %ge3A_215 : i1 to i32
      %cond3A_217 = arith.constant 0 : i32
      %cond3A_218 = arith.cmpi ne, %convert_element_type3A_216, %cond3A_217 : i32
      scf.if %cond3A_218 {
        %add3A_219 = arith.constant 4 : i32
        %add3A_220 = arith.addi %add3A_198, %add3A_219 : i32
        %sub3A = arith.constant 32 : i32
        %sub3A_221 = arith.subi %add3A_220, %sub3A : i32
        %dma_start3A_222 = arith.constant 0 : i32
        %dma_start3A_223 = tpu.memref_slice %arg8[%sub3A_221, %dma_start3A_222] : memref<32x64xi32, #tpu.memory_space<vmem>> -> memref<1x64xi32, #tpu.memory_space<vmem>>
        %dma_start3A_224 = tpu.memref_squeeze %dma_start3A_223 : memref<1x64xi32, #tpu.memory_space<vmem>> -> memref<64xi32, #tpu.memory_space<vmem>>
        %dma_start3A_225 = arith.constant 0 : i32
        %dma_start3A_226 = arith.constant 0 : i32
        %dma_start3A_227 = tpu.memref_slice %arg2[%dma_start3A_225, %dma_start3A_226] : memref<10000x128xf32, #tpu.memory_space<hbm>> -> memref<10000x128xf32, #tpu.memory_space<hbm>>
        tpu.enqueue_indirect_dma source(%dma_start3A_227 : memref<10000x128xf32, #tpu.memory_space<hbm>>) target(%arg14 : memref<64x128xf32, #tpu.memory_space<vmem>>) offsets(%dma_start3A_224 : memref<64xi32, #tpu.memory_space<vmem>>) semaphore(%arg18 : memref<!tpu.dma_semaphore, #tpu.memory_space<semaphore_mem>>)
      } else {
      }
    }
    %scan3A_99 = arith.constant 8 : i32
    %mul3A_100 = arith.constant 160 : i32
    %mul3A_101 = arith.muli %add3A, %mul3A_100 : i32
    %add3A_102 = arith.constant 128 : i32
    %add3A_103 = arith.addi %mul3A_101, %add3A_102 : i32
    %dma_start3A_104 = arith.constant 0 : i32
    %dma_start3A_105 = tpu.memref_slice %arg4[%add3A_103, %dma_start3A_104] : memref<5120x64xi32, #tpu.memory_space<hbm>> -> memref<32x64xi32, #tpu.memory_space<hbm>>
    %dma_start3A_106 = arith.constant 0 : i32
    %dma_start3A_107 = tpu.memref_slice %arg4[%add3A_103, %dma_start3A_106] : memref<5120x64xi32, #tpu.memory_space<hbm>> -> memref<32x64xi32, #tpu.memory_space<hbm>>
    tpu.enqueue_dma source(%dma_start3A_107 : memref<32x64xi32, #tpu.memory_space<hbm>>) target(%arg7 : memref<32x64xi32, #tpu.memory_space<vmem>>) target_semaphore(%arg19 : memref<!tpu.dma_semaphore, #tpu.memory_space<semaphore_mem>>)
    %mul3A_108 = arith.constant 160 : i32
    %mul3A_109 = arith.muli %add3A, %mul3A_108 : i32
    %add3A_110 = arith.constant 128 : i32
    %add3A_111 = arith.addi %mul3A_109, %add3A_110 : i32
    %dma_start3A_112 = arith.constant 0 : i32
    %dma_start3A_113 = tpu.memref_slice %arg5[%add3A_111, %dma_start3A_112] : memref<5120x64xi32, #tpu.memory_space<hbm>> -> memref<32x64xi32, #tpu.memory_space<hbm>>
    %dma_start3A_114 = arith.constant 0 : i32
    %dma_start3A_115 = tpu.memref_slice %arg5[%add3A_111, %dma_start3A_114] : memref<5120x64xi32, #tpu.memory_space<hbm>> -> memref<32x64xi32, #tpu.memory_space<hbm>>
    tpu.enqueue_dma source(%dma_start3A_115 : memref<32x64xi32, #tpu.memory_space<hbm>>) target(%arg9 : memref<32x64xi32, #tpu.memory_space<vmem>>) target_semaphore(%arg19 : memref<!tpu.dma_semaphore, #tpu.memory_space<semaphore_mem>>)
    %scan3A_116 = arith.constant 0 : i32
    %scan3A_117 = arith.constant 8 : i32
    %scan3A_118 = arith.addi %scan3A_116, %scan3A_117 : i32
    %scan3A_119 = arith.constant 1 : i32
    scf.for %scan3A_127 = %scan3A_116 to %scan3A_118 step %scan3A_119  : i32 {
      %mul3A_128 = arith.constant 4 : i32
      %mul3A_129 = arith.muli %scan3A_127, %mul3A_128 : i32
      %add3A_130 = arith.constant 0 : i32
      %add3A_131 = arith.addi %add3A_130, %mul3A_129 : i32
      %eq3A = arith.constant 28 : i32
      %eq3A_132 = arith.cmpi eq, %add3A_131, %eq3A : i32
      %convert_element_type3A = arith.extui %eq3A_132 : i1 to i32
      %cond3A = arith.constant 0 : i32
      %cond3A_133 = arith.cmpi ne, %convert_element_type3A, %cond3A : i32
      scf.if %cond3A_133 {
        %mul3A_219 = arith.constant 160 : i32
        %mul3A_220 = arith.muli %add3A, %mul3A_219 : i32
        %add3A_221 = arith.constant 128 : i32
        %add3A_222 = arith.addi %mul3A_220, %add3A_221 : i32
        %dma_wait3A_223 = arith.constant 0 : i32
        %dma_wait3A_224 = tpu.memref_slice %arg4[%add3A_222, %dma_wait3A_223] : memref<5120x64xi32, #tpu.memory_space<hbm>> -> memref<32x64xi32, #tpu.memory_space<hbm>>
        %dma_wait3A_225 = arith.constant 0 : i32
        %dma_wait3A_226 = tpu.memref_slice %arg4[%add3A_222, %dma_wait3A_225] : memref<5120x64xi32, #tpu.memory_space<hbm>> -> memref<32x64xi32, #tpu.memory_space<hbm>>
        tpu.wait_dma2 semaphore(%arg19 : memref<!tpu.dma_semaphore, #tpu.memory_space<semaphore_mem>>) src(%dma_wait3A_226 : memref<32x64xi32, #tpu.memory_space<hbm>>) dst(%arg7 : memref<32x64xi32, #tpu.memory_space<vmem>>)
        %mul3A_227 = arith.constant 160 : i32
        %mul3A_228 = arith.muli %add3A, %mul3A_227 : i32
        %add3A_229 = arith.constant 128 : i32
        %add3A_230 = arith.addi %mul3A_228, %add3A_229 : i32
        %dma_wait3A_231 = arith.constant 0 : i32
        %dma_wait3A_232 = tpu.memref_slice %arg5[%add3A_230, %dma_wait3A_231] : memref<5120x64xi32, #tpu.memory_space<hbm>> -> memref<32x64xi32, #tpu.memory_space<hbm>>
        %dma_wait3A_233 = arith.constant 0 : i32
        %dma_wait3A_234 = tpu.memref_slice %arg5[%add3A_230, %dma_wait3A_233] : memref<5120x64xi32, #tpu.memory_space<hbm>> -> memref<32x64xi32, #tpu.memory_space<hbm>>
        tpu.wait_dma2 semaphore(%arg19 : memref<!tpu.dma_semaphore, #tpu.memory_space<semaphore_mem>>) src(%dma_wait3A_234 : memref<32x64xi32, #tpu.memory_space<hbm>>) dst(%arg9 : memref<32x64xi32, #tpu.memory_space<vmem>>)
      } else {
      }
      %add3A_134 = arith.constant 0 : i32
      %add3A_135 = arith.addi %add3A_131, %add3A_134 : i32
      %dma_wait3A = arith.constant 0 : i32
      %dma_wait3A_136 = tpu.memref_slice %arg8[%add3A_135, %dma_wait3A] : memref<32x64xi32, #tpu.memory_space<vmem>> -> memref<1x64xi32, #tpu.memory_space<vmem>>
      %dma_wait3A_137 = tpu.memref_squeeze %dma_wait3A_136 : memref<1x64xi32, #tpu.memory_space<vmem>> -> memref<64xi32, #tpu.memory_space<vmem>>
      %dma_wait3A_138 = arith.constant 0 : i32
      %dma_wait3A_139 = arith.constant 0 : i32
      %dma_wait3A_140 = tpu.memref_slice %arg2[%dma_wait3A_138, %dma_wait3A_139] : memref<10000x128xf32, #tpu.memory_space<hbm>> -> memref<10000x128xf32, #tpu.memory_space<hbm>>
      tpu.wait_indirect_dma semaphore(%arg15 : memref<!tpu.dma_semaphore, #tpu.memory_space<semaphore_mem>>) src(%dma_wait3A_140 : memref<10000x128xf32, #tpu.memory_space<hbm>>) dst(%arg11 : memref<64x128xf32, #tpu.memory_space<vmem>>)
      "tpu.region"() ({
        %run_scoped3A = tpu.sem_alloc : memref<!tpu.dma_semaphore, #tpu.memory_space<semaphore_mem>>
        %dma_start3A_219 = arith.constant 0 : i32
        %dma_start3A_220 = tpu.memref_slice %arg10[%add3A_135, %dma_start3A_219] : memref<32x64xi32, #tpu.memory_space<vmem>> -> memref<1x64xi32, #tpu.memory_space<vmem>>
        %dma_start3A_221 = tpu.memref_squeeze %dma_start3A_220 : memref<1x64xi32, #tpu.memory_space<vmem>> -> memref<64xi32, #tpu.memory_space<vmem>>
        %dma_start3A_222 = arith.constant 0 : i32
        %dma_start3A_223 = arith.constant 0 : i32
        %dma_start3A_224 = tpu.memref_slice %arg20[%dma_start3A_222, %dma_start3A_223] : memref<10112x128xf32, #tpu.memory_space<vmem_shared>> -> memref<10112x128xf32, #tpu.memory_space<vmem_shared>>
        tpu.enqueue_indirect_dma source(%arg11 : memref<64x128xf32, #tpu.memory_space<vmem>>) target(%dma_start3A_224 : memref<10112x128xf32, #tpu.memory_space<vmem_shared>>) offsets(%dma_start3A_221 : memref<64xi32, #tpu.memory_space<vmem>>) semaphore(%run_scoped3A : memref<!tpu.dma_semaphore, #tpu.memory_space<semaphore_mem>>) {add = true}
        %dma_wait3A_225 = arith.constant 0 : i32
        %dma_wait3A_226 = tpu.memref_slice %arg10[%add3A_135, %dma_wait3A_225] : memref<32x64xi32, #tpu.memory_space<vmem>> -> memref<1x64xi32, #tpu.memory_space<vmem>>
        %dma_wait3A_227 = tpu.memref_squeeze %dma_wait3A_226 : memref<1x64xi32, #tpu.memory_space<vmem>> -> memref<64xi32, #tpu.memory_space<vmem>>
        %dma_wait3A_228 = arith.constant 0 : i32
        %dma_wait3A_229 = arith.constant 0 : i32
        %dma_wait3A_230 = tpu.memref_slice %arg20[%dma_wait3A_228, %dma_wait3A_229] : memref<10112x128xf32, #tpu.memory_space<vmem_shared>> -> memref<10112x128xf32, #tpu.memory_space<vmem_shared>>
        tpu.wait_indirect_dma semaphore(%run_scoped3A : memref<!tpu.dma_semaphore, #tpu.memory_space<semaphore_mem>>) src(%arg11 : memref<64x128xf32, #tpu.memory_space<vmem>>) dst(%dma_wait3A_230 : memref<10112x128xf32, #tpu.memory_space<vmem_shared>>)
        tpu.yield
      }) : () -> ()
      %add3A_141 = arith.constant 4 : i32
      %add3A_142 = arith.addi %add3A_135, %add3A_141 : i32
      %lt3A = arith.constant 32 : i32
      %lt3A_143 = arith.cmpi slt, %add3A_142, %lt3A : i32
      %convert_element_type3A_144 = arith.extui %lt3A_143 : i1 to i32
      %cond3A_145 = arith.constant 0 : i32
      %cond3A_146 = arith.cmpi ne, %convert_element_type3A_144, %cond3A_145 : i32
      scf.if %cond3A_146 {
        %add3A_219 = arith.constant 4 : i32
        %add3A_220 = arith.addi %add3A_135, %add3A_219 : i32
        %dma_start3A_221 = arith.constant 0 : i32
        %dma_start3A_222 = tpu.memref_slice %arg8[%add3A_220, %dma_start3A_221] : memref<32x64xi32, #tpu.memory_space<vmem>> -> memref<1x64xi32, #tpu.memory_space<vmem>>
        %dma_start3A_223 = tpu.memref_squeeze %dma_start3A_222 : memref<1x64xi32, #tpu.memory_space<vmem>> -> memref<64xi32, #tpu.memory_space<vmem>>
        %dma_start3A_224 = arith.constant 0 : i32
        %dma_start3A_225 = arith.constant 0 : i32
        %dma_start3A_226 = tpu.memref_slice %arg2[%dma_start3A_224, %dma_start3A_225] : memref<10000x128xf32, #tpu.memory_space<hbm>> -> memref<10000x128xf32, #tpu.memory_space<hbm>>
        tpu.enqueue_indirect_dma source(%dma_start3A_226 : memref<10000x128xf32, #tpu.memory_space<hbm>>) target(%arg11 : memref<64x128xf32, #tpu.memory_space<vmem>>) offsets(%dma_start3A_223 : memref<64xi32, #tpu.memory_space<vmem>>) semaphore(%arg15 : memref<!tpu.dma_semaphore, #tpu.memory_space<semaphore_mem>>)
      } else {
      }
      %add3A_147 = arith.constant 4 : i32
      %add3A_148 = arith.addi %add3A_135, %add3A_147 : i32
      %ge3A = arith.constant 32 : i32
      %ge3A_149 = arith.cmpi sge, %add3A_148, %ge3A : i32
      %convert_element_type3A_150 = arith.extui %ge3A_149 : i1 to i32
      %cond3A_151 = arith.constant 0 : i32
      %cond3A_152 = arith.cmpi ne, %convert_element_type3A_150, %cond3A_151 : i32
      scf.if %cond3A_152 {
        %add3A_219 = arith.constant 4 : i32
        %add3A_220 = arith.addi %add3A_135, %add3A_219 : i32
        %sub3A = arith.constant 32 : i32
        %sub3A_221 = arith.subi %add3A_220, %sub3A : i32
        %dma_start3A_222 = arith.constant 0 : i32
        %dma_start3A_223 = tpu.memref_slice %arg7[%sub3A_221, %dma_start3A_222] : memref<32x64xi32, #tpu.memory_space<vmem>> -> memref<1x64xi32, #tpu.memory_space<vmem>>
        %dma_start3A_224 = tpu.memref_squeeze %dma_start3A_223 : memref<1x64xi32, #tpu.memory_space<vmem>> -> memref<64xi32, #tpu.memory_space<vmem>>
        %dma_start3A_225 = arith.constant 0 : i32
        %dma_start3A_226 = arith.constant 0 : i32
        %dma_start3A_227 = tpu.memref_slice %arg2[%dma_start3A_225, %dma_start3A_226] : memref<10000x128xf32, #tpu.memory_space<hbm>> -> memref<10000x128xf32, #tpu.memory_space<hbm>>
        tpu.enqueue_indirect_dma source(%dma_start3A_227 : memref<10000x128xf32, #tpu.memory_space<hbm>>) target(%arg11 : memref<64x128xf32, #tpu.memory_space<vmem>>) offsets(%dma_start3A_224 : memref<64xi32, #tpu.memory_space<vmem>>) semaphore(%arg15 : memref<!tpu.dma_semaphore, #tpu.memory_space<semaphore_mem>>)
      } else {
      }
      %add3A_153 = arith.constant 1 : i32
      %add3A_154 = arith.addi %add3A_131, %add3A_153 : i32
      %dma_wait3A_155 = arith.constant 0 : i32
      %dma_wait3A_156 = tpu.memref_slice %arg8[%add3A_154, %dma_wait3A_155] : memref<32x64xi32, #tpu.memory_space<vmem>> -> memref<1x64xi32, #tpu.memory_space<vmem>>
      %dma_wait3A_157 = tpu.memref_squeeze %dma_wait3A_156 : memref<1x64xi32, #tpu.memory_space<vmem>> -> memref<64xi32, #tpu.memory_space<vmem>>
      %dma_wait3A_158 = arith.constant 0 : i32
      %dma_wait3A_159 = arith.constant 0 : i32
      %dma_wait3A_160 = tpu.memref_slice %arg2[%dma_wait3A_158, %dma_wait3A_159] : memref<10000x128xf32, #tpu.memory_space<hbm>> -> memref<10000x128xf32, #tpu.memory_space<hbm>>
      tpu.wait_indirect_dma semaphore(%arg16 : memref<!tpu.dma_semaphore, #tpu.memory_space<semaphore_mem>>) src(%dma_wait3A_160 : memref<10000x128xf32, #tpu.memory_space<hbm>>) dst(%arg12 : memref<64x128xf32, #tpu.memory_space<vmem>>)
      "tpu.region"() ({
        %run_scoped3A = tpu.sem_alloc : memref<!tpu.dma_semaphore, #tpu.memory_space<semaphore_mem>>
        %dma_start3A_219 = arith.constant 0 : i32
        %dma_start3A_220 = tpu.memref_slice %arg10[%add3A_154, %dma_start3A_219] : memref<32x64xi32, #tpu.memory_space<vmem>> -> memref<1x64xi32, #tpu.memory_space<vmem>>
        %dma_start3A_221 = tpu.memref_squeeze %dma_start3A_220 : memref<1x64xi32, #tpu.memory_space<vmem>> -> memref<64xi32, #tpu.memory_space<vmem>>
        %dma_start3A_222 = arith.constant 0 : i32
        %dma_start3A_223 = arith.constant 0 : i32
        %dma_start3A_224 = tpu.memref_slice %arg20[%dma_start3A_222, %dma_start3A_223] : memref<10112x128xf32, #tpu.memory_space<vmem_shared>> -> memref<10112x128xf32, #tpu.memory_space<vmem_shared>>
        tpu.enqueue_indirect_dma source(%arg12 : memref<64x128xf32, #tpu.memory_space<vmem>>) target(%dma_start3A_224 : memref<10112x128xf32, #tpu.memory_space<vmem_shared>>) offsets(%dma_start3A_221 : memref<64xi32, #tpu.memory_space<vmem>>) semaphore(%run_scoped3A : memref<!tpu.dma_semaphore, #tpu.memory_space<semaphore_mem>>) {add = true}
        %dma_wait3A_225 = arith.constant 0 : i32
        %dma_wait3A_226 = tpu.memref_slice %arg10[%add3A_154, %dma_wait3A_225] : memref<32x64xi32, #tpu.memory_space<vmem>> -> memref<1x64xi32, #tpu.memory_space<vmem>>
        %dma_wait3A_227 = tpu.memref_squeeze %dma_wait3A_226 : memref<1x64xi32, #tpu.memory_space<vmem>> -> memref<64xi32, #tpu.memory_space<vmem>>
        %dma_wait3A_228 = arith.constant 0 : i32
        %dma_wait3A_229 = arith.constant 0 : i32
        %dma_wait3A_230 = tpu.memref_slice %arg20[%dma_wait3A_228, %dma_wait3A_229] : memref<10112x128xf32, #tpu.memory_space<vmem_shared>> -> memref<10112x128xf32, #tpu.memory_space<vmem_shared>>
        tpu.wait_indirect_dma semaphore(%run_scoped3A : memref<!tpu.dma_semaphore, #tpu.memory_space<semaphore_mem>>) src(%arg12 : memref<64x128xf32, #tpu.memory_space<vmem>>) dst(%dma_wait3A_230 : memref<10112x128xf32, #tpu.memory_space<vmem_shared>>)
        tpu.yield
      }) : () -> ()
      %add3A_161 = arith.constant 4 : i32
      %add3A_162 = arith.addi %add3A_154, %add3A_161 : i32
      %lt3A_163 = arith.constant 32 : i32
      %lt3A_164 = arith.cmpi slt, %add3A_162, %lt3A_163 : i32
      %convert_element_type3A_165 = arith.extui %lt3A_164 : i1 to i32
      %cond3A_166 = arith.constant 0 : i32
      %cond3A_167 = arith.cmpi ne, %convert_element_type3A_165, %cond3A_166 : i32
      scf.if %cond3A_167 {
        %add3A_219 = arith.constant 4 : i32
        %add3A_220 = arith.addi %add3A_154, %add3A_219 : i32
        %dma_start3A_221 = arith.constant 0 : i32
        %dma_start3A_222 = tpu.memref_slice %arg8[%add3A_220, %dma_start3A_221] : memref<32x64xi32, #tpu.memory_space<vmem>> -> memref<1x64xi32, #tpu.memory_space<vmem>>
        %dma_start3A_223 = tpu.memref_squeeze %dma_start3A_222 : memref<1x64xi32, #tpu.memory_space<vmem>> -> memref<64xi32, #tpu.memory_space<vmem>>
        %dma_start3A_224 = arith.constant 0 : i32
        %dma_start3A_225 = arith.constant 0 : i32
        %dma_start3A_226 = tpu.memref_slice %arg2[%dma_start3A_224, %dma_start3A_225] : memref<10000x128xf32, #tpu.memory_space<hbm>> -> memref<10000x128xf32, #tpu.memory_space<hbm>>
        tpu.enqueue_indirect_dma source(%dma_start3A_226 : memref<10000x128xf32, #tpu.memory_space<hbm>>) target(%arg12 : memref<64x128xf32, #tpu.memory_space<vmem>>) offsets(%dma_start3A_223 : memref<64xi32, #tpu.memory_space<vmem>>) semaphore(%arg16 : memref<!tpu.dma_semaphore, #tpu.memory_space<semaphore_mem>>)
      } else {
      }
      %add3A_168 = arith.constant 4 : i32
      %add3A_169 = arith.addi %add3A_154, %add3A_168 : i32
      %ge3A_170 = arith.constant 32 : i32
      %ge3A_171 = arith.cmpi sge, %add3A_169, %ge3A_170 : i32
      %convert_element_type3A_172 = arith.extui %ge3A_171 : i1 to i32
      %cond3A_173 = arith.constant 0 : i32
      %cond3A_174 = arith.cmpi ne, %convert_element_type3A_172, %cond3A_173 : i32
      scf.if %cond3A_174 {
        %add3A_219 = arith.constant 4 : i32
        %add3A_220 = arith.addi %add3A_154, %add3A_219 : i32
        %sub3A = arith.constant 32 : i32
        %sub3A_221 = arith.subi %add3A_220, %sub3A : i32
        %dma_start3A_222 = arith.constant 0 : i32
        %dma_start3A_223 = tpu.memref_slice %arg7[%sub3A_221, %dma_start3A_222] : memref<32x64xi32, #tpu.memory_space<vmem>> -> memref<1x64xi32, #tpu.memory_space<vmem>>
        %dma_start3A_224 = tpu.memref_squeeze %dma_start3A_223 : memref<1x64xi32, #tpu.memory_space<vmem>> -> memref<64xi32, #tpu.memory_space<vmem>>
        %dma_start3A_225 = arith.constant 0 : i32
        %dma_start3A_226 = arith.constant 0 : i32
        %dma_start3A_227 = tpu.memref_slice %arg2[%dma_start3A_225, %dma_start3A_226] : memref<10000x128xf32, #tpu.memory_space<hbm>> -> memref<10000x128xf32, #tpu.memory_space<hbm>>
        tpu.enqueue_indirect_dma source(%dma_start3A_227 : memref<10000x128xf32, #tpu.memory_space<hbm>>) target(%arg12 : memref<64x128xf32, #tpu.memory_space<vmem>>) offsets(%dma_start3A_224 : memref<64xi32, #tpu.memory_space<vmem>>) semaphore(%arg16 : memref<!tpu.dma_semaphore, #tpu.memory_space<semaphore_mem>>)
      } else {
      }
      %add3A_175 = arith.constant 2 : i32
      %add3A_176 = arith.addi %add3A_131, %add3A_175 : i32
      %dma_wait3A_177 = arith.constant 0 : i32
      %dma_wait3A_178 = tpu.memref_slice %arg8[%add3A_176, %dma_wait3A_177] : memref<32x64xi32, #tpu.memory_space<vmem>> -> memref<1x64xi32, #tpu.memory_space<vmem>>
      %dma_wait3A_179 = tpu.memref_squeeze %dma_wait3A_178 : memref<1x64xi32, #tpu.memory_space<vmem>> -> memref<64xi32, #tpu.memory_space<vmem>>
      %dma_wait3A_180 = arith.constant 0 : i32
      %dma_wait3A_181 = arith.constant 0 : i32
      %dma_wait3A_182 = tpu.memref_slice %arg2[%dma_wait3A_180, %dma_wait3A_181] : memref<10000x128xf32, #tpu.memory_space<hbm>> -> memref<10000x128xf32, #tpu.memory_space<hbm>>
      tpu.wait_indirect_dma semaphore(%arg17 : memref<!tpu.dma_semaphore, #tpu.memory_space<semaphore_mem>>) src(%dma_wait3A_182 : memref<10000x128xf32, #tpu.memory_space<hbm>>) dst(%arg13 : memref<64x128xf32, #tpu.memory_space<vmem>>)
      "tpu.region"() ({
        %run_scoped3A = tpu.sem_alloc : memref<!tpu.dma_semaphore, #tpu.memory_space<semaphore_mem>>
        %dma_start3A_219 = arith.constant 0 : i32
        %dma_start3A_220 = tpu.memref_slice %arg10[%add3A_176, %dma_start3A_219] : memref<32x64xi32, #tpu.memory_space<vmem>> -> memref<1x64xi32, #tpu.memory_space<vmem>>
        %dma_start3A_221 = tpu.memref_squeeze %dma_start3A_220 : memref<1x64xi32, #tpu.memory_space<vmem>> -> memref<64xi32, #tpu.memory_space<vmem>>
        %dma_start3A_222 = arith.constant 0 : i32
        %dma_start3A_223 = arith.constant 0 : i32
        %dma_start3A_224 = tpu.memref_slice %arg20[%dma_start3A_222, %dma_start3A_223] : memref<10112x128xf32, #tpu.memory_space<vmem_shared>> -> memref<10112x128xf32, #tpu.memory_space<vmem_shared>>
        tpu.enqueue_indirect_dma source(%arg13 : memref<64x128xf32, #tpu.memory_space<vmem>>) target(%dma_start3A_224 : memref<10112x128xf32, #tpu.memory_space<vmem_shared>>) offsets(%dma_start3A_221 : memref<64xi32, #tpu.memory_space<vmem>>) semaphore(%run_scoped3A : memref<!tpu.dma_semaphore, #tpu.memory_space<semaphore_mem>>) {add = true}
        %dma_wait3A_225 = arith.constant 0 : i32
        %dma_wait3A_226 = tpu.memref_slice %arg10[%add3A_176, %dma_wait3A_225] : memref<32x64xi32, #tpu.memory_space<vmem>> -> memref<1x64xi32, #tpu.memory_space<vmem>>
        %dma_wait3A_227 = tpu.memref_squeeze %dma_wait3A_226 : memref<1x64xi32, #tpu.memory_space<vmem>> -> memref<64xi32, #tpu.memory_space<vmem>>
        %dma_wait3A_228 = arith.constant 0 : i32
        %dma_wait3A_229 = arith.constant 0 : i32
        %dma_wait3A_230 = tpu.memref_slice %arg20[%dma_wait3A_228, %dma_wait3A_229] : memref<10112x128xf32, #tpu.memory_space<vmem_shared>> -> memref<10112x128xf32, #tpu.memory_space<vmem_shared>>
        tpu.wait_indirect_dma semaphore(%run_scoped3A : memref<!tpu.dma_semaphore, #tpu.memory_space<semaphore_mem>>) src(%arg13 : memref<64x128xf32, #tpu.memory_space<vmem>>) dst(%dma_wait3A_230 : memref<10112x128xf32, #tpu.memory_space<vmem_shared>>)
        tpu.yield
      }) : () -> ()
      %add3A_183 = arith.constant 4 : i32
      %add3A_184 = arith.addi %add3A_176, %add3A_183 : i32
      %lt3A_185 = arith.constant 32 : i32
      %lt3A_186 = arith.cmpi slt, %add3A_184, %lt3A_185 : i32
      %convert_element_type3A_187 = arith.extui %lt3A_186 : i1 to i32
      %cond3A_188 = arith.constant 0 : i32
      %cond3A_189 = arith.cmpi ne, %convert_element_type3A_187, %cond3A_188 : i32
      scf.if %cond3A_189 {
        %add3A_219 = arith.constant 4 : i32
        %add3A_220 = arith.addi %add3A_176, %add3A_219 : i32
        %dma_start3A_221 = arith.constant 0 : i32
        %dma_start3A_222 = tpu.memref_slice %arg8[%add3A_220, %dma_start3A_221] : memref<32x64xi32, #tpu.memory_space<vmem>> -> memref<1x64xi32, #tpu.memory_space<vmem>>
        %dma_start3A_223 = tpu.memref_squeeze %dma_start3A_222 : memref<1x64xi32, #tpu.memory_space<vmem>> -> memref<64xi32, #tpu.memory_space<vmem>>
        %dma_start3A_224 = arith.constant 0 : i32
        %dma_start3A_225 = arith.constant 0 : i32
        %dma_start3A_226 = tpu.memref_slice %arg2[%dma_start3A_224, %dma_start3A_225] : memref<10000x128xf32, #tpu.memory_space<hbm>> -> memref<10000x128xf32, #tpu.memory_space<hbm>>
        tpu.enqueue_indirect_dma source(%dma_start3A_226 : memref<10000x128xf32, #tpu.memory_space<hbm>>) target(%arg13 : memref<64x128xf32, #tpu.memory_space<vmem>>) offsets(%dma_start3A_223 : memref<64xi32, #tpu.memory_space<vmem>>) semaphore(%arg17 : memref<!tpu.dma_semaphore, #tpu.memory_space<semaphore_mem>>)
      } else {
      }
      %add3A_190 = arith.constant 4 : i32
      %add3A_191 = arith.addi %add3A_176, %add3A_190 : i32
      %ge3A_192 = arith.constant 32 : i32
      %ge3A_193 = arith.cmpi sge, %add3A_191, %ge3A_192 : i32
      %convert_element_type3A_194 = arith.extui %ge3A_193 : i1 to i32
      %cond3A_195 = arith.constant 0 : i32
      %cond3A_196 = arith.cmpi ne, %convert_element_type3A_194, %cond3A_195 : i32
      scf.if %cond3A_196 {
        %add3A_219 = arith.constant 4 : i32
        %add3A_220 = arith.addi %add3A_176, %add3A_219 : i32
        %sub3A = arith.constant 32 : i32
        %sub3A_221 = arith.subi %add3A_220, %sub3A : i32
        %dma_start3A_222 = arith.constant 0 : i32
        %dma_start3A_223 = tpu.memref_slice %arg7[%sub3A_221, %dma_start3A_222] : memref<32x64xi32, #tpu.memory_space<vmem>> -> memref<1x64xi32, #tpu.memory_space<vmem>>
        %dma_start3A_224 = tpu.memref_squeeze %dma_start3A_223 : memref<1x64xi32, #tpu.memory_space<vmem>> -> memref<64xi32, #tpu.memory_space<vmem>>
        %dma_start3A_225 = arith.constant 0 : i32
        %dma_start3A_226 = arith.constant 0 : i32
        %dma_start3A_227 = tpu.memref_slice %arg2[%dma_start3A_225, %dma_start3A_226] : memref<10000x128xf32, #tpu.memory_space<hbm>> -> memref<10000x128xf32, #tpu.memory_space<hbm>>
        tpu.enqueue_indirect_dma source(%dma_start3A_227 : memref<10000x128xf32, #tpu.memory_space<hbm>>) target(%arg13 : memref<64x128xf32, #tpu.memory_space<vmem>>) offsets(%dma_start3A_224 : memref<64xi32, #tpu.memory_space<vmem>>) semaphore(%arg17 : memref<!tpu.dma_semaphore, #tpu.memory_space<semaphore_mem>>)
      } else {
      }
      %add3A_197 = arith.constant 3 : i32
      %add3A_198 = arith.addi %add3A_131, %add3A_197 : i32
      %dma_wait3A_199 = arith.constant 0 : i32
      %dma_wait3A_200 = tpu.memref_slice %arg8[%add3A_198, %dma_wait3A_199] : memref<32x64xi32, #tpu.memory_space<vmem>> -> memref<1x64xi32, #tpu.memory_space<vmem>>
      %dma_wait3A_201 = tpu.memref_squeeze %dma_wait3A_200 : memref<1x64xi32, #tpu.memory_space<vmem>> -> memref<64xi32, #tpu.memory_space<vmem>>
      %dma_wait3A_202 = arith.constant 0 : i32
      %dma_wait3A_203 = arith.constant 0 : i32
      %dma_wait3A_204 = tpu.memref_slice %arg2[%dma_wait3A_202, %dma_wait3A_203] : memref<10000x128xf32, #tpu.memory_space<hbm>> -> memref<10000x128xf32, #tpu.memory_space<hbm>>
      tpu.wait_indirect_dma semaphore(%arg18 : memref<!tpu.dma_semaphore, #tpu.memory_space<semaphore_mem>>) src(%dma_wait3A_204 : memref<10000x128xf32, #tpu.memory_space<hbm>>) dst(%arg14 : memref<64x128xf32, #tpu.memory_space<vmem>>)
      "tpu.region"() ({
        %run_scoped3A = tpu.sem_alloc : memref<!tpu.dma_semaphore, #tpu.memory_space<semaphore_mem>>
        %dma_start3A_219 = arith.constant 0 : i32
        %dma_start3A_220 = tpu.memref_slice %arg10[%add3A_198, %dma_start3A_219] : memref<32x64xi32, #tpu.memory_space<vmem>> -> memref<1x64xi32, #tpu.memory_space<vmem>>
        %dma_start3A_221 = tpu.memref_squeeze %dma_start3A_220 : memref<1x64xi32, #tpu.memory_space<vmem>> -> memref<64xi32, #tpu.memory_space<vmem>>
        %dma_start3A_222 = arith.constant 0 : i32
        %dma_start3A_223 = arith.constant 0 : i32
        %dma_start3A_224 = tpu.memref_slice %arg20[%dma_start3A_222, %dma_start3A_223] : memref<10112x128xf32, #tpu.memory_space<vmem_shared>> -> memref<10112x128xf32, #tpu.memory_space<vmem_shared>>
        tpu.enqueue_indirect_dma source(%arg14 : memref<64x128xf32, #tpu.memory_space<vmem>>) target(%dma_start3A_224 : memref<10112x128xf32, #tpu.memory_space<vmem_shared>>) offsets(%dma_start3A_221 : memref<64xi32, #tpu.memory_space<vmem>>) semaphore(%run_scoped3A : memref<!tpu.dma_semaphore, #tpu.memory_space<semaphore_mem>>) {add = true}
        %dma_wait3A_225 = arith.constant 0 : i32
        %dma_wait3A_226 = tpu.memref_slice %arg10[%add3A_198, %dma_wait3A_225] : memref<32x64xi32, #tpu.memory_space<vmem>> -> memref<1x64xi32, #tpu.memory_space<vmem>>
        %dma_wait3A_227 = tpu.memref_squeeze %dma_wait3A_226 : memref<1x64xi32, #tpu.memory_space<vmem>> -> memref<64xi32, #tpu.memory_space<vmem>>
        %dma_wait3A_228 = arith.constant 0 : i32
        %dma_wait3A_229 = arith.constant 0 : i32
        %dma_wait3A_230 = tpu.memref_slice %arg20[%dma_wait3A_228, %dma_wait3A_229] : memref<10112x128xf32, #tpu.memory_space<vmem_shared>> -> memref<10112x128xf32, #tpu.memory_space<vmem_shared>>
        tpu.wait_indirect_dma semaphore(%run_scoped3A : memref<!tpu.dma_semaphore, #tpu.memory_space<semaphore_mem>>) src(%arg14 : memref<64x128xf32, #tpu.memory_space<vmem>>) dst(%dma_wait3A_230 : memref<10112x128xf32, #tpu.memory_space<vmem_shared>>)
        tpu.yield
      }) : () -> ()
      %add3A_205 = arith.constant 4 : i32
      %add3A_206 = arith.addi %add3A_198, %add3A_205 : i32
      %lt3A_207 = arith.constant 32 : i32
      %lt3A_208 = arith.cmpi slt, %add3A_206, %lt3A_207 : i32
      %convert_element_type3A_209 = arith.extui %lt3A_208 : i1 to i32
      %cond3A_210 = arith.constant 0 : i32
      %cond3A_211 = arith.cmpi ne, %convert_element_type3A_209, %cond3A_210 : i32
      scf.if %cond3A_211 {
        %add3A_219 = arith.constant 4 : i32
        %add3A_220 = arith.addi %add3A_198, %add3A_219 : i32
        %dma_start3A_221 = arith.constant 0 : i32
        %dma_start3A_222 = tpu.memref_slice %arg8[%add3A_220, %dma_start3A_221] : memref<32x64xi32, #tpu.memory_space<vmem>> -> memref<1x64xi32, #tpu.memory_space<vmem>>
        %dma_start3A_223 = tpu.memref_squeeze %dma_start3A_222 : memref<1x64xi32, #tpu.memory_space<vmem>> -> memref<64xi32, #tpu.memory_space<vmem>>
        %dma_start3A_224 = arith.constant 0 : i32
        %dma_start3A_225 = arith.constant 0 : i32
        %dma_start3A_226 = tpu.memref_slice %arg2[%dma_start3A_224, %dma_start3A_225] : memref<10000x128xf32, #tpu.memory_space<hbm>> -> memref<10000x128xf32, #tpu.memory_space<hbm>>
        tpu.enqueue_indirect_dma source(%dma_start3A_226 : memref<10000x128xf32, #tpu.memory_space<hbm>>) target(%arg14 : memref<64x128xf32, #tpu.memory_space<vmem>>) offsets(%dma_start3A_223 : memref<64xi32, #tpu.memory_space<vmem>>) semaphore(%arg18 : memref<!tpu.dma_semaphore, #tpu.memory_space<semaphore_mem>>)
      } else {
      }
      %add3A_212 = arith.constant 4 : i32
      %add3A_213 = arith.addi %add3A_198, %add3A_212 : i32
      %ge3A_214 = arith.constant 32 : i32
      %ge3A_215 = arith.cmpi sge, %add3A_213, %ge3A_214 : i32
      %convert_element_type3A_216 = arith.extui %ge3A_215 : i1 to i32
      %cond3A_217 = arith.constant 0 : i32
      %cond3A_218 = arith.cmpi ne, %convert_element_type3A_216, %cond3A_217 : i32
      scf.if %cond3A_218 {
        %add3A_219 = arith.constant 4 : i32
        %add3A_220 = arith.addi %add3A_198, %add3A_219 : i32
        %sub3A = arith.constant 32 : i32
        %sub3A_221 = arith.subi %add3A_220, %sub3A : i32
        %dma_start3A_222 = arith.constant 0 : i32
        %dma_start3A_223 = tpu.memref_slice %arg7[%sub3A_221, %dma_start3A_222] : memref<32x64xi32, #tpu.memory_space<vmem>> -> memref<1x64xi32, #tpu.memory_space<vmem>>
        %dma_start3A_224 = tpu.memref_squeeze %dma_start3A_223 : memref<1x64xi32, #tpu.memory_space<vmem>> -> memref<64xi32, #tpu.memory_space<vmem>>
        %dma_start3A_225 = arith.constant 0 : i32
        %dma_start3A_226 = arith.constant 0 : i32
        %dma_start3A_227 = tpu.memref_slice %arg2[%dma_start3A_225, %dma_start3A_226] : memref<10000x128xf32, #tpu.memory_space<hbm>> -> memref<10000x128xf32, #tpu.memory_space<hbm>>
        tpu.enqueue_indirect_dma source(%dma_start3A_227 : memref<10000x128xf32, #tpu.memory_space<hbm>>) target(%arg14 : memref<64x128xf32, #tpu.memory_space<vmem>>) offsets(%dma_start3A_224 : memref<64xi32, #tpu.memory_space<vmem>>) semaphore(%arg18 : memref<!tpu.dma_semaphore, #tpu.memory_space<semaphore_mem>>)
      } else {
      }
    }
    %scan3A_120 = arith.constant 8 : i32
    %scan3A_121 = arith.constant 0 : i32
    %scan3A_122 = arith.constant 8 : i32
    %scan3A_123 = arith.addi %scan3A_121, %scan3A_122 : i32
    %scan3A_124 = arith.constant 1 : i32
    scf.for %scan3A_127 = %scan3A_121 to %scan3A_123 step %scan3A_124  : i32 {
      %mul3A_128 = arith.constant 4 : i32
      %mul3A_129 = arith.muli %scan3A_127, %mul3A_128 : i32
      %add3A_130 = arith.constant 0 : i32
      %add3A_131 = arith.addi %add3A_130, %mul3A_129 : i32
      %add3A_132 = arith.constant 0 : i32
      %add3A_133 = arith.addi %add3A_131, %add3A_132 : i32
      %dma_wait3A = arith.constant 0 : i32
      %dma_wait3A_134 = tpu.memref_slice %arg7[%add3A_133, %dma_wait3A] : memref<32x64xi32, #tpu.memory_space<vmem>> -> memref<1x64xi32, #tpu.memory_space<vmem>>
      %dma_wait3A_135 = tpu.memref_squeeze %dma_wait3A_134 : memref<1x64xi32, #tpu.memory_space<vmem>> -> memref<64xi32, #tpu.memory_space<vmem>>
      %dma_wait3A_136 = arith.constant 0 : i32
      %dma_wait3A_137 = arith.constant 0 : i32
      %dma_wait3A_138 = tpu.memref_slice %arg2[%dma_wait3A_136, %dma_wait3A_137] : memref<10000x128xf32, #tpu.memory_space<hbm>> -> memref<10000x128xf32, #tpu.memory_space<hbm>>
      tpu.wait_indirect_dma semaphore(%arg15 : memref<!tpu.dma_semaphore, #tpu.memory_space<semaphore_mem>>) src(%dma_wait3A_138 : memref<10000x128xf32, #tpu.memory_space<hbm>>) dst(%arg11 : memref<64x128xf32, #tpu.memory_space<vmem>>)
      "tpu.region"() ({
        %run_scoped3A = tpu.sem_alloc : memref<!tpu.dma_semaphore, #tpu.memory_space<semaphore_mem>>
        %dma_start3A_188 = arith.constant 0 : i32
        %dma_start3A_189 = tpu.memref_slice %arg9[%add3A_133, %dma_start3A_188] : memref<32x64xi32, #tpu.memory_space<vmem>> -> memref<1x64xi32, #tpu.memory_space<vmem>>
        %dma_start3A_190 = tpu.memref_squeeze %dma_start3A_189 : memref<1x64xi32, #tpu.memory_space<vmem>> -> memref<64xi32, #tpu.memory_space<vmem>>
        %dma_start3A_191 = arith.constant 0 : i32
        %dma_start3A_192 = arith.constant 0 : i32
        %dma_start3A_193 = tpu.memref_slice %arg20[%dma_start3A_191, %dma_start3A_192] : memref<10112x128xf32, #tpu.memory_space<vmem_shared>> -> memref<10112x128xf32, #tpu.memory_space<vmem_shared>>
        tpu.enqueue_indirect_dma source(%arg11 : memref<64x128xf32, #tpu.memory_space<vmem>>) target(%dma_start3A_193 : memref<10112x128xf32, #tpu.memory_space<vmem_shared>>) offsets(%dma_start3A_190 : memref<64xi32, #tpu.memory_space<vmem>>) semaphore(%run_scoped3A : memref<!tpu.dma_semaphore, #tpu.memory_space<semaphore_mem>>) {add = true}
        %dma_wait3A_194 = arith.constant 0 : i32
        %dma_wait3A_195 = tpu.memref_slice %arg9[%add3A_133, %dma_wait3A_194] : memref<32x64xi32, #tpu.memory_space<vmem>> -> memref<1x64xi32, #tpu.memory_space<vmem>>
        %dma_wait3A_196 = tpu.memref_squeeze %dma_wait3A_195 : memref<1x64xi32, #tpu.memory_space<vmem>> -> memref<64xi32, #tpu.memory_space<vmem>>
        %dma_wait3A_197 = arith.constant 0 : i32
        %dma_wait3A_198 = arith.constant 0 : i32
        %dma_wait3A_199 = tpu.memref_slice %arg20[%dma_wait3A_197, %dma_wait3A_198] : memref<10112x128xf32, #tpu.memory_space<vmem_shared>> -> memref<10112x128xf32, #tpu.memory_space<vmem_shared>>
        tpu.wait_indirect_dma semaphore(%run_scoped3A : memref<!tpu.dma_semaphore, #tpu.memory_space<semaphore_mem>>) src(%arg11 : memref<64x128xf32, #tpu.memory_space<vmem>>) dst(%dma_wait3A_199 : memref<10112x128xf32, #tpu.memory_space<vmem_shared>>)
        tpu.yield
      }) : () -> ()
      %add3A_139 = arith.constant 4 : i32
      %add3A_140 = arith.addi %add3A_133, %add3A_139 : i32
      %lt3A = arith.constant 32 : i32
      %lt3A_141 = arith.cmpi slt, %add3A_140, %lt3A : i32
      %convert_element_type3A = arith.extui %lt3A_141 : i1 to i32
      %cond3A = arith.constant 0 : i32
      %cond3A_142 = arith.cmpi ne, %convert_element_type3A, %cond3A : i32
      scf.if %cond3A_142 {
        %add3A_188 = arith.constant 4 : i32
        %add3A_189 = arith.addi %add3A_133, %add3A_188 : i32
        %dma_start3A_190 = arith.constant 0 : i32
        %dma_start3A_191 = tpu.memref_slice %arg7[%add3A_189, %dma_start3A_190] : memref<32x64xi32, #tpu.memory_space<vmem>> -> memref<1x64xi32, #tpu.memory_space<vmem>>
        %dma_start3A_192 = tpu.memref_squeeze %dma_start3A_191 : memref<1x64xi32, #tpu.memory_space<vmem>> -> memref<64xi32, #tpu.memory_space<vmem>>
        %dma_start3A_193 = arith.constant 0 : i32
        %dma_start3A_194 = arith.constant 0 : i32
        %dma_start3A_195 = tpu.memref_slice %arg2[%dma_start3A_193, %dma_start3A_194] : memref<10000x128xf32, #tpu.memory_space<hbm>> -> memref<10000x128xf32, #tpu.memory_space<hbm>>
        tpu.enqueue_indirect_dma source(%dma_start3A_195 : memref<10000x128xf32, #tpu.memory_space<hbm>>) target(%arg11 : memref<64x128xf32, #tpu.memory_space<vmem>>) offsets(%dma_start3A_192 : memref<64xi32, #tpu.memory_space<vmem>>) semaphore(%arg15 : memref<!tpu.dma_semaphore, #tpu.memory_space<semaphore_mem>>)
      } else {
      }
      %add3A_143 = arith.constant 1 : i32
      %add3A_144 = arith.addi %add3A_131, %add3A_143 : i32
      %dma_wait3A_145 = arith.constant 0 : i32
      %dma_wait3A_146 = tpu.memref_slice %arg7[%add3A_144, %dma_wait3A_145] : memref<32x64xi32, #tpu.memory_space<vmem>> -> memref<1x64xi32, #tpu.memory_space<vmem>>
      %dma_wait3A_147 = tpu.memref_squeeze %dma_wait3A_146 : memref<1x64xi32, #tpu.memory_space<vmem>> -> memref<64xi32, #tpu.memory_space<vmem>>
      %dma_wait3A_148 = arith.constant 0 : i32
      %dma_wait3A_149 = arith.constant 0 : i32
      %dma_wait3A_150 = tpu.memref_slice %arg2[%dma_wait3A_148, %dma_wait3A_149] : memref<10000x128xf32, #tpu.memory_space<hbm>> -> memref<10000x128xf32, #tpu.memory_space<hbm>>
      tpu.wait_indirect_dma semaphore(%arg16 : memref<!tpu.dma_semaphore, #tpu.memory_space<semaphore_mem>>) src(%dma_wait3A_150 : memref<10000x128xf32, #tpu.memory_space<hbm>>) dst(%arg12 : memref<64x128xf32, #tpu.memory_space<vmem>>)
      "tpu.region"() ({
        %run_scoped3A = tpu.sem_alloc : memref<!tpu.dma_semaphore, #tpu.memory_space<semaphore_mem>>
        %dma_start3A_188 = arith.constant 0 : i32
        %dma_start3A_189 = tpu.memref_slice %arg9[%add3A_144, %dma_start3A_188] : memref<32x64xi32, #tpu.memory_space<vmem>> -> memref<1x64xi32, #tpu.memory_space<vmem>>
        %dma_start3A_190 = tpu.memref_squeeze %dma_start3A_189 : memref<1x64xi32, #tpu.memory_space<vmem>> -> memref<64xi32, #tpu.memory_space<vmem>>
        %dma_start3A_191 = arith.constant 0 : i32
        %dma_start3A_192 = arith.constant 0 : i32
        %dma_start3A_193 = tpu.memref_slice %arg20[%dma_start3A_191, %dma_start3A_192] : memref<10112x128xf32, #tpu.memory_space<vmem_shared>> -> memref<10112x128xf32, #tpu.memory_space<vmem_shared>>
        tpu.enqueue_indirect_dma source(%arg12 : memref<64x128xf32, #tpu.memory_space<vmem>>) target(%dma_start3A_193 : memref<10112x128xf32, #tpu.memory_space<vmem_shared>>) offsets(%dma_start3A_190 : memref<64xi32, #tpu.memory_space<vmem>>) semaphore(%run_scoped3A : memref<!tpu.dma_semaphore, #tpu.memory_space<semaphore_mem>>) {add = true}
        %dma_wait3A_194 = arith.constant 0 : i32
        %dma_wait3A_195 = tpu.memref_slice %arg9[%add3A_144, %dma_wait3A_194] : memref<32x64xi32, #tpu.memory_space<vmem>> -> memref<1x64xi32, #tpu.memory_space<vmem>>
        %dma_wait3A_196 = tpu.memref_squeeze %dma_wait3A_195 : memref<1x64xi32, #tpu.memory_space<vmem>> -> memref<64xi32, #tpu.memory_space<vmem>>
        %dma_wait3A_197 = arith.constant 0 : i32
        %dma_wait3A_198 = arith.constant 0 : i32
        %dma_wait3A_199 = tpu.memref_slice %arg20[%dma_wait3A_197, %dma_wait3A_198] : memref<10112x128xf32, #tpu.memory_space<vmem_shared>> -> memref<10112x128xf32, #tpu.memory_space<vmem_shared>>
        tpu.wait_indirect_dma semaphore(%run_scoped3A : memref<!tpu.dma_semaphore, #tpu.memory_space<semaphore_mem>>) src(%arg12 : memref<64x128xf32, #tpu.memory_space<vmem>>) dst(%dma_wait3A_199 : memref<10112x128xf32, #tpu.memory_space<vmem_shared>>)
        tpu.yield
      }) : () -> ()
      %add3A_151 = arith.constant 4 : i32
      %add3A_152 = arith.addi %add3A_144, %add3A_151 : i32
      %lt3A_153 = arith.constant 32 : i32
      %lt3A_154 = arith.cmpi slt, %add3A_152, %lt3A_153 : i32
      %convert_element_type3A_155 = arith.extui %lt3A_154 : i1 to i32
      %cond3A_156 = arith.constant 0 : i32
      %cond3A_157 = arith.cmpi ne, %convert_element_type3A_155, %cond3A_156 : i32
      scf.if %cond3A_157 {
        %add3A_188 = arith.constant 4 : i32
        %add3A_189 = arith.addi %add3A_144, %add3A_188 : i32
        %dma_start3A_190 = arith.constant 0 : i32
        %dma_start3A_191 = tpu.memref_slice %arg7[%add3A_189, %dma_start3A_190] : memref<32x64xi32, #tpu.memory_space<vmem>> -> memref<1x64xi32, #tpu.memory_space<vmem>>
        %dma_start3A_192 = tpu.memref_squeeze %dma_start3A_191 : memref<1x64xi32, #tpu.memory_space<vmem>> -> memref<64xi32, #tpu.memory_space<vmem>>
        %dma_start3A_193 = arith.constant 0 : i32
        %dma_start3A_194 = arith.constant 0 : i32
        %dma_start3A_195 = tpu.memref_slice %arg2[%dma_start3A_193, %dma_start3A_194] : memref<10000x128xf32, #tpu.memory_space<hbm>> -> memref<10000x128xf32, #tpu.memory_space<hbm>>
        tpu.enqueue_indirect_dma source(%dma_start3A_195 : memref<10000x128xf32, #tpu.memory_space<hbm>>) target(%arg12 : memref<64x128xf32, #tpu.memory_space<vmem>>) offsets(%dma_start3A_192 : memref<64xi32, #tpu.memory_space<vmem>>) semaphore(%arg16 : memref<!tpu.dma_semaphore, #tpu.memory_space<semaphore_mem>>)
      } else {
      }
      %add3A_158 = arith.constant 2 : i32
      %add3A_159 = arith.addi %add3A_131, %add3A_158 : i32
      %dma_wait3A_160 = arith.constant 0 : i32
      %dma_wait3A_161 = tpu.memref_slice %arg7[%add3A_159, %dma_wait3A_160] : memref<32x64xi32, #tpu.memory_space<vmem>> -> memref<1x64xi32, #tpu.memory_space<vmem>>
      %dma_wait3A_162 = tpu.memref_squeeze %dma_wait3A_161 : memref<1x64xi32, #tpu.memory_space<vmem>> -> memref<64xi32, #tpu.memory_space<vmem>>
      %dma_wait3A_163 = arith.constant 0 : i32
      %dma_wait3A_164 = arith.constant 0 : i32
      %dma_wait3A_165 = tpu.memref_slice %arg2[%dma_wait3A_163, %dma_wait3A_164] : memref<10000x128xf32, #tpu.memory_space<hbm>> -> memref<10000x128xf32, #tpu.memory_space<hbm>>
      tpu.wait_indirect_dma semaphore(%arg17 : memref<!tpu.dma_semaphore, #tpu.memory_space<semaphore_mem>>) src(%dma_wait3A_165 : memref<10000x128xf32, #tpu.memory_space<hbm>>) dst(%arg13 : memref<64x128xf32, #tpu.memory_space<vmem>>)
      "tpu.region"() ({
        %run_scoped3A = tpu.sem_alloc : memref<!tpu.dma_semaphore, #tpu.memory_space<semaphore_mem>>
        %dma_start3A_188 = arith.constant 0 : i32
        %dma_start3A_189 = tpu.memref_slice %arg9[%add3A_159, %dma_start3A_188] : memref<32x64xi32, #tpu.memory_space<vmem>> -> memref<1x64xi32, #tpu.memory_space<vmem>>
        %dma_start3A_190 = tpu.memref_squeeze %dma_start3A_189 : memref<1x64xi32, #tpu.memory_space<vmem>> -> memref<64xi32, #tpu.memory_space<vmem>>
        %dma_start3A_191 = arith.constant 0 : i32
        %dma_start3A_192 = arith.constant 0 : i32
        %dma_start3A_193 = tpu.memref_slice %arg20[%dma_start3A_191, %dma_start3A_192] : memref<10112x128xf32, #tpu.memory_space<vmem_shared>> -> memref<10112x128xf32, #tpu.memory_space<vmem_shared>>
        tpu.enqueue_indirect_dma source(%arg13 : memref<64x128xf32, #tpu.memory_space<vmem>>) target(%dma_start3A_193 : memref<10112x128xf32, #tpu.memory_space<vmem_shared>>) offsets(%dma_start3A_190 : memref<64xi32, #tpu.memory_space<vmem>>) semaphore(%run_scoped3A : memref<!tpu.dma_semaphore, #tpu.memory_space<semaphore_mem>>) {add = true}
        %dma_wait3A_194 = arith.constant 0 : i32
        %dma_wait3A_195 = tpu.memref_slice %arg9[%add3A_159, %dma_wait3A_194] : memref<32x64xi32, #tpu.memory_space<vmem>> -> memref<1x64xi32, #tpu.memory_space<vmem>>
        %dma_wait3A_196 = tpu.memref_squeeze %dma_wait3A_195 : memref<1x64xi32, #tpu.memory_space<vmem>> -> memref<64xi32, #tpu.memory_space<vmem>>
        %dma_wait3A_197 = arith.constant 0 : i32
        %dma_wait3A_198 = arith.constant 0 : i32
        %dma_wait3A_199 = tpu.memref_slice %arg20[%dma_wait3A_197, %dma_wait3A_198] : memref<10112x128xf32, #tpu.memory_space<vmem_shared>> -> memref<10112x128xf32, #tpu.memory_space<vmem_shared>>
        tpu.wait_indirect_dma semaphore(%run_scoped3A : memref<!tpu.dma_semaphore, #tpu.memory_space<semaphore_mem>>) src(%arg13 : memref<64x128xf32, #tpu.memory_space<vmem>>) dst(%dma_wait3A_199 : memref<10112x128xf32, #tpu.memory_space<vmem_shared>>)
        tpu.yield
      }) : () -> ()
      %add3A_166 = arith.constant 4 : i32
      %add3A_167 = arith.addi %add3A_159, %add3A_166 : i32
      %lt3A_168 = arith.constant 32 : i32
      %lt3A_169 = arith.cmpi slt, %add3A_167, %lt3A_168 : i32
      %convert_element_type3A_170 = arith.extui %lt3A_169 : i1 to i32
      %cond3A_171 = arith.constant 0 : i32
      %cond3A_172 = arith.cmpi ne, %convert_element_type3A_170, %cond3A_171 : i32
      scf.if %cond3A_172 {
        %add3A_188 = arith.constant 4 : i32
        %add3A_189 = arith.addi %add3A_159, %add3A_188 : i32
        %dma_start3A_190 = arith.constant 0 : i32
        %dma_start3A_191 = tpu.memref_slice %arg7[%add3A_189, %dma_start3A_190] : memref<32x64xi32, #tpu.memory_space<vmem>> -> memref<1x64xi32, #tpu.memory_space<vmem>>
        %dma_start3A_192 = tpu.memref_squeeze %dma_start3A_191 : memref<1x64xi32, #tpu.memory_space<vmem>> -> memref<64xi32, #tpu.memory_space<vmem>>
        %dma_start3A_193 = arith.constant 0 : i32
        %dma_start3A_194 = arith.constant 0 : i32
        %dma_start3A_195 = tpu.memref_slice %arg2[%dma_start3A_193, %dma_start3A_194] : memref<10000x128xf32, #tpu.memory_space<hbm>> -> memref<10000x128xf32, #tpu.memory_space<hbm>>
        tpu.enqueue_indirect_dma source(%dma_start3A_195 : memref<10000x128xf32, #tpu.memory_space<hbm>>) target(%arg13 : memref<64x128xf32, #tpu.memory_space<vmem>>) offsets(%dma_start3A_192 : memref<64xi32, #tpu.memory_space<vmem>>) semaphore(%arg17 : memref<!tpu.dma_semaphore, #tpu.memory_space<semaphore_mem>>)
      } else {
      }
      %add3A_173 = arith.constant 3 : i32
      %add3A_174 = arith.addi %add3A_131, %add3A_173 : i32
      %dma_wait3A_175 = arith.constant 0 : i32
      %dma_wait3A_176 = tpu.memref_slice %arg7[%add3A_174, %dma_wait3A_175] : memref<32x64xi32, #tpu.memory_space<vmem>> -> memref<1x64xi32, #tpu.memory_space<vmem>>
      %dma_wait3A_177 = tpu.memref_squeeze %dma_wait3A_176 : memref<1x64xi32, #tpu.memory_space<vmem>> -> memref<64xi32, #tpu.memory_space<vmem>>
      %dma_wait3A_178 = arith.constant 0 : i32
      %dma_wait3A_179 = arith.constant 0 : i32
      %dma_wait3A_180 = tpu.memref_slice %arg2[%dma_wait3A_178, %dma_wait3A_179] : memref<10000x128xf32, #tpu.memory_space<hbm>> -> memref<10000x128xf32, #tpu.memory_space<hbm>>
      tpu.wait_indirect_dma semaphore(%arg18 : memref<!tpu.dma_semaphore, #tpu.memory_space<semaphore_mem>>) src(%dma_wait3A_180 : memref<10000x128xf32, #tpu.memory_space<hbm>>) dst(%arg14 : memref<64x128xf32, #tpu.memory_space<vmem>>)
      "tpu.region"() ({
        %run_scoped3A = tpu.sem_alloc : memref<!tpu.dma_semaphore, #tpu.memory_space<semaphore_mem>>
        %dma_start3A_188 = arith.constant 0 : i32
        %dma_start3A_189 = tpu.memref_slice %arg9[%add3A_174, %dma_start3A_188] : memref<32x64xi32, #tpu.memory_space<vmem>> -> memref<1x64xi32, #tpu.memory_space<vmem>>
        %dma_start3A_190 = tpu.memref_squeeze %dma_start3A_189 : memref<1x64xi32, #tpu.memory_space<vmem>> -> memref<64xi32, #tpu.memory_space<vmem>>
        %dma_start3A_191 = arith.constant 0 : i32
        %dma_start3A_192 = arith.constant 0 : i32
        %dma_start3A_193 = tpu.memref_slice %arg20[%dma_start3A_191, %dma_start3A_192] : memref<10112x128xf32, #tpu.memory_space<vmem_shared>> -> memref<10112x128xf32, #tpu.memory_space<vmem_shared>>
        tpu.enqueue_indirect_dma source(%arg14 : memref<64x128xf32, #tpu.memory_space<vmem>>) target(%dma_start3A_193 : memref<10112x128xf32, #tpu.memory_space<vmem_shared>>) offsets(%dma_start3A_190 : memref<64xi32, #tpu.memory_space<vmem>>) semaphore(%run_scoped3A : memref<!tpu.dma_semaphore, #tpu.memory_space<semaphore_mem>>) {add = true}
        %dma_wait3A_194 = arith.constant 0 : i32
        %dma_wait3A_195 = tpu.memref_slice %arg9[%add3A_174, %dma_wait3A_194] : memref<32x64xi32, #tpu.memory_space<vmem>> -> memref<1x64xi32, #tpu.memory_space<vmem>>
        %dma_wait3A_196 = tpu.memref_squeeze %dma_wait3A_195 : memref<1x64xi32, #tpu.memory_space<vmem>> -> memref<64xi32, #tpu.memory_space<vmem>>
        %dma_wait3A_197 = arith.constant 0 : i32
        %dma_wait3A_198 = arith.constant 0 : i32
        %dma_wait3A_199 = tpu.memref_slice %arg20[%dma_wait3A_197, %dma_wait3A_198] : memref<10112x128xf32, #tpu.memory_space<vmem_shared>> -> memref<10112x128xf32, #tpu.memory_space<vmem_shared>>
        tpu.wait_indirect_dma semaphore(%run_scoped3A : memref<!tpu.dma_semaphore, #tpu.memory_space<semaphore_mem>>) src(%arg14 : memref<64x128xf32, #tpu.memory_space<vmem>>) dst(%dma_wait3A_199 : memref<10112x128xf32, #tpu.memory_space<vmem_shared>>)
        tpu.yield
      }) : () -> ()
      %add3A_181 = arith.constant 4 : i32
      %add3A_182 = arith.addi %add3A_174, %add3A_181 : i32
      %lt3A_183 = arith.constant 32 : i32
      %lt3A_184 = arith.cmpi slt, %add3A_182, %lt3A_183 : i32
      %convert_element_type3A_185 = arith.extui %lt3A_184 : i1 to i32
      %cond3A_186 = arith.constant 0 : i32
      %cond3A_187 = arith.cmpi ne, %convert_element_type3A_185, %cond3A_186 : i32
      scf.if %cond3A_187 {
        %add3A_188 = arith.constant 4 : i32
        %add3A_189 = arith.addi %add3A_174, %add3A_188 : i32
        %dma_start3A_190 = arith.constant 0 : i32
        %dma_start3A_191 = tpu.memref_slice %arg7[%add3A_189, %dma_start3A_190] : memref<32x64xi32, #tpu.memory_space<vmem>> -> memref<1x64xi32, #tpu.memory_space<vmem>>
        %dma_start3A_192 = tpu.memref_squeeze %dma_start3A_191 : memref<1x64xi32, #tpu.memory_space<vmem>> -> memref<64xi32, #tpu.memory_space<vmem>>
        %dma_start3A_193 = arith.constant 0 : i32
        %dma_start3A_194 = arith.constant 0 : i32
        %dma_start3A_195 = tpu.memref_slice %arg2[%dma_start3A_193, %dma_start3A_194] : memref<10000x128xf32, #tpu.memory_space<hbm>> -> memref<10000x128xf32, #tpu.memory_space<hbm>>
        tpu.enqueue_indirect_dma source(%dma_start3A_195 : memref<10000x128xf32, #tpu.memory_space<hbm>>) target(%arg14 : memref<64x128xf32, #tpu.memory_space<vmem>>) offsets(%dma_start3A_192 : memref<64xi32, #tpu.memory_space<vmem>>) semaphore(%arg18 : memref<!tpu.dma_semaphore, #tpu.memory_space<semaphore_mem>>)
      } else {
      }
    }
    %scan3A_125 = arith.constant 8 : i32
    %barrier3A_126 = arith.constant 0 : index
    tpu.barrier barrier_id(%barrier3A_126)
    "tpu.region"() ({
      %run_scoped3A = tpu.sem_alloc : memref<!tpu.dma_semaphore, #tpu.memory_space<semaphore_mem>>
      %dma_start3A_127 = arith.constant 0 : i32
      %dma_start3A_128 = tpu.memref_slice %arg6[%arg0, %mul3A_2, %dma_start3A_127] : memref<2x10112x128xf32, #tpu.memory_space<hbm>> -> memref<1x632x128xf32, #tpu.memory_space<hbm>>
      %dma_start3A_129 = tpu.memref_squeeze %dma_start3A_128 : memref<1x632x128xf32, #tpu.memory_space<hbm>> -> memref<632x128xf32, #tpu.memory_space<hbm>>
      %dma_start3A_130 = arith.constant 0 : i32
      %dma_start3A_131 = tpu.memref_slice %arg20[%mul3A_2, %dma_start3A_130] : memref<10112x128xf32, #tpu.memory_space<vmem_shared>> -> memref<632x128xf32, #tpu.memory_space<vmem_shared>>
      tpu.enqueue_dma source(%dma_start3A_131 : memref<632x128xf32, #tpu.memory_space<vmem_shared>>) target(%dma_start3A_129 : memref<632x128xf32, #tpu.memory_space<hbm>>) target_semaphore(%run_scoped3A : memref<!tpu.dma_semaphore, #tpu.memory_space<semaphore_mem>>)
      %dma_wait3A = arith.constant 0 : i32
      %dma_wait3A_132 = tpu.memref_slice %arg6[%arg0, %mul3A_2, %dma_wait3A] : memref<2x10112x128xf32, #tpu.memory_space<hbm>> -> memref<1x632x128xf32, #tpu.memory_space<hbm>>
      %dma_wait3A_133 = tpu.memref_squeeze %dma_wait3A_132 : memref<1x632x128xf32, #tpu.memory_space<hbm>> -> memref<632x128xf32, #tpu.memory_space<hbm>>
      %dma_wait3A_134 = arith.constant 0 : i32
      %dma_wait3A_135 = tpu.memref_slice %arg20[%mul3A_2, %dma_wait3A_134] : memref<10112x128xf32, #tpu.memory_space<vmem_shared>> -> memref<632x128xf32, #tpu.memory_space<vmem_shared>>
      tpu.wait_dma2 semaphore(%run_scoped3A : memref<!tpu.dma_semaphore, #tpu.memory_space<semaphore_mem>>) src(%dma_wait3A_135 : memref<632x128xf32, #tpu.memory_space<vmem_shared>>) dst(%dma_wait3A_133 : memref<632x128xf32, #tpu.memory_space<hbm>>)
      tpu.yield
    }) : () -> ()
    return
  }
}

#map = affine_map<(d0, d1) -> (0, 0)>
#map1 = affine_map<(d0, d1) -> (0, 0, 0)>
module attributes {stable_mosaic.version = 14 : i64} {
  func.func @_sc_agg_body(%arg0: i32, %arg1: i32, %arg2: memref<10000x128xf32, #tpu.memory_space<hbm>>, %arg3: memref<10112x128xf32, #tpu.memory_space<hbm>>, %arg4: memref<5120x64xi32, #tpu.memory_space<hbm>>, %arg5: memref<5120x64xi32, #tpu.memory_space<hbm>>, %arg6: memref<2x10112x128xf32, #tpu.memory_space<hbm>>, %arg7: memref<32x64xi32, #tpu.memory_space<vmem>>, %arg8: memref<32x64xi32, #tpu.memory_space<vmem>>, %arg9: memref<32x64xi32, #tpu.memory_space<vmem>>, %arg10: memref<32x64xi32, #tpu.memory_space<vmem>>, %arg11: memref<64x128xf32, #tpu.memory_space<vmem>>, %arg12: memref<64x128xf32, #tpu.memory_space<vmem>>, %arg13: memref<64x128xf32, #tpu.memory_space<vmem>>, %arg14: memref<64x128xf32, #tpu.memory_space<vmem>>, %arg15: memref<!tpu.dma_semaphore, #tpu.memory_space<semaphore_mem>>, %arg16: memref<!tpu.dma_semaphore, #tpu.memory_space<semaphore_mem>>, %arg17: memref<!tpu.dma_semaphore, #tpu.memory_space<semaphore_mem>>, %arg18: memref<!tpu.dma_semaphore, #tpu.memory_space<semaphore_mem>>, %arg19: memref<!tpu.dma_semaphore, #tpu.memory_space<semaphore_mem>>, %arg20: memref<10112x128xf32, #tpu.memory_space<vmem_shared>>) attributes {dimension_semantics = [#tpu.dimension_semantics<core_parallel>, #tpu.dimension_semantics<subcore_parallel>], iteration_bounds = array<i64: 2, 16>, scalar_prefetch = 0 : i64, scratch_operands = 14 : i64, tpu.core_type = #tpu.core_type<sc_vector_subcore>, window_params = [{transform_indices = #map}, {transform_indices = #map}, {transform_indices = #map}, {transform_indices = #map}, {transform_indices = #map1}]} {
    %mul3A = arith.constant 16 : i32
    %mul3A_0 = arith.muli %arg0, %mul3A : i32
    %add3A = arith.addi %mul3A_0, %arg1 : i32
    %mul3A_1 = arith.constant 632 : i32
    %mul3A_2 = arith.muli %arg1, %mul3A_1 : i32
    "tpu.region"() ({
      %run_scoped3A = tpu.sem_alloc : memref<!tpu.dma_semaphore, #tpu.memory_space<semaphore_mem>>
      %dma_start3A_127 = arith.constant 0 : i32
      %dma_start3A_128 = tpu.memref_slice %arg20[%mul3A_2, %dma_start3A_127] : memref<10112x128xf32, #tpu.memory_space<vmem_shared>> -> memref<632x128xf32, #tpu.memory_space<vmem_shared>>
      %dma_start3A_129 = arith.constant 0 : i32
      %dma_start3A_130 = tpu.memref_slice %arg3[%mul3A_2, %dma_start3A_129] : memref<10112x128xf32, #tpu.memory_space<hbm>> -> memref<632x128xf32, #tpu.memory_space<hbm>>
      tpu.enqueue_dma source(%dma_start3A_130 : memref<632x128xf32, #tpu.memory_space<hbm>>) target(%dma_start3A_128 : memref<632x128xf32, #tpu.memory_space<vmem_shared>>) target_semaphore(%run_scoped3A : memref<!tpu.dma_semaphore, #tpu.memory_space<semaphore_mem>>)
      %dma_wait3A = arith.constant 0 : i32
      %dma_wait3A_131 = tpu.memref_slice %arg20[%mul3A_2, %dma_wait3A] : memref<10112x128xf32, #tpu.memory_space<vmem_shared>> -> memref<632x128xf32, #tpu.memory_space<vmem_shared>>
      %dma_wait3A_132 = arith.constant 0 : i32
      %dma_wait3A_133 = tpu.memref_slice %arg3[%mul3A_2, %dma_wait3A_132] : memref<10112x128xf32, #tpu.memory_space<hbm>> -> memref<632x128xf32, #tpu.memory_space<hbm>>
      tpu.wait_dma2 semaphore(%run_scoped3A : memref<!tpu.dma_semaphore, #tpu.memory_space<semaphore_mem>>) src(%dma_wait3A_133 : memref<632x128xf32, #tpu.memory_space<hbm>>) dst(%dma_wait3A_131 : memref<632x128xf32, #tpu.memory_space<vmem_shared>>)
      tpu.yield
    }) : () -> ()
    %barrier3A = arith.constant 0 : index
    tpu.barrier barrier_id(%barrier3A)
    %mul3A_3 = arith.constant 160 : i32
    %mul3A_4 = arith.muli %add3A, %mul3A_3 : i32
    %add3A_5 = arith.constant 0 : i32
    %add3A_6 = arith.addi %mul3A_4, %add3A_5 : i32
    "tpu.region"() ({
      %run_scoped3A = tpu.sem_alloc : memref<!tpu.dma_semaphore, #tpu.memory_space<semaphore_mem>>
      %dma_start3A_127 = arith.constant 0 : i32
      %dma_start3A_128 = tpu.memref_slice %arg4[%add3A_6, %dma_start3A_127] : memref<5120x64xi32, #tpu.memory_space<hbm>> -> memref<32x64xi32, #tpu.memory_space<hbm>>
      %dma_start3A_129 = arith.constant 0 : i32
      %dma_start3A_130 = tpu.memref_slice %arg4[%add3A_6, %dma_start3A_129] : memref<5120x64xi32, #tpu.memory_space<hbm>> -> memref<32x64xi32, #tpu.memory_space<hbm>>
      tpu.enqueue_dma source(%dma_start3A_130 : memref<32x64xi32, #tpu.memory_space<hbm>>) target(%arg7 : memref<32x64xi32, #tpu.memory_space<vmem>>) target_semaphore(%run_scoped3A : memref<!tpu.dma_semaphore, #tpu.memory_space<semaphore_mem>>)
      %dma_wait3A = arith.constant 0 : i32
      %dma_wait3A_131 = tpu.memref_slice %arg4[%add3A_6, %dma_wait3A] : memref<5120x64xi32, #tpu.memory_space<hbm>> -> memref<32x64xi32, #tpu.memory_space<hbm>>
      %dma_wait3A_132 = arith.constant 0 : i32
      %dma_wait3A_133 = tpu.memref_slice %arg4[%add3A_6, %dma_wait3A_132] : memref<5120x64xi32, #tpu.memory_space<hbm>> -> memref<32x64xi32, #tpu.memory_space<hbm>>
      tpu.wait_dma2 semaphore(%run_scoped3A : memref<!tpu.dma_semaphore, #tpu.memory_space<semaphore_mem>>) src(%dma_wait3A_133 : memref<32x64xi32, #tpu.memory_space<hbm>>) dst(%arg7 : memref<32x64xi32, #tpu.memory_space<vmem>>)
      tpu.yield
    }) : () -> ()
    %mul3A_7 = arith.constant 160 : i32
    %mul3A_8 = arith.muli %add3A, %mul3A_7 : i32
    %add3A_9 = arith.constant 0 : i32
    %add3A_10 = arith.addi %mul3A_8, %add3A_9 : i32
    "tpu.region"() ({
      %run_scoped3A = tpu.sem_alloc : memref<!tpu.dma_semaphore, #tpu.memory_space<semaphore_mem>>
      %dma_start3A_127 = arith.constant 0 : i32
      %dma_start3A_128 = tpu.memref_slice %arg5[%add3A_10, %dma_start3A_127] : memref<5120x64xi32, #tpu.memory_space<hbm>> -> memref<32x64xi32, #tpu.memory_space<hbm>>
      %dma_start3A_129 = arith.constant 0 : i32
      %dma_start3A_130 = tpu.memref_slice %arg5[%add3A_10, %dma_start3A_129] : memref<5120x64xi32, #tpu.memory_space<hbm>> -> memref<32x64xi32, #tpu.memory_space<hbm>>
      tpu.enqueue_dma source(%dma_start3A_130 : memref<32x64xi32, #tpu.memory_space<hbm>>) target(%arg9 : memref<32x64xi32, #tpu.memory_space<vmem>>) target_semaphore(%run_scoped3A : memref<!tpu.dma_semaphore, #tpu.memory_space<semaphore_mem>>)
      %dma_wait3A = arith.constant 0 : i32
      %dma_wait3A_131 = tpu.memref_slice %arg5[%add3A_10, %dma_wait3A] : memref<5120x64xi32, #tpu.memory_space<hbm>> -> memref<32x64xi32, #tpu.memory_space<hbm>>
      %dma_wait3A_132 = arith.constant 0 : i32
      %dma_wait3A_133 = tpu.memref_slice %arg5[%add3A_10, %dma_wait3A_132] : memref<5120x64xi32, #tpu.memory_space<hbm>> -> memref<32x64xi32, #tpu.memory_space<hbm>>
      tpu.wait_dma2 semaphore(%run_scoped3A : memref<!tpu.dma_semaphore, #tpu.memory_space<semaphore_mem>>) src(%dma_wait3A_133 : memref<32x64xi32, #tpu.memory_space<hbm>>) dst(%arg9 : memref<32x64xi32, #tpu.memory_space<vmem>>)
      tpu.yield
    }) : () -> ()
    %dma_start3A = arith.constant 0 : i32
    %dma_start3A_11 = arith.constant 0 : i32
    %dma_start3A_12 = tpu.memref_slice %arg7[%dma_start3A, %dma_start3A_11] : memref<32x64xi32, #tpu.memory_space<vmem>> -> memref<1x64xi32, #tpu.memory_space<vmem>>
    %dma_start3A_13 = tpu.memref_squeeze %dma_start3A_12 : memref<1x64xi32, #tpu.memory_space<vmem>> -> memref<64xi32, #tpu.memory_space<vmem>>
    %dma_start3A_14 = arith.constant 0 : i32
    %dma_start3A_15 = arith.constant 0 : i32
    %dma_start3A_16 = tpu.memref_slice %arg2[%dma_start3A_14, %dma_start3A_15] : memref<10000x128xf32, #tpu.memory_space<hbm>> -> memref<10000x128xf32, #tpu.memory_space<hbm>>
    tpu.enqueue_indirect_dma source(%dma_start3A_16 : memref<10000x128xf32, #tpu.memory_space<hbm>>) target(%arg11 : memref<64x128xf32, #tpu.memory_space<vmem>>) offsets(%dma_start3A_13 : memref<64xi32, #tpu.memory_space<vmem>>) semaphore(%arg15 : memref<!tpu.dma_semaphore, #tpu.memory_space<semaphore_mem>>)
    %dma_start3A_17 = arith.constant 1 : i32
    %dma_start3A_18 = arith.constant 0 : i32
    %dma_start3A_19 = tpu.memref_slice %arg7[%dma_start3A_17, %dma_start3A_18] : memref<32x64xi32, #tpu.memory_space<vmem>> -> memref<1x64xi32, #tpu.memory_space<vmem>>
    %dma_start3A_20 = tpu.memref_squeeze %dma_start3A_19 : memref<1x64xi32, #tpu.memory_space<vmem>> -> memref<64xi32, #tpu.memory_space<vmem>>
    %dma_start3A_21 = arith.constant 0 : i32
    %dma_start3A_22 = arith.constant 0 : i32
    %dma_start3A_23 = tpu.memref_slice %arg2[%dma_start3A_21, %dma_start3A_22] : memref<10000x128xf32, #tpu.memory_space<hbm>> -> memref<10000x128xf32, #tpu.memory_space<hbm>>
    tpu.enqueue_indirect_dma source(%dma_start3A_23 : memref<10000x128xf32, #tpu.memory_space<hbm>>) target(%arg12 : memref<64x128xf32, #tpu.memory_space<vmem>>) offsets(%dma_start3A_20 : memref<64xi32, #tpu.memory_space<vmem>>) semaphore(%arg16 : memref<!tpu.dma_semaphore, #tpu.memory_space<semaphore_mem>>)
    %dma_start3A_24 = arith.constant 2 : i32
    %dma_start3A_25 = arith.constant 0 : i32
    %dma_start3A_26 = tpu.memref_slice %arg7[%dma_start3A_24, %dma_start3A_25] : memref<32x64xi32, #tpu.memory_space<vmem>> -> memref<1x64xi32, #tpu.memory_space<vmem>>
    %dma_start3A_27 = tpu.memref_squeeze %dma_start3A_26 : memref<1x64xi32, #tpu.memory_space<vmem>> -> memref<64xi32, #tpu.memory_space<vmem>>
    %dma_start3A_28 = arith.constant 0 : i32
    %dma_start3A_29 = arith.constant 0 : i32
    %dma_start3A_30 = tpu.memref_slice %arg2[%dma_start3A_28, %dma_start3A_29] : memref<10000x128xf32, #tpu.memory_space<hbm>> -> memref<10000x128xf32, #tpu.memory_space<hbm>>
    tpu.enqueue_indirect_dma source(%dma_start3A_30 : memref<10000x128xf32, #tpu.memory_space<hbm>>) target(%arg13 : memref<64x128xf32, #tpu.memory_space<vmem>>) offsets(%dma_start3A_27 : memref<64xi32, #tpu.memory_space<vmem>>) semaphore(%arg17 : memref<!tpu.dma_semaphore, #tpu.memory_space<semaphore_mem>>)
    %dma_start3A_31 = arith.constant 3 : i32
    %dma_start3A_32 = arith.constant 0 : i32
    %dma_start3A_33 = tpu.memref_slice %arg7[%dma_start3A_31, %dma_start3A_32] : memref<32x64xi32, #tpu.memory_space<vmem>> -> memref<1x64xi32, #tpu.memory_space<vmem>>
    %dma_start3A_34 = tpu.memref_squeeze %dma_start3A_33 : memref<1x64xi32, #tpu.memory_space<vmem>> -> memref<64xi32, #tpu.memory_space<vmem>>
    %dma_start3A_35 = arith.constant 0 : i32
    %dma_start3A_36 = arith.constant 0 : i32
    %dma_start3A_37 = tpu.memref_slice %arg2[%dma_start3A_35, %dma_start3A_36] : memref<10000x128xf32, #tpu.memory_space<hbm>> -> memref<10000x128xf32, #tpu.memory_space<hbm>>
    tpu.enqueue_indirect_dma source(%dma_start3A_37 : memref<10000x128xf32, #tpu.memory_space<hbm>>) target(%arg14 : memref<64x128xf32, #tpu.memory_space<vmem>>) offsets(%dma_start3A_34 : memref<64xi32, #tpu.memory_space<vmem>>) semaphore(%arg18 : memref<!tpu.dma_semaphore, #tpu.memory_space<semaphore_mem>>)
    %mul3A_38 = arith.constant 160 : i32
    %mul3A_39 = arith.muli %add3A, %mul3A_38 : i32
    %add3A_40 = arith.constant 32 : i32
    %add3A_41 = arith.addi %mul3A_39, %add3A_40 : i32
    %dma_start3A_42 = arith.constant 0 : i32
    %dma_start3A_43 = tpu.memref_slice %arg4[%add3A_41, %dma_start3A_42] : memref<5120x64xi32, #tpu.memory_space<hbm>> -> memref<32x64xi32, #tpu.memory_space<hbm>>
    %dma_start3A_44 = arith.constant 0 : i32
    %dma_start3A_45 = tpu.memref_slice %arg4[%add3A_41, %dma_start3A_44] : memref<5120x64xi32, #tpu.memory_space<hbm>> -> memref<32x64xi32, #tpu.memory_space<hbm>>
    tpu.enqueue_dma source(%dma_start3A_45 : memref<32x64xi32, #tpu.memory_space<hbm>>) target(%arg8 : memref<32x64xi32, #tpu.memory_space<vmem>>) target_semaphore(%arg19 : memref<!tpu.dma_semaphore, #tpu.memory_space<semaphore_mem>>)
    %mul3A_46 = arith.constant 160 : i32
    %mul3A_47 = arith.muli %add3A, %mul3A_46 : i32
    %add3A_48 = arith.constant 32 : i32
    %add3A_49 = arith.addi %mul3A_47, %add3A_48 : i32
    %dma_start3A_50 = arith.constant 0 : i32
    %dma_start3A_51 = tpu.memref_slice %arg5[%add3A_49, %dma_start3A_50] : memref<5120x64xi32, #tpu.memory_space<hbm>> -> memref<32x64xi32, #tpu.memory_space<hbm>>
    %dma_start3A_52 = arith.constant 0 : i32
    %dma_start3A_53 = tpu.memref_slice %arg5[%add3A_49, %dma_start3A_52] : memref<5120x64xi32, #tpu.memory_space<hbm>> -> memref<32x64xi32, #tpu.memory_space<hbm>>
    tpu.enqueue_dma source(%dma_start3A_53 : memref<32x64xi32, #tpu.memory_space<hbm>>) target(%arg10 : memref<32x64xi32, #tpu.memory_space<vmem>>) target_semaphore(%arg19 : memref<!tpu.dma_semaphore, #tpu.memory_space<semaphore_mem>>)
    %scan3A = arith.constant 0 : i32
    %scan3A_54 = arith.constant 8 : i32
    %scan3A_55 = arith.addi %scan3A, %scan3A_54 : i32
    %scan3A_56 = arith.constant 1 : i32
    scf.for %scan3A_127 = %scan3A to %scan3A_55 step %scan3A_56  : i32 {
      %mul3A_128 = arith.constant 4 : i32
      %mul3A_129 = arith.muli %scan3A_127, %mul3A_128 : i32
      %add3A_130 = arith.constant 0 : i32
      %add3A_131 = arith.addi %add3A_130, %mul3A_129 : i32
      %eq3A = arith.constant 28 : i32
      %eq3A_132 = arith.cmpi eq, %add3A_131, %eq3A : i32
      %convert_element_type3A = arith.extui %eq3A_132 : i1 to i32
      %cond3A = arith.constant 0 : i32
      %cond3A_133 = arith.cmpi ne, %convert_element_type3A, %cond3A : i32
      scf.if %cond3A_133 {
        %mul3A_219 = arith.constant 160 : i32
        %mul3A_220 = arith.muli %add3A, %mul3A_219 : i32
        %add3A_221 = arith.constant 32 : i32
        %add3A_222 = arith.addi %mul3A_220, %add3A_221 : i32
        %dma_wait3A_223 = arith.constant 0 : i32
        %dma_wait3A_224 = tpu.memref_slice %arg4[%add3A_222, %dma_wait3A_223] : memref<5120x64xi32, #tpu.memory_space<hbm>> -> memref<32x64xi32, #tpu.memory_space<hbm>>
        %dma_wait3A_225 = arith.constant 0 : i32
        %dma_wait3A_226 = tpu.memref_slice %arg4[%add3A_222, %dma_wait3A_225] : memref<5120x64xi32, #tpu.memory_space<hbm>> -> memref<32x64xi32, #tpu.memory_space<hbm>>
        tpu.wait_dma2 semaphore(%arg19 : memref<!tpu.dma_semaphore, #tpu.memory_space<semaphore_mem>>) src(%dma_wait3A_226 : memref<32x64xi32, #tpu.memory_space<hbm>>) dst(%arg8 : memref<32x64xi32, #tpu.memory_space<vmem>>)
        %mul3A_227 = arith.constant 160 : i32
        %mul3A_228 = arith.muli %add3A, %mul3A_227 : i32
        %add3A_229 = arith.constant 32 : i32
        %add3A_230 = arith.addi %mul3A_228, %add3A_229 : i32
        %dma_wait3A_231 = arith.constant 0 : i32
        %dma_wait3A_232 = tpu.memref_slice %arg5[%add3A_230, %dma_wait3A_231] : memref<5120x64xi32, #tpu.memory_space<hbm>> -> memref<32x64xi32, #tpu.memory_space<hbm>>
        %dma_wait3A_233 = arith.constant 0 : i32
        %dma_wait3A_234 = tpu.memref_slice %arg5[%add3A_230, %dma_wait3A_233] : memref<5120x64xi32, #tpu.memory_space<hbm>> -> memref<32x64xi32, #tpu.memory_space<hbm>>
        tpu.wait_dma2 semaphore(%arg19 : memref<!tpu.dma_semaphore, #tpu.memory_space<semaphore_mem>>) src(%dma_wait3A_234 : memref<32x64xi32, #tpu.memory_space<hbm>>) dst(%arg10 : memref<32x64xi32, #tpu.memory_space<vmem>>)
      } else {
      }
      %add3A_134 = arith.constant 0 : i32
      %add3A_135 = arith.addi %add3A_131, %add3A_134 : i32
      %dma_wait3A = arith.constant 0 : i32
      %dma_wait3A_136 = tpu.memref_slice %arg7[%add3A_135, %dma_wait3A] : memref<32x64xi32, #tpu.memory_space<vmem>> -> memref<1x64xi32, #tpu.memory_space<vmem>>
      %dma_wait3A_137 = tpu.memref_squeeze %dma_wait3A_136 : memref<1x64xi32, #tpu.memory_space<vmem>> -> memref<64xi32, #tpu.memory_space<vmem>>
      %dma_wait3A_138 = arith.constant 0 : i32
      %dma_wait3A_139 = arith.constant 0 : i32
      %dma_wait3A_140 = tpu.memref_slice %arg2[%dma_wait3A_138, %dma_wait3A_139] : memref<10000x128xf32, #tpu.memory_space<hbm>> -> memref<10000x128xf32, #tpu.memory_space<hbm>>
      tpu.wait_indirect_dma semaphore(%arg15 : memref<!tpu.dma_semaphore, #tpu.memory_space<semaphore_mem>>) src(%dma_wait3A_140 : memref<10000x128xf32, #tpu.memory_space<hbm>>) dst(%arg11 : memref<64x128xf32, #tpu.memory_space<vmem>>)
      "tpu.region"() ({
        %run_scoped3A = tpu.sem_alloc : memref<!tpu.dma_semaphore, #tpu.memory_space<semaphore_mem>>
        %dma_start3A_219 = arith.constant 0 : i32
        %dma_start3A_220 = tpu.memref_slice %arg9[%add3A_135, %dma_start3A_219] : memref<32x64xi32, #tpu.memory_space<vmem>> -> memref<1x64xi32, #tpu.memory_space<vmem>>
        %dma_start3A_221 = tpu.memref_squeeze %dma_start3A_220 : memref<1x64xi32, #tpu.memory_space<vmem>> -> memref<64xi32, #tpu.memory_space<vmem>>
        %dma_start3A_222 = arith.constant 0 : i32
        %dma_start3A_223 = arith.constant 0 : i32
        %dma_start3A_224 = tpu.memref_slice %arg20[%dma_start3A_222, %dma_start3A_223] : memref<10112x128xf32, #tpu.memory_space<vmem_shared>> -> memref<10112x128xf32, #tpu.memory_space<vmem_shared>>
        tpu.enqueue_indirect_dma source(%arg11 : memref<64x128xf32, #tpu.memory_space<vmem>>) target(%dma_start3A_224 : memref<10112x128xf32, #tpu.memory_space<vmem_shared>>) offsets(%dma_start3A_221 : memref<64xi32, #tpu.memory_space<vmem>>) semaphore(%run_scoped3A : memref<!tpu.dma_semaphore, #tpu.memory_space<semaphore_mem>>) {add = true}
        %dma_wait3A_225 = arith.constant 0 : i32
        %dma_wait3A_226 = tpu.memref_slice %arg9[%add3A_135, %dma_wait3A_225] : memref<32x64xi32, #tpu.memory_space<vmem>> -> memref<1x64xi32, #tpu.memory_space<vmem>>
        %dma_wait3A_227 = tpu.memref_squeeze %dma_wait3A_226 : memref<1x64xi32, #tpu.memory_space<vmem>> -> memref<64xi32, #tpu.memory_space<vmem>>
        %dma_wait3A_228 = arith.constant 0 : i32
        %dma_wait3A_229 = arith.constant 0 : i32
        %dma_wait3A_230 = tpu.memref_slice %arg20[%dma_wait3A_228, %dma_wait3A_229] : memref<10112x128xf32, #tpu.memory_space<vmem_shared>> -> memref<10112x128xf32, #tpu.memory_space<vmem_shared>>
        tpu.wait_indirect_dma semaphore(%run_scoped3A : memref<!tpu.dma_semaphore, #tpu.memory_space<semaphore_mem>>) src(%arg11 : memref<64x128xf32, #tpu.memory_space<vmem>>) dst(%dma_wait3A_230 : memref<10112x128xf32, #tpu.memory_space<vmem_shared>>)
        tpu.yield
      }) : () -> ()
      %add3A_141 = arith.constant 4 : i32
      %add3A_142 = arith.addi %add3A_135, %add3A_141 : i32
      %lt3A = arith.constant 32 : i32
      %lt3A_143 = arith.cmpi slt, %add3A_142, %lt3A : i32
      %convert_element_type3A_144 = arith.extui %lt3A_143 : i1 to i32
      %cond3A_145 = arith.constant 0 : i32
      %cond3A_146 = arith.cmpi ne, %convert_element_type3A_144, %cond3A_145 : i32
      scf.if %cond3A_146 {
        %add3A_219 = arith.constant 4 : i32
        %add3A_220 = arith.addi %add3A_135, %add3A_219 : i32
        %dma_start3A_221 = arith.constant 0 : i32
        %dma_start3A_222 = tpu.memref_slice %arg7[%add3A_220, %dma_start3A_221] : memref<32x64xi32, #tpu.memory_space<vmem>> -> memref<1x64xi32, #tpu.memory_space<vmem>>
        %dma_start3A_223 = tpu.memref_squeeze %dma_start3A_222 : memref<1x64xi32, #tpu.memory_space<vmem>> -> memref<64xi32, #tpu.memory_space<vmem>>
        %dma_start3A_224 = arith.constant 0 : i32
        %dma_start3A_225 = arith.constant 0 : i32
        %dma_start3A_226 = tpu.memref_slice %arg2[%dma_start3A_224, %dma_start3A_225] : memref<10000x128xf32, #tpu.memory_space<hbm>> -> memref<10000x128xf32, #tpu.memory_space<hbm>>
        tpu.enqueue_indirect_dma source(%dma_start3A_226 : memref<10000x128xf32, #tpu.memory_space<hbm>>) target(%arg11 : memref<64x128xf32, #tpu.memory_space<vmem>>) offsets(%dma_start3A_223 : memref<64xi32, #tpu.memory_space<vmem>>) semaphore(%arg15 : memref<!tpu.dma_semaphore, #tpu.memory_space<semaphore_mem>>)
      } else {
      }
      %add3A_147 = arith.constant 4 : i32
      %add3A_148 = arith.addi %add3A_135, %add3A_147 : i32
      %ge3A = arith.constant 32 : i32
      %ge3A_149 = arith.cmpi sge, %add3A_148, %ge3A : i32
      %convert_element_type3A_150 = arith.extui %ge3A_149 : i1 to i32
      %cond3A_151 = arith.constant 0 : i32
      %cond3A_152 = arith.cmpi ne, %convert_element_type3A_150, %cond3A_151 : i32
      scf.if %cond3A_152 {
        %add3A_219 = arith.constant 4 : i32
        %add3A_220 = arith.addi %add3A_135, %add3A_219 : i32
        %sub3A = arith.constant 32 : i32
        %sub3A_221 = arith.subi %add3A_220, %sub3A : i32
        %dma_start3A_222 = arith.constant 0 : i32
        %dma_start3A_223 = tpu.memref_slice %arg8[%sub3A_221, %dma_start3A_222] : memref<32x64xi32, #tpu.memory_space<vmem>> -> memref<1x64xi32, #tpu.memory_space<vmem>>
        %dma_start3A_224 = tpu.memref_squeeze %dma_start3A_223 : memref<1x64xi32, #tpu.memory_space<vmem>> -> memref<64xi32, #tpu.memory_space<vmem>>
        %dma_start3A_225 = arith.constant 0 : i32
        %dma_start3A_226 = arith.constant 0 : i32
        %dma_start3A_227 = tpu.memref_slice %arg2[%dma_start3A_225, %dma_start3A_226] : memref<10000x128xf32, #tpu.memory_space<hbm>> -> memref<10000x128xf32, #tpu.memory_space<hbm>>
        tpu.enqueue_indirect_dma source(%dma_start3A_227 : memref<10000x128xf32, #tpu.memory_space<hbm>>) target(%arg11 : memref<64x128xf32, #tpu.memory_space<vmem>>) offsets(%dma_start3A_224 : memref<64xi32, #tpu.memory_space<vmem>>) semaphore(%arg15 : memref<!tpu.dma_semaphore, #tpu.memory_space<semaphore_mem>>)
      } else {
      }
      %add3A_153 = arith.constant 1 : i32
      %add3A_154 = arith.addi %add3A_131, %add3A_153 : i32
      %dma_wait3A_155 = arith.constant 0 : i32
      %dma_wait3A_156 = tpu.memref_slice %arg7[%add3A_154, %dma_wait3A_155] : memref<32x64xi32, #tpu.memory_space<vmem>> -> memref<1x64xi32, #tpu.memory_space<vmem>>
      %dma_wait3A_157 = tpu.memref_squeeze %dma_wait3A_156 : memref<1x64xi32, #tpu.memory_space<vmem>> -> memref<64xi32, #tpu.memory_space<vmem>>
      %dma_wait3A_158 = arith.constant 0 : i32
      %dma_wait3A_159 = arith.constant 0 : i32
      %dma_wait3A_160 = tpu.memref_slice %arg2[%dma_wait3A_158, %dma_wait3A_159] : memref<10000x128xf32, #tpu.memory_space<hbm>> -> memref<10000x128xf32, #tpu.memory_space<hbm>>
      tpu.wait_indirect_dma semaphore(%arg16 : memref<!tpu.dma_semaphore, #tpu.memory_space<semaphore_mem>>) src(%dma_wait3A_160 : memref<10000x128xf32, #tpu.memory_space<hbm>>) dst(%arg12 : memref<64x128xf32, #tpu.memory_space<vmem>>)
      "tpu.region"() ({
        %run_scoped3A = tpu.sem_alloc : memref<!tpu.dma_semaphore, #tpu.memory_space<semaphore_mem>>
        %dma_start3A_219 = arith.constant 0 : i32
        %dma_start3A_220 = tpu.memref_slice %arg9[%add3A_154, %dma_start3A_219] : memref<32x64xi32, #tpu.memory_space<vmem>> -> memref<1x64xi32, #tpu.memory_space<vmem>>
        %dma_start3A_221 = tpu.memref_squeeze %dma_start3A_220 : memref<1x64xi32, #tpu.memory_space<vmem>> -> memref<64xi32, #tpu.memory_space<vmem>>
        %dma_start3A_222 = arith.constant 0 : i32
        %dma_start3A_223 = arith.constant 0 : i32
        %dma_start3A_224 = tpu.memref_slice %arg20[%dma_start3A_222, %dma_start3A_223] : memref<10112x128xf32, #tpu.memory_space<vmem_shared>> -> memref<10112x128xf32, #tpu.memory_space<vmem_shared>>
        tpu.enqueue_indirect_dma source(%arg12 : memref<64x128xf32, #tpu.memory_space<vmem>>) target(%dma_start3A_224 : memref<10112x128xf32, #tpu.memory_space<vmem_shared>>) offsets(%dma_start3A_221 : memref<64xi32, #tpu.memory_space<vmem>>) semaphore(%run_scoped3A : memref<!tpu.dma_semaphore, #tpu.memory_space<semaphore_mem>>) {add = true}
        %dma_wait3A_225 = arith.constant 0 : i32
        %dma_wait3A_226 = tpu.memref_slice %arg9[%add3A_154, %dma_wait3A_225] : memref<32x64xi32, #tpu.memory_space<vmem>> -> memref<1x64xi32, #tpu.memory_space<vmem>>
        %dma_wait3A_227 = tpu.memref_squeeze %dma_wait3A_226 : memref<1x64xi32, #tpu.memory_space<vmem>> -> memref<64xi32, #tpu.memory_space<vmem>>
        %dma_wait3A_228 = arith.constant 0 : i32
        %dma_wait3A_229 = arith.constant 0 : i32
        %dma_wait3A_230 = tpu.memref_slice %arg20[%dma_wait3A_228, %dma_wait3A_229] : memref<10112x128xf32, #tpu.memory_space<vmem_shared>> -> memref<10112x128xf32, #tpu.memory_space<vmem_shared>>
        tpu.wait_indirect_dma semaphore(%run_scoped3A : memref<!tpu.dma_semaphore, #tpu.memory_space<semaphore_mem>>) src(%arg12 : memref<64x128xf32, #tpu.memory_space<vmem>>) dst(%dma_wait3A_230 : memref<10112x128xf32, #tpu.memory_space<vmem_shared>>)
        tpu.yield
      }) : () -> ()
      %add3A_161 = arith.constant 4 : i32
      %add3A_162 = arith.addi %add3A_154, %add3A_161 : i32
      %lt3A_163 = arith.constant 32 : i32
      %lt3A_164 = arith.cmpi slt, %add3A_162, %lt3A_163 : i32
      %convert_element_type3A_165 = arith.extui %lt3A_164 : i1 to i32
      %cond3A_166 = arith.constant 0 : i32
      %cond3A_167 = arith.cmpi ne, %convert_element_type3A_165, %cond3A_166 : i32
      scf.if %cond3A_167 {
        %add3A_219 = arith.constant 4 : i32
        %add3A_220 = arith.addi %add3A_154, %add3A_219 : i32
        %dma_start3A_221 = arith.constant 0 : i32
        %dma_start3A_222 = tpu.memref_slice %arg7[%add3A_220, %dma_start3A_221] : memref<32x64xi32, #tpu.memory_space<vmem>> -> memref<1x64xi32, #tpu.memory_space<vmem>>
        %dma_start3A_223 = tpu.memref_squeeze %dma_start3A_222 : memref<1x64xi32, #tpu.memory_space<vmem>> -> memref<64xi32, #tpu.memory_space<vmem>>
        %dma_start3A_224 = arith.constant 0 : i32
        %dma_start3A_225 = arith.constant 0 : i32
        %dma_start3A_226 = tpu.memref_slice %arg2[%dma_start3A_224, %dma_start3A_225] : memref<10000x128xf32, #tpu.memory_space<hbm>> -> memref<10000x128xf32, #tpu.memory_space<hbm>>
        tpu.enqueue_indirect_dma source(%dma_start3A_226 : memref<10000x128xf32, #tpu.memory_space<hbm>>) target(%arg12 : memref<64x128xf32, #tpu.memory_space<vmem>>) offsets(%dma_start3A_223 : memref<64xi32, #tpu.memory_space<vmem>>) semaphore(%arg16 : memref<!tpu.dma_semaphore, #tpu.memory_space<semaphore_mem>>)
      } else {
      }
      %add3A_168 = arith.constant 4 : i32
      %add3A_169 = arith.addi %add3A_154, %add3A_168 : i32
      %ge3A_170 = arith.constant 32 : i32
      %ge3A_171 = arith.cmpi sge, %add3A_169, %ge3A_170 : i32
      %convert_element_type3A_172 = arith.extui %ge3A_171 : i1 to i32
      %cond3A_173 = arith.constant 0 : i32
      %cond3A_174 = arith.cmpi ne, %convert_element_type3A_172, %cond3A_173 : i32
      scf.if %cond3A_174 {
        %add3A_219 = arith.constant 4 : i32
        %add3A_220 = arith.addi %add3A_154, %add3A_219 : i32
        %sub3A = arith.constant 32 : i32
        %sub3A_221 = arith.subi %add3A_220, %sub3A : i32
        %dma_start3A_222 = arith.constant 0 : i32
        %dma_start3A_223 = tpu.memref_slice %arg8[%sub3A_221, %dma_start3A_222] : memref<32x64xi32, #tpu.memory_space<vmem>> -> memref<1x64xi32, #tpu.memory_space<vmem>>
        %dma_start3A_224 = tpu.memref_squeeze %dma_start3A_223 : memref<1x64xi32, #tpu.memory_space<vmem>> -> memref<64xi32, #tpu.memory_space<vmem>>
        %dma_start3A_225 = arith.constant 0 : i32
        %dma_start3A_226 = arith.constant 0 : i32
        %dma_start3A_227 = tpu.memref_slice %arg2[%dma_start3A_225, %dma_start3A_226] : memref<10000x128xf32, #tpu.memory_space<hbm>> -> memref<10000x128xf32, #tpu.memory_space<hbm>>
        tpu.enqueue_indirect_dma source(%dma_start3A_227 : memref<10000x128xf32, #tpu.memory_space<hbm>>) target(%arg12 : memref<64x128xf32, #tpu.memory_space<vmem>>) offsets(%dma_start3A_224 : memref<64xi32, #tpu.memory_space<vmem>>) semaphore(%arg16 : memref<!tpu.dma_semaphore, #tpu.memory_space<semaphore_mem>>)
      } else {
      }
      %add3A_175 = arith.constant 2 : i32
      %add3A_176 = arith.addi %add3A_131, %add3A_175 : i32
      %dma_wait3A_177 = arith.constant 0 : i32
      %dma_wait3A_178 = tpu.memref_slice %arg7[%add3A_176, %dma_wait3A_177] : memref<32x64xi32, #tpu.memory_space<vmem>> -> memref<1x64xi32, #tpu.memory_space<vmem>>
      %dma_wait3A_179 = tpu.memref_squeeze %dma_wait3A_178 : memref<1x64xi32, #tpu.memory_space<vmem>> -> memref<64xi32, #tpu.memory_space<vmem>>
      %dma_wait3A_180 = arith.constant 0 : i32
      %dma_wait3A_181 = arith.constant 0 : i32
      %dma_wait3A_182 = tpu.memref_slice %arg2[%dma_wait3A_180, %dma_wait3A_181] : memref<10000x128xf32, #tpu.memory_space<hbm>> -> memref<10000x128xf32, #tpu.memory_space<hbm>>
      tpu.wait_indirect_dma semaphore(%arg17 : memref<!tpu.dma_semaphore, #tpu.memory_space<semaphore_mem>>) src(%dma_wait3A_182 : memref<10000x128xf32, #tpu.memory_space<hbm>>) dst(%arg13 : memref<64x128xf32, #tpu.memory_space<vmem>>)
      "tpu.region"() ({
        %run_scoped3A = tpu.sem_alloc : memref<!tpu.dma_semaphore, #tpu.memory_space<semaphore_mem>>
        %dma_start3A_219 = arith.constant 0 : i32
        %dma_start3A_220 = tpu.memref_slice %arg9[%add3A_176, %dma_start3A_219] : memref<32x64xi32, #tpu.memory_space<vmem>> -> memref<1x64xi32, #tpu.memory_space<vmem>>
        %dma_start3A_221 = tpu.memref_squeeze %dma_start3A_220 : memref<1x64xi32, #tpu.memory_space<vmem>> -> memref<64xi32, #tpu.memory_space<vmem>>
        %dma_start3A_222 = arith.constant 0 : i32
        %dma_start3A_223 = arith.constant 0 : i32
        %dma_start3A_224 = tpu.memref_slice %arg20[%dma_start3A_222, %dma_start3A_223] : memref<10112x128xf32, #tpu.memory_space<vmem_shared>> -> memref<10112x128xf32, #tpu.memory_space<vmem_shared>>
        tpu.enqueue_indirect_dma source(%arg13 : memref<64x128xf32, #tpu.memory_space<vmem>>) target(%dma_start3A_224 : memref<10112x128xf32, #tpu.memory_space<vmem_shared>>) offsets(%dma_start3A_221 : memref<64xi32, #tpu.memory_space<vmem>>) semaphore(%run_scoped3A : memref<!tpu.dma_semaphore, #tpu.memory_space<semaphore_mem>>) {add = true}
        %dma_wait3A_225 = arith.constant 0 : i32
        %dma_wait3A_226 = tpu.memref_slice %arg9[%add3A_176, %dma_wait3A_225] : memref<32x64xi32, #tpu.memory_space<vmem>> -> memref<1x64xi32, #tpu.memory_space<vmem>>
        %dma_wait3A_227 = tpu.memref_squeeze %dma_wait3A_226 : memref<1x64xi32, #tpu.memory_space<vmem>> -> memref<64xi32, #tpu.memory_space<vmem>>
        %dma_wait3A_228 = arith.constant 0 : i32
        %dma_wait3A_229 = arith.constant 0 : i32
        %dma_wait3A_230 = tpu.memref_slice %arg20[%dma_wait3A_228, %dma_wait3A_229] : memref<10112x128xf32, #tpu.memory_space<vmem_shared>> -> memref<10112x128xf32, #tpu.memory_space<vmem_shared>>
        tpu.wait_indirect_dma semaphore(%run_scoped3A : memref<!tpu.dma_semaphore, #tpu.memory_space<semaphore_mem>>) src(%arg13 : memref<64x128xf32, #tpu.memory_space<vmem>>) dst(%dma_wait3A_230 : memref<10112x128xf32, #tpu.memory_space<vmem_shared>>)
        tpu.yield
      }) : () -> ()
      %add3A_183 = arith.constant 4 : i32
      %add3A_184 = arith.addi %add3A_176, %add3A_183 : i32
      %lt3A_185 = arith.constant 32 : i32
      %lt3A_186 = arith.cmpi slt, %add3A_184, %lt3A_185 : i32
      %convert_element_type3A_187 = arith.extui %lt3A_186 : i1 to i32
      %cond3A_188 = arith.constant 0 : i32
      %cond3A_189 = arith.cmpi ne, %convert_element_type3A_187, %cond3A_188 : i32
      scf.if %cond3A_189 {
        %add3A_219 = arith.constant 4 : i32
        %add3A_220 = arith.addi %add3A_176, %add3A_219 : i32
        %dma_start3A_221 = arith.constant 0 : i32
        %dma_start3A_222 = tpu.memref_slice %arg7[%add3A_220, %dma_start3A_221] : memref<32x64xi32, #tpu.memory_space<vmem>> -> memref<1x64xi32, #tpu.memory_space<vmem>>
        %dma_start3A_223 = tpu.memref_squeeze %dma_start3A_222 : memref<1x64xi32, #tpu.memory_space<vmem>> -> memref<64xi32, #tpu.memory_space<vmem>>
        %dma_start3A_224 = arith.constant 0 : i32
        %dma_start3A_225 = arith.constant 0 : i32
        %dma_start3A_226 = tpu.memref_slice %arg2[%dma_start3A_224, %dma_start3A_225] : memref<10000x128xf32, #tpu.memory_space<hbm>> -> memref<10000x128xf32, #tpu.memory_space<hbm>>
        tpu.enqueue_indirect_dma source(%dma_start3A_226 : memref<10000x128xf32, #tpu.memory_space<hbm>>) target(%arg13 : memref<64x128xf32, #tpu.memory_space<vmem>>) offsets(%dma_start3A_223 : memref<64xi32, #tpu.memory_space<vmem>>) semaphore(%arg17 : memref<!tpu.dma_semaphore, #tpu.memory_space<semaphore_mem>>)
      } else {
      }
      %add3A_190 = arith.constant 4 : i32
      %add3A_191 = arith.addi %add3A_176, %add3A_190 : i32
      %ge3A_192 = arith.constant 32 : i32
      %ge3A_193 = arith.cmpi sge, %add3A_191, %ge3A_192 : i32
      %convert_element_type3A_194 = arith.extui %ge3A_193 : i1 to i32
      %cond3A_195 = arith.constant 0 : i32
      %cond3A_196 = arith.cmpi ne, %convert_element_type3A_194, %cond3A_195 : i32
      scf.if %cond3A_196 {
        %add3A_219 = arith.constant 4 : i32
        %add3A_220 = arith.addi %add3A_176, %add3A_219 : i32
        %sub3A = arith.constant 32 : i32
        %sub3A_221 = arith.subi %add3A_220, %sub3A : i32
        %dma_start3A_222 = arith.constant 0 : i32
        %dma_start3A_223 = tpu.memref_slice %arg8[%sub3A_221, %dma_start3A_222] : memref<32x64xi32, #tpu.memory_space<vmem>> -> memref<1x64xi32, #tpu.memory_space<vmem>>
        %dma_start3A_224 = tpu.memref_squeeze %dma_start3A_223 : memref<1x64xi32, #tpu.memory_space<vmem>> -> memref<64xi32, #tpu.memory_space<vmem>>
        %dma_start3A_225 = arith.constant 0 : i32
        %dma_start3A_226 = arith.constant 0 : i32
        %dma_start3A_227 = tpu.memref_slice %arg2[%dma_start3A_225, %dma_start3A_226] : memref<10000x128xf32, #tpu.memory_space<hbm>> -> memref<10000x128xf32, #tpu.memory_space<hbm>>
        tpu.enqueue_indirect_dma source(%dma_start3A_227 : memref<10000x128xf32, #tpu.memory_space<hbm>>) target(%arg13 : memref<64x128xf32, #tpu.memory_space<vmem>>) offsets(%dma_start3A_224 : memref<64xi32, #tpu.memory_space<vmem>>) semaphore(%arg17 : memref<!tpu.dma_semaphore, #tpu.memory_space<semaphore_mem>>)
      } else {
      }
      %add3A_197 = arith.constant 3 : i32
      %add3A_198 = arith.addi %add3A_131, %add3A_197 : i32
      %dma_wait3A_199 = arith.constant 0 : i32
      %dma_wait3A_200 = tpu.memref_slice %arg7[%add3A_198, %dma_wait3A_199] : memref<32x64xi32, #tpu.memory_space<vmem>> -> memref<1x64xi32, #tpu.memory_space<vmem>>
      %dma_wait3A_201 = tpu.memref_squeeze %dma_wait3A_200 : memref<1x64xi32, #tpu.memory_space<vmem>> -> memref<64xi32, #tpu.memory_space<vmem>>
      %dma_wait3A_202 = arith.constant 0 : i32
      %dma_wait3A_203 = arith.constant 0 : i32
      %dma_wait3A_204 = tpu.memref_slice %arg2[%dma_wait3A_202, %dma_wait3A_203] : memref<10000x128xf32, #tpu.memory_space<hbm>> -> memref<10000x128xf32, #tpu.memory_space<hbm>>
      tpu.wait_indirect_dma semaphore(%arg18 : memref<!tpu.dma_semaphore, #tpu.memory_space<semaphore_mem>>) src(%dma_wait3A_204 : memref<10000x128xf32, #tpu.memory_space<hbm>>) dst(%arg14 : memref<64x128xf32, #tpu.memory_space<vmem>>)
      "tpu.region"() ({
        %run_scoped3A = tpu.sem_alloc : memref<!tpu.dma_semaphore, #tpu.memory_space<semaphore_mem>>
        %dma_start3A_219 = arith.constant 0 : i32
        %dma_start3A_220 = tpu.memref_slice %arg9[%add3A_198, %dma_start3A_219] : memref<32x64xi32, #tpu.memory_space<vmem>> -> memref<1x64xi32, #tpu.memory_space<vmem>>
        %dma_start3A_221 = tpu.memref_squeeze %dma_start3A_220 : memref<1x64xi32, #tpu.memory_space<vmem>> -> memref<64xi32, #tpu.memory_space<vmem>>
        %dma_start3A_222 = arith.constant 0 : i32
        %dma_start3A_223 = arith.constant 0 : i32
        %dma_start3A_224 = tpu.memref_slice %arg20[%dma_start3A_222, %dma_start3A_223] : memref<10112x128xf32, #tpu.memory_space<vmem_shared>> -> memref<10112x128xf32, #tpu.memory_space<vmem_shared>>
        tpu.enqueue_indirect_dma source(%arg14 : memref<64x128xf32, #tpu.memory_space<vmem>>) target(%dma_start3A_224 : memref<10112x128xf32, #tpu.memory_space<vmem_shared>>) offsets(%dma_start3A_221 : memref<64xi32, #tpu.memory_space<vmem>>) semaphore(%run_scoped3A : memref<!tpu.dma_semaphore, #tpu.memory_space<semaphore_mem>>) {add = true}
        %dma_wait3A_225 = arith.constant 0 : i32
        %dma_wait3A_226 = tpu.memref_slice %arg9[%add3A_198, %dma_wait3A_225] : memref<32x64xi32, #tpu.memory_space<vmem>> -> memref<1x64xi32, #tpu.memory_space<vmem>>
        %dma_wait3A_227 = tpu.memref_squeeze %dma_wait3A_226 : memref<1x64xi32, #tpu.memory_space<vmem>> -> memref<64xi32, #tpu.memory_space<vmem>>
        %dma_wait3A_228 = arith.constant 0 : i32
        %dma_wait3A_229 = arith.constant 0 : i32
        %dma_wait3A_230 = tpu.memref_slice %arg20[%dma_wait3A_228, %dma_wait3A_229] : memref<10112x128xf32, #tpu.memory_space<vmem_shared>> -> memref<10112x128xf32, #tpu.memory_space<vmem_shared>>
        tpu.wait_indirect_dma semaphore(%run_scoped3A : memref<!tpu.dma_semaphore, #tpu.memory_space<semaphore_mem>>) src(%arg14 : memref<64x128xf32, #tpu.memory_space<vmem>>) dst(%dma_wait3A_230 : memref<10112x128xf32, #tpu.memory_space<vmem_shared>>)
        tpu.yield
      }) : () -> ()
      %add3A_205 = arith.constant 4 : i32
      %add3A_206 = arith.addi %add3A_198, %add3A_205 : i32
      %lt3A_207 = arith.constant 32 : i32
      %lt3A_208 = arith.cmpi slt, %add3A_206, %lt3A_207 : i32
      %convert_element_type3A_209 = arith.extui %lt3A_208 : i1 to i32
      %cond3A_210 = arith.constant 0 : i32
      %cond3A_211 = arith.cmpi ne, %convert_element_type3A_209, %cond3A_210 : i32
      scf.if %cond3A_211 {
        %add3A_219 = arith.constant 4 : i32
        %add3A_220 = arith.addi %add3A_198, %add3A_219 : i32
        %dma_start3A_221 = arith.constant 0 : i32
        %dma_start3A_222 = tpu.memref_slice %arg7[%add3A_220, %dma_start3A_221] : memref<32x64xi32, #tpu.memory_space<vmem>> -> memref<1x64xi32, #tpu.memory_space<vmem>>
        %dma_start3A_223 = tpu.memref_squeeze %dma_start3A_222 : memref<1x64xi32, #tpu.memory_space<vmem>> -> memref<64xi32, #tpu.memory_space<vmem>>
        %dma_start3A_224 = arith.constant 0 : i32
        %dma_start3A_225 = arith.constant 0 : i32
        %dma_start3A_226 = tpu.memref_slice %arg2[%dma_start3A_224, %dma_start3A_225] : memref<10000x128xf32, #tpu.memory_space<hbm>> -> memref<10000x128xf32, #tpu.memory_space<hbm>>
        tpu.enqueue_indirect_dma source(%dma_start3A_226 : memref<10000x128xf32, #tpu.memory_space<hbm>>) target(%arg14 : memref<64x128xf32, #tpu.memory_space<vmem>>) offsets(%dma_start3A_223 : memref<64xi32, #tpu.memory_space<vmem>>) semaphore(%arg18 : memref<!tpu.dma_semaphore, #tpu.memory_space<semaphore_mem>>)
      } else {
      }
      %add3A_212 = arith.constant 4 : i32
      %add3A_213 = arith.addi %add3A_198, %add3A_212 : i32
      %ge3A_214 = arith.constant 32 : i32
      %ge3A_215 = arith.cmpi sge, %add3A_213, %ge3A_214 : i32
      %convert_element_type3A_216 = arith.extui %ge3A_215 : i1 to i32
      %cond3A_217 = arith.constant 0 : i32
      %cond3A_218 = arith.cmpi ne, %convert_element_type3A_216, %cond3A_217 : i32
      scf.if %cond3A_218 {
        %add3A_219 = arith.constant 4 : i32
        %add3A_220 = arith.addi %add3A_198, %add3A_219 : i32
        %sub3A = arith.constant 32 : i32
        %sub3A_221 = arith.subi %add3A_220, %sub3A : i32
        %dma_start3A_222 = arith.constant 0 : i32
        %dma_start3A_223 = tpu.memref_slice %arg8[%sub3A_221, %dma_start3A_222] : memref<32x64xi32, #tpu.memory_space<vmem>> -> memref<1x64xi32, #tpu.memory_space<vmem>>
        %dma_start3A_224 = tpu.memref_squeeze %dma_start3A_223 : memref<1x64xi32, #tpu.memory_space<vmem>> -> memref<64xi32, #tpu.memory_space<vmem>>
        %dma_start3A_225 = arith.constant 0 : i32
        %dma_start3A_226 = arith.constant 0 : i32
        %dma_start3A_227 = tpu.memref_slice %arg2[%dma_start3A_225, %dma_start3A_226] : memref<10000x128xf32, #tpu.memory_space<hbm>> -> memref<10000x128xf32, #tpu.memory_space<hbm>>
        tpu.enqueue_indirect_dma source(%dma_start3A_227 : memref<10000x128xf32, #tpu.memory_space<hbm>>) target(%arg14 : memref<64x128xf32, #tpu.memory_space<vmem>>) offsets(%dma_start3A_224 : memref<64xi32, #tpu.memory_space<vmem>>) semaphore(%arg18 : memref<!tpu.dma_semaphore, #tpu.memory_space<semaphore_mem>>)
      } else {
      }
    }
    %scan3A_57 = arith.constant 8 : i32
    %mul3A_58 = arith.constant 160 : i32
    %mul3A_59 = arith.muli %add3A, %mul3A_58 : i32
    %add3A_60 = arith.constant 64 : i32
    %add3A_61 = arith.addi %mul3A_59, %add3A_60 : i32
    %dma_start3A_62 = arith.constant 0 : i32
    %dma_start3A_63 = tpu.memref_slice %arg4[%add3A_61, %dma_start3A_62] : memref<5120x64xi32, #tpu.memory_space<hbm>> -> memref<32x64xi32, #tpu.memory_space<hbm>>
    %dma_start3A_64 = arith.constant 0 : i32
    %dma_start3A_65 = tpu.memref_slice %arg4[%add3A_61, %dma_start3A_64] : memref<5120x64xi32, #tpu.memory_space<hbm>> -> memref<32x64xi32, #tpu.memory_space<hbm>>
    tpu.enqueue_dma source(%dma_start3A_65 : memref<32x64xi32, #tpu.memory_space<hbm>>) target(%arg7 : memref<32x64xi32, #tpu.memory_space<vmem>>) target_semaphore(%arg19 : memref<!tpu.dma_semaphore, #tpu.memory_space<semaphore_mem>>)
    %mul3A_66 = arith.constant 160 : i32
    %mul3A_67 = arith.muli %add3A, %mul3A_66 : i32
    %add3A_68 = arith.constant 64 : i32
    %add3A_69 = arith.addi %mul3A_67, %add3A_68 : i32
    %dma_start3A_70 = arith.constant 0 : i32
    %dma_start3A_71 = tpu.memref_slice %arg5[%add3A_69, %dma_start3A_70] : memref<5120x64xi32, #tpu.memory_space<hbm>> -> memref<32x64xi32, #tpu.memory_space<hbm>>
    %dma_start3A_72 = arith.constant 0 : i32
    %dma_start3A_73 = tpu.memref_slice %arg5[%add3A_69, %dma_start3A_72] : memref<5120x64xi32, #tpu.memory_space<hbm>> -> memref<32x64xi32, #tpu.memory_space<hbm>>
    tpu.enqueue_dma source(%dma_start3A_73 : memref<32x64xi32, #tpu.memory_space<hbm>>) target(%arg9 : memref<32x64xi32, #tpu.memory_space<vmem>>) target_semaphore(%arg19 : memref<!tpu.dma_semaphore, #tpu.memory_space<semaphore_mem>>)
    %scan3A_74 = arith.constant 0 : i32
    %scan3A_75 = arith.constant 8 : i32
    %scan3A_76 = arith.addi %scan3A_74, %scan3A_75 : i32
    %scan3A_77 = arith.constant 1 : i32
    scf.for %scan3A_127 = %scan3A_74 to %scan3A_76 step %scan3A_77  : i32 {
      %mul3A_128 = arith.constant 4 : i32
      %mul3A_129 = arith.muli %scan3A_127, %mul3A_128 : i32
      %add3A_130 = arith.constant 0 : i32
      %add3A_131 = arith.addi %add3A_130, %mul3A_129 : i32
      %eq3A = arith.constant 28 : i32
      %eq3A_132 = arith.cmpi eq, %add3A_131, %eq3A : i32
      %convert_element_type3A = arith.extui %eq3A_132 : i1 to i32
      %cond3A = arith.constant 0 : i32
      %cond3A_133 = arith.cmpi ne, %convert_element_type3A, %cond3A : i32
      scf.if %cond3A_133 {
        %mul3A_219 = arith.constant 160 : i32
        %mul3A_220 = arith.muli %add3A, %mul3A_219 : i32
        %add3A_221 = arith.constant 64 : i32
        %add3A_222 = arith.addi %mul3A_220, %add3A_221 : i32
        %dma_wait3A_223 = arith.constant 0 : i32
        %dma_wait3A_224 = tpu.memref_slice %arg4[%add3A_222, %dma_wait3A_223] : memref<5120x64xi32, #tpu.memory_space<hbm>> -> memref<32x64xi32, #tpu.memory_space<hbm>>
        %dma_wait3A_225 = arith.constant 0 : i32
        %dma_wait3A_226 = tpu.memref_slice %arg4[%add3A_222, %dma_wait3A_225] : memref<5120x64xi32, #tpu.memory_space<hbm>> -> memref<32x64xi32, #tpu.memory_space<hbm>>
        tpu.wait_dma2 semaphore(%arg19 : memref<!tpu.dma_semaphore, #tpu.memory_space<semaphore_mem>>) src(%dma_wait3A_226 : memref<32x64xi32, #tpu.memory_space<hbm>>) dst(%arg7 : memref<32x64xi32, #tpu.memory_space<vmem>>)
        %mul3A_227 = arith.constant 160 : i32
        %mul3A_228 = arith.muli %add3A, %mul3A_227 : i32
        %add3A_229 = arith.constant 64 : i32
        %add3A_230 = arith.addi %mul3A_228, %add3A_229 : i32
        %dma_wait3A_231 = arith.constant 0 : i32
        %dma_wait3A_232 = tpu.memref_slice %arg5[%add3A_230, %dma_wait3A_231] : memref<5120x64xi32, #tpu.memory_space<hbm>> -> memref<32x64xi32, #tpu.memory_space<hbm>>
        %dma_wait3A_233 = arith.constant 0 : i32
        %dma_wait3A_234 = tpu.memref_slice %arg5[%add3A_230, %dma_wait3A_233] : memref<5120x64xi32, #tpu.memory_space<hbm>> -> memref<32x64xi32, #tpu.memory_space<hbm>>
        tpu.wait_dma2 semaphore(%arg19 : memref<!tpu.dma_semaphore, #tpu.memory_space<semaphore_mem>>) src(%dma_wait3A_234 : memref<32x64xi32, #tpu.memory_space<hbm>>) dst(%arg9 : memref<32x64xi32, #tpu.memory_space<vmem>>)
      } else {
      }
      %add3A_134 = arith.constant 0 : i32
      %add3A_135 = arith.addi %add3A_131, %add3A_134 : i32
      %dma_wait3A = arith.constant 0 : i32
      %dma_wait3A_136 = tpu.memref_slice %arg8[%add3A_135, %dma_wait3A] : memref<32x64xi32, #tpu.memory_space<vmem>> -> memref<1x64xi32, #tpu.memory_space<vmem>>
      %dma_wait3A_137 = tpu.memref_squeeze %dma_wait3A_136 : memref<1x64xi32, #tpu.memory_space<vmem>> -> memref<64xi32, #tpu.memory_space<vmem>>
      %dma_wait3A_138 = arith.constant 0 : i32
      %dma_wait3A_139 = arith.constant 0 : i32
      %dma_wait3A_140 = tpu.memref_slice %arg2[%dma_wait3A_138, %dma_wait3A_139] : memref<10000x128xf32, #tpu.memory_space<hbm>> -> memref<10000x128xf32, #tpu.memory_space<hbm>>
      tpu.wait_indirect_dma semaphore(%arg15 : memref<!tpu.dma_semaphore, #tpu.memory_space<semaphore_mem>>) src(%dma_wait3A_140 : memref<10000x128xf32, #tpu.memory_space<hbm>>) dst(%arg11 : memref<64x128xf32, #tpu.memory_space<vmem>>)
      "tpu.region"() ({
        %run_scoped3A = tpu.sem_alloc : memref<!tpu.dma_semaphore, #tpu.memory_space<semaphore_mem>>
        %dma_start3A_219 = arith.constant 0 : i32
        %dma_start3A_220 = tpu.memref_slice %arg10[%add3A_135, %dma_start3A_219] : memref<32x64xi32, #tpu.memory_space<vmem>> -> memref<1x64xi32, #tpu.memory_space<vmem>>
        %dma_start3A_221 = tpu.memref_squeeze %dma_start3A_220 : memref<1x64xi32, #tpu.memory_space<vmem>> -> memref<64xi32, #tpu.memory_space<vmem>>
        %dma_start3A_222 = arith.constant 0 : i32
        %dma_start3A_223 = arith.constant 0 : i32
        %dma_start3A_224 = tpu.memref_slice %arg20[%dma_start3A_222, %dma_start3A_223] : memref<10112x128xf32, #tpu.memory_space<vmem_shared>> -> memref<10112x128xf32, #tpu.memory_space<vmem_shared>>
        tpu.enqueue_indirect_dma source(%arg11 : memref<64x128xf32, #tpu.memory_space<vmem>>) target(%dma_start3A_224 : memref<10112x128xf32, #tpu.memory_space<vmem_shared>>) offsets(%dma_start3A_221 : memref<64xi32, #tpu.memory_space<vmem>>) semaphore(%run_scoped3A : memref<!tpu.dma_semaphore, #tpu.memory_space<semaphore_mem>>) {add = true}
        %dma_wait3A_225 = arith.constant 0 : i32
        %dma_wait3A_226 = tpu.memref_slice %arg10[%add3A_135, %dma_wait3A_225] : memref<32x64xi32, #tpu.memory_space<vmem>> -> memref<1x64xi32, #tpu.memory_space<vmem>>
        %dma_wait3A_227 = tpu.memref_squeeze %dma_wait3A_226 : memref<1x64xi32, #tpu.memory_space<vmem>> -> memref<64xi32, #tpu.memory_space<vmem>>
        %dma_wait3A_228 = arith.constant 0 : i32
        %dma_wait3A_229 = arith.constant 0 : i32
        %dma_wait3A_230 = tpu.memref_slice %arg20[%dma_wait3A_228, %dma_wait3A_229] : memref<10112x128xf32, #tpu.memory_space<vmem_shared>> -> memref<10112x128xf32, #tpu.memory_space<vmem_shared>>
        tpu.wait_indirect_dma semaphore(%run_scoped3A : memref<!tpu.dma_semaphore, #tpu.memory_space<semaphore_mem>>) src(%arg11 : memref<64x128xf32, #tpu.memory_space<vmem>>) dst(%dma_wait3A_230 : memref<10112x128xf32, #tpu.memory_space<vmem_shared>>)
        tpu.yield
      }) : () -> ()
      %add3A_141 = arith.constant 4 : i32
      %add3A_142 = arith.addi %add3A_135, %add3A_141 : i32
      %lt3A = arith.constant 32 : i32
      %lt3A_143 = arith.cmpi slt, %add3A_142, %lt3A : i32
      %convert_element_type3A_144 = arith.extui %lt3A_143 : i1 to i32
      %cond3A_145 = arith.constant 0 : i32
      %cond3A_146 = arith.cmpi ne, %convert_element_type3A_144, %cond3A_145 : i32
      scf.if %cond3A_146 {
        %add3A_219 = arith.constant 4 : i32
        %add3A_220 = arith.addi %add3A_135, %add3A_219 : i32
        %dma_start3A_221 = arith.constant 0 : i32
        %dma_start3A_222 = tpu.memref_slice %arg8[%add3A_220, %dma_start3A_221] : memref<32x64xi32, #tpu.memory_space<vmem>> -> memref<1x64xi32, #tpu.memory_space<vmem>>
        %dma_start3A_223 = tpu.memref_squeeze %dma_start3A_222 : memref<1x64xi32, #tpu.memory_space<vmem>> -> memref<64xi32, #tpu.memory_space<vmem>>
        %dma_start3A_224 = arith.constant 0 : i32
        %dma_start3A_225 = arith.constant 0 : i32
        %dma_start3A_226 = tpu.memref_slice %arg2[%dma_start3A_224, %dma_start3A_225] : memref<10000x128xf32, #tpu.memory_space<hbm>> -> memref<10000x128xf32, #tpu.memory_space<hbm>>
        tpu.enqueue_indirect_dma source(%dma_start3A_226 : memref<10000x128xf32, #tpu.memory_space<hbm>>) target(%arg11 : memref<64x128xf32, #tpu.memory_space<vmem>>) offsets(%dma_start3A_223 : memref<64xi32, #tpu.memory_space<vmem>>) semaphore(%arg15 : memref<!tpu.dma_semaphore, #tpu.memory_space<semaphore_mem>>)
      } else {
      }
      %add3A_147 = arith.constant 4 : i32
      %add3A_148 = arith.addi %add3A_135, %add3A_147 : i32
      %ge3A = arith.constant 32 : i32
      %ge3A_149 = arith.cmpi sge, %add3A_148, %ge3A : i32
      %convert_element_type3A_150 = arith.extui %ge3A_149 : i1 to i32
      %cond3A_151 = arith.constant 0 : i32
      %cond3A_152 = arith.cmpi ne, %convert_element_type3A_150, %cond3A_151 : i32
      scf.if %cond3A_152 {
        %add3A_219 = arith.constant 4 : i32
        %add3A_220 = arith.addi %add3A_135, %add3A_219 : i32
        %sub3A = arith.constant 32 : i32
        %sub3A_221 = arith.subi %add3A_220, %sub3A : i32
        %dma_start3A_222 = arith.constant 0 : i32
        %dma_start3A_223 = tpu.memref_slice %arg7[%sub3A_221, %dma_start3A_222] : memref<32x64xi32, #tpu.memory_space<vmem>> -> memref<1x64xi32, #tpu.memory_space<vmem>>
        %dma_start3A_224 = tpu.memref_squeeze %dma_start3A_223 : memref<1x64xi32, #tpu.memory_space<vmem>> -> memref<64xi32, #tpu.memory_space<vmem>>
        %dma_start3A_225 = arith.constant 0 : i32
        %dma_start3A_226 = arith.constant 0 : i32
        %dma_start3A_227 = tpu.memref_slice %arg2[%dma_start3A_225, %dma_start3A_226] : memref<10000x128xf32, #tpu.memory_space<hbm>> -> memref<10000x128xf32, #tpu.memory_space<hbm>>
        tpu.enqueue_indirect_dma source(%dma_start3A_227 : memref<10000x128xf32, #tpu.memory_space<hbm>>) target(%arg11 : memref<64x128xf32, #tpu.memory_space<vmem>>) offsets(%dma_start3A_224 : memref<64xi32, #tpu.memory_space<vmem>>) semaphore(%arg15 : memref<!tpu.dma_semaphore, #tpu.memory_space<semaphore_mem>>)
      } else {
      }
      %add3A_153 = arith.constant 1 : i32
      %add3A_154 = arith.addi %add3A_131, %add3A_153 : i32
      %dma_wait3A_155 = arith.constant 0 : i32
      %dma_wait3A_156 = tpu.memref_slice %arg8[%add3A_154, %dma_wait3A_155] : memref<32x64xi32, #tpu.memory_space<vmem>> -> memref<1x64xi32, #tpu.memory_space<vmem>>
      %dma_wait3A_157 = tpu.memref_squeeze %dma_wait3A_156 : memref<1x64xi32, #tpu.memory_space<vmem>> -> memref<64xi32, #tpu.memory_space<vmem>>
      %dma_wait3A_158 = arith.constant 0 : i32
      %dma_wait3A_159 = arith.constant 0 : i32
      %dma_wait3A_160 = tpu.memref_slice %arg2[%dma_wait3A_158, %dma_wait3A_159] : memref<10000x128xf32, #tpu.memory_space<hbm>> -> memref<10000x128xf32, #tpu.memory_space<hbm>>
      tpu.wait_indirect_dma semaphore(%arg16 : memref<!tpu.dma_semaphore, #tpu.memory_space<semaphore_mem>>) src(%dma_wait3A_160 : memref<10000x128xf32, #tpu.memory_space<hbm>>) dst(%arg12 : memref<64x128xf32, #tpu.memory_space<vmem>>)
      "tpu.region"() ({
        %run_scoped3A = tpu.sem_alloc : memref<!tpu.dma_semaphore, #tpu.memory_space<semaphore_mem>>
        %dma_start3A_219 = arith.constant 0 : i32
        %dma_start3A_220 = tpu.memref_slice %arg10[%add3A_154, %dma_start3A_219] : memref<32x64xi32, #tpu.memory_space<vmem>> -> memref<1x64xi32, #tpu.memory_space<vmem>>
        %dma_start3A_221 = tpu.memref_squeeze %dma_start3A_220 : memref<1x64xi32, #tpu.memory_space<vmem>> -> memref<64xi32, #tpu.memory_space<vmem>>
        %dma_start3A_222 = arith.constant 0 : i32
        %dma_start3A_223 = arith.constant 0 : i32
        %dma_start3A_224 = tpu.memref_slice %arg20[%dma_start3A_222, %dma_start3A_223] : memref<10112x128xf32, #tpu.memory_space<vmem_shared>> -> memref<10112x128xf32, #tpu.memory_space<vmem_shared>>
        tpu.enqueue_indirect_dma source(%arg12 : memref<64x128xf32, #tpu.memory_space<vmem>>) target(%dma_start3A_224 : memref<10112x128xf32, #tpu.memory_space<vmem_shared>>) offsets(%dma_start3A_221 : memref<64xi32, #tpu.memory_space<vmem>>) semaphore(%run_scoped3A : memref<!tpu.dma_semaphore, #tpu.memory_space<semaphore_mem>>) {add = true}
        %dma_wait3A_225 = arith.constant 0 : i32
        %dma_wait3A_226 = tpu.memref_slice %arg10[%add3A_154, %dma_wait3A_225] : memref<32x64xi32, #tpu.memory_space<vmem>> -> memref<1x64xi32, #tpu.memory_space<vmem>>
        %dma_wait3A_227 = tpu.memref_squeeze %dma_wait3A_226 : memref<1x64xi32, #tpu.memory_space<vmem>> -> memref<64xi32, #tpu.memory_space<vmem>>
        %dma_wait3A_228 = arith.constant 0 : i32
        %dma_wait3A_229 = arith.constant 0 : i32
        %dma_wait3A_230 = tpu.memref_slice %arg20[%dma_wait3A_228, %dma_wait3A_229] : memref<10112x128xf32, #tpu.memory_space<vmem_shared>> -> memref<10112x128xf32, #tpu.memory_space<vmem_shared>>
        tpu.wait_indirect_dma semaphore(%run_scoped3A : memref<!tpu.dma_semaphore, #tpu.memory_space<semaphore_mem>>) src(%arg12 : memref<64x128xf32, #tpu.memory_space<vmem>>) dst(%dma_wait3A_230 : memref<10112x128xf32, #tpu.memory_space<vmem_shared>>)
        tpu.yield
      }) : () -> ()
      %add3A_161 = arith.constant 4 : i32
      %add3A_162 = arith.addi %add3A_154, %add3A_161 : i32
      %lt3A_163 = arith.constant 32 : i32
      %lt3A_164 = arith.cmpi slt, %add3A_162, %lt3A_163 : i32
      %convert_element_type3A_165 = arith.extui %lt3A_164 : i1 to i32
      %cond3A_166 = arith.constant 0 : i32
      %cond3A_167 = arith.cmpi ne, %convert_element_type3A_165, %cond3A_166 : i32
      scf.if %cond3A_167 {
        %add3A_219 = arith.constant 4 : i32
        %add3A_220 = arith.addi %add3A_154, %add3A_219 : i32
        %dma_start3A_221 = arith.constant 0 : i32
        %dma_start3A_222 = tpu.memref_slice %arg8[%add3A_220, %dma_start3A_221] : memref<32x64xi32, #tpu.memory_space<vmem>> -> memref<1x64xi32, #tpu.memory_space<vmem>>
        %dma_start3A_223 = tpu.memref_squeeze %dma_start3A_222 : memref<1x64xi32, #tpu.memory_space<vmem>> -> memref<64xi32, #tpu.memory_space<vmem>>
        %dma_start3A_224 = arith.constant 0 : i32
        %dma_start3A_225 = arith.constant 0 : i32
        %dma_start3A_226 = tpu.memref_slice %arg2[%dma_start3A_224, %dma_start3A_225] : memref<10000x128xf32, #tpu.memory_space<hbm>> -> memref<10000x128xf32, #tpu.memory_space<hbm>>
        tpu.enqueue_indirect_dma source(%dma_start3A_226 : memref<10000x128xf32, #tpu.memory_space<hbm>>) target(%arg12 : memref<64x128xf32, #tpu.memory_space<vmem>>) offsets(%dma_start3A_223 : memref<64xi32, #tpu.memory_space<vmem>>) semaphore(%arg16 : memref<!tpu.dma_semaphore, #tpu.memory_space<semaphore_mem>>)
      } else {
      }
      %add3A_168 = arith.constant 4 : i32
      %add3A_169 = arith.addi %add3A_154, %add3A_168 : i32
      %ge3A_170 = arith.constant 32 : i32
      %ge3A_171 = arith.cmpi sge, %add3A_169, %ge3A_170 : i32
      %convert_element_type3A_172 = arith.extui %ge3A_171 : i1 to i32
      %cond3A_173 = arith.constant 0 : i32
      %cond3A_174 = arith.cmpi ne, %convert_element_type3A_172, %cond3A_173 : i32
      scf.if %cond3A_174 {
        %add3A_219 = arith.constant 4 : i32
        %add3A_220 = arith.addi %add3A_154, %add3A_219 : i32
        %sub3A = arith.constant 32 : i32
        %sub3A_221 = arith.subi %add3A_220, %sub3A : i32
        %dma_start3A_222 = arith.constant 0 : i32
        %dma_start3A_223 = tpu.memref_slice %arg7[%sub3A_221, %dma_start3A_222] : memref<32x64xi32, #tpu.memory_space<vmem>> -> memref<1x64xi32, #tpu.memory_space<vmem>>
        %dma_start3A_224 = tpu.memref_squeeze %dma_start3A_223 : memref<1x64xi32, #tpu.memory_space<vmem>> -> memref<64xi32, #tpu.memory_space<vmem>>
        %dma_start3A_225 = arith.constant 0 : i32
        %dma_start3A_226 = arith.constant 0 : i32
        %dma_start3A_227 = tpu.memref_slice %arg2[%dma_start3A_225, %dma_start3A_226] : memref<10000x128xf32, #tpu.memory_space<hbm>> -> memref<10000x128xf32, #tpu.memory_space<hbm>>
        tpu.enqueue_indirect_dma source(%dma_start3A_227 : memref<10000x128xf32, #tpu.memory_space<hbm>>) target(%arg12 : memref<64x128xf32, #tpu.memory_space<vmem>>) offsets(%dma_start3A_224 : memref<64xi32, #tpu.memory_space<vmem>>) semaphore(%arg16 : memref<!tpu.dma_semaphore, #tpu.memory_space<semaphore_mem>>)
      } else {
      }
      %add3A_175 = arith.constant 2 : i32
      %add3A_176 = arith.addi %add3A_131, %add3A_175 : i32
      %dma_wait3A_177 = arith.constant 0 : i32
      %dma_wait3A_178 = tpu.memref_slice %arg8[%add3A_176, %dma_wait3A_177] : memref<32x64xi32, #tpu.memory_space<vmem>> -> memref<1x64xi32, #tpu.memory_space<vmem>>
      %dma_wait3A_179 = tpu.memref_squeeze %dma_wait3A_178 : memref<1x64xi32, #tpu.memory_space<vmem>> -> memref<64xi32, #tpu.memory_space<vmem>>
      %dma_wait3A_180 = arith.constant 0 : i32
      %dma_wait3A_181 = arith.constant 0 : i32
      %dma_wait3A_182 = tpu.memref_slice %arg2[%dma_wait3A_180, %dma_wait3A_181] : memref<10000x128xf32, #tpu.memory_space<hbm>> -> memref<10000x128xf32, #tpu.memory_space<hbm>>
      tpu.wait_indirect_dma semaphore(%arg17 : memref<!tpu.dma_semaphore, #tpu.memory_space<semaphore_mem>>) src(%dma_wait3A_182 : memref<10000x128xf32, #tpu.memory_space<hbm>>) dst(%arg13 : memref<64x128xf32, #tpu.memory_space<vmem>>)
      "tpu.region"() ({
        %run_scoped3A = tpu.sem_alloc : memref<!tpu.dma_semaphore, #tpu.memory_space<semaphore_mem>>
        %dma_start3A_219 = arith.constant 0 : i32
        %dma_start3A_220 = tpu.memref_slice %arg10[%add3A_176, %dma_start3A_219] : memref<32x64xi32, #tpu.memory_space<vmem>> -> memref<1x64xi32, #tpu.memory_space<vmem>>
        %dma_start3A_221 = tpu.memref_squeeze %dma_start3A_220 : memref<1x64xi32, #tpu.memory_space<vmem>> -> memref<64xi32, #tpu.memory_space<vmem>>
        %dma_start3A_222 = arith.constant 0 : i32
        %dma_start3A_223 = arith.constant 0 : i32
        %dma_start3A_224 = tpu.memref_slice %arg20[%dma_start3A_222, %dma_start3A_223] : memref<10112x128xf32, #tpu.memory_space<vmem_shared>> -> memref<10112x128xf32, #tpu.memory_space<vmem_shared>>
        tpu.enqueue_indirect_dma source(%arg13 : memref<64x128xf32, #tpu.memory_space<vmem>>) target(%dma_start3A_224 : memref<10112x128xf32, #tpu.memory_space<vmem_shared>>) offsets(%dma_start3A_221 : memref<64xi32, #tpu.memory_space<vmem>>) semaphore(%run_scoped3A : memref<!tpu.dma_semaphore, #tpu.memory_space<semaphore_mem>>) {add = true}
        %dma_wait3A_225 = arith.constant 0 : i32
        %dma_wait3A_226 = tpu.memref_slice %arg10[%add3A_176, %dma_wait3A_225] : memref<32x64xi32, #tpu.memory_space<vmem>> -> memref<1x64xi32, #tpu.memory_space<vmem>>
        %dma_wait3A_227 = tpu.memref_squeeze %dma_wait3A_226 : memref<1x64xi32, #tpu.memory_space<vmem>> -> memref<64xi32, #tpu.memory_space<vmem>>
        %dma_wait3A_228 = arith.constant 0 : i32
        %dma_wait3A_229 = arith.constant 0 : i32
        %dma_wait3A_230 = tpu.memref_slice %arg20[%dma_wait3A_228, %dma_wait3A_229] : memref<10112x128xf32, #tpu.memory_space<vmem_shared>> -> memref<10112x128xf32, #tpu.memory_space<vmem_shared>>
        tpu.wait_indirect_dma semaphore(%run_scoped3A : memref<!tpu.dma_semaphore, #tpu.memory_space<semaphore_mem>>) src(%arg13 : memref<64x128xf32, #tpu.memory_space<vmem>>) dst(%dma_wait3A_230 : memref<10112x128xf32, #tpu.memory_space<vmem_shared>>)
        tpu.yield
      }) : () -> ()
      %add3A_183 = arith.constant 4 : i32
      %add3A_184 = arith.addi %add3A_176, %add3A_183 : i32
      %lt3A_185 = arith.constant 32 : i32
      %lt3A_186 = arith.cmpi slt, %add3A_184, %lt3A_185 : i32
      %convert_element_type3A_187 = arith.extui %lt3A_186 : i1 to i32
      %cond3A_188 = arith.constant 0 : i32
      %cond3A_189 = arith.cmpi ne, %convert_element_type3A_187, %cond3A_188 : i32
      scf.if %cond3A_189 {
        %add3A_219 = arith.constant 4 : i32
        %add3A_220 = arith.addi %add3A_176, %add3A_219 : i32
        %dma_start3A_221 = arith.constant 0 : i32
        %dma_start3A_222 = tpu.memref_slice %arg8[%add3A_220, %dma_start3A_221] : memref<32x64xi32, #tpu.memory_space<vmem>> -> memref<1x64xi32, #tpu.memory_space<vmem>>
        %dma_start3A_223 = tpu.memref_squeeze %dma_start3A_222 : memref<1x64xi32, #tpu.memory_space<vmem>> -> memref<64xi32, #tpu.memory_space<vmem>>
        %dma_start3A_224 = arith.constant 0 : i32
        %dma_start3A_225 = arith.constant 0 : i32
        %dma_start3A_226 = tpu.memref_slice %arg2[%dma_start3A_224, %dma_start3A_225] : memref<10000x128xf32, #tpu.memory_space<hbm>> -> memref<10000x128xf32, #tpu.memory_space<hbm>>
        tpu.enqueue_indirect_dma source(%dma_start3A_226 : memref<10000x128xf32, #tpu.memory_space<hbm>>) target(%arg13 : memref<64x128xf32, #tpu.memory_space<vmem>>) offsets(%dma_start3A_223 : memref<64xi32, #tpu.memory_space<vmem>>) semaphore(%arg17 : memref<!tpu.dma_semaphore, #tpu.memory_space<semaphore_mem>>)
      } else {
      }
      %add3A_190 = arith.constant 4 : i32
      %add3A_191 = arith.addi %add3A_176, %add3A_190 : i32
      %ge3A_192 = arith.constant 32 : i32
      %ge3A_193 = arith.cmpi sge, %add3A_191, %ge3A_192 : i32
      %convert_element_type3A_194 = arith.extui %ge3A_193 : i1 to i32
      %cond3A_195 = arith.constant 0 : i32
      %cond3A_196 = arith.cmpi ne, %convert_element_type3A_194, %cond3A_195 : i32
      scf.if %cond3A_196 {
        %add3A_219 = arith.constant 4 : i32
        %add3A_220 = arith.addi %add3A_176, %add3A_219 : i32
        %sub3A = arith.constant 32 : i32
        %sub3A_221 = arith.subi %add3A_220, %sub3A : i32
        %dma_start3A_222 = arith.constant 0 : i32
        %dma_start3A_223 = tpu.memref_slice %arg7[%sub3A_221, %dma_start3A_222] : memref<32x64xi32, #tpu.memory_space<vmem>> -> memref<1x64xi32, #tpu.memory_space<vmem>>
        %dma_start3A_224 = tpu.memref_squeeze %dma_start3A_223 : memref<1x64xi32, #tpu.memory_space<vmem>> -> memref<64xi32, #tpu.memory_space<vmem>>
        %dma_start3A_225 = arith.constant 0 : i32
        %dma_start3A_226 = arith.constant 0 : i32
        %dma_start3A_227 = tpu.memref_slice %arg2[%dma_start3A_225, %dma_start3A_226] : memref<10000x128xf32, #tpu.memory_space<hbm>> -> memref<10000x128xf32, #tpu.memory_space<hbm>>
        tpu.enqueue_indirect_dma source(%dma_start3A_227 : memref<10000x128xf32, #tpu.memory_space<hbm>>) target(%arg13 : memref<64x128xf32, #tpu.memory_space<vmem>>) offsets(%dma_start3A_224 : memref<64xi32, #tpu.memory_space<vmem>>) semaphore(%arg17 : memref<!tpu.dma_semaphore, #tpu.memory_space<semaphore_mem>>)
      } else {
      }
      %add3A_197 = arith.constant 3 : i32
      %add3A_198 = arith.addi %add3A_131, %add3A_197 : i32
      %dma_wait3A_199 = arith.constant 0 : i32
      %dma_wait3A_200 = tpu.memref_slice %arg8[%add3A_198, %dma_wait3A_199] : memref<32x64xi32, #tpu.memory_space<vmem>> -> memref<1x64xi32, #tpu.memory_space<vmem>>
      %dma_wait3A_201 = tpu.memref_squeeze %dma_wait3A_200 : memref<1x64xi32, #tpu.memory_space<vmem>> -> memref<64xi32, #tpu.memory_space<vmem>>
      %dma_wait3A_202 = arith.constant 0 : i32
      %dma_wait3A_203 = arith.constant 0 : i32
      %dma_wait3A_204 = tpu.memref_slice %arg2[%dma_wait3A_202, %dma_wait3A_203] : memref<10000x128xf32, #tpu.memory_space<hbm>> -> memref<10000x128xf32, #tpu.memory_space<hbm>>
      tpu.wait_indirect_dma semaphore(%arg18 : memref<!tpu.dma_semaphore, #tpu.memory_space<semaphore_mem>>) src(%dma_wait3A_204 : memref<10000x128xf32, #tpu.memory_space<hbm>>) dst(%arg14 : memref<64x128xf32, #tpu.memory_space<vmem>>)
      "tpu.region"() ({
        %run_scoped3A = tpu.sem_alloc : memref<!tpu.dma_semaphore, #tpu.memory_space<semaphore_mem>>
        %dma_start3A_219 = arith.constant 0 : i32
        %dma_start3A_220 = tpu.memref_slice %arg10[%add3A_198, %dma_start3A_219] : memref<32x64xi32, #tpu.memory_space<vmem>> -> memref<1x64xi32, #tpu.memory_space<vmem>>
        %dma_start3A_221 = tpu.memref_squeeze %dma_start3A_220 : memref<1x64xi32, #tpu.memory_space<vmem>> -> memref<64xi32, #tpu.memory_space<vmem>>
        %dma_start3A_222 = arith.constant 0 : i32
        %dma_start3A_223 = arith.constant 0 : i32
        %dma_start3A_224 = tpu.memref_slice %arg20[%dma_start3A_222, %dma_start3A_223] : memref<10112x128xf32, #tpu.memory_space<vmem_shared>> -> memref<10112x128xf32, #tpu.memory_space<vmem_shared>>
        tpu.enqueue_indirect_dma source(%arg14 : memref<64x128xf32, #tpu.memory_space<vmem>>) target(%dma_start3A_224 : memref<10112x128xf32, #tpu.memory_space<vmem_shared>>) offsets(%dma_start3A_221 : memref<64xi32, #tpu.memory_space<vmem>>) semaphore(%run_scoped3A : memref<!tpu.dma_semaphore, #tpu.memory_space<semaphore_mem>>) {add = true}
        %dma_wait3A_225 = arith.constant 0 : i32
        %dma_wait3A_226 = tpu.memref_slice %arg10[%add3A_198, %dma_wait3A_225] : memref<32x64xi32, #tpu.memory_space<vmem>> -> memref<1x64xi32, #tpu.memory_space<vmem>>
        %dma_wait3A_227 = tpu.memref_squeeze %dma_wait3A_226 : memref<1x64xi32, #tpu.memory_space<vmem>> -> memref<64xi32, #tpu.memory_space<vmem>>
        %dma_wait3A_228 = arith.constant 0 : i32
        %dma_wait3A_229 = arith.constant 0 : i32
        %dma_wait3A_230 = tpu.memref_slice %arg20[%dma_wait3A_228, %dma_wait3A_229] : memref<10112x128xf32, #tpu.memory_space<vmem_shared>> -> memref<10112x128xf32, #tpu.memory_space<vmem_shared>>
        tpu.wait_indirect_dma semaphore(%run_scoped3A : memref<!tpu.dma_semaphore, #tpu.memory_space<semaphore_mem>>) src(%arg14 : memref<64x128xf32, #tpu.memory_space<vmem>>) dst(%dma_wait3A_230 : memref<10112x128xf32, #tpu.memory_space<vmem_shared>>)
        tpu.yield
      }) : () -> ()
      %add3A_205 = arith.constant 4 : i32
      %add3A_206 = arith.addi %add3A_198, %add3A_205 : i32
      %lt3A_207 = arith.constant 32 : i32
      %lt3A_208 = arith.cmpi slt, %add3A_206, %lt3A_207 : i32
      %convert_element_type3A_209 = arith.extui %lt3A_208 : i1 to i32
      %cond3A_210 = arith.constant 0 : i32
      %cond3A_211 = arith.cmpi ne, %convert_element_type3A_209, %cond3A_210 : i32
      scf.if %cond3A_211 {
        %add3A_219 = arith.constant 4 : i32
        %add3A_220 = arith.addi %add3A_198, %add3A_219 : i32
        %dma_start3A_221 = arith.constant 0 : i32
        %dma_start3A_222 = tpu.memref_slice %arg8[%add3A_220, %dma_start3A_221] : memref<32x64xi32, #tpu.memory_space<vmem>> -> memref<1x64xi32, #tpu.memory_space<vmem>>
        %dma_start3A_223 = tpu.memref_squeeze %dma_start3A_222 : memref<1x64xi32, #tpu.memory_space<vmem>> -> memref<64xi32, #tpu.memory_space<vmem>>
        %dma_start3A_224 = arith.constant 0 : i32
        %dma_start3A_225 = arith.constant 0 : i32
        %dma_start3A_226 = tpu.memref_slice %arg2[%dma_start3A_224, %dma_start3A_225] : memref<10000x128xf32, #tpu.memory_space<hbm>> -> memref<10000x128xf32, #tpu.memory_space<hbm>>
        tpu.enqueue_indirect_dma source(%dma_start3A_226 : memref<10000x128xf32, #tpu.memory_space<hbm>>) target(%arg14 : memref<64x128xf32, #tpu.memory_space<vmem>>) offsets(%dma_start3A_223 : memref<64xi32, #tpu.memory_space<vmem>>) semaphore(%arg18 : memref<!tpu.dma_semaphore, #tpu.memory_space<semaphore_mem>>)
      } else {
      }
      %add3A_212 = arith.constant 4 : i32
      %add3A_213 = arith.addi %add3A_198, %add3A_212 : i32
      %ge3A_214 = arith.constant 32 : i32
      %ge3A_215 = arith.cmpi sge, %add3A_213, %ge3A_214 : i32
      %convert_element_type3A_216 = arith.extui %ge3A_215 : i1 to i32
      %cond3A_217 = arith.constant 0 : i32
      %cond3A_218 = arith.cmpi ne, %convert_element_type3A_216, %cond3A_217 : i32
      scf.if %cond3A_218 {
        %add3A_219 = arith.constant 4 : i32
        %add3A_220 = arith.addi %add3A_198, %add3A_219 : i32
        %sub3A = arith.constant 32 : i32
        %sub3A_221 = arith.subi %add3A_220, %sub3A : i32
        %dma_start3A_222 = arith.constant 0 : i32
        %dma_start3A_223 = tpu.memref_slice %arg7[%sub3A_221, %dma_start3A_222] : memref<32x64xi32, #tpu.memory_space<vmem>> -> memref<1x64xi32, #tpu.memory_space<vmem>>
        %dma_start3A_224 = tpu.memref_squeeze %dma_start3A_223 : memref<1x64xi32, #tpu.memory_space<vmem>> -> memref<64xi32, #tpu.memory_space<vmem>>
        %dma_start3A_225 = arith.constant 0 : i32
        %dma_start3A_226 = arith.constant 0 : i32
        %dma_start3A_227 = tpu.memref_slice %arg2[%dma_start3A_225, %dma_start3A_226] : memref<10000x128xf32, #tpu.memory_space<hbm>> -> memref<10000x128xf32, #tpu.memory_space<hbm>>
        tpu.enqueue_indirect_dma source(%dma_start3A_227 : memref<10000x128xf32, #tpu.memory_space<hbm>>) target(%arg14 : memref<64x128xf32, #tpu.memory_space<vmem>>) offsets(%dma_start3A_224 : memref<64xi32, #tpu.memory_space<vmem>>) semaphore(%arg18 : memref<!tpu.dma_semaphore, #tpu.memory_space<semaphore_mem>>)
      } else {
      }
    }
    %scan3A_78 = arith.constant 8 : i32
    %mul3A_79 = arith.constant 160 : i32
    %mul3A_80 = arith.muli %add3A, %mul3A_79 : i32
    %add3A_81 = arith.constant 96 : i32
    %add3A_82 = arith.addi %mul3A_80, %add3A_81 : i32
    %dma_start3A_83 = arith.constant 0 : i32
    %dma_start3A_84 = tpu.memref_slice %arg4[%add3A_82, %dma_start3A_83] : memref<5120x64xi32, #tpu.memory_space<hbm>> -> memref<32x64xi32, #tpu.memory_space<hbm>>
    %dma_start3A_85 = arith.constant 0 : i32
    %dma_start3A_86 = tpu.memref_slice %arg4[%add3A_82, %dma_start3A_85] : memref<5120x64xi32, #tpu.memory_space<hbm>> -> memref<32x64xi32, #tpu.memory_space<hbm>>
    tpu.enqueue_dma source(%dma_start3A_86 : memref<32x64xi32, #tpu.memory_space<hbm>>) target(%arg8 : memref<32x64xi32, #tpu.memory_space<vmem>>) target_semaphore(%arg19 : memref<!tpu.dma_semaphore, #tpu.memory_space<semaphore_mem>>)
    %mul3A_87 = arith.constant 160 : i32
    %mul3A_88 = arith.muli %add3A, %mul3A_87 : i32
    %add3A_89 = arith.constant 96 : i32
    %add3A_90 = arith.addi %mul3A_88, %add3A_89 : i32
    %dma_start3A_91 = arith.constant 0 : i32
    %dma_start3A_92 = tpu.memref_slice %arg5[%add3A_90, %dma_start3A_91] : memref<5120x64xi32, #tpu.memory_space<hbm>> -> memref<32x64xi32, #tpu.memory_space<hbm>>
    %dma_start3A_93 = arith.constant 0 : i32
    %dma_start3A_94 = tpu.memref_slice %arg5[%add3A_90, %dma_start3A_93] : memref<5120x64xi32, #tpu.memory_space<hbm>> -> memref<32x64xi32, #tpu.memory_space<hbm>>
    tpu.enqueue_dma source(%dma_start3A_94 : memref<32x64xi32, #tpu.memory_space<hbm>>) target(%arg10 : memref<32x64xi32, #tpu.memory_space<vmem>>) target_semaphore(%arg19 : memref<!tpu.dma_semaphore, #tpu.memory_space<semaphore_mem>>)
    %scan3A_95 = arith.constant 0 : i32
    %scan3A_96 = arith.constant 8 : i32
    %scan3A_97 = arith.addi %scan3A_95, %scan3A_96 : i32
    %scan3A_98 = arith.constant 1 : i32
    scf.for %scan3A_127 = %scan3A_95 to %scan3A_97 step %scan3A_98  : i32 {
      %mul3A_128 = arith.constant 4 : i32
      %mul3A_129 = arith.muli %scan3A_127, %mul3A_128 : i32
      %add3A_130 = arith.constant 0 : i32
      %add3A_131 = arith.addi %add3A_130, %mul3A_129 : i32
      %eq3A = arith.constant 28 : i32
      %eq3A_132 = arith.cmpi eq, %add3A_131, %eq3A : i32
      %convert_element_type3A = arith.extui %eq3A_132 : i1 to i32
      %cond3A = arith.constant 0 : i32
      %cond3A_133 = arith.cmpi ne, %convert_element_type3A, %cond3A : i32
      scf.if %cond3A_133 {
        %mul3A_219 = arith.constant 160 : i32
        %mul3A_220 = arith.muli %add3A, %mul3A_219 : i32
        %add3A_221 = arith.constant 96 : i32
        %add3A_222 = arith.addi %mul3A_220, %add3A_221 : i32
        %dma_wait3A_223 = arith.constant 0 : i32
        %dma_wait3A_224 = tpu.memref_slice %arg4[%add3A_222, %dma_wait3A_223] : memref<5120x64xi32, #tpu.memory_space<hbm>> -> memref<32x64xi32, #tpu.memory_space<hbm>>
        %dma_wait3A_225 = arith.constant 0 : i32
        %dma_wait3A_226 = tpu.memref_slice %arg4[%add3A_222, %dma_wait3A_225] : memref<5120x64xi32, #tpu.memory_space<hbm>> -> memref<32x64xi32, #tpu.memory_space<hbm>>
        tpu.wait_dma2 semaphore(%arg19 : memref<!tpu.dma_semaphore, #tpu.memory_space<semaphore_mem>>) src(%dma_wait3A_226 : memref<32x64xi32, #tpu.memory_space<hbm>>) dst(%arg8 : memref<32x64xi32, #tpu.memory_space<vmem>>)
        %mul3A_227 = arith.constant 160 : i32
        %mul3A_228 = arith.muli %add3A, %mul3A_227 : i32
        %add3A_229 = arith.constant 96 : i32
        %add3A_230 = arith.addi %mul3A_228, %add3A_229 : i32
        %dma_wait3A_231 = arith.constant 0 : i32
        %dma_wait3A_232 = tpu.memref_slice %arg5[%add3A_230, %dma_wait3A_231] : memref<5120x64xi32, #tpu.memory_space<hbm>> -> memref<32x64xi32, #tpu.memory_space<hbm>>
        %dma_wait3A_233 = arith.constant 0 : i32
        %dma_wait3A_234 = tpu.memref_slice %arg5[%add3A_230, %dma_wait3A_233] : memref<5120x64xi32, #tpu.memory_space<hbm>> -> memref<32x64xi32, #tpu.memory_space<hbm>>
        tpu.wait_dma2 semaphore(%arg19 : memref<!tpu.dma_semaphore, #tpu.memory_space<semaphore_mem>>) src(%dma_wait3A_234 : memref<32x64xi32, #tpu.memory_space<hbm>>) dst(%arg10 : memref<32x64xi32, #tpu.memory_space<vmem>>)
      } else {
      }
      %add3A_134 = arith.constant 0 : i32
      %add3A_135 = arith.addi %add3A_131, %add3A_134 : i32
      %dma_wait3A = arith.constant 0 : i32
      %dma_wait3A_136 = tpu.memref_slice %arg7[%add3A_135, %dma_wait3A] : memref<32x64xi32, #tpu.memory_space<vmem>> -> memref<1x64xi32, #tpu.memory_space<vmem>>
      %dma_wait3A_137 = tpu.memref_squeeze %dma_wait3A_136 : memref<1x64xi32, #tpu.memory_space<vmem>> -> memref<64xi32, #tpu.memory_space<vmem>>
      %dma_wait3A_138 = arith.constant 0 : i32
      %dma_wait3A_139 = arith.constant 0 : i32
      %dma_wait3A_140 = tpu.memref_slice %arg2[%dma_wait3A_138, %dma_wait3A_139] : memref<10000x128xf32, #tpu.memory_space<hbm>> -> memref<10000x128xf32, #tpu.memory_space<hbm>>
      tpu.wait_indirect_dma semaphore(%arg15 : memref<!tpu.dma_semaphore, #tpu.memory_space<semaphore_mem>>) src(%dma_wait3A_140 : memref<10000x128xf32, #tpu.memory_space<hbm>>) dst(%arg11 : memref<64x128xf32, #tpu.memory_space<vmem>>)
      "tpu.region"() ({
        %run_scoped3A = tpu.sem_alloc : memref<!tpu.dma_semaphore, #tpu.memory_space<semaphore_mem>>
        %dma_start3A_219 = arith.constant 0 : i32
        %dma_start3A_220 = tpu.memref_slice %arg9[%add3A_135, %dma_start3A_219] : memref<32x64xi32, #tpu.memory_space<vmem>> -> memref<1x64xi32, #tpu.memory_space<vmem>>
        %dma_start3A_221 = tpu.memref_squeeze %dma_start3A_220 : memref<1x64xi32, #tpu.memory_space<vmem>> -> memref<64xi32, #tpu.memory_space<vmem>>
        %dma_start3A_222 = arith.constant 0 : i32
        %dma_start3A_223 = arith.constant 0 : i32
        %dma_start3A_224 = tpu.memref_slice %arg20[%dma_start3A_222, %dma_start3A_223] : memref<10112x128xf32, #tpu.memory_space<vmem_shared>> -> memref<10112x128xf32, #tpu.memory_space<vmem_shared>>
        tpu.enqueue_indirect_dma source(%arg11 : memref<64x128xf32, #tpu.memory_space<vmem>>) target(%dma_start3A_224 : memref<10112x128xf32, #tpu.memory_space<vmem_shared>>) offsets(%dma_start3A_221 : memref<64xi32, #tpu.memory_space<vmem>>) semaphore(%run_scoped3A : memref<!tpu.dma_semaphore, #tpu.memory_space<semaphore_mem>>) {add = true}
        %dma_wait3A_225 = arith.constant 0 : i32
        %dma_wait3A_226 = tpu.memref_slice %arg9[%add3A_135, %dma_wait3A_225] : memref<32x64xi32, #tpu.memory_space<vmem>> -> memref<1x64xi32, #tpu.memory_space<vmem>>
        %dma_wait3A_227 = tpu.memref_squeeze %dma_wait3A_226 : memref<1x64xi32, #tpu.memory_space<vmem>> -> memref<64xi32, #tpu.memory_space<vmem>>
        %dma_wait3A_228 = arith.constant 0 : i32
        %dma_wait3A_229 = arith.constant 0 : i32
        %dma_wait3A_230 = tpu.memref_slice %arg20[%dma_wait3A_228, %dma_wait3A_229] : memref<10112x128xf32, #tpu.memory_space<vmem_shared>> -> memref<10112x128xf32, #tpu.memory_space<vmem_shared>>
        tpu.wait_indirect_dma semaphore(%run_scoped3A : memref<!tpu.dma_semaphore, #tpu.memory_space<semaphore_mem>>) src(%arg11 : memref<64x128xf32, #tpu.memory_space<vmem>>) dst(%dma_wait3A_230 : memref<10112x128xf32, #tpu.memory_space<vmem_shared>>)
        tpu.yield
      }) : () -> ()
      %add3A_141 = arith.constant 4 : i32
      %add3A_142 = arith.addi %add3A_135, %add3A_141 : i32
      %lt3A = arith.constant 32 : i32
      %lt3A_143 = arith.cmpi slt, %add3A_142, %lt3A : i32
      %convert_element_type3A_144 = arith.extui %lt3A_143 : i1 to i32
      %cond3A_145 = arith.constant 0 : i32
      %cond3A_146 = arith.cmpi ne, %convert_element_type3A_144, %cond3A_145 : i32
      scf.if %cond3A_146 {
        %add3A_219 = arith.constant 4 : i32
        %add3A_220 = arith.addi %add3A_135, %add3A_219 : i32
        %dma_start3A_221 = arith.constant 0 : i32
        %dma_start3A_222 = tpu.memref_slice %arg7[%add3A_220, %dma_start3A_221] : memref<32x64xi32, #tpu.memory_space<vmem>> -> memref<1x64xi32, #tpu.memory_space<vmem>>
        %dma_start3A_223 = tpu.memref_squeeze %dma_start3A_222 : memref<1x64xi32, #tpu.memory_space<vmem>> -> memref<64xi32, #tpu.memory_space<vmem>>
        %dma_start3A_224 = arith.constant 0 : i32
        %dma_start3A_225 = arith.constant 0 : i32
        %dma_start3A_226 = tpu.memref_slice %arg2[%dma_start3A_224, %dma_start3A_225] : memref<10000x128xf32, #tpu.memory_space<hbm>> -> memref<10000x128xf32, #tpu.memory_space<hbm>>
        tpu.enqueue_indirect_dma source(%dma_start3A_226 : memref<10000x128xf32, #tpu.memory_space<hbm>>) target(%arg11 : memref<64x128xf32, #tpu.memory_space<vmem>>) offsets(%dma_start3A_223 : memref<64xi32, #tpu.memory_space<vmem>>) semaphore(%arg15 : memref<!tpu.dma_semaphore, #tpu.memory_space<semaphore_mem>>)
      } else {
      }
      %add3A_147 = arith.constant 4 : i32
      %add3A_148 = arith.addi %add3A_135, %add3A_147 : i32
      %ge3A = arith.constant 32 : i32
      %ge3A_149 = arith.cmpi sge, %add3A_148, %ge3A : i32
      %convert_element_type3A_150 = arith.extui %ge3A_149 : i1 to i32
      %cond3A_151 = arith.constant 0 : i32
      %cond3A_152 = arith.cmpi ne, %convert_element_type3A_150, %cond3A_151 : i32
      scf.if %cond3A_152 {
        %add3A_219 = arith.constant 4 : i32
        %add3A_220 = arith.addi %add3A_135, %add3A_219 : i32
        %sub3A = arith.constant 32 : i32
        %sub3A_221 = arith.subi %add3A_220, %sub3A : i32
        %dma_start3A_222 = arith.constant 0 : i32
        %dma_start3A_223 = tpu.memref_slice %arg8[%sub3A_221, %dma_start3A_222] : memref<32x64xi32, #tpu.memory_space<vmem>> -> memref<1x64xi32, #tpu.memory_space<vmem>>
        %dma_start3A_224 = tpu.memref_squeeze %dma_start3A_223 : memref<1x64xi32, #tpu.memory_space<vmem>> -> memref<64xi32, #tpu.memory_space<vmem>>
        %dma_start3A_225 = arith.constant 0 : i32
        %dma_start3A_226 = arith.constant 0 : i32
        %dma_start3A_227 = tpu.memref_slice %arg2[%dma_start3A_225, %dma_start3A_226] : memref<10000x128xf32, #tpu.memory_space<hbm>> -> memref<10000x128xf32, #tpu.memory_space<hbm>>
        tpu.enqueue_indirect_dma source(%dma_start3A_227 : memref<10000x128xf32, #tpu.memory_space<hbm>>) target(%arg11 : memref<64x128xf32, #tpu.memory_space<vmem>>) offsets(%dma_start3A_224 : memref<64xi32, #tpu.memory_space<vmem>>) semaphore(%arg15 : memref<!tpu.dma_semaphore, #tpu.memory_space<semaphore_mem>>)
      } else {
      }
      %add3A_153 = arith.constant 1 : i32
      %add3A_154 = arith.addi %add3A_131, %add3A_153 : i32
      %dma_wait3A_155 = arith.constant 0 : i32
      %dma_wait3A_156 = tpu.memref_slice %arg7[%add3A_154, %dma_wait3A_155] : memref<32x64xi32, #tpu.memory_space<vmem>> -> memref<1x64xi32, #tpu.memory_space<vmem>>
      %dma_wait3A_157 = tpu.memref_squeeze %dma_wait3A_156 : memref<1x64xi32, #tpu.memory_space<vmem>> -> memref<64xi32, #tpu.memory_space<vmem>>
      %dma_wait3A_158 = arith.constant 0 : i32
      %dma_wait3A_159 = arith.constant 0 : i32
      %dma_wait3A_160 = tpu.memref_slice %arg2[%dma_wait3A_158, %dma_wait3A_159] : memref<10000x128xf32, #tpu.memory_space<hbm>> -> memref<10000x128xf32, #tpu.memory_space<hbm>>
      tpu.wait_indirect_dma semaphore(%arg16 : memref<!tpu.dma_semaphore, #tpu.memory_space<semaphore_mem>>) src(%dma_wait3A_160 : memref<10000x128xf32, #tpu.memory_space<hbm>>) dst(%arg12 : memref<64x128xf32, #tpu.memory_space<vmem>>)
      "tpu.region"() ({
        %run_scoped3A = tpu.sem_alloc : memref<!tpu.dma_semaphore, #tpu.memory_space<semaphore_mem>>
        %dma_start3A_219 = arith.constant 0 : i32
        %dma_start3A_220 = tpu.memref_slice %arg9[%add3A_154, %dma_start3A_219] : memref<32x64xi32, #tpu.memory_space<vmem>> -> memref<1x64xi32, #tpu.memory_space<vmem>>
        %dma_start3A_221 = tpu.memref_squeeze %dma_start3A_220 : memref<1x64xi32, #tpu.memory_space<vmem>> -> memref<64xi32, #tpu.memory_space<vmem>>
        %dma_start3A_222 = arith.constant 0 : i32
        %dma_start3A_223 = arith.constant 0 : i32
        %dma_start3A_224 = tpu.memref_slice %arg20[%dma_start3A_222, %dma_start3A_223] : memref<10112x128xf32, #tpu.memory_space<vmem_shared>> -> memref<10112x128xf32, #tpu.memory_space<vmem_shared>>
        tpu.enqueue_indirect_dma source(%arg12 : memref<64x128xf32, #tpu.memory_space<vmem>>) target(%dma_start3A_224 : memref<10112x128xf32, #tpu.memory_space<vmem_shared>>) offsets(%dma_start3A_221 : memref<64xi32, #tpu.memory_space<vmem>>) semaphore(%run_scoped3A : memref<!tpu.dma_semaphore, #tpu.memory_space<semaphore_mem>>) {add = true}
        %dma_wait3A_225 = arith.constant 0 : i32
        %dma_wait3A_226 = tpu.memref_slice %arg9[%add3A_154, %dma_wait3A_225] : memref<32x64xi32, #tpu.memory_space<vmem>> -> memref<1x64xi32, #tpu.memory_space<vmem>>
        %dma_wait3A_227 = tpu.memref_squeeze %dma_wait3A_226 : memref<1x64xi32, #tpu.memory_space<vmem>> -> memref<64xi32, #tpu.memory_space<vmem>>
        %dma_wait3A_228 = arith.constant 0 : i32
        %dma_wait3A_229 = arith.constant 0 : i32
        %dma_wait3A_230 = tpu.memref_slice %arg20[%dma_wait3A_228, %dma_wait3A_229] : memref<10112x128xf32, #tpu.memory_space<vmem_shared>> -> memref<10112x128xf32, #tpu.memory_space<vmem_shared>>
        tpu.wait_indirect_dma semaphore(%run_scoped3A : memref<!tpu.dma_semaphore, #tpu.memory_space<semaphore_mem>>) src(%arg12 : memref<64x128xf32, #tpu.memory_space<vmem>>) dst(%dma_wait3A_230 : memref<10112x128xf32, #tpu.memory_space<vmem_shared>>)
        tpu.yield
      }) : () -> ()
      %add3A_161 = arith.constant 4 : i32
      %add3A_162 = arith.addi %add3A_154, %add3A_161 : i32
      %lt3A_163 = arith.constant 32 : i32
      %lt3A_164 = arith.cmpi slt, %add3A_162, %lt3A_163 : i32
      %convert_element_type3A_165 = arith.extui %lt3A_164 : i1 to i32
      %cond3A_166 = arith.constant 0 : i32
      %cond3A_167 = arith.cmpi ne, %convert_element_type3A_165, %cond3A_166 : i32
      scf.if %cond3A_167 {
        %add3A_219 = arith.constant 4 : i32
        %add3A_220 = arith.addi %add3A_154, %add3A_219 : i32
        %dma_start3A_221 = arith.constant 0 : i32
        %dma_start3A_222 = tpu.memref_slice %arg7[%add3A_220, %dma_start3A_221] : memref<32x64xi32, #tpu.memory_space<vmem>> -> memref<1x64xi32, #tpu.memory_space<vmem>>
        %dma_start3A_223 = tpu.memref_squeeze %dma_start3A_222 : memref<1x64xi32, #tpu.memory_space<vmem>> -> memref<64xi32, #tpu.memory_space<vmem>>
        %dma_start3A_224 = arith.constant 0 : i32
        %dma_start3A_225 = arith.constant 0 : i32
        %dma_start3A_226 = tpu.memref_slice %arg2[%dma_start3A_224, %dma_start3A_225] : memref<10000x128xf32, #tpu.memory_space<hbm>> -> memref<10000x128xf32, #tpu.memory_space<hbm>>
        tpu.enqueue_indirect_dma source(%dma_start3A_226 : memref<10000x128xf32, #tpu.memory_space<hbm>>) target(%arg12 : memref<64x128xf32, #tpu.memory_space<vmem>>) offsets(%dma_start3A_223 : memref<64xi32, #tpu.memory_space<vmem>>) semaphore(%arg16 : memref<!tpu.dma_semaphore, #tpu.memory_space<semaphore_mem>>)
      } else {
      }
      %add3A_168 = arith.constant 4 : i32
      %add3A_169 = arith.addi %add3A_154, %add3A_168 : i32
      %ge3A_170 = arith.constant 32 : i32
      %ge3A_171 = arith.cmpi sge, %add3A_169, %ge3A_170 : i32
      %convert_element_type3A_172 = arith.extui %ge3A_171 : i1 to i32
      %cond3A_173 = arith.constant 0 : i32
      %cond3A_174 = arith.cmpi ne, %convert_element_type3A_172, %cond3A_173 : i32
      scf.if %cond3A_174 {
        %add3A_219 = arith.constant 4 : i32
        %add3A_220 = arith.addi %add3A_154, %add3A_219 : i32
        %sub3A = arith.constant 32 : i32
        %sub3A_221 = arith.subi %add3A_220, %sub3A : i32
        %dma_start3A_222 = arith.constant 0 : i32
        %dma_start3A_223 = tpu.memref_slice %arg8[%sub3A_221, %dma_start3A_222] : memref<32x64xi32, #tpu.memory_space<vmem>> -> memref<1x64xi32, #tpu.memory_space<vmem>>
        %dma_start3A_224 = tpu.memref_squeeze %dma_start3A_223 : memref<1x64xi32, #tpu.memory_space<vmem>> -> memref<64xi32, #tpu.memory_space<vmem>>
        %dma_start3A_225 = arith.constant 0 : i32
        %dma_start3A_226 = arith.constant 0 : i32
        %dma_start3A_227 = tpu.memref_slice %arg2[%dma_start3A_225, %dma_start3A_226] : memref<10000x128xf32, #tpu.memory_space<hbm>> -> memref<10000x128xf32, #tpu.memory_space<hbm>>
        tpu.enqueue_indirect_dma source(%dma_start3A_227 : memref<10000x128xf32, #tpu.memory_space<hbm>>) target(%arg12 : memref<64x128xf32, #tpu.memory_space<vmem>>) offsets(%dma_start3A_224 : memref<64xi32, #tpu.memory_space<vmem>>) semaphore(%arg16 : memref<!tpu.dma_semaphore, #tpu.memory_space<semaphore_mem>>)
      } else {
      }
      %add3A_175 = arith.constant 2 : i32
      %add3A_176 = arith.addi %add3A_131, %add3A_175 : i32
      %dma_wait3A_177 = arith.constant 0 : i32
      %dma_wait3A_178 = tpu.memref_slice %arg7[%add3A_176, %dma_wait3A_177] : memref<32x64xi32, #tpu.memory_space<vmem>> -> memref<1x64xi32, #tpu.memory_space<vmem>>
      %dma_wait3A_179 = tpu.memref_squeeze %dma_wait3A_178 : memref<1x64xi32, #tpu.memory_space<vmem>> -> memref<64xi32, #tpu.memory_space<vmem>>
      %dma_wait3A_180 = arith.constant 0 : i32
      %dma_wait3A_181 = arith.constant 0 : i32
      %dma_wait3A_182 = tpu.memref_slice %arg2[%dma_wait3A_180, %dma_wait3A_181] : memref<10000x128xf32, #tpu.memory_space<hbm>> -> memref<10000x128xf32, #tpu.memory_space<hbm>>
      tpu.wait_indirect_dma semaphore(%arg17 : memref<!tpu.dma_semaphore, #tpu.memory_space<semaphore_mem>>) src(%dma_wait3A_182 : memref<10000x128xf32, #tpu.memory_space<hbm>>) dst(%arg13 : memref<64x128xf32, #tpu.memory_space<vmem>>)
      "tpu.region"() ({
        %run_scoped3A = tpu.sem_alloc : memref<!tpu.dma_semaphore, #tpu.memory_space<semaphore_mem>>
        %dma_start3A_219 = arith.constant 0 : i32
        %dma_start3A_220 = tpu.memref_slice %arg9[%add3A_176, %dma_start3A_219] : memref<32x64xi32, #tpu.memory_space<vmem>> -> memref<1x64xi32, #tpu.memory_space<vmem>>
        %dma_start3A_221 = tpu.memref_squeeze %dma_start3A_220 : memref<1x64xi32, #tpu.memory_space<vmem>> -> memref<64xi32, #tpu.memory_space<vmem>>
        %dma_start3A_222 = arith.constant 0 : i32
        %dma_start3A_223 = arith.constant 0 : i32
        %dma_start3A_224 = tpu.memref_slice %arg20[%dma_start3A_222, %dma_start3A_223] : memref<10112x128xf32, #tpu.memory_space<vmem_shared>> -> memref<10112x128xf32, #tpu.memory_space<vmem_shared>>
        tpu.enqueue_indirect_dma source(%arg13 : memref<64x128xf32, #tpu.memory_space<vmem>>) target(%dma_start3A_224 : memref<10112x128xf32, #tpu.memory_space<vmem_shared>>) offsets(%dma_start3A_221 : memref<64xi32, #tpu.memory_space<vmem>>) semaphore(%run_scoped3A : memref<!tpu.dma_semaphore, #tpu.memory_space<semaphore_mem>>) {add = true}
        %dma_wait3A_225 = arith.constant 0 : i32
        %dma_wait3A_226 = tpu.memref_slice %arg9[%add3A_176, %dma_wait3A_225] : memref<32x64xi32, #tpu.memory_space<vmem>> -> memref<1x64xi32, #tpu.memory_space<vmem>>
        %dma_wait3A_227 = tpu.memref_squeeze %dma_wait3A_226 : memref<1x64xi32, #tpu.memory_space<vmem>> -> memref<64xi32, #tpu.memory_space<vmem>>
        %dma_wait3A_228 = arith.constant 0 : i32
        %dma_wait3A_229 = arith.constant 0 : i32
        %dma_wait3A_230 = tpu.memref_slice %arg20[%dma_wait3A_228, %dma_wait3A_229] : memref<10112x128xf32, #tpu.memory_space<vmem_shared>> -> memref<10112x128xf32, #tpu.memory_space<vmem_shared>>
        tpu.wait_indirect_dma semaphore(%run_scoped3A : memref<!tpu.dma_semaphore, #tpu.memory_space<semaphore_mem>>) src(%arg13 : memref<64x128xf32, #tpu.memory_space<vmem>>) dst(%dma_wait3A_230 : memref<10112x128xf32, #tpu.memory_space<vmem_shared>>)
        tpu.yield
      }) : () -> ()
      %add3A_183 = arith.constant 4 : i32
      %add3A_184 = arith.addi %add3A_176, %add3A_183 : i32
      %lt3A_185 = arith.constant 32 : i32
      %lt3A_186 = arith.cmpi slt, %add3A_184, %lt3A_185 : i32
      %convert_element_type3A_187 = arith.extui %lt3A_186 : i1 to i32
      %cond3A_188 = arith.constant 0 : i32
      %cond3A_189 = arith.cmpi ne, %convert_element_type3A_187, %cond3A_188 : i32
      scf.if %cond3A_189 {
        %add3A_219 = arith.constant 4 : i32
        %add3A_220 = arith.addi %add3A_176, %add3A_219 : i32
        %dma_start3A_221 = arith.constant 0 : i32
        %dma_start3A_222 = tpu.memref_slice %arg7[%add3A_220, %dma_start3A_221] : memref<32x64xi32, #tpu.memory_space<vmem>> -> memref<1x64xi32, #tpu.memory_space<vmem>>
        %dma_start3A_223 = tpu.memref_squeeze %dma_start3A_222 : memref<1x64xi32, #tpu.memory_space<vmem>> -> memref<64xi32, #tpu.memory_space<vmem>>
        %dma_start3A_224 = arith.constant 0 : i32
        %dma_start3A_225 = arith.constant 0 : i32
        %dma_start3A_226 = tpu.memref_slice %arg2[%dma_start3A_224, %dma_start3A_225] : memref<10000x128xf32, #tpu.memory_space<hbm>> -> memref<10000x128xf32, #tpu.memory_space<hbm>>
        tpu.enqueue_indirect_dma source(%dma_start3A_226 : memref<10000x128xf32, #tpu.memory_space<hbm>>) target(%arg13 : memref<64x128xf32, #tpu.memory_space<vmem>>) offsets(%dma_start3A_223 : memref<64xi32, #tpu.memory_space<vmem>>) semaphore(%arg17 : memref<!tpu.dma_semaphore, #tpu.memory_space<semaphore_mem>>)
      } else {
      }
      %add3A_190 = arith.constant 4 : i32
      %add3A_191 = arith.addi %add3A_176, %add3A_190 : i32
      %ge3A_192 = arith.constant 32 : i32
      %ge3A_193 = arith.cmpi sge, %add3A_191, %ge3A_192 : i32
      %convert_element_type3A_194 = arith.extui %ge3A_193 : i1 to i32
      %cond3A_195 = arith.constant 0 : i32
      %cond3A_196 = arith.cmpi ne, %convert_element_type3A_194, %cond3A_195 : i32
      scf.if %cond3A_196 {
        %add3A_219 = arith.constant 4 : i32
        %add3A_220 = arith.addi %add3A_176, %add3A_219 : i32
        %sub3A = arith.constant 32 : i32
        %sub3A_221 = arith.subi %add3A_220, %sub3A : i32
        %dma_start3A_222 = arith.constant 0 : i32
        %dma_start3A_223 = tpu.memref_slice %arg8[%sub3A_221, %dma_start3A_222] : memref<32x64xi32, #tpu.memory_space<vmem>> -> memref<1x64xi32, #tpu.memory_space<vmem>>
        %dma_start3A_224 = tpu.memref_squeeze %dma_start3A_223 : memref<1x64xi32, #tpu.memory_space<vmem>> -> memref<64xi32, #tpu.memory_space<vmem>>
        %dma_start3A_225 = arith.constant 0 : i32
        %dma_start3A_226 = arith.constant 0 : i32
        %dma_start3A_227 = tpu.memref_slice %arg2[%dma_start3A_225, %dma_start3A_226] : memref<10000x128xf32, #tpu.memory_space<hbm>> -> memref<10000x128xf32, #tpu.memory_space<hbm>>
        tpu.enqueue_indirect_dma source(%dma_start3A_227 : memref<10000x128xf32, #tpu.memory_space<hbm>>) target(%arg13 : memref<64x128xf32, #tpu.memory_space<vmem>>) offsets(%dma_start3A_224 : memref<64xi32, #tpu.memory_space<vmem>>) semaphore(%arg17 : memref<!tpu.dma_semaphore, #tpu.memory_space<semaphore_mem>>)
      } else {
      }
      %add3A_197 = arith.constant 3 : i32
      %add3A_198 = arith.addi %add3A_131, %add3A_197 : i32
      %dma_wait3A_199 = arith.constant 0 : i32
      %dma_wait3A_200 = tpu.memref_slice %arg7[%add3A_198, %dma_wait3A_199] : memref<32x64xi32, #tpu.memory_space<vmem>> -> memref<1x64xi32, #tpu.memory_space<vmem>>
      %dma_wait3A_201 = tpu.memref_squeeze %dma_wait3A_200 : memref<1x64xi32, #tpu.memory_space<vmem>> -> memref<64xi32, #tpu.memory_space<vmem>>
      %dma_wait3A_202 = arith.constant 0 : i32
      %dma_wait3A_203 = arith.constant 0 : i32
      %dma_wait3A_204 = tpu.memref_slice %arg2[%dma_wait3A_202, %dma_wait3A_203] : memref<10000x128xf32, #tpu.memory_space<hbm>> -> memref<10000x128xf32, #tpu.memory_space<hbm>>
      tpu.wait_indirect_dma semaphore(%arg18 : memref<!tpu.dma_semaphore, #tpu.memory_space<semaphore_mem>>) src(%dma_wait3A_204 : memref<10000x128xf32, #tpu.memory_space<hbm>>) dst(%arg14 : memref<64x128xf32, #tpu.memory_space<vmem>>)
      "tpu.region"() ({
        %run_scoped3A = tpu.sem_alloc : memref<!tpu.dma_semaphore, #tpu.memory_space<semaphore_mem>>
        %dma_start3A_219 = arith.constant 0 : i32
        %dma_start3A_220 = tpu.memref_slice %arg9[%add3A_198, %dma_start3A_219] : memref<32x64xi32, #tpu.memory_space<vmem>> -> memref<1x64xi32, #tpu.memory_space<vmem>>
        %dma_start3A_221 = tpu.memref_squeeze %dma_start3A_220 : memref<1x64xi32, #tpu.memory_space<vmem>> -> memref<64xi32, #tpu.memory_space<vmem>>
        %dma_start3A_222 = arith.constant 0 : i32
        %dma_start3A_223 = arith.constant 0 : i32
        %dma_start3A_224 = tpu.memref_slice %arg20[%dma_start3A_222, %dma_start3A_223] : memref<10112x128xf32, #tpu.memory_space<vmem_shared>> -> memref<10112x128xf32, #tpu.memory_space<vmem_shared>>
        tpu.enqueue_indirect_dma source(%arg14 : memref<64x128xf32, #tpu.memory_space<vmem>>) target(%dma_start3A_224 : memref<10112x128xf32, #tpu.memory_space<vmem_shared>>) offsets(%dma_start3A_221 : memref<64xi32, #tpu.memory_space<vmem>>) semaphore(%run_scoped3A : memref<!tpu.dma_semaphore, #tpu.memory_space<semaphore_mem>>) {add = true}
        %dma_wait3A_225 = arith.constant 0 : i32
        %dma_wait3A_226 = tpu.memref_slice %arg9[%add3A_198, %dma_wait3A_225] : memref<32x64xi32, #tpu.memory_space<vmem>> -> memref<1x64xi32, #tpu.memory_space<vmem>>
        %dma_wait3A_227 = tpu.memref_squeeze %dma_wait3A_226 : memref<1x64xi32, #tpu.memory_space<vmem>> -> memref<64xi32, #tpu.memory_space<vmem>>
        %dma_wait3A_228 = arith.constant 0 : i32
        %dma_wait3A_229 = arith.constant 0 : i32
        %dma_wait3A_230 = tpu.memref_slice %arg20[%dma_wait3A_228, %dma_wait3A_229] : memref<10112x128xf32, #tpu.memory_space<vmem_shared>> -> memref<10112x128xf32, #tpu.memory_space<vmem_shared>>
        tpu.wait_indirect_dma semaphore(%run_scoped3A : memref<!tpu.dma_semaphore, #tpu.memory_space<semaphore_mem>>) src(%arg14 : memref<64x128xf32, #tpu.memory_space<vmem>>) dst(%dma_wait3A_230 : memref<10112x128xf32, #tpu.memory_space<vmem_shared>>)
        tpu.yield
      }) : () -> ()
      %add3A_205 = arith.constant 4 : i32
      %add3A_206 = arith.addi %add3A_198, %add3A_205 : i32
      %lt3A_207 = arith.constant 32 : i32
      %lt3A_208 = arith.cmpi slt, %add3A_206, %lt3A_207 : i32
      %convert_element_type3A_209 = arith.extui %lt3A_208 : i1 to i32
      %cond3A_210 = arith.constant 0 : i32
      %cond3A_211 = arith.cmpi ne, %convert_element_type3A_209, %cond3A_210 : i32
      scf.if %cond3A_211 {
        %add3A_219 = arith.constant 4 : i32
        %add3A_220 = arith.addi %add3A_198, %add3A_219 : i32
        %dma_start3A_221 = arith.constant 0 : i32
        %dma_start3A_222 = tpu.memref_slice %arg7[%add3A_220, %dma_start3A_221] : memref<32x64xi32, #tpu.memory_space<vmem>> -> memref<1x64xi32, #tpu.memory_space<vmem>>
        %dma_start3A_223 = tpu.memref_squeeze %dma_start3A_222 : memref<1x64xi32, #tpu.memory_space<vmem>> -> memref<64xi32, #tpu.memory_space<vmem>>
        %dma_start3A_224 = arith.constant 0 : i32
        %dma_start3A_225 = arith.constant 0 : i32
        %dma_start3A_226 = tpu.memref_slice %arg2[%dma_start3A_224, %dma_start3A_225] : memref<10000x128xf32, #tpu.memory_space<hbm>> -> memref<10000x128xf32, #tpu.memory_space<hbm>>
        tpu.enqueue_indirect_dma source(%dma_start3A_226 : memref<10000x128xf32, #tpu.memory_space<hbm>>) target(%arg14 : memref<64x128xf32, #tpu.memory_space<vmem>>) offsets(%dma_start3A_223 : memref<64xi32, #tpu.memory_space<vmem>>) semaphore(%arg18 : memref<!tpu.dma_semaphore, #tpu.memory_space<semaphore_mem>>)
      } else {
      }
      %add3A_212 = arith.constant 4 : i32
      %add3A_213 = arith.addi %add3A_198, %add3A_212 : i32
      %ge3A_214 = arith.constant 32 : i32
      %ge3A_215 = arith.cmpi sge, %add3A_213, %ge3A_214 : i32
      %convert_element_type3A_216 = arith.extui %ge3A_215 : i1 to i32
      %cond3A_217 = arith.constant 0 : i32
      %cond3A_218 = arith.cmpi ne, %convert_element_type3A_216, %cond3A_217 : i32
      scf.if %cond3A_218 {
        %add3A_219 = arith.constant 4 : i32
        %add3A_220 = arith.addi %add3A_198, %add3A_219 : i32
        %sub3A = arith.constant 32 : i32
        %sub3A_221 = arith.subi %add3A_220, %sub3A : i32
        %dma_start3A_222 = arith.constant 0 : i32
        %dma_start3A_223 = tpu.memref_slice %arg8[%sub3A_221, %dma_start3A_222] : memref<32x64xi32, #tpu.memory_space<vmem>> -> memref<1x64xi32, #tpu.memory_space<vmem>>
        %dma_start3A_224 = tpu.memref_squeeze %dma_start3A_223 : memref<1x64xi32, #tpu.memory_space<vmem>> -> memref<64xi32, #tpu.memory_space<vmem>>
        %dma_start3A_225 = arith.constant 0 : i32
        %dma_start3A_226 = arith.constant 0 : i32
        %dma_start3A_227 = tpu.memref_slice %arg2[%dma_start3A_225, %dma_start3A_226] : memref<10000x128xf32, #tpu.memory_space<hbm>> -> memref<10000x128xf32, #tpu.memory_space<hbm>>
        tpu.enqueue_indirect_dma source(%dma_start3A_227 : memref<10000x128xf32, #tpu.memory_space<hbm>>) target(%arg14 : memref<64x128xf32, #tpu.memory_space<vmem>>) offsets(%dma_start3A_224 : memref<64xi32, #tpu.memory_space<vmem>>) semaphore(%arg18 : memref<!tpu.dma_semaphore, #tpu.memory_space<semaphore_mem>>)
      } else {
      }
    }
    %scan3A_99 = arith.constant 8 : i32
    %mul3A_100 = arith.constant 160 : i32
    %mul3A_101 = arith.muli %add3A, %mul3A_100 : i32
    %add3A_102 = arith.constant 128 : i32
    %add3A_103 = arith.addi %mul3A_101, %add3A_102 : i32
    %dma_start3A_104 = arith.constant 0 : i32
    %dma_start3A_105 = tpu.memref_slice %arg4[%add3A_103, %dma_start3A_104] : memref<5120x64xi32, #tpu.memory_space<hbm>> -> memref<32x64xi32, #tpu.memory_space<hbm>>
    %dma_start3A_106 = arith.constant 0 : i32
    %dma_start3A_107 = tpu.memref_slice %arg4[%add3A_103, %dma_start3A_106] : memref<5120x64xi32, #tpu.memory_space<hbm>> -> memref<32x64xi32, #tpu.memory_space<hbm>>
    tpu.enqueue_dma source(%dma_start3A_107 : memref<32x64xi32, #tpu.memory_space<hbm>>) target(%arg7 : memref<32x64xi32, #tpu.memory_space<vmem>>) target_semaphore(%arg19 : memref<!tpu.dma_semaphore, #tpu.memory_space<semaphore_mem>>)
    %mul3A_108 = arith.constant 160 : i32
    %mul3A_109 = arith.muli %add3A, %mul3A_108 : i32
    %add3A_110 = arith.constant 128 : i32
    %add3A_111 = arith.addi %mul3A_109, %add3A_110 : i32
    %dma_start3A_112 = arith.constant 0 : i32
    %dma_start3A_113 = tpu.memref_slice %arg5[%add3A_111, %dma_start3A_112] : memref<5120x64xi32, #tpu.memory_space<hbm>> -> memref<32x64xi32, #tpu.memory_space<hbm>>
    %dma_start3A_114 = arith.constant 0 : i32
    %dma_start3A_115 = tpu.memref_slice %arg5[%add3A_111, %dma_start3A_114] : memref<5120x64xi32, #tpu.memory_space<hbm>> -> memref<32x64xi32, #tpu.memory_space<hbm>>
    tpu.enqueue_dma source(%dma_start3A_115 : memref<32x64xi32, #tpu.memory_space<hbm>>) target(%arg9 : memref<32x64xi32, #tpu.memory_space<vmem>>) target_semaphore(%arg19 : memref<!tpu.dma_semaphore, #tpu.memory_space<semaphore_mem>>)
    %scan3A_116 = arith.constant 0 : i32
    %scan3A_117 = arith.constant 8 : i32
    %scan3A_118 = arith.addi %scan3A_116, %scan3A_117 : i32
    %scan3A_119 = arith.constant 1 : i32
    scf.for %scan3A_127 = %scan3A_116 to %scan3A_118 step %scan3A_119  : i32 {
      %mul3A_128 = arith.constant 4 : i32
      %mul3A_129 = arith.muli %scan3A_127, %mul3A_128 : i32
      %add3A_130 = arith.constant 0 : i32
      %add3A_131 = arith.addi %add3A_130, %mul3A_129 : i32
      %eq3A = arith.constant 28 : i32
      %eq3A_132 = arith.cmpi eq, %add3A_131, %eq3A : i32
      %convert_element_type3A = arith.extui %eq3A_132 : i1 to i32
      %cond3A = arith.constant 0 : i32
      %cond3A_133 = arith.cmpi ne, %convert_element_type3A, %cond3A : i32
      scf.if %cond3A_133 {
        %mul3A_219 = arith.constant 160 : i32
        %mul3A_220 = arith.muli %add3A, %mul3A_219 : i32
        %add3A_221 = arith.constant 128 : i32
        %add3A_222 = arith.addi %mul3A_220, %add3A_221 : i32
        %dma_wait3A_223 = arith.constant 0 : i32
        %dma_wait3A_224 = tpu.memref_slice %arg4[%add3A_222, %dma_wait3A_223] : memref<5120x64xi32, #tpu.memory_space<hbm>> -> memref<32x64xi32, #tpu.memory_space<hbm>>
        %dma_wait3A_225 = arith.constant 0 : i32
        %dma_wait3A_226 = tpu.memref_slice %arg4[%add3A_222, %dma_wait3A_225] : memref<5120x64xi32, #tpu.memory_space<hbm>> -> memref<32x64xi32, #tpu.memory_space<hbm>>
        tpu.wait_dma2 semaphore(%arg19 : memref<!tpu.dma_semaphore, #tpu.memory_space<semaphore_mem>>) src(%dma_wait3A_226 : memref<32x64xi32, #tpu.memory_space<hbm>>) dst(%arg7 : memref<32x64xi32, #tpu.memory_space<vmem>>)
        %mul3A_227 = arith.constant 160 : i32
        %mul3A_228 = arith.muli %add3A, %mul3A_227 : i32
        %add3A_229 = arith.constant 128 : i32
        %add3A_230 = arith.addi %mul3A_228, %add3A_229 : i32
        %dma_wait3A_231 = arith.constant 0 : i32
        %dma_wait3A_232 = tpu.memref_slice %arg5[%add3A_230, %dma_wait3A_231] : memref<5120x64xi32, #tpu.memory_space<hbm>> -> memref<32x64xi32, #tpu.memory_space<hbm>>
        %dma_wait3A_233 = arith.constant 0 : i32
        %dma_wait3A_234 = tpu.memref_slice %arg5[%add3A_230, %dma_wait3A_233] : memref<5120x64xi32, #tpu.memory_space<hbm>> -> memref<32x64xi32, #tpu.memory_space<hbm>>
        tpu.wait_dma2 semaphore(%arg19 : memref<!tpu.dma_semaphore, #tpu.memory_space<semaphore_mem>>) src(%dma_wait3A_234 : memref<32x64xi32, #tpu.memory_space<hbm>>) dst(%arg9 : memref<32x64xi32, #tpu.memory_space<vmem>>)
      } else {
      }
      %add3A_134 = arith.constant 0 : i32
      %add3A_135 = arith.addi %add3A_131, %add3A_134 : i32
      %dma_wait3A = arith.constant 0 : i32
      %dma_wait3A_136 = tpu.memref_slice %arg8[%add3A_135, %dma_wait3A] : memref<32x64xi32, #tpu.memory_space<vmem>> -> memref<1x64xi32, #tpu.memory_space<vmem>>
      %dma_wait3A_137 = tpu.memref_squeeze %dma_wait3A_136 : memref<1x64xi32, #tpu.memory_space<vmem>> -> memref<64xi32, #tpu.memory_space<vmem>>
      %dma_wait3A_138 = arith.constant 0 : i32
      %dma_wait3A_139 = arith.constant 0 : i32
      %dma_wait3A_140 = tpu.memref_slice %arg2[%dma_wait3A_138, %dma_wait3A_139] : memref<10000x128xf32, #tpu.memory_space<hbm>> -> memref<10000x128xf32, #tpu.memory_space<hbm>>
      tpu.wait_indirect_dma semaphore(%arg15 : memref<!tpu.dma_semaphore, #tpu.memory_space<semaphore_mem>>) src(%dma_wait3A_140 : memref<10000x128xf32, #tpu.memory_space<hbm>>) dst(%arg11 : memref<64x128xf32, #tpu.memory_space<vmem>>)
      "tpu.region"() ({
        %run_scoped3A = tpu.sem_alloc : memref<!tpu.dma_semaphore, #tpu.memory_space<semaphore_mem>>
        %dma_start3A_219 = arith.constant 0 : i32
        %dma_start3A_220 = tpu.memref_slice %arg10[%add3A_135, %dma_start3A_219] : memref<32x64xi32, #tpu.memory_space<vmem>> -> memref<1x64xi32, #tpu.memory_space<vmem>>
        %dma_start3A_221 = tpu.memref_squeeze %dma_start3A_220 : memref<1x64xi32, #tpu.memory_space<vmem>> -> memref<64xi32, #tpu.memory_space<vmem>>
        %dma_start3A_222 = arith.constant 0 : i32
        %dma_start3A_223 = arith.constant 0 : i32
        %dma_start3A_224 = tpu.memref_slice %arg20[%dma_start3A_222, %dma_start3A_223] : memref<10112x128xf32, #tpu.memory_space<vmem_shared>> -> memref<10112x128xf32, #tpu.memory_space<vmem_shared>>
        tpu.enqueue_indirect_dma source(%arg11 : memref<64x128xf32, #tpu.memory_space<vmem>>) target(%dma_start3A_224 : memref<10112x128xf32, #tpu.memory_space<vmem_shared>>) offsets(%dma_start3A_221 : memref<64xi32, #tpu.memory_space<vmem>>) semaphore(%run_scoped3A : memref<!tpu.dma_semaphore, #tpu.memory_space<semaphore_mem>>) {add = true}
        %dma_wait3A_225 = arith.constant 0 : i32
        %dma_wait3A_226 = tpu.memref_slice %arg10[%add3A_135, %dma_wait3A_225] : memref<32x64xi32, #tpu.memory_space<vmem>> -> memref<1x64xi32, #tpu.memory_space<vmem>>
        %dma_wait3A_227 = tpu.memref_squeeze %dma_wait3A_226 : memref<1x64xi32, #tpu.memory_space<vmem>> -> memref<64xi32, #tpu.memory_space<vmem>>
        %dma_wait3A_228 = arith.constant 0 : i32
        %dma_wait3A_229 = arith.constant 0 : i32
        %dma_wait3A_230 = tpu.memref_slice %arg20[%dma_wait3A_228, %dma_wait3A_229] : memref<10112x128xf32, #tpu.memory_space<vmem_shared>> -> memref<10112x128xf32, #tpu.memory_space<vmem_shared>>
        tpu.wait_indirect_dma semaphore(%run_scoped3A : memref<!tpu.dma_semaphore, #tpu.memory_space<semaphore_mem>>) src(%arg11 : memref<64x128xf32, #tpu.memory_space<vmem>>) dst(%dma_wait3A_230 : memref<10112x128xf32, #tpu.memory_space<vmem_shared>>)
        tpu.yield
      }) : () -> ()
      %add3A_141 = arith.constant 4 : i32
      %add3A_142 = arith.addi %add3A_135, %add3A_141 : i32
      %lt3A = arith.constant 32 : i32
      %lt3A_143 = arith.cmpi slt, %add3A_142, %lt3A : i32
      %convert_element_type3A_144 = arith.extui %lt3A_143 : i1 to i32
      %cond3A_145 = arith.constant 0 : i32
      %cond3A_146 = arith.cmpi ne, %convert_element_type3A_144, %cond3A_145 : i32
      scf.if %cond3A_146 {
        %add3A_219 = arith.constant 4 : i32
        %add3A_220 = arith.addi %add3A_135, %add3A_219 : i32
        %dma_start3A_221 = arith.constant 0 : i32
        %dma_start3A_222 = tpu.memref_slice %arg8[%add3A_220, %dma_start3A_221] : memref<32x64xi32, #tpu.memory_space<vmem>> -> memref<1x64xi32, #tpu.memory_space<vmem>>
        %dma_start3A_223 = tpu.memref_squeeze %dma_start3A_222 : memref<1x64xi32, #tpu.memory_space<vmem>> -> memref<64xi32, #tpu.memory_space<vmem>>
        %dma_start3A_224 = arith.constant 0 : i32
        %dma_start3A_225 = arith.constant 0 : i32
        %dma_start3A_226 = tpu.memref_slice %arg2[%dma_start3A_224, %dma_start3A_225] : memref<10000x128xf32, #tpu.memory_space<hbm>> -> memref<10000x128xf32, #tpu.memory_space<hbm>>
        tpu.enqueue_indirect_dma source(%dma_start3A_226 : memref<10000x128xf32, #tpu.memory_space<hbm>>) target(%arg11 : memref<64x128xf32, #tpu.memory_space<vmem>>) offsets(%dma_start3A_223 : memref<64xi32, #tpu.memory_space<vmem>>) semaphore(%arg15 : memref<!tpu.dma_semaphore, #tpu.memory_space<semaphore_mem>>)
      } else {
      }
      %add3A_147 = arith.constant 4 : i32
      %add3A_148 = arith.addi %add3A_135, %add3A_147 : i32
      %ge3A = arith.constant 32 : i32
      %ge3A_149 = arith.cmpi sge, %add3A_148, %ge3A : i32
      %convert_element_type3A_150 = arith.extui %ge3A_149 : i1 to i32
      %cond3A_151 = arith.constant 0 : i32
      %cond3A_152 = arith.cmpi ne, %convert_element_type3A_150, %cond3A_151 : i32
      scf.if %cond3A_152 {
        %add3A_219 = arith.constant 4 : i32
        %add3A_220 = arith.addi %add3A_135, %add3A_219 : i32
        %sub3A = arith.constant 32 : i32
        %sub3A_221 = arith.subi %add3A_220, %sub3A : i32
        %dma_start3A_222 = arith.constant 0 : i32
        %dma_start3A_223 = tpu.memref_slice %arg7[%sub3A_221, %dma_start3A_222] : memref<32x64xi32, #tpu.memory_space<vmem>> -> memref<1x64xi32, #tpu.memory_space<vmem>>
        %dma_start3A_224 = tpu.memref_squeeze %dma_start3A_223 : memref<1x64xi32, #tpu.memory_space<vmem>> -> memref<64xi32, #tpu.memory_space<vmem>>
        %dma_start3A_225 = arith.constant 0 : i32
        %dma_start3A_226 = arith.constant 0 : i32
        %dma_start3A_227 = tpu.memref_slice %arg2[%dma_start3A_225, %dma_start3A_226] : memref<10000x128xf32, #tpu.memory_space<hbm>> -> memref<10000x128xf32, #tpu.memory_space<hbm>>
        tpu.enqueue_indirect_dma source(%dma_start3A_227 : memref<10000x128xf32, #tpu.memory_space<hbm>>) target(%arg11 : memref<64x128xf32, #tpu.memory_space<vmem>>) offsets(%dma_start3A_224 : memref<64xi32, #tpu.memory_space<vmem>>) semaphore(%arg15 : memref<!tpu.dma_semaphore, #tpu.memory_space<semaphore_mem>>)
      } else {
      }
      %add3A_153 = arith.constant 1 : i32
      %add3A_154 = arith.addi %add3A_131, %add3A_153 : i32
      %dma_wait3A_155 = arith.constant 0 : i32
      %dma_wait3A_156 = tpu.memref_slice %arg8[%add3A_154, %dma_wait3A_155] : memref<32x64xi32, #tpu.memory_space<vmem>> -> memref<1x64xi32, #tpu.memory_space<vmem>>
      %dma_wait3A_157 = tpu.memref_squeeze %dma_wait3A_156 : memref<1x64xi32, #tpu.memory_space<vmem>> -> memref<64xi32, #tpu.memory_space<vmem>>
      %dma_wait3A_158 = arith.constant 0 : i32
      %dma_wait3A_159 = arith.constant 0 : i32
      %dma_wait3A_160 = tpu.memref_slice %arg2[%dma_wait3A_158, %dma_wait3A_159] : memref<10000x128xf32, #tpu.memory_space<hbm>> -> memref<10000x128xf32, #tpu.memory_space<hbm>>
      tpu.wait_indirect_dma semaphore(%arg16 : memref<!tpu.dma_semaphore, #tpu.memory_space<semaphore_mem>>) src(%dma_wait3A_160 : memref<10000x128xf32, #tpu.memory_space<hbm>>) dst(%arg12 : memref<64x128xf32, #tpu.memory_space<vmem>>)
      "tpu.region"() ({
        %run_scoped3A = tpu.sem_alloc : memref<!tpu.dma_semaphore, #tpu.memory_space<semaphore_mem>>
        %dma_start3A_219 = arith.constant 0 : i32
        %dma_start3A_220 = tpu.memref_slice %arg10[%add3A_154, %dma_start3A_219] : memref<32x64xi32, #tpu.memory_space<vmem>> -> memref<1x64xi32, #tpu.memory_space<vmem>>
        %dma_start3A_221 = tpu.memref_squeeze %dma_start3A_220 : memref<1x64xi32, #tpu.memory_space<vmem>> -> memref<64xi32, #tpu.memory_space<vmem>>
        %dma_start3A_222 = arith.constant 0 : i32
        %dma_start3A_223 = arith.constant 0 : i32
        %dma_start3A_224 = tpu.memref_slice %arg20[%dma_start3A_222, %dma_start3A_223] : memref<10112x128xf32, #tpu.memory_space<vmem_shared>> -> memref<10112x128xf32, #tpu.memory_space<vmem_shared>>
        tpu.enqueue_indirect_dma source(%arg12 : memref<64x128xf32, #tpu.memory_space<vmem>>) target(%dma_start3A_224 : memref<10112x128xf32, #tpu.memory_space<vmem_shared>>) offsets(%dma_start3A_221 : memref<64xi32, #tpu.memory_space<vmem>>) semaphore(%run_scoped3A : memref<!tpu.dma_semaphore, #tpu.memory_space<semaphore_mem>>) {add = true}
        %dma_wait3A_225 = arith.constant 0 : i32
        %dma_wait3A_226 = tpu.memref_slice %arg10[%add3A_154, %dma_wait3A_225] : memref<32x64xi32, #tpu.memory_space<vmem>> -> memref<1x64xi32, #tpu.memory_space<vmem>>
        %dma_wait3A_227 = tpu.memref_squeeze %dma_wait3A_226 : memref<1x64xi32, #tpu.memory_space<vmem>> -> memref<64xi32, #tpu.memory_space<vmem>>
        %dma_wait3A_228 = arith.constant 0 : i32
        %dma_wait3A_229 = arith.constant 0 : i32
        %dma_wait3A_230 = tpu.memref_slice %arg20[%dma_wait3A_228, %dma_wait3A_229] : memref<10112x128xf32, #tpu.memory_space<vmem_shared>> -> memref<10112x128xf32, #tpu.memory_space<vmem_shared>>
        tpu.wait_indirect_dma semaphore(%run_scoped3A : memref<!tpu.dma_semaphore, #tpu.memory_space<semaphore_mem>>) src(%arg12 : memref<64x128xf32, #tpu.memory_space<vmem>>) dst(%dma_wait3A_230 : memref<10112x128xf32, #tpu.memory_space<vmem_shared>>)
        tpu.yield
      }) : () -> ()
      %add3A_161 = arith.constant 4 : i32
      %add3A_162 = arith.addi %add3A_154, %add3A_161 : i32
      %lt3A_163 = arith.constant 32 : i32
      %lt3A_164 = arith.cmpi slt, %add3A_162, %lt3A_163 : i32
      %convert_element_type3A_165 = arith.extui %lt3A_164 : i1 to i32
      %cond3A_166 = arith.constant 0 : i32
      %cond3A_167 = arith.cmpi ne, %convert_element_type3A_165, %cond3A_166 : i32
      scf.if %cond3A_167 {
        %add3A_219 = arith.constant 4 : i32
        %add3A_220 = arith.addi %add3A_154, %add3A_219 : i32
        %dma_start3A_221 = arith.constant 0 : i32
        %dma_start3A_222 = tpu.memref_slice %arg8[%add3A_220, %dma_start3A_221] : memref<32x64xi32, #tpu.memory_space<vmem>> -> memref<1x64xi32, #tpu.memory_space<vmem>>
        %dma_start3A_223 = tpu.memref_squeeze %dma_start3A_222 : memref<1x64xi32, #tpu.memory_space<vmem>> -> memref<64xi32, #tpu.memory_space<vmem>>
        %dma_start3A_224 = arith.constant 0 : i32
        %dma_start3A_225 = arith.constant 0 : i32
        %dma_start3A_226 = tpu.memref_slice %arg2[%dma_start3A_224, %dma_start3A_225] : memref<10000x128xf32, #tpu.memory_space<hbm>> -> memref<10000x128xf32, #tpu.memory_space<hbm>>
        tpu.enqueue_indirect_dma source(%dma_start3A_226 : memref<10000x128xf32, #tpu.memory_space<hbm>>) target(%arg12 : memref<64x128xf32, #tpu.memory_space<vmem>>) offsets(%dma_start3A_223 : memref<64xi32, #tpu.memory_space<vmem>>) semaphore(%arg16 : memref<!tpu.dma_semaphore, #tpu.memory_space<semaphore_mem>>)
      } else {
      }
      %add3A_168 = arith.constant 4 : i32
      %add3A_169 = arith.addi %add3A_154, %add3A_168 : i32
      %ge3A_170 = arith.constant 32 : i32
      %ge3A_171 = arith.cmpi sge, %add3A_169, %ge3A_170 : i32
      %convert_element_type3A_172 = arith.extui %ge3A_171 : i1 to i32
      %cond3A_173 = arith.constant 0 : i32
      %cond3A_174 = arith.cmpi ne, %convert_element_type3A_172, %cond3A_173 : i32
      scf.if %cond3A_174 {
        %add3A_219 = arith.constant 4 : i32
        %add3A_220 = arith.addi %add3A_154, %add3A_219 : i32
        %sub3A = arith.constant 32 : i32
        %sub3A_221 = arith.subi %add3A_220, %sub3A : i32
        %dma_start3A_222 = arith.constant 0 : i32
        %dma_start3A_223 = tpu.memref_slice %arg7[%sub3A_221, %dma_start3A_222] : memref<32x64xi32, #tpu.memory_space<vmem>> -> memref<1x64xi32, #tpu.memory_space<vmem>>
        %dma_start3A_224 = tpu.memref_squeeze %dma_start3A_223 : memref<1x64xi32, #tpu.memory_space<vmem>> -> memref<64xi32, #tpu.memory_space<vmem>>
        %dma_start3A_225 = arith.constant 0 : i32
        %dma_start3A_226 = arith.constant 0 : i32
        %dma_start3A_227 = tpu.memref_slice %arg2[%dma_start3A_225, %dma_start3A_226] : memref<10000x128xf32, #tpu.memory_space<hbm>> -> memref<10000x128xf32, #tpu.memory_space<hbm>>
        tpu.enqueue_indirect_dma source(%dma_start3A_227 : memref<10000x128xf32, #tpu.memory_space<hbm>>) target(%arg12 : memref<64x128xf32, #tpu.memory_space<vmem>>) offsets(%dma_start3A_224 : memref<64xi32, #tpu.memory_space<vmem>>) semaphore(%arg16 : memref<!tpu.dma_semaphore, #tpu.memory_space<semaphore_mem>>)
      } else {
      }
      %add3A_175 = arith.constant 2 : i32
      %add3A_176 = arith.addi %add3A_131, %add3A_175 : i32
      %dma_wait3A_177 = arith.constant 0 : i32
      %dma_wait3A_178 = tpu.memref_slice %arg8[%add3A_176, %dma_wait3A_177] : memref<32x64xi32, #tpu.memory_space<vmem>> -> memref<1x64xi32, #tpu.memory_space<vmem>>
      %dma_wait3A_179 = tpu.memref_squeeze %dma_wait3A_178 : memref<1x64xi32, #tpu.memory_space<vmem>> -> memref<64xi32, #tpu.memory_space<vmem>>
      %dma_wait3A_180 = arith.constant 0 : i32
      %dma_wait3A_181 = arith.constant 0 : i32
      %dma_wait3A_182 = tpu.memref_slice %arg2[%dma_wait3A_180, %dma_wait3A_181] : memref<10000x128xf32, #tpu.memory_space<hbm>> -> memref<10000x128xf32, #tpu.memory_space<hbm>>
      tpu.wait_indirect_dma semaphore(%arg17 : memref<!tpu.dma_semaphore, #tpu.memory_space<semaphore_mem>>) src(%dma_wait3A_182 : memref<10000x128xf32, #tpu.memory_space<hbm>>) dst(%arg13 : memref<64x128xf32, #tpu.memory_space<vmem>>)
      "tpu.region"() ({
        %run_scoped3A = tpu.sem_alloc : memref<!tpu.dma_semaphore, #tpu.memory_space<semaphore_mem>>
        %dma_start3A_219 = arith.constant 0 : i32
        %dma_start3A_220 = tpu.memref_slice %arg10[%add3A_176, %dma_start3A_219] : memref<32x64xi32, #tpu.memory_space<vmem>> -> memref<1x64xi32, #tpu.memory_space<vmem>>
        %dma_start3A_221 = tpu.memref_squeeze %dma_start3A_220 : memref<1x64xi32, #tpu.memory_space<vmem>> -> memref<64xi32, #tpu.memory_space<vmem>>
        %dma_start3A_222 = arith.constant 0 : i32
        %dma_start3A_223 = arith.constant 0 : i32
        %dma_start3A_224 = tpu.memref_slice %arg20[%dma_start3A_222, %dma_start3A_223] : memref<10112x128xf32, #tpu.memory_space<vmem_shared>> -> memref<10112x128xf32, #tpu.memory_space<vmem_shared>>
        tpu.enqueue_indirect_dma source(%arg13 : memref<64x128xf32, #tpu.memory_space<vmem>>) target(%dma_start3A_224 : memref<10112x128xf32, #tpu.memory_space<vmem_shared>>) offsets(%dma_start3A_221 : memref<64xi32, #tpu.memory_space<vmem>>) semaphore(%run_scoped3A : memref<!tpu.dma_semaphore, #tpu.memory_space<semaphore_mem>>) {add = true}
        %dma_wait3A_225 = arith.constant 0 : i32
        %dma_wait3A_226 = tpu.memref_slice %arg10[%add3A_176, %dma_wait3A_225] : memref<32x64xi32, #tpu.memory_space<vmem>> -> memref<1x64xi32, #tpu.memory_space<vmem>>
        %dma_wait3A_227 = tpu.memref_squeeze %dma_wait3A_226 : memref<1x64xi32, #tpu.memory_space<vmem>> -> memref<64xi32, #tpu.memory_space<vmem>>
        %dma_wait3A_228 = arith.constant 0 : i32
        %dma_wait3A_229 = arith.constant 0 : i32
        %dma_wait3A_230 = tpu.memref_slice %arg20[%dma_wait3A_228, %dma_wait3A_229] : memref<10112x128xf32, #tpu.memory_space<vmem_shared>> -> memref<10112x128xf32, #tpu.memory_space<vmem_shared>>
        tpu.wait_indirect_dma semaphore(%run_scoped3A : memref<!tpu.dma_semaphore, #tpu.memory_space<semaphore_mem>>) src(%arg13 : memref<64x128xf32, #tpu.memory_space<vmem>>) dst(%dma_wait3A_230 : memref<10112x128xf32, #tpu.memory_space<vmem_shared>>)
        tpu.yield
      }) : () -> ()
      %add3A_183 = arith.constant 4 : i32
      %add3A_184 = arith.addi %add3A_176, %add3A_183 : i32
      %lt3A_185 = arith.constant 32 : i32
      %lt3A_186 = arith.cmpi slt, %add3A_184, %lt3A_185 : i32
      %convert_element_type3A_187 = arith.extui %lt3A_186 : i1 to i32
      %cond3A_188 = arith.constant 0 : i32
      %cond3A_189 = arith.cmpi ne, %convert_element_type3A_187, %cond3A_188 : i32
      scf.if %cond3A_189 {
        %add3A_219 = arith.constant 4 : i32
        %add3A_220 = arith.addi %add3A_176, %add3A_219 : i32
        %dma_start3A_221 = arith.constant 0 : i32
        %dma_start3A_222 = tpu.memref_slice %arg8[%add3A_220, %dma_start3A_221] : memref<32x64xi32, #tpu.memory_space<vmem>> -> memref<1x64xi32, #tpu.memory_space<vmem>>
        %dma_start3A_223 = tpu.memref_squeeze %dma_start3A_222 : memref<1x64xi32, #tpu.memory_space<vmem>> -> memref<64xi32, #tpu.memory_space<vmem>>
        %dma_start3A_224 = arith.constant 0 : i32
        %dma_start3A_225 = arith.constant 0 : i32
        %dma_start3A_226 = tpu.memref_slice %arg2[%dma_start3A_224, %dma_start3A_225] : memref<10000x128xf32, #tpu.memory_space<hbm>> -> memref<10000x128xf32, #tpu.memory_space<hbm>>
        tpu.enqueue_indirect_dma source(%dma_start3A_226 : memref<10000x128xf32, #tpu.memory_space<hbm>>) target(%arg13 : memref<64x128xf32, #tpu.memory_space<vmem>>) offsets(%dma_start3A_223 : memref<64xi32, #tpu.memory_space<vmem>>) semaphore(%arg17 : memref<!tpu.dma_semaphore, #tpu.memory_space<semaphore_mem>>)
      } else {
      }
      %add3A_190 = arith.constant 4 : i32
      %add3A_191 = arith.addi %add3A_176, %add3A_190 : i32
      %ge3A_192 = arith.constant 32 : i32
      %ge3A_193 = arith.cmpi sge, %add3A_191, %ge3A_192 : i32
      %convert_element_type3A_194 = arith.extui %ge3A_193 : i1 to i32
      %cond3A_195 = arith.constant 0 : i32
      %cond3A_196 = arith.cmpi ne, %convert_element_type3A_194, %cond3A_195 : i32
      scf.if %cond3A_196 {
        %add3A_219 = arith.constant 4 : i32
        %add3A_220 = arith.addi %add3A_176, %add3A_219 : i32
        %sub3A = arith.constant 32 : i32
        %sub3A_221 = arith.subi %add3A_220, %sub3A : i32
        %dma_start3A_222 = arith.constant 0 : i32
        %dma_start3A_223 = tpu.memref_slice %arg7[%sub3A_221, %dma_start3A_222] : memref<32x64xi32, #tpu.memory_space<vmem>> -> memref<1x64xi32, #tpu.memory_space<vmem>>
        %dma_start3A_224 = tpu.memref_squeeze %dma_start3A_223 : memref<1x64xi32, #tpu.memory_space<vmem>> -> memref<64xi32, #tpu.memory_space<vmem>>
        %dma_start3A_225 = arith.constant 0 : i32
        %dma_start3A_226 = arith.constant 0 : i32
        %dma_start3A_227 = tpu.memref_slice %arg2[%dma_start3A_225, %dma_start3A_226] : memref<10000x128xf32, #tpu.memory_space<hbm>> -> memref<10000x128xf32, #tpu.memory_space<hbm>>
        tpu.enqueue_indirect_dma source(%dma_start3A_227 : memref<10000x128xf32, #tpu.memory_space<hbm>>) target(%arg13 : memref<64x128xf32, #tpu.memory_space<vmem>>) offsets(%dma_start3A_224 : memref<64xi32, #tpu.memory_space<vmem>>) semaphore(%arg17 : memref<!tpu.dma_semaphore, #tpu.memory_space<semaphore_mem>>)
      } else {
      }
      %add3A_197 = arith.constant 3 : i32
      %add3A_198 = arith.addi %add3A_131, %add3A_197 : i32
      %dma_wait3A_199 = arith.constant 0 : i32
      %dma_wait3A_200 = tpu.memref_slice %arg8[%add3A_198, %dma_wait3A_199] : memref<32x64xi32, #tpu.memory_space<vmem>> -> memref<1x64xi32, #tpu.memory_space<vmem>>
      %dma_wait3A_201 = tpu.memref_squeeze %dma_wait3A_200 : memref<1x64xi32, #tpu.memory_space<vmem>> -> memref<64xi32, #tpu.memory_space<vmem>>
      %dma_wait3A_202 = arith.constant 0 : i32
      %dma_wait3A_203 = arith.constant 0 : i32
      %dma_wait3A_204 = tpu.memref_slice %arg2[%dma_wait3A_202, %dma_wait3A_203] : memref<10000x128xf32, #tpu.memory_space<hbm>> -> memref<10000x128xf32, #tpu.memory_space<hbm>>
      tpu.wait_indirect_dma semaphore(%arg18 : memref<!tpu.dma_semaphore, #tpu.memory_space<semaphore_mem>>) src(%dma_wait3A_204 : memref<10000x128xf32, #tpu.memory_space<hbm>>) dst(%arg14 : memref<64x128xf32, #tpu.memory_space<vmem>>)
      "tpu.region"() ({
        %run_scoped3A = tpu.sem_alloc : memref<!tpu.dma_semaphore, #tpu.memory_space<semaphore_mem>>
        %dma_start3A_219 = arith.constant 0 : i32
        %dma_start3A_220 = tpu.memref_slice %arg10[%add3A_198, %dma_start3A_219] : memref<32x64xi32, #tpu.memory_space<vmem>> -> memref<1x64xi32, #tpu.memory_space<vmem>>
        %dma_start3A_221 = tpu.memref_squeeze %dma_start3A_220 : memref<1x64xi32, #tpu.memory_space<vmem>> -> memref<64xi32, #tpu.memory_space<vmem>>
        %dma_start3A_222 = arith.constant 0 : i32
        %dma_start3A_223 = arith.constant 0 : i32
        %dma_start3A_224 = tpu.memref_slice %arg20[%dma_start3A_222, %dma_start3A_223] : memref<10112x128xf32, #tpu.memory_space<vmem_shared>> -> memref<10112x128xf32, #tpu.memory_space<vmem_shared>>
        tpu.enqueue_indirect_dma source(%arg14 : memref<64x128xf32, #tpu.memory_space<vmem>>) target(%dma_start3A_224 : memref<10112x128xf32, #tpu.memory_space<vmem_shared>>) offsets(%dma_start3A_221 : memref<64xi32, #tpu.memory_space<vmem>>) semaphore(%run_scoped3A : memref<!tpu.dma_semaphore, #tpu.memory_space<semaphore_mem>>) {add = true}
        %dma_wait3A_225 = arith.constant 0 : i32
        %dma_wait3A_226 = tpu.memref_slice %arg10[%add3A_198, %dma_wait3A_225] : memref<32x64xi32, #tpu.memory_space<vmem>> -> memref<1x64xi32, #tpu.memory_space<vmem>>
        %dma_wait3A_227 = tpu.memref_squeeze %dma_wait3A_226 : memref<1x64xi32, #tpu.memory_space<vmem>> -> memref<64xi32, #tpu.memory_space<vmem>>
        %dma_wait3A_228 = arith.constant 0 : i32
        %dma_wait3A_229 = arith.constant 0 : i32
        %dma_wait3A_230 = tpu.memref_slice %arg20[%dma_wait3A_228, %dma_wait3A_229] : memref<10112x128xf32, #tpu.memory_space<vmem_shared>> -> memref<10112x128xf32, #tpu.memory_space<vmem_shared>>
        tpu.wait_indirect_dma semaphore(%run_scoped3A : memref<!tpu.dma_semaphore, #tpu.memory_space<semaphore_mem>>) src(%arg14 : memref<64x128xf32, #tpu.memory_space<vmem>>) dst(%dma_wait3A_230 : memref<10112x128xf32, #tpu.memory_space<vmem_shared>>)
        tpu.yield
      }) : () -> ()
      %add3A_205 = arith.constant 4 : i32
      %add3A_206 = arith.addi %add3A_198, %add3A_205 : i32
      %lt3A_207 = arith.constant 32 : i32
      %lt3A_208 = arith.cmpi slt, %add3A_206, %lt3A_207 : i32
      %convert_element_type3A_209 = arith.extui %lt3A_208 : i1 to i32
      %cond3A_210 = arith.constant 0 : i32
      %cond3A_211 = arith.cmpi ne, %convert_element_type3A_209, %cond3A_210 : i32
      scf.if %cond3A_211 {
        %add3A_219 = arith.constant 4 : i32
        %add3A_220 = arith.addi %add3A_198, %add3A_219 : i32
        %dma_start3A_221 = arith.constant 0 : i32
        %dma_start3A_222 = tpu.memref_slice %arg8[%add3A_220, %dma_start3A_221] : memref<32x64xi32, #tpu.memory_space<vmem>> -> memref<1x64xi32, #tpu.memory_space<vmem>>
        %dma_start3A_223 = tpu.memref_squeeze %dma_start3A_222 : memref<1x64xi32, #tpu.memory_space<vmem>> -> memref<64xi32, #tpu.memory_space<vmem>>
        %dma_start3A_224 = arith.constant 0 : i32
        %dma_start3A_225 = arith.constant 0 : i32
        %dma_start3A_226 = tpu.memref_slice %arg2[%dma_start3A_224, %dma_start3A_225] : memref<10000x128xf32, #tpu.memory_space<hbm>> -> memref<10000x128xf32, #tpu.memory_space<hbm>>
        tpu.enqueue_indirect_dma source(%dma_start3A_226 : memref<10000x128xf32, #tpu.memory_space<hbm>>) target(%arg14 : memref<64x128xf32, #tpu.memory_space<vmem>>) offsets(%dma_start3A_223 : memref<64xi32, #tpu.memory_space<vmem>>) semaphore(%arg18 : memref<!tpu.dma_semaphore, #tpu.memory_space<semaphore_mem>>)
      } else {
      }
      %add3A_212 = arith.constant 4 : i32
      %add3A_213 = arith.addi %add3A_198, %add3A_212 : i32
      %ge3A_214 = arith.constant 32 : i32
      %ge3A_215 = arith.cmpi sge, %add3A_213, %ge3A_214 : i32
      %convert_element_type3A_216 = arith.extui %ge3A_215 : i1 to i32
      %cond3A_217 = arith.constant 0 : i32
      %cond3A_218 = arith.cmpi ne, %convert_element_type3A_216, %cond3A_217 : i32
      scf.if %cond3A_218 {
        %add3A_219 = arith.constant 4 : i32
        %add3A_220 = arith.addi %add3A_198, %add3A_219 : i32
        %sub3A = arith.constant 32 : i32
        %sub3A_221 = arith.subi %add3A_220, %sub3A : i32
        %dma_start3A_222 = arith.constant 0 : i32
        %dma_start3A_223 = tpu.memref_slice %arg7[%sub3A_221, %dma_start3A_222] : memref<32x64xi32, #tpu.memory_space<vmem>> -> memref<1x64xi32, #tpu.memory_space<vmem>>
        %dma_start3A_224 = tpu.memref_squeeze %dma_start3A_223 : memref<1x64xi32, #tpu.memory_space<vmem>> -> memref<64xi32, #tpu.memory_space<vmem>>
        %dma_start3A_225 = arith.constant 0 : i32
        %dma_start3A_226 = arith.constant 0 : i32
        %dma_start3A_227 = tpu.memref_slice %arg2[%dma_start3A_225, %dma_start3A_226] : memref<10000x128xf32, #tpu.memory_space<hbm>> -> memref<10000x128xf32, #tpu.memory_space<hbm>>
        tpu.enqueue_indirect_dma source(%dma_start3A_227 : memref<10000x128xf32, #tpu.memory_space<hbm>>) target(%arg14 : memref<64x128xf32, #tpu.memory_space<vmem>>) offsets(%dma_start3A_224 : memref<64xi32, #tpu.memory_space<vmem>>) semaphore(%arg18 : memref<!tpu.dma_semaphore, #tpu.memory_space<semaphore_mem>>)
      } else {
      }
    }
    %scan3A_120 = arith.constant 8 : i32
    %scan3A_121 = arith.constant 0 : i32
    %scan3A_122 = arith.constant 8 : i32
    %scan3A_123 = arith.addi %scan3A_121, %scan3A_122 : i32
    %scan3A_124 = arith.constant 1 : i32
    scf.for %scan3A_127 = %scan3A_121 to %scan3A_123 step %scan3A_124  : i32 {
      %mul3A_128 = arith.constant 4 : i32
      %mul3A_129 = arith.muli %scan3A_127, %mul3A_128 : i32
      %add3A_130 = arith.constant 0 : i32
      %add3A_131 = arith.addi %add3A_130, %mul3A_129 : i32
      %add3A_132 = arith.constant 0 : i32
      %add3A_133 = arith.addi %add3A_131, %add3A_132 : i32
      %dma_wait3A = arith.constant 0 : i32
      %dma_wait3A_134 = tpu.memref_slice %arg7[%add3A_133, %dma_wait3A] : memref<32x64xi32, #tpu.memory_space<vmem>> -> memref<1x64xi32, #tpu.memory_space<vmem>>
      %dma_wait3A_135 = tpu.memref_squeeze %dma_wait3A_134 : memref<1x64xi32, #tpu.memory_space<vmem>> -> memref<64xi32, #tpu.memory_space<vmem>>
      %dma_wait3A_136 = arith.constant 0 : i32
      %dma_wait3A_137 = arith.constant 0 : i32
      %dma_wait3A_138 = tpu.memref_slice %arg2[%dma_wait3A_136, %dma_wait3A_137] : memref<10000x128xf32, #tpu.memory_space<hbm>> -> memref<10000x128xf32, #tpu.memory_space<hbm>>
      tpu.wait_indirect_dma semaphore(%arg15 : memref<!tpu.dma_semaphore, #tpu.memory_space<semaphore_mem>>) src(%dma_wait3A_138 : memref<10000x128xf32, #tpu.memory_space<hbm>>) dst(%arg11 : memref<64x128xf32, #tpu.memory_space<vmem>>)
      "tpu.region"() ({
        %run_scoped3A = tpu.sem_alloc : memref<!tpu.dma_semaphore, #tpu.memory_space<semaphore_mem>>
        %dma_start3A_188 = arith.constant 0 : i32
        %dma_start3A_189 = tpu.memref_slice %arg9[%add3A_133, %dma_start3A_188] : memref<32x64xi32, #tpu.memory_space<vmem>> -> memref<1x64xi32, #tpu.memory_space<vmem>>
        %dma_start3A_190 = tpu.memref_squeeze %dma_start3A_189 : memref<1x64xi32, #tpu.memory_space<vmem>> -> memref<64xi32, #tpu.memory_space<vmem>>
        %dma_start3A_191 = arith.constant 0 : i32
        %dma_start3A_192 = arith.constant 0 : i32
        %dma_start3A_193 = tpu.memref_slice %arg20[%dma_start3A_191, %dma_start3A_192] : memref<10112x128xf32, #tpu.memory_space<vmem_shared>> -> memref<10112x128xf32, #tpu.memory_space<vmem_shared>>
        tpu.enqueue_indirect_dma source(%arg11 : memref<64x128xf32, #tpu.memory_space<vmem>>) target(%dma_start3A_193 : memref<10112x128xf32, #tpu.memory_space<vmem_shared>>) offsets(%dma_start3A_190 : memref<64xi32, #tpu.memory_space<vmem>>) semaphore(%run_scoped3A : memref<!tpu.dma_semaphore, #tpu.memory_space<semaphore_mem>>) {add = true}
        %dma_wait3A_194 = arith.constant 0 : i32
        %dma_wait3A_195 = tpu.memref_slice %arg9[%add3A_133, %dma_wait3A_194] : memref<32x64xi32, #tpu.memory_space<vmem>> -> memref<1x64xi32, #tpu.memory_space<vmem>>
        %dma_wait3A_196 = tpu.memref_squeeze %dma_wait3A_195 : memref<1x64xi32, #tpu.memory_space<vmem>> -> memref<64xi32, #tpu.memory_space<vmem>>
        %dma_wait3A_197 = arith.constant 0 : i32
        %dma_wait3A_198 = arith.constant 0 : i32
        %dma_wait3A_199 = tpu.memref_slice %arg20[%dma_wait3A_197, %dma_wait3A_198] : memref<10112x128xf32, #tpu.memory_space<vmem_shared>> -> memref<10112x128xf32, #tpu.memory_space<vmem_shared>>
        tpu.wait_indirect_dma semaphore(%run_scoped3A : memref<!tpu.dma_semaphore, #tpu.memory_space<semaphore_mem>>) src(%arg11 : memref<64x128xf32, #tpu.memory_space<vmem>>) dst(%dma_wait3A_199 : memref<10112x128xf32, #tpu.memory_space<vmem_shared>>)
        tpu.yield
      }) : () -> ()
      %add3A_139 = arith.constant 4 : i32
      %add3A_140 = arith.addi %add3A_133, %add3A_139 : i32
      %lt3A = arith.constant 32 : i32
      %lt3A_141 = arith.cmpi slt, %add3A_140, %lt3A : i32
      %convert_element_type3A = arith.extui %lt3A_141 : i1 to i32
      %cond3A = arith.constant 0 : i32
      %cond3A_142 = arith.cmpi ne, %convert_element_type3A, %cond3A : i32
      scf.if %cond3A_142 {
        %add3A_188 = arith.constant 4 : i32
        %add3A_189 = arith.addi %add3A_133, %add3A_188 : i32
        %dma_start3A_190 = arith.constant 0 : i32
        %dma_start3A_191 = tpu.memref_slice %arg7[%add3A_189, %dma_start3A_190] : memref<32x64xi32, #tpu.memory_space<vmem>> -> memref<1x64xi32, #tpu.memory_space<vmem>>
        %dma_start3A_192 = tpu.memref_squeeze %dma_start3A_191 : memref<1x64xi32, #tpu.memory_space<vmem>> -> memref<64xi32, #tpu.memory_space<vmem>>
        %dma_start3A_193 = arith.constant 0 : i32
        %dma_start3A_194 = arith.constant 0 : i32
        %dma_start3A_195 = tpu.memref_slice %arg2[%dma_start3A_193, %dma_start3A_194] : memref<10000x128xf32, #tpu.memory_space<hbm>> -> memref<10000x128xf32, #tpu.memory_space<hbm>>
        tpu.enqueue_indirect_dma source(%dma_start3A_195 : memref<10000x128xf32, #tpu.memory_space<hbm>>) target(%arg11 : memref<64x128xf32, #tpu.memory_space<vmem>>) offsets(%dma_start3A_192 : memref<64xi32, #tpu.memory_space<vmem>>) semaphore(%arg15 : memref<!tpu.dma_semaphore, #tpu.memory_space<semaphore_mem>>)
      } else {
      }
      %add3A_143 = arith.constant 1 : i32
      %add3A_144 = arith.addi %add3A_131, %add3A_143 : i32
      %dma_wait3A_145 = arith.constant 0 : i32
      %dma_wait3A_146 = tpu.memref_slice %arg7[%add3A_144, %dma_wait3A_145] : memref<32x64xi32, #tpu.memory_space<vmem>> -> memref<1x64xi32, #tpu.memory_space<vmem>>
      %dma_wait3A_147 = tpu.memref_squeeze %dma_wait3A_146 : memref<1x64xi32, #tpu.memory_space<vmem>> -> memref<64xi32, #tpu.memory_space<vmem>>
      %dma_wait3A_148 = arith.constant 0 : i32
      %dma_wait3A_149 = arith.constant 0 : i32
      %dma_wait3A_150 = tpu.memref_slice %arg2[%dma_wait3A_148, %dma_wait3A_149] : memref<10000x128xf32, #tpu.memory_space<hbm>> -> memref<10000x128xf32, #tpu.memory_space<hbm>>
      tpu.wait_indirect_dma semaphore(%arg16 : memref<!tpu.dma_semaphore, #tpu.memory_space<semaphore_mem>>) src(%dma_wait3A_150 : memref<10000x128xf32, #tpu.memory_space<hbm>>) dst(%arg12 : memref<64x128xf32, #tpu.memory_space<vmem>>)
      "tpu.region"() ({
        %run_scoped3A = tpu.sem_alloc : memref<!tpu.dma_semaphore, #tpu.memory_space<semaphore_mem>>
        %dma_start3A_188 = arith.constant 0 : i32
        %dma_start3A_189 = tpu.memref_slice %arg9[%add3A_144, %dma_start3A_188] : memref<32x64xi32, #tpu.memory_space<vmem>> -> memref<1x64xi32, #tpu.memory_space<vmem>>
        %dma_start3A_190 = tpu.memref_squeeze %dma_start3A_189 : memref<1x64xi32, #tpu.memory_space<vmem>> -> memref<64xi32, #tpu.memory_space<vmem>>
        %dma_start3A_191 = arith.constant 0 : i32
        %dma_start3A_192 = arith.constant 0 : i32
        %dma_start3A_193 = tpu.memref_slice %arg20[%dma_start3A_191, %dma_start3A_192] : memref<10112x128xf32, #tpu.memory_space<vmem_shared>> -> memref<10112x128xf32, #tpu.memory_space<vmem_shared>>
        tpu.enqueue_indirect_dma source(%arg12 : memref<64x128xf32, #tpu.memory_space<vmem>>) target(%dma_start3A_193 : memref<10112x128xf32, #tpu.memory_space<vmem_shared>>) offsets(%dma_start3A_190 : memref<64xi32, #tpu.memory_space<vmem>>) semaphore(%run_scoped3A : memref<!tpu.dma_semaphore, #tpu.memory_space<semaphore_mem>>) {add = true}
        %dma_wait3A_194 = arith.constant 0 : i32
        %dma_wait3A_195 = tpu.memref_slice %arg9[%add3A_144, %dma_wait3A_194] : memref<32x64xi32, #tpu.memory_space<vmem>> -> memref<1x64xi32, #tpu.memory_space<vmem>>
        %dma_wait3A_196 = tpu.memref_squeeze %dma_wait3A_195 : memref<1x64xi32, #tpu.memory_space<vmem>> -> memref<64xi32, #tpu.memory_space<vmem>>
        %dma_wait3A_197 = arith.constant 0 : i32
        %dma_wait3A_198 = arith.constant 0 : i32
        %dma_wait3A_199 = tpu.memref_slice %arg20[%dma_wait3A_197, %dma_wait3A_198] : memref<10112x128xf32, #tpu.memory_space<vmem_shared>> -> memref<10112x128xf32, #tpu.memory_space<vmem_shared>>
        tpu.wait_indirect_dma semaphore(%run_scoped3A : memref<!tpu.dma_semaphore, #tpu.memory_space<semaphore_mem>>) src(%arg12 : memref<64x128xf32, #tpu.memory_space<vmem>>) dst(%dma_wait3A_199 : memref<10112x128xf32, #tpu.memory_space<vmem_shared>>)
        tpu.yield
      }) : () -> ()
      %add3A_151 = arith.constant 4 : i32
      %add3A_152 = arith.addi %add3A_144, %add3A_151 : i32
      %lt3A_153 = arith.constant 32 : i32
      %lt3A_154 = arith.cmpi slt, %add3A_152, %lt3A_153 : i32
      %convert_element_type3A_155 = arith.extui %lt3A_154 : i1 to i32
      %cond3A_156 = arith.constant 0 : i32
      %cond3A_157 = arith.cmpi ne, %convert_element_type3A_155, %cond3A_156 : i32
      scf.if %cond3A_157 {
        %add3A_188 = arith.constant 4 : i32
        %add3A_189 = arith.addi %add3A_144, %add3A_188 : i32
        %dma_start3A_190 = arith.constant 0 : i32
        %dma_start3A_191 = tpu.memref_slice %arg7[%add3A_189, %dma_start3A_190] : memref<32x64xi32, #tpu.memory_space<vmem>> -> memref<1x64xi32, #tpu.memory_space<vmem>>
        %dma_start3A_192 = tpu.memref_squeeze %dma_start3A_191 : memref<1x64xi32, #tpu.memory_space<vmem>> -> memref<64xi32, #tpu.memory_space<vmem>>
        %dma_start3A_193 = arith.constant 0 : i32
        %dma_start3A_194 = arith.constant 0 : i32
        %dma_start3A_195 = tpu.memref_slice %arg2[%dma_start3A_193, %dma_start3A_194] : memref<10000x128xf32, #tpu.memory_space<hbm>> -> memref<10000x128xf32, #tpu.memory_space<hbm>>
        tpu.enqueue_indirect_dma source(%dma_start3A_195 : memref<10000x128xf32, #tpu.memory_space<hbm>>) target(%arg12 : memref<64x128xf32, #tpu.memory_space<vmem>>) offsets(%dma_start3A_192 : memref<64xi32, #tpu.memory_space<vmem>>) semaphore(%arg16 : memref<!tpu.dma_semaphore, #tpu.memory_space<semaphore_mem>>)
      } else {
      }
      %add3A_158 = arith.constant 2 : i32
      %add3A_159 = arith.addi %add3A_131, %add3A_158 : i32
      %dma_wait3A_160 = arith.constant 0 : i32
      %dma_wait3A_161 = tpu.memref_slice %arg7[%add3A_159, %dma_wait3A_160] : memref<32x64xi32, #tpu.memory_space<vmem>> -> memref<1x64xi32, #tpu.memory_space<vmem>>
      %dma_wait3A_162 = tpu.memref_squeeze %dma_wait3A_161 : memref<1x64xi32, #tpu.memory_space<vmem>> -> memref<64xi32, #tpu.memory_space<vmem>>
      %dma_wait3A_163 = arith.constant 0 : i32
      %dma_wait3A_164 = arith.constant 0 : i32
      %dma_wait3A_165 = tpu.memref_slice %arg2[%dma_wait3A_163, %dma_wait3A_164] : memref<10000x128xf32, #tpu.memory_space<hbm>> -> memref<10000x128xf32, #tpu.memory_space<hbm>>
      tpu.wait_indirect_dma semaphore(%arg17 : memref<!tpu.dma_semaphore, #tpu.memory_space<semaphore_mem>>) src(%dma_wait3A_165 : memref<10000x128xf32, #tpu.memory_space<hbm>>) dst(%arg13 : memref<64x128xf32, #tpu.memory_space<vmem>>)
      "tpu.region"() ({
        %run_scoped3A = tpu.sem_alloc : memref<!tpu.dma_semaphore, #tpu.memory_space<semaphore_mem>>
        %dma_start3A_188 = arith.constant 0 : i32
        %dma_start3A_189 = tpu.memref_slice %arg9[%add3A_159, %dma_start3A_188] : memref<32x64xi32, #tpu.memory_space<vmem>> -> memref<1x64xi32, #tpu.memory_space<vmem>>
        %dma_start3A_190 = tpu.memref_squeeze %dma_start3A_189 : memref<1x64xi32, #tpu.memory_space<vmem>> -> memref<64xi32, #tpu.memory_space<vmem>>
        %dma_start3A_191 = arith.constant 0 : i32
        %dma_start3A_192 = arith.constant 0 : i32
        %dma_start3A_193 = tpu.memref_slice %arg20[%dma_start3A_191, %dma_start3A_192] : memref<10112x128xf32, #tpu.memory_space<vmem_shared>> -> memref<10112x128xf32, #tpu.memory_space<vmem_shared>>
        tpu.enqueue_indirect_dma source(%arg13 : memref<64x128xf32, #tpu.memory_space<vmem>>) target(%dma_start3A_193 : memref<10112x128xf32, #tpu.memory_space<vmem_shared>>) offsets(%dma_start3A_190 : memref<64xi32, #tpu.memory_space<vmem>>) semaphore(%run_scoped3A : memref<!tpu.dma_semaphore, #tpu.memory_space<semaphore_mem>>) {add = true}
        %dma_wait3A_194 = arith.constant 0 : i32
        %dma_wait3A_195 = tpu.memref_slice %arg9[%add3A_159, %dma_wait3A_194] : memref<32x64xi32, #tpu.memory_space<vmem>> -> memref<1x64xi32, #tpu.memory_space<vmem>>
        %dma_wait3A_196 = tpu.memref_squeeze %dma_wait3A_195 : memref<1x64xi32, #tpu.memory_space<vmem>> -> memref<64xi32, #tpu.memory_space<vmem>>
        %dma_wait3A_197 = arith.constant 0 : i32
        %dma_wait3A_198 = arith.constant 0 : i32
        %dma_wait3A_199 = tpu.memref_slice %arg20[%dma_wait3A_197, %dma_wait3A_198] : memref<10112x128xf32, #tpu.memory_space<vmem_shared>> -> memref<10112x128xf32, #tpu.memory_space<vmem_shared>>
        tpu.wait_indirect_dma semaphore(%run_scoped3A : memref<!tpu.dma_semaphore, #tpu.memory_space<semaphore_mem>>) src(%arg13 : memref<64x128xf32, #tpu.memory_space<vmem>>) dst(%dma_wait3A_199 : memref<10112x128xf32, #tpu.memory_space<vmem_shared>>)
        tpu.yield
      }) : () -> ()
      %add3A_166 = arith.constant 4 : i32
      %add3A_167 = arith.addi %add3A_159, %add3A_166 : i32
      %lt3A_168 = arith.constant 32 : i32
      %lt3A_169 = arith.cmpi slt, %add3A_167, %lt3A_168 : i32
      %convert_element_type3A_170 = arith.extui %lt3A_169 : i1 to i32
      %cond3A_171 = arith.constant 0 : i32
      %cond3A_172 = arith.cmpi ne, %convert_element_type3A_170, %cond3A_171 : i32
      scf.if %cond3A_172 {
        %add3A_188 = arith.constant 4 : i32
        %add3A_189 = arith.addi %add3A_159, %add3A_188 : i32
        %dma_start3A_190 = arith.constant 0 : i32
        %dma_start3A_191 = tpu.memref_slice %arg7[%add3A_189, %dma_start3A_190] : memref<32x64xi32, #tpu.memory_space<vmem>> -> memref<1x64xi32, #tpu.memory_space<vmem>>
        %dma_start3A_192 = tpu.memref_squeeze %dma_start3A_191 : memref<1x64xi32, #tpu.memory_space<vmem>> -> memref<64xi32, #tpu.memory_space<vmem>>
        %dma_start3A_193 = arith.constant 0 : i32
        %dma_start3A_194 = arith.constant 0 : i32
        %dma_start3A_195 = tpu.memref_slice %arg2[%dma_start3A_193, %dma_start3A_194] : memref<10000x128xf32, #tpu.memory_space<hbm>> -> memref<10000x128xf32, #tpu.memory_space<hbm>>
        tpu.enqueue_indirect_dma source(%dma_start3A_195 : memref<10000x128xf32, #tpu.memory_space<hbm>>) target(%arg13 : memref<64x128xf32, #tpu.memory_space<vmem>>) offsets(%dma_start3A_192 : memref<64xi32, #tpu.memory_space<vmem>>) semaphore(%arg17 : memref<!tpu.dma_semaphore, #tpu.memory_space<semaphore_mem>>)
      } else {
      }
      %add3A_173 = arith.constant 3 : i32
      %add3A_174 = arith.addi %add3A_131, %add3A_173 : i32
      %dma_wait3A_175 = arith.constant 0 : i32
      %dma_wait3A_176 = tpu.memref_slice %arg7[%add3A_174, %dma_wait3A_175] : memref<32x64xi32, #tpu.memory_space<vmem>> -> memref<1x64xi32, #tpu.memory_space<vmem>>
      %dma_wait3A_177 = tpu.memref_squeeze %dma_wait3A_176 : memref<1x64xi32, #tpu.memory_space<vmem>> -> memref<64xi32, #tpu.memory_space<vmem>>
      %dma_wait3A_178 = arith.constant 0 : i32
      %dma_wait3A_179 = arith.constant 0 : i32
      %dma_wait3A_180 = tpu.memref_slice %arg2[%dma_wait3A_178, %dma_wait3A_179] : memref<10000x128xf32, #tpu.memory_space<hbm>> -> memref<10000x128xf32, #tpu.memory_space<hbm>>
      tpu.wait_indirect_dma semaphore(%arg18 : memref<!tpu.dma_semaphore, #tpu.memory_space<semaphore_mem>>) src(%dma_wait3A_180 : memref<10000x128xf32, #tpu.memory_space<hbm>>) dst(%arg14 : memref<64x128xf32, #tpu.memory_space<vmem>>)
      "tpu.region"() ({
        %run_scoped3A = tpu.sem_alloc : memref<!tpu.dma_semaphore, #tpu.memory_space<semaphore_mem>>
        %dma_start3A_188 = arith.constant 0 : i32
        %dma_start3A_189 = tpu.memref_slice %arg9[%add3A_174, %dma_start3A_188] : memref<32x64xi32, #tpu.memory_space<vmem>> -> memref<1x64xi32, #tpu.memory_space<vmem>>
        %dma_start3A_190 = tpu.memref_squeeze %dma_start3A_189 : memref<1x64xi32, #tpu.memory_space<vmem>> -> memref<64xi32, #tpu.memory_space<vmem>>
        %dma_start3A_191 = arith.constant 0 : i32
        %dma_start3A_192 = arith.constant 0 : i32
        %dma_start3A_193 = tpu.memref_slice %arg20[%dma_start3A_191, %dma_start3A_192] : memref<10112x128xf32, #tpu.memory_space<vmem_shared>> -> memref<10112x128xf32, #tpu.memory_space<vmem_shared>>
        tpu.enqueue_indirect_dma source(%arg14 : memref<64x128xf32, #tpu.memory_space<vmem>>) target(%dma_start3A_193 : memref<10112x128xf32, #tpu.memory_space<vmem_shared>>) offsets(%dma_start3A_190 : memref<64xi32, #tpu.memory_space<vmem>>) semaphore(%run_scoped3A : memref<!tpu.dma_semaphore, #tpu.memory_space<semaphore_mem>>) {add = true}
        %dma_wait3A_194 = arith.constant 0 : i32
        %dma_wait3A_195 = tpu.memref_slice %arg9[%add3A_174, %dma_wait3A_194] : memref<32x64xi32, #tpu.memory_space<vmem>> -> memref<1x64xi32, #tpu.memory_space<vmem>>
        %dma_wait3A_196 = tpu.memref_squeeze %dma_wait3A_195 : memref<1x64xi32, #tpu.memory_space<vmem>> -> memref<64xi32, #tpu.memory_space<vmem>>
        %dma_wait3A_197 = arith.constant 0 : i32
        %dma_wait3A_198 = arith.constant 0 : i32
        %dma_wait3A_199 = tpu.memref_slice %arg20[%dma_wait3A_197, %dma_wait3A_198] : memref<10112x128xf32, #tpu.memory_space<vmem_shared>> -> memref<10112x128xf32, #tpu.memory_space<vmem_shared>>
        tpu.wait_indirect_dma semaphore(%run_scoped3A : memref<!tpu.dma_semaphore, #tpu.memory_space<semaphore_mem>>) src(%arg14 : memref<64x128xf32, #tpu.memory_space<vmem>>) dst(%dma_wait3A_199 : memref<10112x128xf32, #tpu.memory_space<vmem_shared>>)
        tpu.yield
      }) : () -> ()
      %add3A_181 = arith.constant 4 : i32
      %add3A_182 = arith.addi %add3A_174, %add3A_181 : i32
      %lt3A_183 = arith.constant 32 : i32
      %lt3A_184 = arith.cmpi slt, %add3A_182, %lt3A_183 : i32
      %convert_element_type3A_185 = arith.extui %lt3A_184 : i1 to i32
      %cond3A_186 = arith.constant 0 : i32
      %cond3A_187 = arith.cmpi ne, %convert_element_type3A_185, %cond3A_186 : i32
      scf.if %cond3A_187 {
        %add3A_188 = arith.constant 4 : i32
        %add3A_189 = arith.addi %add3A_174, %add3A_188 : i32
        %dma_start3A_190 = arith.constant 0 : i32
        %dma_start3A_191 = tpu.memref_slice %arg7[%add3A_189, %dma_start3A_190] : memref<32x64xi32, #tpu.memory_space<vmem>> -> memref<1x64xi32, #tpu.memory_space<vmem>>
        %dma_start3A_192 = tpu.memref_squeeze %dma_start3A_191 : memref<1x64xi32, #tpu.memory_space<vmem>> -> memref<64xi32, #tpu.memory_space<vmem>>
        %dma_start3A_193 = arith.constant 0 : i32
        %dma_start3A_194 = arith.constant 0 : i32
        %dma_start3A_195 = tpu.memref_slice %arg2[%dma_start3A_193, %dma_start3A_194] : memref<10000x128xf32, #tpu.memory_space<hbm>> -> memref<10000x128xf32, #tpu.memory_space<hbm>>
        tpu.enqueue_indirect_dma source(%dma_start3A_195 : memref<10000x128xf32, #tpu.memory_space<hbm>>) target(%arg14 : memref<64x128xf32, #tpu.memory_space<vmem>>) offsets(%dma_start3A_192 : memref<64xi32, #tpu.memory_space<vmem>>) semaphore(%arg18 : memref<!tpu.dma_semaphore, #tpu.memory_space<semaphore_mem>>)
      } else {
      }
    }
    %scan3A_125 = arith.constant 8 : i32
    %barrier3A_126 = arith.constant 0 : index
    tpu.barrier barrier_id(%barrier3A_126)
    "tpu.region"() ({
      %run_scoped3A = tpu.sem_alloc : memref<!tpu.dma_semaphore, #tpu.memory_space<semaphore_mem>>
      %dma_start3A_127 = arith.constant 0 : i32
      %dma_start3A_128 = tpu.memref_slice %arg6[%arg0, %mul3A_2, %dma_start3A_127] : memref<2x10112x128xf32, #tpu.memory_space<hbm>> -> memref<1x632x128xf32, #tpu.memory_space<hbm>>
      %dma_start3A_129 = tpu.memref_squeeze %dma_start3A_128 : memref<1x632x128xf32, #tpu.memory_space<hbm>> -> memref<632x128xf32, #tpu.memory_space<hbm>>
      %dma_start3A_130 = arith.constant 0 : i32
      %dma_start3A_131 = tpu.memref_slice %arg20[%mul3A_2, %dma_start3A_130] : memref<10112x128xf32, #tpu.memory_space<vmem_shared>> -> memref<632x128xf32, #tpu.memory_space<vmem_shared>>
      tpu.enqueue_dma source(%dma_start3A_131 : memref<632x128xf32, #tpu.memory_space<vmem_shared>>) target(%dma_start3A_129 : memref<632x128xf32, #tpu.memory_space<hbm>>) target_semaphore(%run_scoped3A : memref<!tpu.dma_semaphore, #tpu.memory_space<semaphore_mem>>)
      %dma_wait3A = arith.constant 0 : i32
      %dma_wait3A_132 = tpu.memref_slice %arg6[%arg0, %mul3A_2, %dma_wait3A] : memref<2x10112x128xf32, #tpu.memory_space<hbm>> -> memref<1x632x128xf32, #tpu.memory_space<hbm>>
      %dma_wait3A_133 = tpu.memref_squeeze %dma_wait3A_132 : memref<1x632x128xf32, #tpu.memory_space<hbm>> -> memref<632x128xf32, #tpu.memory_space<hbm>>
      %dma_wait3A_134 = arith.constant 0 : i32
      %dma_wait3A_135 = tpu.memref_slice %arg20[%mul3A_2, %dma_wait3A_134] : memref<10112x128xf32, #tpu.memory_space<vmem_shared>> -> memref<632x128xf32, #tpu.memory_space<vmem_shared>>
      tpu.wait_dma2 semaphore(%run_scoped3A : memref<!tpu.dma_semaphore, #tpu.memory_space<semaphore_mem>>) src(%dma_wait3A_135 : memref<632x128xf32, #tpu.memory_space<vmem_shared>>) dst(%dma_wait3A_133 : memref<632x128xf32, #tpu.memory_space<hbm>>)
      tpu.yield
    }) : () -> ()
    return
  }
}

module attributes {stable_mosaic.version = 14 : i64} {
  func.func @_mlp_body(%arg0: i32, %arg1: memref<1000x128xf32, #tpu.memory_space<vmem>>, %arg2: memref<2x1000x128xf32, #tpu.memory_space<vmem>>, %arg3: memref<128x128xf32, #tpu.memory_space<vmem>>, %arg4: memref<1x128xf32, #tpu.memory_space<vmem>>, %arg5: memref<128x128xf32, #tpu.memory_space<vmem>>, %arg6: memref<1x128xf32, #tpu.memory_space<vmem>>, %arg7: memref<1000x128xf32, #tpu.memory_space<vmem>>) attributes {dimension_semantics = [#tpu.dimension_semantics<arbitrary>], iteration_bounds = array<i64: 10>, scalar_prefetch = 0 : i64, scratch_operands = 0 : i64, tpu.core_type = #tpu.core_type<tc>, window_params = [{transform_indices = @transform_0, window_bounds = array<i64: 1000, 128>}, {transform_indices = @transform_1, window_bounds = array<i64: 2, 1000, 128>}, {pipeline_mode = #tpu.pipeline_mode<synchronous>, transform_indices = @transform_2, window_bounds = array<i64: 128, 128>}, {pipeline_mode = #tpu.pipeline_mode<synchronous>, transform_indices = @transform_3, window_bounds = array<i64: 1, 128>}, {pipeline_mode = #tpu.pipeline_mode<synchronous>, transform_indices = @transform_4, window_bounds = array<i64: 128, 128>}, {pipeline_mode = #tpu.pipeline_mode<synchronous>, transform_indices = @transform_5, window_bounds = array<i64: 1, 128>}, {transform_indices = @transform_6, window_bounds = array<i64: 1000, 128>}]} {
    %get3A = arith.constant 0 : index
    %get3A_0 = arith.constant 0 : index
    %get3A_1 = vector.load %arg1[%get3A, %get3A_0] : memref<1000x128xf32, #tpu.memory_space<vmem>>, vector<1000x128xf32>
    %get3A_2 = arith.constant 0 : index
    %get3A_3 = arith.constant 0 : index
    %get3A_4 = arith.constant 0 : index
    %get3A_5 = vector.load %arg2[%get3A_2, %get3A_3, %get3A_4] : memref<2x1000x128xf32, #tpu.memory_space<vmem>>, vector<1x1000x128xf32>
    %get3A_6 = vector.shape_cast %get3A_5 : vector<1x1000x128xf32> to vector<1000x128xf32>
    %add3A = arith.addf %get3A_1, %get3A_6 : vector<1000x128xf32>
    %get3A_7 = arith.constant 1 : index
    %get3A_8 = arith.constant 0 : index
    %get3A_9 = arith.constant 0 : index
    %get3A_10 = vector.load %arg2[%get3A_7, %get3A_8, %get3A_9] : memref<2x1000x128xf32, #tpu.memory_space<vmem>>, vector<1x1000x128xf32>
    %get3A_11 = vector.shape_cast %get3A_10 : vector<1x1000x128xf32> to vector<1000x128xf32>
    %add3A_12 = arith.addf %add3A, %get3A_11 : vector<1000x128xf32>
    %get3A_13 = arith.constant 0 : index
    %get3A_14 = arith.constant 0 : index
    %get3A_15 = vector.load %arg3[%get3A_13, %get3A_14] : memref<128x128xf32, #tpu.memory_space<vmem>>, vector<128x128xf32>
    %dot_general3A = arith.constant dense<0.000000e+00> : vector<1000x128xf32>
    %dot_general3A_16 = tpu.matmul %add3A_12, %get3A_15, %dot_general3A {dimension_numbers = #tpu.dot_dimension_numbers<[1], [1], [0], [0], [0, 0, 1, 0], [], []>, transpose_lhs_hint = false} : vector<1000x128xf32>, vector<128x128xf32>, vector<1000x128xf32> -> vector<1000x128xf32>
    %get3A_17 = arith.constant 0 : index
    %get3A_18 = arith.constant 0 : index
    %get3A_19 = vector.load %arg4[%get3A_17, %get3A_18] : memref<1x128xf32, #tpu.memory_space<vmem>>, vector<1x128xf32>
    %add3A_20 = vector.broadcast %get3A_19 : vector<1x128xf32> to vector<1000x128xf32>
    %add3A_21 = arith.addf %dot_general3A_16, %add3A_20 : vector<1000x128xf32>
    %max3A = arith.constant 0.000000e+00 : f32
    %max3A_22 = vector.broadcast %max3A : f32 to vector<1000x128xf32>
    %max3A_23 = arith.maximumf %add3A_21, %max3A_22 : vector<1000x128xf32>
    %get3A_24 = arith.constant 0 : index
    %get3A_25 = arith.constant 0 : index
    %get3A_26 = vector.load %arg5[%get3A_24, %get3A_25] : memref<128x128xf32, #tpu.memory_space<vmem>>, vector<128x128xf32>
    %dot_general3A_27 = arith.constant dense<0.000000e+00> : vector<1000x128xf32>
    %dot_general3A_28 = tpu.matmul %max3A_23, %get3A_26, %dot_general3A_27 {dimension_numbers = #tpu.dot_dimension_numbers<[1], [1], [0], [0], [0, 0, 1, 0], [], []>, transpose_lhs_hint = false} : vector<1000x128xf32>, vector<128x128xf32>, vector<1000x128xf32> -> vector<1000x128xf32>
    %get3A_29 = arith.constant 0 : index
    %get3A_30 = arith.constant 0 : index
    %get3A_31 = vector.load %arg6[%get3A_29, %get3A_30] : memref<1x128xf32, #tpu.memory_space<vmem>>, vector<1x128xf32>
    %add3A_32 = vector.broadcast %get3A_31 : vector<1x128xf32> to vector<1000x128xf32>
    %add3A_33 = arith.addf %dot_general3A_28, %add3A_32 : vector<1000x128xf32>
    %max3A_34 = arith.constant 0.000000e+00 : f32
    %max3A_35 = vector.broadcast %max3A_34 : f32 to vector<1000x128xf32>
    %max3A_36 = arith.maximumf %add3A_33, %max3A_35 : vector<1000x128xf32>
    %swap3A = arith.constant 0 : index
    %swap3A_37 = arith.constant 0 : index
    %swap3A_38 = vector.load %arg7[%swap3A, %swap3A_37] : memref<1000x128xf32, #tpu.memory_space<vmem>>, vector<1000x128xf32>
    tpu.vector_store %arg7[%swap3A, %swap3A_37], %max3A_36 {strides = array<i32>} : memref<1000x128xf32, #tpu.memory_space<vmem>>, vector<1000x128xf32>,
    return
  }
  func.func @transform_0(%arg0: i32) -> (i32, i32) {
    %c0_i32 = arith.constant 0 : i32
    %c0_i32_0 = arith.constant 0 : i32
    return %arg0, %c0_i32 : i32, i32
  }
  func.func @transform_1(%arg0: i32) -> (i32, i32, i32) {
    %c0_i32 = arith.constant 0 : i32
    %c0_i32_0 = arith.constant 0 : i32
    %c0_i32_1 = arith.constant 0 : i32
    return %c0_i32, %arg0, %c0_i32_0 : i32, i32, i32
  }
  func.func @transform_2(%arg0: i32) -> (i32, i32) {
    %c0_i32 = arith.constant 0 : i32
    %c0_i32_0 = arith.constant 0 : i32
    %c0_i32_1 = arith.constant 0 : i32
    return %c0_i32, %c0_i32_0 : i32, i32
  }
  func.func @transform_3(%arg0: i32) -> (i32, i32) {
    %c0_i32 = arith.constant 0 : i32
    %c0_i32_0 = arith.constant 0 : i32
    %c0_i32_1 = arith.constant 0 : i32
    return %c0_i32, %c0_i32_0 : i32, i32
  }
  func.func @transform_4(%arg0: i32) -> (i32, i32) {
    %c0_i32 = arith.constant 0 : i32
    %c0_i32_0 = arith.constant 0 : i32
    %c0_i32_1 = arith.constant 0 : i32
    return %c0_i32, %c0_i32_0 : i32, i32
  }
  func.func @transform_5(%arg0: i32) -> (i32, i32) {
    %c0_i32 = arith.constant 0 : i32
    %c0_i32_0 = arith.constant 0 : i32
    %c0_i32_1 = arith.constant 0 : i32
    return %c0_i32, %c0_i32_0 : i32, i32
  }
  func.func @transform_6(%arg0: i32) -> (i32, i32) {
    %c0_i32 = arith.constant 0 : i32
    %c0_i32_0 = arith.constant 0 : i32
    return %arg0, %c0_i32 : i32, i32
  }
}

module attributes {stable_mosaic.version = 14 : i64} {
  func.func @_mlp_body(%arg0: i32, %arg1: memref<1000x128xf32, #tpu.memory_space<vmem>>, %arg2: memref<2x1000x128xf32, #tpu.memory_space<vmem>>, %arg3: memref<128x128xf32, #tpu.memory_space<vmem>>, %arg4: memref<1x128xf32, #tpu.memory_space<vmem>>, %arg5: memref<128x128xf32, #tpu.memory_space<vmem>>, %arg6: memref<1x128xf32, #tpu.memory_space<vmem>>, %arg7: memref<1000x128xf32, #tpu.memory_space<vmem>>) attributes {dimension_semantics = [#tpu.dimension_semantics<arbitrary>], iteration_bounds = array<i64: 10>, scalar_prefetch = 0 : i64, scratch_operands = 0 : i64, tpu.core_type = #tpu.core_type<tc>, window_params = [{transform_indices = @transform_0, window_bounds = array<i64: 1000, 128>}, {transform_indices = @transform_1, window_bounds = array<i64: 2, 1000, 128>}, {pipeline_mode = #tpu.pipeline_mode<synchronous>, transform_indices = @transform_2, window_bounds = array<i64: 128, 128>}, {pipeline_mode = #tpu.pipeline_mode<synchronous>, transform_indices = @transform_3, window_bounds = array<i64: 1, 128>}, {pipeline_mode = #tpu.pipeline_mode<synchronous>, transform_indices = @transform_4, window_bounds = array<i64: 128, 128>}, {pipeline_mode = #tpu.pipeline_mode<synchronous>, transform_indices = @transform_5, window_bounds = array<i64: 1, 128>}, {transform_indices = @transform_6, window_bounds = array<i64: 1000, 128>}]} {
    %get3A = arith.constant 0 : index
    %get3A_0 = arith.constant 0 : index
    %get3A_1 = vector.load %arg1[%get3A, %get3A_0] : memref<1000x128xf32, #tpu.memory_space<vmem>>, vector<1000x128xf32>
    %get3A_2 = arith.constant 0 : index
    %get3A_3 = arith.constant 0 : index
    %get3A_4 = arith.constant 0 : index
    %get3A_5 = vector.load %arg2[%get3A_2, %get3A_3, %get3A_4] : memref<2x1000x128xf32, #tpu.memory_space<vmem>>, vector<1x1000x128xf32>
    %get3A_6 = vector.shape_cast %get3A_5 : vector<1x1000x128xf32> to vector<1000x128xf32>
    %add3A = arith.addf %get3A_1, %get3A_6 : vector<1000x128xf32>
    %get3A_7 = arith.constant 1 : index
    %get3A_8 = arith.constant 0 : index
    %get3A_9 = arith.constant 0 : index
    %get3A_10 = vector.load %arg2[%get3A_7, %get3A_8, %get3A_9] : memref<2x1000x128xf32, #tpu.memory_space<vmem>>, vector<1x1000x128xf32>
    %get3A_11 = vector.shape_cast %get3A_10 : vector<1x1000x128xf32> to vector<1000x128xf32>
    %add3A_12 = arith.addf %add3A, %get3A_11 : vector<1000x128xf32>
    %get3A_13 = arith.constant 0 : index
    %get3A_14 = arith.constant 0 : index
    %get3A_15 = vector.load %arg3[%get3A_13, %get3A_14] : memref<128x128xf32, #tpu.memory_space<vmem>>, vector<128x128xf32>
    %dot_general3A = arith.constant dense<0.000000e+00> : vector<1000x128xf32>
    %dot_general3A_16 = tpu.matmul %add3A_12, %get3A_15, %dot_general3A {dimension_numbers = #tpu.dot_dimension_numbers<[1], [1], [0], [0], [0, 0, 1, 0], [], []>, transpose_lhs_hint = false} : vector<1000x128xf32>, vector<128x128xf32>, vector<1000x128xf32> -> vector<1000x128xf32>
    %get3A_17 = arith.constant 0 : index
    %get3A_18 = arith.constant 0 : index
    %get3A_19 = vector.load %arg4[%get3A_17, %get3A_18] : memref<1x128xf32, #tpu.memory_space<vmem>>, vector<1x128xf32>
    %add3A_20 = vector.broadcast %get3A_19 : vector<1x128xf32> to vector<1000x128xf32>
    %add3A_21 = arith.addf %dot_general3A_16, %add3A_20 : vector<1000x128xf32>
    %max3A = arith.constant 0.000000e+00 : f32
    %max3A_22 = vector.broadcast %max3A : f32 to vector<1000x128xf32>
    %max3A_23 = arith.maximumf %add3A_21, %max3A_22 : vector<1000x128xf32>
    %get3A_24 = arith.constant 0 : index
    %get3A_25 = arith.constant 0 : index
    %get3A_26 = vector.load %arg5[%get3A_24, %get3A_25] : memref<128x128xf32, #tpu.memory_space<vmem>>, vector<128x128xf32>
    %dot_general3A_27 = arith.constant dense<0.000000e+00> : vector<1000x128xf32>
    %dot_general3A_28 = tpu.matmul %max3A_23, %get3A_26, %dot_general3A_27 {dimension_numbers = #tpu.dot_dimension_numbers<[1], [1], [0], [0], [0, 0, 1, 0], [], []>, transpose_lhs_hint = false} : vector<1000x128xf32>, vector<128x128xf32>, vector<1000x128xf32> -> vector<1000x128xf32>
    %get3A_29 = arith.constant 0 : index
    %get3A_30 = arith.constant 0 : index
    %get3A_31 = vector.load %arg6[%get3A_29, %get3A_30] : memref<1x128xf32, #tpu.memory_space<vmem>>, vector<1x128xf32>
    %add3A_32 = vector.broadcast %get3A_31 : vector<1x128xf32> to vector<1000x128xf32>
    %add3A_33 = arith.addf %dot_general3A_28, %add3A_32 : vector<1000x128xf32>
    %swap3A = arith.constant 0 : index
    %swap3A_34 = arith.constant 0 : index
    %swap3A_35 = vector.load %arg7[%swap3A, %swap3A_34] : memref<1000x128xf32, #tpu.memory_space<vmem>>, vector<1000x128xf32>
    tpu.vector_store %arg7[%swap3A, %swap3A_34], %add3A_33 {strides = array<i32>} : memref<1000x128xf32, #tpu.memory_space<vmem>>, vector<1000x128xf32>,
    return
  }
  func.func @transform_0(%arg0: i32) -> (i32, i32) {
    %c0_i32 = arith.constant 0 : i32
    %c0_i32_0 = arith.constant 0 : i32
    return %arg0, %c0_i32 : i32, i32
  }
  func.func @transform_1(%arg0: i32) -> (i32, i32, i32) {
    %c0_i32 = arith.constant 0 : i32
    %c0_i32_0 = arith.constant 0 : i32
    %c0_i32_1 = arith.constant 0 : i32
    return %c0_i32, %arg0, %c0_i32_0 : i32, i32, i32
  }
  func.func @transform_2(%arg0: i32) -> (i32, i32) {
    %c0_i32 = arith.constant 0 : i32
    %c0_i32_0 = arith.constant 0 : i32
    %c0_i32_1 = arith.constant 0 : i32
    return %c0_i32, %c0_i32_0 : i32, i32
  }
  func.func @transform_3(%arg0: i32) -> (i32, i32) {
    %c0_i32 = arith.constant 0 : i32
    %c0_i32_0 = arith.constant 0 : i32
    %c0_i32_1 = arith.constant 0 : i32
    return %c0_i32, %c0_i32_0 : i32, i32
  }
  func.func @transform_4(%arg0: i32) -> (i32, i32) {
    %c0_i32 = arith.constant 0 : i32
    %c0_i32_0 = arith.constant 0 : i32
    %c0_i32_1 = arith.constant 0 : i32
    return %c0_i32, %c0_i32_0 : i32, i32
  }
  func.func @transform_5(%arg0: i32) -> (i32, i32) {
    %c0_i32 = arith.constant 0 : i32
    %c0_i32_0 = arith.constant 0 : i32
    %c0_i32_1 = arith.constant 0 : i32
    return %c0_i32, %c0_i32_0 : i32, i32
  }
  func.func @transform_6(%arg0: i32) -> (i32, i32) {
    %c0_i32 = arith.constant 0 : i32
    %c0_i32_0 = arith.constant 0 : i32
    return %arg0, %c0_i32 : i32, i32
  }
}

</mosaic_0001>

<sc_bundles>
// kernel: kernel.6.cloned.1.call-start
scs
__scs_entry_jumppad:
0x0: {  	(pc) =	sbr.rel $0x88, $3  }
0x1: {  	(tag) =	ssettag $0x0;
	lr =	simm.s32 $0x1  }
0x2: {  	[smem:$0x3F97] =	sst lr;
	_ =	strace $0xD0000000  }
0x3: {  	_ = 	snop  }
0x4: {  	_ = 	snop  }
0x5: {  	_ = 	snop  }
0x6: {  	_ = 	snop  }
0x7: {  	_ = 	snop  }
__scs_overlays_trampoline_lowered:
0x8: {  	[smem:$0x3FA6] =	sst s0  }
0x9: {  	[smem:$0x3FA7] =	sst s1  }
0xa: {  	[smem:$0x3FA8] =	sst s2  }
0xb: {  	[smem:$0x3FA9] =	sst s3  }
0xc: {  	[smem:$0x3FAA] =	sst s4  }
0xd: {  	[smem:$0x3FAB] =	sst s5  }
0xe: {  	[smem:$0x3FAC] =	sst s6  }
0xf: {  	[smem:$0x3FAD] =	sst s7  }
0x10: {  	[smem:$0x3FAE] =	sst s8  }
0x11: {  	[smem:$0x3FAF] =	sst s9;
	s0 =	simm.s32 @!p0 $0x0  }
0x12: {  	s1 =	sld [smem:$0x3F95];
	s0 =	simm.s32 @p0 $0x1  }
0x13: {  	[smem:$0x3FB0] =	sst s0;
	s0 =	simm.s32 @!p1 $0x0  }
0x14: {  	s2 =	sld [smem:$0x3F94];
	s0 =	simm.s32 @p1 $0x1  }
0x15: {  	[smem:$0x3FB1] =	sst s0;
	s0 =	simm.s32 @!p2 $0x0  }
0x16: {  	s3 =	sld [smem:$0x3FDB];
	s0 =	simm.s32 @p2 $0x1  }
0x17: {  	s4 =	simm.s32 $0x1BF5;
	[smem:$0x3FB3] =	sst s0  }
0x18: {  	s0 =	sld [smem:$0x3F96];
	_ =	swait.ge [sflag:s4], $0x0  }
0x19: {  	s7 =	sld [smem:$0x3F97]  }
0x1a: {  	s8 =	sadd.s32 $0xFFFFE003, lr  }
0x1b: {  	s9 =	sadd.s32 $0xFFFFFEF7, lr;
	s5 =	simm.s32 $0xFFFFFFFF;
	p2 =	slt.u32 s8, $0xFFFFF086  }
0x1c: {  	p1 =	slt.u32 s9, $0xF7A;
	s5 =	simm.s32 @!p2 $0x0  }
0x1d: {  	s5 =	simm.s32 @p1 $0x1;
	p0 =	seq.s32 s7, s2  }
0x1e: {  	s7 =	smul.u32 @!p0 $0xF7A, s2;
	p2 =	seq.s32 @!p0 s5, $0x0  }
0x1f: {  	s9 =	smul.u32 $0xF7A, s1;
	s8 =	simm.s32 @!p0 $0x1BF5;
	p2 =	por !p2, p0  }
0x20: {  	[sflag:s8] =	ssyncset.s32 @!p0 $0xFFFFF086;
	s6 =	sadd.s32 @!p0 s3, s7;
	s7 =	simm.s32 @!p0 $0x108  }
0x21: {  	s3 =	sadd.s32 s3, s9;
	s6 =	sadd.s32 @!p0 $0x88, s6;
	s7 =	simm.s32 @p2 $0x1082  }
0x22: {  	[simem:s7], [sflag:s8] =	dma.local @!p0 [hbm:s6], $0xF7A  }
0x23: {  	s9 =	sor.u32 $0xD0000000, s2;
	s6 =	simm.s32 $0x108;
	_ =	swait.ge @!p0 [sflag:s8], $0x0  }
0x24: {  	s3 =	sadd.s32 $0x88, s3;
	s6 =	simm.s32 @!p1 $0x1082;
	[sflag:s4] =	ssyncset.s32 $0xFFFFF086  }
0x25: {  	[simem:s6], [sflag:s4] =	dma.local [hbm:s3], $0xF7A  }
0x26: {  	[smem:$0x3F97] =	sst s1;
	(tag) =	ssettag s2;
	_ =	strace s9  }
0x27: {  	s1 =	sld [smem:$0x3FA7]  }
0x28: {  	s2 =	sld [smem:$0x3FA8]  }
0x29: {  	s4 =	sld [smem:$0x3FAA]  }
0x2a: {  	p0 =	seq.s32 s5, $0x0;
	s5 =	sld [smem:$0x3FAB]  }
0x2b: {  	s6 =	sld [smem:$0x3FAC]  }
0x2c: {  	s7 =	sld [smem:$0x3FAD]  }
0x2d: {  	s3 =	simm.s32 $0x108;
	s8 =	sld [smem:$0x3FAE]  }
0x2e: {  	s3 =	simm.s32 @!p0 $0x1082;
	s9 =	sld [smem:$0x3FAF]  }
0x2f: {  	lr =	sadd.s32 s0, s3;
	s0 =	sld [smem:$0x3FA6]  }
0x30: {  	s3 =	sld [smem:$0x3FA9]  }
0x31: {  	[smem:$0x3FB2] =	sst s10  }
0x32: {  	s10 =	sld [smem:$0x3FB0];
	_ =	sdelay $0x3  }
0x33: {  	p0 =	seq.s32 s10, $0x1;
	s10 =	sld [smem:$0x3FB2];
	_ =	sdelay $0x3  }
0x34: {  	[smem:$0x3FB2] =	sst s10  }
0x35: {  	s10 =	sld [smem:$0x3FB1];
	_ =	sdelay $0x3  }
0x36: {  	p1 =	seq.s32 s10, $0x1;
	s10 =	sld [smem:$0x3FB2];
	_ =	sdelay $0x3  }
0x37: {  	[smem:$0x3FB2] =	sst s10  }
0x38: {  	s10 =	sld [smem:$0x3FB3]  }
0x39: {  	_ = 	snop;
	(pc) =	sbr.ind lr, $3  }
0x3a: {  	_ = 	snop  }
0x3b: {  	_ = 	snop  }
0x3c: {  	p2 =	seq.s32 s10, $0x1;
	s10 =	sld [smem:$0x3FB2]  }
0x3d: {  	_ =	shalt  }
0x3e: {  	_ =	shalt  }
0x3f: {  	_ =	shalt  }
0x40: {  	_ =	shalt  }
0x41: {  	_ =	shalt  }
0x42: {  	_ =	shalt  }
0x43: {  	_ =	shalt  }
0x44: {  	_ =	shalt  }
0x45: {  	_ =	shalt  }
0x46: {  	_ =	shalt  }
0x47: {  	_ =	shalt  }
0x48: {  	_ =	shalt  }
0x49: {  	_ =	shalt  }
0x4a: {  	_ =	shalt  }
0x4b: {  	_ =	shalt  }
0x4c: {  	_ =	shalt  }
0x4d: {  	_ =	shalt  }
0x4e: {  	_ =	shalt  }
0x4f: {  	_ =	shalt  }
0x50: {  	_ =	shalt  }
0x51: {  	_ =	shalt  }
0x52: {  	_ =	shalt  }
0x53: {  	_ =	shalt  }
0x54: {  	_ =	shalt  }
0x55: {  	_ =	shalt  }
0x56: {  	_ =	shalt  }
0x57: {  	_ =	shalt  }
0x58: {  	_ =	shalt  }
0x59: {  	_ =	shalt  }
0x5a: {  	_ =	shalt  }
0x5b: {  	_ =	shalt  }
0x5c: {  	_ =	shalt  }
0x5d: {  	_ =	shalt  }
0x5e: {  	_ =	shalt  }
0x5f: {  	_ =	shalt  }
0x60: {  	_ =	shalt  }
0x61: {  	_ =	shalt  }
0x62: {  	_ =	shalt  }
0x63: {  	_ =	shalt  }
0x64: {  	_ =	shalt  }
0x65: {  	_ =	shalt  }
0x66: {  	_ =	shalt  }
0x67: {  	_ =	shalt  }
0x68: {  	_ =	shalt  }
0x69: {  	_ =	shalt  }
0x6a: {  	_ =	shalt  }
0x6b: {  	_ =	shalt  }
0x6c: {  	_ =	shalt  }
0x6d: {  	_ =	shalt  }
0x6e: {  	_ =	shalt  }
0x6f: {  	_ =	shalt  }
0x70: {  	_ =	shalt  }
0x71: {  	_ =	shalt  }
0x72: {  	_ =	shalt  }
0x73: {  	_ =	shalt  }
0x74: {  	_ =	shalt  }
0x75: {  	_ =	shalt  }
0x76: {  	_ =	shalt  }
0x77: {  	_ =	shalt  }
0x78: {  	_ =	shalt  }
0x79: {  	_ =	shalt  }
0x7a: {  	_ =	shalt  }
0x7b: {  	_ =	shalt  }
0x7c: {  	_ =	shalt  }
0x7d: {  	_ =	shalt  }
0x7e: {  	_ =	shalt  }
0x7f: {  	_ =	shalt  }
0x80: {  	_ =	shalt  }
0x81: {  	_ =	shalt  }
0x82: {  	_ =	shalt  }
0x83: {  	_ =	shalt  }
0x84: {  	_ =	shalt  }
0x85: {  	_ =	shalt  }
0x86: {  	_ =	shalt  }
0x87: {  	_ =	shalt  }
.Lfunc_end0:
.L_simem_size_0:
called_computation_lowered:
.L_overlay_start_0:
0x88: {  	s2 =	sld [smem:$0x3FD9]  }
0x89: {  	s3 =	sld [smem:$0x3FFE];
	_ =	sdelay $0x1  }
0x8a: {  	s1 =	srdreg.scid  }
0x8b: {  	s0 =	sand.u32 $0x1, s1  }
0x8c: {  	s17 =	sshll.u32 s0, $0xA;
	s2 =	sadd.s32 s3, s2  }
0x8d: {  	s2 =	sadd.s32 s2, s17  }
0x8e: {  	[smem:$0x3FBE] =	sst s2  }
0x8f: {  	_ = 	snop  }
0x90: {  	s2 =	sld [smem:$0x3FC9];
	(tm) =	ssettm $0x1  }
0x91: {  	s18 =	sld [smem:$0x3FFB];
	_ =	sdelay $0x3  }
0x92: {  	_ =	strace s18  }
0x93: {  	s3 =	sld [smem:$0x3FFC];
	_ =	sdelay $0x3  }
0x94: {  	_ =	strace s3  }
0x95: {  	s3 =	sld [smem:$0x3FFD];
	_ =	sdelay $0x3  }
0x96: {  	_ =	strace s3  }
0x97: {  	_ =	strace $0x8FFFFFFF  }
0x98: {  	s19 =	sld [smem:$0x3FDB];
	_ =	sdelay $0x1  }
0x99: {  	s4 =	simm.s32 $_scs_section_size  }
0x9a: {  	s5 =	simm.s32 $_size__tile_overlayer_lowered;
	s6 =	simm.s32 $_tile_overlayer_lowered  }
0x9b: {  	s22 =	simm.s32 $0x1BFF;
	s21 =	sshll.u32 s6, $0x1;
	s3 =	sadd.s32 s4, s19  }
0x9c: {  	s7 =	simm.s32 $0x0;
	s20 =	sshll.u32 s5, $0x1;
	s5 =	sadd.s32 s21, s3  }
0x9d: {  	[timem:s7], [sflag:s22] =	dma.local [hbm:s5], s20  }
0x9e: {  	_ =	swait.ge [sflag:s22], s20  }
0x9f: {  	s4 =	ssub.s32 $0x0, s20;
	[sflag:s22] =	ssyncset.done $0x0  }
0xa0: {  	[sflag:s22] =	ssyncadd.s32 s4;
	_ =	sdelay $0x1  }
0xa1: {  	s23 =	simm.s32 $0x1B8B  }
0xa2: {  	_ =	swait.ge [sflag:s23], $0x1  }
0xa3: {  	[sflag:s23] =	ssyncset.done $0x0  }
0xa4: {  	s25 =	simm.s32 $0x1B8E;
	s24 =	sld [smem:$0x3FFE];
	[sflag:s23] =	ssyncadd.s32 $0xFFFFFFFF  }
0xa5: {  	s26 =	simm.s32 $execute0_lowered;
	[smem:$0x3FD2] =	sst s25  }
0xa6: {  	s5 =	sshll.u32 s26, $0x1;
	_ =	strace $0x80000046;
	[dreg:$0x1] =	wrdreg $0xFFFFFFFF  }
0xa7: {  	s28 =	simm.s32 $_size_execute0_lowered;
	s3 =	sadd.s32 s3, s5;
	[dreg:$0x0] =	wrdreg $0x0  }
0xa8: {  	s5 =	sshll.u32 s28, $0x1;
	[dreg:$0x2] =	wrdreg s3  }
0xa9: {  	[dreg:$0x3] =	wrdreg s5  }
0xaa: {  	[dreg:$0x4] =	wrdreg $0xC0  }
0xab: {  	_ =	task [dreg:s7], $0x5FFFF  }
0xac: {  	[dreg:$0x1] =	wrdreg $0xFFFFFFFF  }
0xad: {  	[dreg:$0x0] =	wrdreg $0x60  }
0xae: {  	[dreg:$0x2] =	wrdreg s2  }
0xaf: {  	[dreg:$0x3] =	wrdreg s24  }
0xb0: {  	[dreg:$0x4] =	wrdreg $0xC0000  }
0xb1: {  	[dreg:$0x5] =	wrdreg $0x9  }
0xb2: {  	_ =	task.clear_ibuf [dreg:s7], $0x6FFFF;
	_ =	strace $0x90000046  }
0xb3: {  	s29 =	simm.s32 $0x9;
	_ =	strace $0x80000048  }
0xb4: {  	_ =	swait.ge [sflag:s29], $0x1  }
0xb5: {  	[sflag:s29] =	ssyncadd.s32 $0xFFFFFFFF  }
0xb6: {  	_ =	strace $0x90000048  }
0xb7: {  	_ =	sfence  }
0xb8: {  	s30 =	sld [smem:$0x0];
	_ =	sdelay $0x2  }
0xb9: {  	s31 =	sshll.u32 s1, $0xD;
	s1 =	sshrl.u32 s1, $0x2  }
0xba: {  	s3 =	sand.u32 $0x4000, s31;
	s1 =	sadd.s32 s1, s30  }
0xbb: {  	s0 =	sor.u32 s3, s0;
	s1 =	sshll.u32 s1, $0x11  }
0xbc: {  	s0 =	sor.u32 s1, s0  }
0xbd: {  	s0 =	sadd.s32 $0x8F2B, s0  }
0xbe: {  	[sflag:s0] =	ssyncadd.remote.s32 $0x1  }
0xbf: {  	_ =	sfence.sel $0xFFFF  }
0xc0: {  	[dreg:$0x0] =	wrdreg $0xFFFFFFFF;
	(pc) =	sbr.abs _section_cstart, $3  }
0xc1: {  	[dreg:$0x1] =	wrdreg $0xFFFFFFFF  }
0xc2: {  	_ =	task.clear_ibuf [dreg:s7], $0x2FFFF;
	_ =	strace $0x9FFFFFFF  }
0xc3: {  	(tm) =	ssettm $0x7FFFFFFF  }
tec
execute0_lowered:
.L_overlay_start_1:
0x0: {  	(tag) =	ssettag $0x1  }
0x1: {  	s1 =	rddreg [dreg:$0x0]  }
0x2: {  	s0 =	rddreg [dreg:$0x1]  }
0x3: {  	s11 =	stileid.u32;
	s2 =	srdreg.scid  }
0x4: {  	s3 =	rddreg [dreg:$0x2];
	s4 =	simm.s32 $0x0;
	s28 =	simm.s32 $0x8000  }
0x5: {  	s29 =	simm.s32 $0x180;
	s30 =	simm.s32 $0xA000;
	s31 =	simm.s32 $0x1000  }
0x6: {  	s5 =	smul.u32 $0x13C00, s11;
	s2 =	sand.u32 $0x1, s2;
	[smem:$0x7FF] =	sst s4  }
0x7: {  	s12 =	sadd.s32 $0x16000, s0;
	s8 =	sadd.s32 $0x2000, s0;
	s10 =	smul.u32 $0x4F000, s11  }
0x8: {  	s16 =	sshll.u32 s11, $0x6;
	s6 =	smul.u32 $0x13C000, s2;
	_ =	strace $0x80000047  }
0x9: {  	s9 =	ssub.s32 $0x2, s2;
	s2 =	sshll.u32 s2, $0x4;
	s7 =	sshrl.u32 s5, $0x3  }
0xa: {  	s13 =	sshrl.u32 s9, $0x1;
	s2 =	sor.u32 s11, s2;
	s14 =	sshrl.u32 s10, $0x2  }
0xb: {  	s10 =	simm.s32 $0x2E00;
	s11 =	simm.s32 $0x2E80;
	s5 =	sadd.s32 s5, s6  }
0xc: {  	s7 =	sadd.s32 s7, s0;
	s15 =	smul.u32 $0x5000, s2;
	s5 =	sshrl.u32 s5, $0x3  }
0xd: {  	s2 =	smul.u32 $0xA00, s2;
	s7 =	sadd.s32 $0x2A000, s7;
	s0 =	sadd.s32 s5, s0  }
0xe: {  	s5 =	ssub.s32 s9, s13;
	s9 =	sadd.s32 s14, s3;
	[dreg:$0x5] =	wrdreg s7  }
0xf: {  	s7 =	sor.u32 $0x1C06, s16;
	s18 =	sadd.s32 s12, s2;
	[dreg:$0x4] =	wrdreg s9  }
0x10: {  	s17 =	sshrl.u32 s15, $0x3;
	s2 =	sadd.s32 s8, s2;
	[dreg:$0x6] =	wrdreg s18  }
0x11: {  	s13 =	simm.s32 $0x2F00;
	s15 =	simm.s32 $0x2F80;
	[dreg:$0x7] =	wrdreg s2  }
0x12: {  	s19 =	sadd.s32 $0x200, s17;
	s21 =	sadd.s32 $0x400, s17;
	s23 =	sadd.s32 $0x600, s17  }
0x13: {  	s25 =	sadd.s32 $0x800, s17;
	s0 =	sadd.s32 $0x51800, s0;
	s26 =	smax.u32 s5, $0x1  }
0x14: {  	s5 =	simm.s32 $0x2;
	s9 =	simm.s32 $0x5;
	[dreg:$0x10] =	wrdreg s0  }
0x15: {  	s18 =	simm.s32 $0x3F00;
	s20 =	sadd.s32 s12, s19;
	[dreg:$0x11] =	wrdreg s26  }
0x16: {  	s2 =	sadd.s32 s8, s19;
	s22 =	sadd.s32 s12, s21;
	[dreg:$0x8] =	wrdreg s20  }
0x17: {  	s24 =	sadd.s32 s12, s23;
	s6 =	sadd.s32 s12, s25;
	[dreg:$0x9] =	wrdreg s2  }
0x18: {  	s26 =	simm.s32 $0x100;
	s0 =	simm.s32 $0x1;
	[dreg:$0xa] =	wrdreg s22  }
0x19: {  	s19 =	simm.s32 $0x3F80;
	s12 =	simm.s32 $0x0;
	[dreg:$0xc] =	wrdreg s24  }
0x1a: {  	s2 =	sadd.s32 s8, s21;
	[dreg:$0xe] =	wrdreg s6;
	s20 =	simm.s32 $0x6  }
0x1b: {  	s21 =	simm.s32 $0x2000;
	s22 =	simm.s32 $0x40;
	s24 =	simm.s32 $0x80  }
0x1c: {  	s6 =	simm.s32 $0x3;
	[dreg:$0xb] =	wrdreg s2;
	s2 =	sadd.s32 s8, s23  }
0x1d: {  	s23 =	simm.s32 $0x4000;
	[dreg:$0xd] =	wrdreg s2;
	s2 =	sadd.s32 s8, s25  }
0x1e: {  	s25 =	simm.s32 $0x6000;
	s8 =	simm.s32 $0x4;
	[dreg:$0xf] =	wrdreg s2  }
.LBB2_1:
0x1f: {  	s2 =	rddreg [dreg:$0x4]  }
0x20: {  	s17 =	rddreg [dreg:$0x5];
	s14 =	sshrl.u32 s2, $0x3  }
0x21: {  	[spmem:s14], [sflag:s7] =	dma.local [hbm:s17], $0x2780  }
0x22: {  	_ =	swait.ge [sflag:s20], $0x2780  }
0x23: {  	[sflag:s20] =	ssyncset.done $0x0  }
0x24: {  	[sflag:s20] =	ssyncadd.s32 $0xFFFFD880  }
0x25: {  	[bflag:$0x0] =	sbarrier.arrive $0xFFFF  }
0x26: {  	s16 =	rddreg [dreg:$0x6]  }
0x27: {  	[tilespmem:s4], [sflag:$0x6] =	stream.linear.gather [hbm4b:s16+s4], $0x1000, $0x38;
	[tilespmem:$0x1FC00] =	vst v63  }
0x28: {  	_ =	swait.ge [sflag:s20], $0x1000  }
0x29: {  	[sflag:s20] =	ssyncset.done $0x0  }
0x2a: {  	s17 =	rddreg [dreg:$0x7];
	[sflag:s20] =	ssyncadd.s32 $0xFFFFF000  }
0x2b: {  	[tilespmem:s21], [sflag:$0x6] =	stream.linear.gather [hbm4b:s17+s4], $0x1000, $0x38;
	[tilespmem:$0x1FC00] =	vst v63  }
0x2c: {  	_ =	swait.ge [sflag:s20], $0x1000  }
0x2d: {  	[sflag:s20] =	ssyncset.done $0x0  }
0x2e: {  	[sflag:s20] =	ssyncadd.s32 $0xFFFFF000  }
0x2f: {  	[tilespmem:s23], [sflag:$0x1] =	stream.indirect.gather [hbm4b:s1+s22], $0x80, s4, s22, $0xb8;
	[tilespmem:$0x1FC00] =	vst v63  }
0x30: {  	_ = 	snop  }
0x31: {  	[tilespmem:s25], [sflag:$0x2] =	stream.indirect.gather [hbm4b:s1+s22], $0x80, s24, s22, $0xb8;
	[tilespmem:$0x1FC00] =	vst v63  }
0x32: {  	_ = 	snop  }
0x33: {  	[tilespmem:s28], [sflag:$0x3] =	stream.indirect.gather [hbm4b:s1+s22], $0x80, s26, s22, $0xb8;
	[tilespmem:$0x1FC00] =	vst v63  }
0x34: {  	_ = 	snop  }
0x35: {  	[tilespmem:s30], [sflag:$0x4] =	stream.indirect.gather [hbm4b:s1+s22], $0x80, s29, s22, $0xb8;
	[tilespmem:$0x1FC00] =	vst v63  }
0x36: {  	s16 =	rddreg [dreg:$0x8]  }
0x37: {  	[tilespmem:s31], [sflag:$0x5] =	stream.linear.gather [hbm4b:s16+s4], $0x1000, $0x38;
	[tilespmem:$0x1FC00] =	vst v63  }
0x38: {  	s17 =	rddreg [dreg:$0x9];
	s16 =	simm.s32 $0x3000  }
0x39: {  	[tilespmem:s16], [sflag:$0x5] =	stream.linear.gather [hbm4b:s17+s4], $0x1000, $0x38;
	[tilespmem:$0x1FC00] =	vst v63  }
0x3a: {  	_ =	swait.ge [sflag:s0], $0x2000  }
0x3b: {  	[sflag:s0] =	ssyncset.done $0x0  }
0x3c: {  	s17 =	simm.s32 $0x2000;
	[sflag:s0] =	ssyncadd.s32 $0xFFFFE000  }
0x3d: {  	[spmem:s3] =	stream.indirect.scatter.add.f32 [tilespmem:s23], [sflag:$0x6], $0x80, s17, s22, $0xb8;
	[tilespmem:$0x1FC00] =	vst v63  }
0x3e: {  	_ =	swait.ge [sflag:s20], $0x2000  }
0x3f: {  	[sflag:s20] =	ssyncset.done $0x0  }
0x40: {  	s2 =	simm.s32 $0x200;
	[sflag:s20] =	ssyncadd.s32 $0xFFFFE000  }
0x41: {  	[tilespmem:s23], [sflag:$0x1] =	stream.indirect.gather [hbm4b:s1+s22], $0x80, s2, s22, $0xb8;
	[tilespmem:$0x1FC00] =	vst v63  }
0x42: {  	_ =	swait.ge [sflag:s5], $0x2000  }
0x43: {  	[sflag:s5] =	ssyncset.done $0x0  }
0x44: {  	s17 =	simm.s32 $0x2080;
	[sflag:s5] =	ssyncadd.s32 $0xFFFFE000  }
0x45: {  	[spmem:s3] =	stream.indirect.scatter.add.f32 [tilespmem:s25], [sflag:$0x6], $0x80, s17, s22, $0xb8;
	[tilespmem:$0x1FC00] =	vst v63  }
0x46: {  	_ =	swait.ge [sflag:s20], $0x2000  }
0x47: {  	[sflag:s20] =	ssyncset.done $0x0  }
0x48: {  	s2 =	simm.s32 $0x280;
	[sflag:s20] =	ssyncadd.s32 $0xFFFFE000  }
0x49: {  	[tilespmem:s25], [sflag:$0x2] =	stream.indirect.gather [hbm4b:s1+s22], $0x80, s2, s22, $0xb8;
	[tilespmem:$0x1FC00] =	vst v63  }
0x4a: {  	_ =	swait.ge [sflag:s6], $0x2000  }
0x4b: {  	[sflag:s6] =	ssyncset.done $0x0  }
0x4c: {  	s17 =	simm.s32 $0x2100;
	[sflag:s6] =	ssyncadd.s32 $0xFFFFE000  }
0x4d: {  	[spmem:s3] =	stream.indirect.scatter.add.f32 [tilespmem:s28], [sflag:$0x6], $0x80, s17, s22, $0xb8;
	[tilespmem:$0x1FC00] =	vst v63  }
0x4e: {  	_ =	swait.ge [sflag:s20], $0x2000  }
0x4f: {  	[sflag:s20] =	ssyncset.done $0x0  }
0x50: {  	s2 =	simm.s32 $0x300;
	[sflag:s20] =	ssyncadd.s32 $0xFFFFE000  }
0x51: {  	[tilespmem:s28], [sflag:$0x3] =	stream.indirect.gather [hbm4b:s1+s22], $0x80, s2, s22, $0xb8;
	[tilespmem:$0x1FC00] =	vst v63  }
0x52: {  	_ =	swait.ge [sflag:s8], $0x2000  }
0x53: {  	[sflag:s8] =	ssyncset.done $0x0  }
0x54: {  	s17 =	simm.s32 $0x2180;
	[sflag:s8] =	ssyncadd.s32 $0xFFFFE000  }
0x55: {  	[spmem:s3] =	stream.indirect.scatter.add.f32 [tilespmem:s30], [sflag:$0x6], $0x80, s17, s22, $0xb8;
	[tilespmem:$0x1FC00] =	vst v63  }
0x56: {  	_ =	swait.ge [sflag:s20], $0x2000  }
0x57: {  	[sflag:s20] =	ssyncset.done $0x0  }
0x58: {  	s16 =	simm.s32 $0x800;
	s17 =	simm.s32 $0x380;
	[sflag:s20] =	ssyncadd.s32 $0xFFFFE000  }
.LBB2_2:
0x59: {  	[tilespmem:s30], [sflag:$0x4] =	stream.indirect.gather [hbm4b:s1+s22], $0x80, s17, s22, $0xb8;
	[tilespmem:$0x1FC00] =	vst v63  }
0x5a: {  	s17 =	smov.u32 s16  }
0x5b: {  	p0 =	sne.s32 s16, $0x3000;
	s16 =	sadd.s32 $0x800, s16;
	_ =	swait.ge [sflag:s0], $0x2000  }
0x5c: {  	s17 =	sshra.s32 s17, $0x2;
	[sflag:s0] =	ssyncset.done $0x0  }
0x5d: {  	s2 =	sadd.s32 $0x2000, s17;
	[sflag:s0] =	ssyncadd.s32 $0xFFFFE000  }
0x5e: {  	[spmem:s3] =	stream.indirect.scatter.add.f32 [tilespmem:s23], [sflag:$0x6], $0x80, s2, s22, $0xb8;
	[tilespmem:$0x1FC00] =	vst v63  }
0x5f: {  	_ =	swait.ge [sflag:s20], $0x2000  }
0x60: {  	[sflag:s20] =	ssyncset.done $0x0  }
0x61: {  	s2 =	sadd.s32 $0x200, s17;
	[sflag:s20] =	ssyncadd.s32 $0xFFFFE000  }
0x62: {  	[tilespmem:s23], [sflag:$0x1] =	stream.indirect.gather [hbm4b:s1+s22], $0x80, s2, s22, $0xb8;
	[tilespmem:$0x1FC00] =	vst v63  }
0x63: {  	_ =	swait.ge [sflag:s5], $0x2000  }
0x64: {  	[sflag:s5] =	ssyncset.done $0x0  }
0x65: {  	s2 =	sadd.s32 $0x2080, s17;
	[sflag:s5] =	ssyncadd.s32 $0xFFFFE000  }
0x66: {  	[spmem:s3] =	stream.indirect.scatter.add.f32 [tilespmem:s25], [sflag:$0x6], $0x80, s2, s22, $0xb8;
	[tilespmem:$0x1FC00] =	vst v63  }
0x67: {  	_ =	swait.ge [sflag:s20], $0x2000  }
0x68: {  	[sflag:s20] =	ssyncset.done $0x0  }
0x69: {  	s2 =	sadd.s32 $0x280, s17;
	[sflag:s20] =	ssyncadd.s32 $0xFFFFE000  }
0x6a: {  	[tilespmem:s25], [sflag:$0x2] =	stream.indirect.gather [hbm4b:s1+s22], $0x80, s2, s22, $0xb8;
	[tilespmem:$0x1FC00] =	vst v63  }
0x6b: {  	_ =	swait.ge [sflag:s6], $0x2000  }
0x6c: {  	[sflag:s6] =	ssyncset.done $0x0  }
0x6d: {  	s2 =	sadd.s32 $0x2100, s17;
	[sflag:s6] =	ssyncadd.s32 $0xFFFFE000  }
0x6e: {  	[spmem:s3] =	stream.indirect.scatter.add.f32 [tilespmem:s28], [sflag:$0x6], $0x80, s2, s22, $0xb8;
	[tilespmem:$0x1FC00] =	vst v63  }
0x6f: {  	_ =	swait.ge [sflag:s20], $0x2000  }
0x70: {  	[sflag:s20] =	ssyncset.done $0x0  }
0x71: {  	s2 =	sadd.s32 $0x300, s17;
	[sflag:s20] =	ssyncadd.s32 $0xFFFFE000  }
0x72: {  	[tilespmem:s28], [sflag:$0x3] =	stream.indirect.gather [hbm4b:s1+s22], $0x80, s2, s22, $0xb8;
	[tilespmem:$0x1FC00] =	vst v63  }
0x73: {  	_ =	swait.ge [sflag:s8], $0x2000  }
0x74: {  	[sflag:s8] =	ssyncset.done $0x0  }
.Ltmp0:
0x75: {  	s2 =	sadd.s32 $0x2180, s17;
	[sflag:s8] =	ssyncadd.s32 $0xFFFFE000;
	(pc) =	sbr.rel @p0 .LBB2_2-.Ltmp0, $4  }
0x76: {  	[spmem:s3] =	stream.indirect.scatter.add.f32 [tilespmem:s30], [sflag:$0x6], $0x80, s2, s22, $0xb8;
	[tilespmem:$0x1FC00] =	vst v63  }
0x77: {  	_ =	swait.ge [sflag:s20], $0x2000  }
0x78: {  	[sflag:s20] =	ssyncset.done $0x0  }
0x79: {  	s17 =	sadd.s32 $0x380, s17;
	[sflag:s20] =	ssyncadd.s32 $0xFFFFE000  }
0x7a: {  	[tilespmem:s30], [sflag:$0x4] =	stream.indirect.gather [hbm4b:s1+s22], $0x80, s17, s22, $0xb8;
	[tilespmem:$0x1FC00] =	vst v63  }
0x7b: {  	_ =	swait.ge [sflag:s9], $0x1000  }
0x7c: {  	[sflag:s9] =	ssyncset.done $0x0  }
0x7d: {  	[sflag:s9] =	ssyncadd.s32 $0xFFFFF000  }
0x7e: {  	_ =	swait.ge [sflag:s9], $0x1000  }
0x7f: {  	[sflag:s9] =	ssyncset.done $0x0  }
0x80: {  	[sflag:s9] =	ssyncadd.s32 $0xFFFFF000  }
0x81: {  	_ =	swait.ge [sflag:s0], $0x2000  }
0x82: {  	[sflag:s0] =	ssyncset.done $0x0  }
0x83: {  	[sflag:s0] =	ssyncadd.s32 $0xFFFFE000  }
0x84: {  	[spmem:s3] =	stream.indirect.scatter.add.f32 [tilespmem:s23], [sflag:$0x6], $0x80, s10, s22, $0xb8;
	[tilespmem:$0x1FC00] =	vst v63  }
0x85: {  	_ =	swait.ge [sflag:s20], $0x2000  }
0x86: {  	[sflag:s20] =	ssyncset.done $0x0  }
0x87: {  	[sflag:s20] =	ssyncadd.s32 $0xFFFFE000  }
0x88: {  	[tilespmem:s23], [sflag:$0x1] =	stream.indirect.gather [hbm4b:s1+s22], $0x80, s31, s22, $0xb8;
	[tilespmem:$0x1FC00] =	vst v63  }
0x89: {  	_ =	swait.ge [sflag:s5], $0x2000  }
0x8a: {  	[sflag:s5] =	ssyncset.done $0x0  }
0x8b: {  	[sflag:s5] =	ssyncadd.s32 $0xFFFFE000  }
0x8c: {  	[spmem:s3] =	stream.indirect.scatter.add.f32 [tilespmem:s25], [sflag:$0x6], $0x80, s11, s22, $0xb8;
	[tilespmem:$0x1FC00] =	vst v63  }
0x8d: {  	_ =	swait.ge [sflag:s20], $0x2000  }
0x8e: {  	[sflag:s20] =	ssyncset.done $0x0  }
0x8f: {  	s2 =	simm.s32 $0x1080;
	[sflag:s20] =	ssyncadd.s32 $0xFFFFE000  }
0x90: {  	[tilespmem:s25], [sflag:$0x2] =	stream.indirect.gather [hbm4b:s1+s22], $0x80, s2, s22, $0xb8;
	[tilespmem:$0x1FC00] =	vst v63  }
0x91: {  	_ =	swait.ge [sflag:s6], $0x2000  }
0x92: {  	[sflag:s6] =	ssyncset.done $0x0  }
0x93: {  	[sflag:s6] =	ssyncadd.s32 $0xFFFFE000  }
0x94: {  	[spmem:s3] =	stream.indirect.scatter.add.f32 [tilespmem:s28], [sflag:$0x6], $0x80, s13, s22, $0xb8;
	[tilespmem:$0x1FC00] =	vst v63  }
0x95: {  	_ =	swait.ge [sflag:s20], $0x2000  }
0x96: {  	[sflag:s20] =	ssyncset.done $0x0  }
0x97: {  	s17 =	simm.s32 $0x1100;
	[sflag:s20] =	ssyncadd.s32 $0xFFFFE000  }
0x98: {  	[tilespmem:s28], [sflag:$0x3] =	stream.indirect.gather [hbm4b:s1+s22], $0x80, s17, s22, $0xb8;
	[tilespmem:$0x1FC00] =	vst v63  }
0x99: {  	_ =	swait.ge [sflag:s8], $0x2000  }
0x9a: {  	[sflag:s8] =	ssyncset.done $0x0  }
0x9b: {  	[sflag:s8] =	ssyncadd.s32 $0xFFFFE000  }
0x9c: {  	[spmem:s3] =	stream.indirect.scatter.add.f32 [tilespmem:s30], [sflag:$0x6], $0x80, s15, s22, $0xb8;
	[tilespmem:$0x1FC00] =	vst v63  }
0x9d: {  	_ =	swait.ge [sflag:s20], $0x2000  }
0x9e: {  	[sflag:s20] =	ssyncset.done $0x0  }
0x9f: {  	s16 =	simm.s32 $0x1180;
	[sflag:s20] =	ssyncadd.s32 $0xFFFFE000  }
0xa0: {  	[tilespmem:s30], [sflag:$0x4] =	stream.indirect.gather [hbm4b:s1+s22], $0x80, s16, s22, $0xb8;
	[tilespmem:$0x1FC00] =	vst v63  }
0xa1: {  	s2 =	simm.s32 $0x0;
	s16 =	rddreg [dreg:$0xa]  }
0xa2: {  	[tilespmem:s2], [sflag:$0x5] =	stream.linear.gather [hbm4b:s16+s2], $0x1000, $0x38;
	[tilespmem:$0x1FC00] =	vst v63  }
0xa3: {  	s17 =	rddreg [dreg:$0xb]  }
0xa4: {  	[tilespmem:s21], [sflag:$0x5] =	stream.linear.gather [hbm4b:s17+s2], $0x1000, $0x38;
	[tilespmem:$0x1FC00] =	vst v63  }
0xa5: {  	_ =	swait.ge [sflag:s0], $0x2000  }
0xa6: {  	[sflag:s0] =	ssyncset.done $0x0  }
0xa7: {  	s17 =	simm.s32 $0x3000;
	[sflag:s0] =	ssyncadd.s32 $0xFFFFE000  }
0xa8: {  	[spmem:s3] =	stream.indirect.scatter.add.f32 [tilespmem:s23], [sflag:$0x6], $0x80, s17, s22, $0xb8;
	[tilespmem:$0x1FC00] =	vst v63  }
0xa9: {  	_ =	swait.ge [sflag:s20], $0x2000  }
0xaa: {  	[sflag:s20] =	ssyncset.done $0x0  }
0xab: {  	s16 =	simm.s32 $0x1200;
	[sflag:s20] =	ssyncadd.s32 $0xFFFFE000  }
0xac: {  	[tilespmem:s23], [sflag:$0x1] =	stream.indirect.gather [hbm4b:s1+s22], $0x80, s16, s22, $0xb8;
	[tilespmem:$0x1FC00] =	vst v63  }
0xad: {  	_ =	swait.ge [sflag:s5], $0x2000  }
0xae: {  	[sflag:s5] =	ssyncset.done $0x0  }
0xaf: {  	s17 =	simm.s32 $0x3080;
	[sflag:s5] =	ssyncadd.s32 $0xFFFFE000  }
0xb0: {  	[spmem:s3] =	stream.indirect.scatter.add.f32 [tilespmem:s25], [sflag:$0x6], $0x80, s17, s22, $0xb8;
	[tilespmem:$0x1FC00] =	vst v63  }
0xb1: {  	_ =	swait.ge [sflag:s20], $0x2000  }
0xb2: {  	[sflag:s20] =	ssyncset.done $0x0  }
0xb3: {  	s16 =	simm.s32 $0x1280;
	[sflag:s20] =	ssyncadd.s32 $0xFFFFE000  }
0xb4: {  	[tilespmem:s25], [sflag:$0x2] =	stream.indirect.gather [hbm4b:s1+s22], $0x80, s16, s22, $0xb8;
	[tilespmem:$0x1FC00] =	vst v63  }
0xb5: {  	_ =	swait.ge [sflag:s6], $0x2000  }
0xb6: {  	[sflag:s6] =	ssyncset.done $0x0  }
0xb7: {  	s17 =	simm.s32 $0x3100;
	[sflag:s6] =	ssyncadd.s32 $0xFFFFE000  }
0xb8: {  	[spmem:s3] =	stream.indirect.scatter.add.f32 [tilespmem:s28], [sflag:$0x6], $0x80, s17, s22, $0xb8;
	[tilespmem:$0x1FC00] =	vst v63  }
0xb9: {  	_ =	swait.ge [sflag:s20], $0x2000  }
0xba: {  	[sflag:s20] =	ssyncset.done $0x0  }
0xbb: {  	s16 =	simm.s32 $0x1300;
	[sflag:s20] =	ssyncadd.s32 $0xFFFFE000  }
0xbc: {  	[tilespmem:s28], [sflag:$0x3] =	stream.indirect.gather [hbm4b:s1+s22], $0x80, s16, s22, $0xb8;
	[tilespmem:$0x1FC00] =	vst v63  }
0xbd: {  	_ =	swait.ge [sflag:s8], $0x2000  }
0xbe: {  	[sflag:s8] =	ssyncset.done $0x0  }
0xbf: {  	s17 =	simm.s32 $0x3180;
	[sflag:s8] =	ssyncadd.s32 $0xFFFFE000  }
0xc0: {  	[spmem:s3] =	stream.indirect.scatter.add.f32 [tilespmem:s30], [sflag:$0x6], $0x80, s17, s22, $0xb8;
	[tilespmem:$0x1FC00] =	vst v63  }
0xc1: {  	_ =	swait.ge [sflag:s20], $0x2000  }
0xc2: {  	[sflag:s20] =	ssyncset.done $0x0  }
0xc3: {  	s16 =	simm.s32 $0x800;
	s17 =	simm.s32 $0x1380;
	[sflag:s20] =	ssyncadd.s32 $0xFFFFE000  }
.LBB2_4:
0xc4: {  	[tilespmem:s30], [sflag:$0x4] =	stream.indirect.gather [hbm4b:s1+s22], $0x80, s17, s22, $0xb8;
	[tilespmem:$0x1FC00] =	vst v63  }
0xc5: {  	s2 =	smov.u32 s16  }
0xc6: {  	p0 =	sne.s32 s16, $0x3000;
	s16 =	sadd.s32 $0x800, s16;
	_ =	swait.ge [sflag:s0], $0x2000  }
0xc7: {  	s17 =	sshra.s32 s2, $0x2;
	[sflag:s0] =	ssyncset.done $0x0  }
0xc8: {  	s2 =	sadd.s32 $0x3000, s17;
	[sflag:s0] =	ssyncadd.s32 $0xFFFFE000  }
0xc9: {  	[spmem:s3] =	stream.indirect.scatter.add.f32 [tilespmem:s23], [sflag:$0x6], $0x80, s2, s22, $0xb8;
	[tilespmem:$0x1FC00] =	vst v63  }
0xca: {  	_ =	swait.ge [sflag:s20], $0x2000  }
0xcb: {  	[sflag:s20] =	ssyncset.done $0x0  }
0xcc: {  	s2 =	sadd.s32 $0x1200, s17;
	[sflag:s20] =	ssyncadd.s32 $0xFFFFE000  }
0xcd: {  	[tilespmem:s23], [sflag:$0x1] =	stream.indirect.gather [hbm4b:s1+s22], $0x80, s2, s22, $0xb8;
	[tilespmem:$0x1FC00] =	vst v63  }
0xce: {  	_ =	swait.ge [sflag:s5], $0x2000  }
0xcf: {  	[sflag:s5] =	ssyncset.done $0x0  }
0xd0: {  	s2 =	sadd.s32 $0x3080, s17;
	[sflag:s5] =	ssyncadd.s32 $0xFFFFE000  }
0xd1: {  	[spmem:s3] =	stream.indirect.scatter.add.f32 [tilespmem:s25], [sflag:$0x6], $0x80, s2, s22, $0xb8;
	[tilespmem:$0x1FC00] =	vst v63  }
0xd2: {  	_ =	swait.ge [sflag:s20], $0x2000  }
0xd3: {  	[sflag:s20] =	ssyncset.done $0x0  }
0xd4: {  	s2 =	sadd.s32 $0x1280, s17;
	[sflag:s20] =	ssyncadd.s32 $0xFFFFE000  }
0xd5: {  	[tilespmem:s25], [sflag:$0x2] =	stream.indirect.gather [hbm4b:s1+s22], $0x80, s2, s22, $0xb8;
	[tilespmem:$0x1FC00] =	vst v63  }
0xd6: {  	_ =	swait.ge [sflag:s6], $0x2000  }
0xd7: {  	[sflag:s6] =	ssyncset.done $0x0  }
0xd8: {  	s2 =	sadd.s32 $0x3100, s17;
	[sflag:s6] =	ssyncadd.s32 $0xFFFFE000  }
0xd9: {  	[spmem:s3] =	stream.indirect.scatter.add.f32 [tilespmem:s28], [sflag:$0x6], $0x80, s2, s22, $0xb8;
	[tilespmem:$0x1FC00] =	vst v63  }
0xda: {  	_ =	swait.ge [sflag:s20], $0x2000  }
0xdb: {  	[sflag:s20] =	ssyncset.done $0x0  }
0xdc: {  	s2 =	sadd.s32 $0x1300, s17;
	[sflag:s20] =	ssyncadd.s32 $0xFFFFE000  }
0xdd: {  	[tilespmem:s28], [sflag:$0x3] =	stream.indirect.gather [hbm4b:s1+s22], $0x80, s2, s22, $0xb8;
	[tilespmem:$0x1FC00] =	vst v63  }
0xde: {  	_ =	swait.ge [sflag:s8], $0x2000  }
0xdf: {  	[sflag:s8] =	ssyncset.done $0x0  }
.Ltmp1:
0xe0: {  	s2 =	sadd.s32 $0x3180, s17;
	[sflag:s8] =	ssyncadd.s32 $0xFFFFE000;
	(pc) =	sbr.rel @p0 .LBB2_4-.Ltmp1, $4  }
0xe1: {  	[spmem:s3] =	stream.indirect.scatter.add.f32 [tilespmem:s30], [sflag:$0x6], $0x80, s2, s22, $0xb8;
	[tilespmem:$0x1FC00] =	vst v63  }
0xe2: {  	_ =	swait.ge [sflag:s20], $0x2000  }
0xe3: {  	[sflag:s20] =	ssyncset.done $0x0  }
0xe4: {  	s17 =	sadd.s32 $0x1380, s17;
	[sflag:s20] =	ssyncadd.s32 $0xFFFFE000  }
0xe5: {  	[tilespmem:s30], [sflag:$0x4] =	stream.indirect.gather [hbm4b:s1+s22], $0x80, s17, s22, $0xb8;
	[tilespmem:$0x1FC00] =	vst v63  }
0xe6: {  	_ =	swait.ge [sflag:s9], $0x1000  }
0xe7: {  	[sflag:s9] =	ssyncset.done $0x0  }
0xe8: {  	[sflag:s9] =	ssyncadd.s32 $0xFFFFF000  }
0xe9: {  	_ =	swait.ge [sflag:s9], $0x1000  }
0xea: {  	[sflag:s9] =	ssyncset.done $0x0  }
0xeb: {  	[sflag:s9] =	ssyncadd.s32 $0xFFFFF000  }
0xec: {  	_ =	swait.ge [sflag:s0], $0x2000  }
0xed: {  	[sflag:s0] =	ssyncset.done $0x0  }
0xee: {  	s2 =	simm.s32 $0x3E00;
	[sflag:s0] =	ssyncadd.s32 $0xFFFFE000  }
0xef: {  	[spmem:s3] =	stream.indirect.scatter.add.f32 [tilespmem:s23], [sflag:$0x6], $0x80, s2, s22, $0xb8;
	[tilespmem:$0x1FC00] =	vst v63  }
0xf0: {  	_ =	swait.ge [sflag:s20], $0x2000  }
0xf1: {  	[sflag:s20] =	ssyncset.done $0x0  }
0xf2: {  	s2 =	simm.s32 $0x0;
	[sflag:s20] =	ssyncadd.s32 $0xFFFFE000  }
0xf3: {  	[tilespmem:s23], [sflag:$0x1] =	stream.indirect.gather [hbm4b:s1+s22], $0x80, s2, s22, $0xb8;
	[tilespmem:$0x1FC00] =	vst v63  }
0xf4: {  	_ =	swait.ge [sflag:s5], $0x2000  }
0xf5: {  	[sflag:s5] =	ssyncset.done $0x0  }
0xf6: {  	s16 =	simm.s32 $0x3E80;
	[sflag:s5] =	ssyncadd.s32 $0xFFFFE000  }
0xf7: {  	[spmem:s3] =	stream.indirect.scatter.add.f32 [tilespmem:s25], [sflag:$0x6], $0x80, s16, s22, $0xb8;
	[tilespmem:$0x1FC00] =	vst v63  }
0xf8: {  	_ =	swait.ge [sflag:s20], $0x2000  }
0xf9: {  	[sflag:s20] =	ssyncset.done $0x0  }
0xfa: {  	[sflag:s20] =	ssyncadd.s32 $0xFFFFE000  }
0xfb: {  	[tilespmem:s25], [sflag:$0x2] =	stream.indirect.gather [hbm4b:s1+s22], $0x80, s24, s22, $0xb8;
	[tilespmem:$0x1FC00] =	vst v63  }
0xfc: {  	_ =	swait.ge [sflag:s6], $0x2000  }
0xfd: {  	[sflag:s6] =	ssyncset.done $0x0  }
0xfe: {  	[sflag:s6] =	ssyncadd.s32 $0xFFFFE000  }
0xff: {  	[spmem:s3] =	stream.indirect.scatter.add.f32 [tilespmem:s28], [sflag:$0x6], $0x80, s18, s22, $0xb8;
	[tilespmem:$0x1FC00] =	vst v63  }
0x100: {  	_ =	swait.ge [sflag:s20], $0x2000  }
0x101: {  	[sflag:s20] =	ssyncset.done $0x0  }
0x102: {  	[sflag:s20] =	ssyncadd.s32 $0xFFFFE000  }
0x103: {  	[tilespmem:s28], [sflag:$0x3] =	stream.indirect.gather [hbm4b:s1+s22], $0x80, s26, s22, $0xb8;
	[tilespmem:$0x1FC00] =	vst v63  }
0x104: {  	_ =	swait.ge [sflag:s8], $0x2000  }
0x105: {  	[sflag:s8] =	ssyncset.done $0x0  }
0x106: {  	[sflag:s8] =	ssyncadd.s32 $0xFFFFE000  }
0x107: {  	[spmem:s3] =	stream.indirect.scatter.add.f32 [tilespmem:s30], [sflag:$0x6], $0x80, s19, s22, $0xb8;
	[tilespmem:$0x1FC00] =	vst v63  }
0x108: {  	_ =	swait.ge [sflag:s20], $0x2000  }
0x109: {  	[sflag:s20] =	ssyncset.done $0x0  }
0x10a: {  	[sflag:s20] =	ssyncadd.s32 $0xFFFFE000  }
0x10b: {  	[tilespmem:s30], [sflag:$0x4] =	stream.indirect.gather [hbm4b:s1+s22], $0x80, s29, s22, $0xb8;
	[tilespmem:$0x1FC00] =	vst v63  }
0x10c: {  	s17 =	rddreg [dreg:$0xc]  }
0x10d: {  	[tilespmem:s31], [sflag:$0x5] =	stream.linear.gather [hbm4b:s17+s2], $0x1000, $0x38;
	[tilespmem:$0x1FC00] =	vst v63  }
0x10e: {  	s16 =	rddreg [dreg:$0xd];
	s17 =	simm.s32 $0x3000  }
0x10f: {  	[tilespmem:s17], [sflag:$0x5] =	stream.linear.gather [hbm4b:s16+s2], $0x1000, $0x38;
	[tilespmem:$0x1FC00] =	vst v63  }
0x110: {  	_ =	swait.ge [sflag:s0], $0x2000  }
0x111: {  	[sflag:s0] =	ssyncset.done $0x0  }
0x112: {  	s17 =	simm.s32 $0x2000;
	[sflag:s0] =	ssyncadd.s32 $0xFFFFE000  }
0x113: {  	[spmem:s3] =	stream.indirect.scatter.add.f32 [tilespmem:s23], [sflag:$0x6], $0x80, s17, s22, $0xb8;
	[tilespmem:$0x1FC00] =	vst v63  }
0x114: {  	_ =	swait.ge [sflag:s20], $0x2000  }
0x115: {  	[sflag:s20] =	ssyncset.done $0x0  }
0x116: {  	s16 =	simm.s32 $0x200;
	[sflag:s20] =	ssyncadd.s32 $0xFFFFE000  }
0x117: {  	[tilespmem:s23], [sflag:$0x1] =	stream.indirect.gather [hbm4b:s1+s22], $0x80, s16, s22, $0xb8;
	[tilespmem:$0x1FC00] =	vst v63  }
0x118: {  	_ =	swait.ge [sflag:s5], $0x2000  }
0x119: {  	[sflag:s5] =	ssyncset.done $0x0  }
0x11a: {  	s17 =	simm.s32 $0x2080;
	[sflag:s5] =	ssyncadd.s32 $0xFFFFE000  }
0x11b: {  	[spmem:s3] =	stream.indirect.scatter.add.f32 [tilespmem:s25], [sflag:$0x6], $0x80, s17, s22, $0xb8;
	[tilespmem:$0x1FC00] =	vst v63  }
0x11c: {  	_ =	swait.ge [sflag:s20], $0x2000  }
0x11d: {  	[sflag:s20] =	ssyncset.done $0x0  }
0x11e: {  	s16 =	simm.s32 $0x280;
	[sflag:s20] =	ssyncadd.s32 $0xFFFFE000  }
0x11f: {  	[tilespmem:s25], [sflag:$0x2] =	stream.indirect.gather [hbm4b:s1+s22], $0x80, s16, s22, $0xb8;
	[tilespmem:$0x1FC00] =	vst v63  }
0x120: {  	_ =	swait.ge [sflag:s6], $0x2000  }
0x121: {  	[sflag:s6] =	ssyncset.done $0x0  }
0x122: {  	s17 =	simm.s32 $0x2100;
	[sflag:s6] =	ssyncadd.s32 $0xFFFFE000  }
0x123: {  	[spmem:s3] =	stream.indirect.scatter.add.f32 [tilespmem:s28], [sflag:$0x6], $0x80, s17, s22, $0xb8;
	[tilespmem:$0x1FC00] =	vst v63  }
0x124: {  	_ =	swait.ge [sflag:s20], $0x2000  }
0x125: {  	[sflag:s20] =	ssyncset.done $0x0  }
0x126: {  	s16 =	simm.s32 $0x300;
	[sflag:s20] =	ssyncadd.s32 $0xFFFFE000  }
0x127: {  	[tilespmem:s28], [sflag:$0x3] =	stream.indirect.gather [hbm4b:s1+s22], $0x80, s16, s22, $0xb8;
	[tilespmem:$0x1FC00] =	vst v63  }
0x128: {  	_ =	swait.ge [sflag:s8], $0x2000  }
0x129: {  	[sflag:s8] =	ssyncset.done $0x0  }
0x12a: {  	s17 =	simm.s32 $0x2180;
	[sflag:s8] =	ssyncadd.s32 $0xFFFFE000  }
0x12b: {  	[spmem:s3] =	stream.indirect.scatter.add.f32 [tilespmem:s30], [sflag:$0x6], $0x80, s17, s22, $0xb8;
	[tilespmem:$0x1FC00] =	vst v63  }
0x12c: {  	_ =	swait.ge [sflag:s20], $0x2000  }
0x12d: {  	[sflag:s20] =	ssyncset.done $0x0  }
0x12e: {  	s16 =	simm.s32 $0x800;
	s17 =	simm.s32 $0x380;
	[sflag:s20] =	ssyncadd.s32 $0xFFFFE000  }
.LBB2_6:
0x12f: {  	[tilespmem:s30], [sflag:$0x4] =	stream.indirect.gather [hbm4b:s1+s22], $0x80, s17, s22, $0xb8;
	[tilespmem:$0x1FC00] =	vst v63  }
0x130: {  	s2 =	smov.u32 s16  }
0x131: {  	p0 =	sne.s32 s16, $0x3000;
	s16 =	sadd.s32 $0x800, s16;
	_ =	swait.ge [sflag:s0], $0x2000  }
0x132: {  	s17 =	sshra.s32 s2, $0x2;
	[sflag:s0] =	ssyncset.done $0x0  }
0x133: {  	s2 =	sadd.s32 $0x2000, s17;
	[sflag:s0] =	ssyncadd.s32 $0xFFFFE000  }
0x134: {  	[spmem:s3] =	stream.indirect.scatter.add.f32 [tilespmem:s23], [sflag:$0x6], $0x80, s2, s22, $0xb8;
	[tilespmem:$0x1FC00] =	vst v63  }
0x135: {  	_ =	swait.ge [sflag:s20], $0x2000  }
0x136: {  	[sflag:s20] =	ssyncset.done $0x0  }
0x137: {  	s2 =	sadd.s32 $0x200, s17;
	[sflag:s20] =	ssyncadd.s32 $0xFFFFE000  }
0x138: {  	[tilespmem:s23], [sflag:$0x1] =	stream.indirect.gather [hbm4b:s1+s22], $0x80, s2, s22, $0xb8;
	[tilespmem:$0x1FC00] =	vst v63  }
0x139: {  	_ =	swait.ge [sflag:s5], $0x2000  }
0x13a: {  	[sflag:s5] =	ssyncset.done $0x0  }
0x13b: {  	s2 =	sadd.s32 $0x2080, s17;
	[sflag:s5] =	ssyncadd.s32 $0xFFFFE000  }
0x13c: {  	[spmem:s3] =	stream.indirect.scatter.add.f32 [tilespmem:s25], [sflag:$0x6], $0x80, s2, s22, $0xb8;
	[tilespmem:$0x1FC00] =	vst v63  }
0x13d: {  	_ =	swait.ge [sflag:s20], $0x2000  }
0x13e: {  	[sflag:s20] =	ssyncset.done $0x0  }
0x13f: {  	s2 =	sadd.s32 $0x280, s17;
	[sflag:s20] =	ssyncadd.s32 $0xFFFFE000  }
0x140: {  	[tilespmem:s25], [sflag:$0x2] =	stream.indirect.gather [hbm4b:s1+s22], $0x80, s2, s22, $0xb8;
	[tilespmem:$0x1FC00] =	vst v63  }
0x141: {  	_ =	swait.ge [sflag:s6], $0x2000  }
0x142: {  	[sflag:s6] =	ssyncset.done $0x0  }
0x143: {  	s2 =	sadd.s32 $0x2100, s17;
	[sflag:s6] =	ssyncadd.s32 $0xFFFFE000  }
0x144: {  	[spmem:s3] =	stream.indirect.scatter.add.f32 [tilespmem:s28], [sflag:$0x6], $0x80, s2, s22, $0xb8;
	[tilespmem:$0x1FC00] =	vst v63  }
0x145: {  	_ =	swait.ge [sflag:s20], $0x2000  }
0x146: {  	[sflag:s20] =	ssyncset.done $0x0  }
0x147: {  	s2 =	sadd.s32 $0x300, s17;
	[sflag:s20] =	ssyncadd.s32 $0xFFFFE000  }
0x148: {  	[tilespmem:s28], [sflag:$0x3] =	stream.indirect.gather [hbm4b:s1+s22], $0x80, s2, s22, $0xb8;
	[tilespmem:$0x1FC00] =	vst v63  }
0x149: {  	_ =	swait.ge [sflag:s8], $0x2000  }
0x14a: {  	[sflag:s8] =	ssyncset.done $0x0  }
.Ltmp2:
0x14b: {  	s2 =	sadd.s32 $0x2180, s17;
	[sflag:s8] =	ssyncadd.s32 $0xFFFFE000;
	(pc) =	sbr.rel @p0 .LBB2_6-.Ltmp2, $4  }
0x14c: {  	[spmem:s3] =	stream.indirect.scatter.add.f32 [tilespmem:s30], [sflag:$0x6], $0x80, s2, s22, $0xb8;
	[tilespmem:$0x1FC00] =	vst v63  }
0x14d: {  	_ =	swait.ge [sflag:s20], $0x2000  }
0x14e: {  	[sflag:s20] =	ssyncset.done $0x0  }
0x14f: {  	s17 =	sadd.s32 $0x380, s17;
	[sflag:s20] =	ssyncadd.s32 $0xFFFFE000  }
0x150: {  	[tilespmem:s30], [sflag:$0x4] =	stream.indirect.gather [hbm4b:s1+s22], $0x80, s17, s22, $0xb8;
	[tilespmem:$0x1FC00] =	vst v63  }
0x151: {  	_ =	swait.ge [sflag:s9], $0x1000  }
0x152: {  	[sflag:s9] =	ssyncset.done $0x0  }
0x153: {  	[sflag:s9] =	ssyncadd.s32 $0xFFFFF000  }
0x154: {  	_ =	swait.ge [sflag:s9], $0x1000  }
0x155: {  	[sflag:s9] =	ssyncset.done $0x0  }
0x156: {  	[sflag:s9] =	ssyncadd.s32 $0xFFFFF000  }
0x157: {  	_ =	swait.ge [sflag:s0], $0x2000  }
0x158: {  	[sflag:s0] =	ssyncset.done $0x0  }
0x159: {  	[sflag:s0] =	ssyncadd.s32 $0xFFFFE000  }
0x15a: {  	[spmem:s3] =	stream.indirect.scatter.add.f32 [tilespmem:s23], [sflag:$0x6], $0x80, s10, s22, $0xb8;
	[tilespmem:$0x1FC00] =	vst v63  }
0x15b: {  	_ =	swait.ge [sflag:s20], $0x2000  }
0x15c: {  	[sflag:s20] =	ssyncset.done $0x0  }
0x15d: {  	[sflag:s20] =	ssyncadd.s32 $0xFFFFE000  }
0x15e: {  	[tilespmem:s23], [sflag:$0x1] =	stream.indirect.gather [hbm4b:s1+s22], $0x80, s31, s22, $0xb8;
	[tilespmem:$0x1FC00] =	vst v63  }
0x15f: {  	_ =	swait.ge [sflag:s5], $0x2000  }
0x160: {  	[sflag:s5] =	ssyncset.done $0x0  }
0x161: {  	[sflag:s5] =	ssyncadd.s32 $0xFFFFE000  }
0x162: {  	[spmem:s3] =	stream.indirect.scatter.add.f32 [tilespmem:s25], [sflag:$0x6], $0x80, s11, s22, $0xb8;
	[tilespmem:$0x1FC00] =	vst v63  }
0x163: {  	_ =	swait.ge [sflag:s20], $0x2000  }
0x164: {  	[sflag:s20] =	ssyncset.done $0x0  }
0x165: {  	s2 =	simm.s32 $0x1080;
	[sflag:s20] =	ssyncadd.s32 $0xFFFFE000  }
0x166: {  	[tilespmem:s25], [sflag:$0x2] =	stream.indirect.gather [hbm4b:s1+s22], $0x80, s2, s22, $0xb8;
	[tilespmem:$0x1FC00] =	vst v63  }
0x167: {  	_ =	swait.ge [sflag:s6], $0x2000  }
0x168: {  	[sflag:s6] =	ssyncset.done $0x0  }
0x169: {  	[sflag:s6] =	ssyncadd.s32 $0xFFFFE000  }
0x16a: {  	[spmem:s3] =	stream.indirect.scatter.add.f32 [tilespmem:s28], [sflag:$0x6], $0x80, s13, s22, $0xb8;
	[tilespmem:$0x1FC00] =	vst v63  }
0x16b: {  	_ =	swait.ge [sflag:s20], $0x2000  }
0x16c: {  	[sflag:s20] =	ssyncset.done $0x0  }
0x16d: {  	s17 =	simm.s32 $0x1100;
	[sflag:s20] =	ssyncadd.s32 $0xFFFFE000  }
0x16e: {  	[tilespmem:s28], [sflag:$0x3] =	stream.indirect.gather [hbm4b:s1+s22], $0x80, s17, s22, $0xb8;
	[tilespmem:$0x1FC00] =	vst v63  }
0x16f: {  	_ =	swait.ge [sflag:s8], $0x2000  }
0x170: {  	[sflag:s8] =	ssyncset.done $0x0  }
0x171: {  	[sflag:s8] =	ssyncadd.s32 $0xFFFFE000  }
0x172: {  	[spmem:s3] =	stream.indirect.scatter.add.f32 [tilespmem:s30], [sflag:$0x6], $0x80, s15, s22, $0xb8;
	[tilespmem:$0x1FC00] =	vst v63  }
0x173: {  	_ =	swait.ge [sflag:s20], $0x2000  }
0x174: {  	[sflag:s20] =	ssyncset.done $0x0  }
0x175: {  	s16 =	simm.s32 $0x1180;
	[sflag:s20] =	ssyncadd.s32 $0xFFFFE000  }
0x176: {  	[tilespmem:s30], [sflag:$0x4] =	stream.indirect.gather [hbm4b:s1+s22], $0x80, s16, s22, $0xb8;
	[tilespmem:$0x1FC00] =	vst v63  }
0x177: {  	s2 =	simm.s32 $0x0;
	s16 =	rddreg [dreg:$0xe]  }
0x178: {  	[tilespmem:s2], [sflag:$0x5] =	stream.linear.gather [hbm4b:s16+s2], $0x1000, $0x38;
	[tilespmem:$0x1FC00] =	vst v63  }
0x179: {  	s17 =	rddreg [dreg:$0xf]  }
0x17a: {  	[tilespmem:s21], [sflag:$0x5] =	stream.linear.gather [hbm4b:s17+s2], $0x1000, $0x38;
	[tilespmem:$0x1FC00] =	vst v63  }
0x17b: {  	_ =	swait.ge [sflag:s0], $0x2000  }
0x17c: {  	[sflag:s0] =	ssyncset.done $0x0  }
0x17d: {  	s17 =	simm.s32 $0x3000;
	[sflag:s0] =	ssyncadd.s32 $0xFFFFE000  }
0x17e: {  	[spmem:s3] =	stream.indirect.scatter.add.f32 [tilespmem:s23], [sflag:$0x6], $0x80, s17, s22, $0xb8;
	[tilespmem:$0x1FC00] =	vst v63  }
0x17f: {  	_ =	swait.ge [sflag:s20], $0x2000  }
0x180: {  	[sflag:s20] =	ssyncset.done $0x0  }
0x181: {  	s16 =	simm.s32 $0x1200;
	[sflag:s20] =	ssyncadd.s32 $0xFFFFE000  }
0x182: {  	[tilespmem:s23], [sflag:$0x1] =	stream.indirect.gather [hbm4b:s1+s22], $0x80, s16, s22, $0xb8;
	[tilespmem:$0x1FC00] =	vst v63  }
0x183: {  	_ =	swait.ge [sflag:s5], $0x2000  }
0x184: {  	[sflag:s5] =	ssyncset.done $0x0  }
0x185: {  	s17 =	simm.s32 $0x3080;
	[sflag:s5] =	ssyncadd.s32 $0xFFFFE000  }
0x186: {  	[spmem:s3] =	stream.indirect.scatter.add.f32 [tilespmem:s25], [sflag:$0x6], $0x80, s17, s22, $0xb8;
	[tilespmem:$0x1FC00] =	vst v63  }
0x187: {  	_ =	swait.ge [sflag:s20], $0x2000  }
0x188: {  	[sflag:s20] =	ssyncset.done $0x0  }
0x189: {  	s16 =	simm.s32 $0x1280;
	[sflag:s20] =	ssyncadd.s32 $0xFFFFE000  }
0x18a: {  	[tilespmem:s25], [sflag:$0x2] =	stream.indirect.gather [hbm4b:s1+s22], $0x80, s16, s22, $0xb8;
	[tilespmem:$0x1FC00] =	vst v63  }
0x18b: {  	_ =	swait.ge [sflag:s6], $0x2000  }
0x18c: {  	[sflag:s6] =	ssyncset.done $0x0  }
0x18d: {  	s17 =	simm.s32 $0x3100;
	[sflag:s6] =	ssyncadd.s32 $0xFFFFE000  }
0x18e: {  	[spmem:s3] =	stream.indirect.scatter.add.f32 [tilespmem:s28], [sflag:$0x6], $0x80, s17, s22, $0xb8;
	[tilespmem:$0x1FC00] =	vst v63  }
0x18f: {  	_ =	swait.ge [sflag:s20], $0x2000  }
0x190: {  	[sflag:s20] =	ssyncset.done $0x0  }
0x191: {  	s16 =	simm.s32 $0x1300;
	[sflag:s20] =	ssyncadd.s32 $0xFFFFE000  }
0x192: {  	[tilespmem:s28], [sflag:$0x3] =	stream.indirect.gather [hbm4b:s1+s22], $0x80, s16, s22, $0xb8;
	[tilespmem:$0x1FC00] =	vst v63  }
0x193: {  	_ =	swait.ge [sflag:s8], $0x2000  }
0x194: {  	[sflag:s8] =	ssyncset.done $0x0  }
0x195: {  	s17 =	simm.s32 $0x3180;
	[sflag:s8] =	ssyncadd.s32 $0xFFFFE000  }
0x196: {  	[spmem:s3] =	stream.indirect.scatter.add.f32 [tilespmem:s30], [sflag:$0x6], $0x80, s17, s22, $0xb8;
	[tilespmem:$0x1FC00] =	vst v63  }
0x197: {  	_ =	swait.ge [sflag:s20], $0x2000  }
0x198: {  	[sflag:s20] =	ssyncset.done $0x0  }
0x199: {  	s16 =	simm.s32 $0x800;
	s17 =	simm.s32 $0x1380;
	[sflag:s20] =	ssyncadd.s32 $0xFFFFE000  }
.LBB2_8:
0x19a: {  	[tilespmem:s30], [sflag:$0x4] =	stream.indirect.gather [hbm4b:s1+s22], $0x80, s17, s22, $0xb8;
	[tilespmem:$0x1FC00] =	vst v63  }
0x19b: {  	s2 =	smov.u32 s16  }
0x19c: {  	p0 =	sne.s32 s16, $0x3000;
	s16 =	sadd.s32 $0x800, s16;
	_ =	swait.ge [sflag:s0], $0x2000  }
0x19d: {  	s17 =	sshra.s32 s2, $0x2;
	[sflag:s0] =	ssyncset.done $0x0  }
0x19e: {  	s2 =	sadd.s32 $0x3000, s17;
	[sflag:s0] =	ssyncadd.s32 $0xFFFFE000  }
0x19f: {  	[spmem:s3] =	stream.indirect.scatter.add.f32 [tilespmem:s23], [sflag:$0x6], $0x80, s2, s22, $0xb8;
	[tilespmem:$0x1FC00] =	vst v63  }
0x1a0: {  	_ =	swait.ge [sflag:s20], $0x2000  }
0x1a1: {  	[sflag:s20] =	ssyncset.done $0x0  }
0x1a2: {  	s2 =	sadd.s32 $0x1200, s17;
	[sflag:s20] =	ssyncadd.s32 $0xFFFFE000  }
0x1a3: {  	[tilespmem:s23], [sflag:$0x1] =	stream.indirect.gather [hbm4b:s1+s22], $0x80, s2, s22, $0xb8;
	[tilespmem:$0x1FC00] =	vst v63  }
0x1a4: {  	_ =	swait.ge [sflag:s5], $0x2000  }
0x1a5: {  	[sflag:s5] =	ssyncset.done $0x0  }
0x1a6: {  	s2 =	sadd.s32 $0x3080, s17;
	[sflag:s5] =	ssyncadd.s32 $0xFFFFE000  }
0x1a7: {  	[spmem:s3] =	stream.indirect.scatter.add.f32 [tilespmem:s25], [sflag:$0x6], $0x80, s2, s22, $0xb8;
	[tilespmem:$0x1FC00] =	vst v63  }
0x1a8: {  	_ =	swait.ge [sflag:s20], $0x2000  }
0x1a9: {  	[sflag:s20] =	ssyncset.done $0x0  }
0x1aa: {  	s2 =	sadd.s32 $0x1280, s17;
	[sflag:s20] =	ssyncadd.s32 $0xFFFFE000  }
0x1ab: {  	[tilespmem:s25], [sflag:$0x2] =	stream.indirect.gather [hbm4b:s1+s22], $0x80, s2, s22, $0xb8;
	[tilespmem:$0x1FC00] =	vst v63  }
0x1ac: {  	_ =	swait.ge [sflag:s6], $0x2000  }
0x1ad: {  	[sflag:s6] =	ssyncset.done $0x0  }
0x1ae: {  	s2 =	sadd.s32 $0x3100, s17;
	[sflag:s6] =	ssyncadd.s32 $0xFFFFE000  }
0x1af: {  	[spmem:s3] =	stream.indirect.scatter.add.f32 [tilespmem:s28], [sflag:$0x6], $0x80, s2, s22, $0xb8;
	[tilespmem:$0x1FC00] =	vst v63  }
0x1b0: {  	_ =	swait.ge [sflag:s20], $0x2000  }
0x1b1: {  	[sflag:s20] =	ssyncset.done $0x0  }
0x1b2: {  	s2 =	sadd.s32 $0x1300, s17;
	[sflag:s20] =	ssyncadd.s32 $0xFFFFE000  }
0x1b3: {  	[tilespmem:s28], [sflag:$0x3] =	stream.indirect.gather [hbm4b:s1+s22], $0x80, s2, s22, $0xb8;
	[tilespmem:$0x1FC00] =	vst v63  }
0x1b4: {  	_ =	swait.ge [sflag:s8], $0x2000  }
0x1b5: {  	[sflag:s8] =	ssyncset.done $0x0  }
.Ltmp3:
0x1b6: {  	s2 =	sadd.s32 $0x3180, s17;
	[sflag:s8] =	ssyncadd.s32 $0xFFFFE000;
	(pc) =	sbr.rel @p0 .LBB2_8-.Ltmp3, $4  }
0x1b7: {  	[spmem:s3] =	stream.indirect.scatter.add.f32 [tilespmem:s30], [sflag:$0x6], $0x80, s2, s22, $0xb8;
	[tilespmem:$0x1FC00] =	vst v63  }
0x1b8: {  	_ =	swait.ge [sflag:s20], $0x2000  }
0x1b9: {  	[sflag:s20] =	ssyncset.done $0x0  }
0x1ba: {  	s17 =	sadd.s32 $0x1380, s17;
	[sflag:s20] =	ssyncadd.s32 $0xFFFFE000  }
0x1bb: {  	[tilespmem:s30], [sflag:$0x4] =	stream.indirect.gather [hbm4b:s1+s22], $0x80, s17, s22, $0xb8;
	[tilespmem:$0x1FC00] =	vst v63  }
0x1bc: {  	_ =	swait.ge [sflag:s9], $0x1000  }
0x1bd: {  	[sflag:s9] =	ssyncset.done $0x0  }
0x1be: {  	[sflag:s9] =	ssyncadd.s32 $0xFFFFF000  }
0x1bf: {  	_ =	swait.ge [sflag:s9], $0x1000  }
0x1c0: {  	[sflag:s9] =	ssyncset.done $0x0  }
0x1c1: {  	[sflag:s9] =	ssyncadd.s32 $0xFFFFF000  }
0x1c2: {  	_ =	swait.ge [sflag:s0], $0x2000  }
0x1c3: {  	[sflag:s0] =	ssyncset.done $0x0  }
0x1c4: {  	s2 =	simm.s32 $0x3E00;
	[sflag:s0] =	ssyncadd.s32 $0xFFFFE000  }
0x1c5: {  	[spmem:s3] =	stream.indirect.scatter.add.f32 [tilespmem:s23], [sflag:$0x6], $0x80, s2, s22, $0xb8;
	[tilespmem:$0x1FC00] =	vst v63  }
0x1c6: {  	_ =	swait.ge [sflag:s20], $0x2000  }
0x1c7: {  	[sflag:s20] =	ssyncset.done $0x0  }
0x1c8: {  	s17 =	simm.s32 $0x0;
	[sflag:s20] =	ssyncadd.s32 $0xFFFFE000  }
0x1c9: {  	[tilespmem:s23], [sflag:$0x1] =	stream.indirect.gather [hbm4b:s1+s22], $0x80, s17, s22, $0xb8;
	[tilespmem:$0x1FC00] =	vst v63  }
0x1ca: {  	_ =	swait.ge [sflag:s5], $0x2000  }
0x1cb: {  	[sflag:s5] =	ssyncset.done $0x0  }
0x1cc: {  	s16 =	simm.s32 $0x3E80;
	[sflag:s5] =	ssyncadd.s32 $0xFFFFE000  }
0x1cd: {  	[spmem:s3] =	stream.indirect.scatter.add.f32 [tilespmem:s25], [sflag:$0x6], $0x80, s16, s22, $0xb8;
	[tilespmem:$0x1FC00] =	vst v63  }
0x1ce: {  	_ =	swait.ge [sflag:s20], $0x2000  }
0x1cf: {  	[sflag:s20] =	ssyncset.done $0x0  }
0x1d0: {  	[sflag:s20] =	ssyncadd.s32 $0xFFFFE000  }
0x1d1: {  	[tilespmem:s25], [sflag:$0x2] =	stream.indirect.gather [hbm4b:s1+s22], $0x80, s24, s22, $0xb8;
	[tilespmem:$0x1FC00] =	vst v63  }
0x1d2: {  	_ =	swait.ge [sflag:s6], $0x2000  }
0x1d3: {  	[sflag:s6] =	ssyncset.done $0x0  }
0x1d4: {  	[sflag:s6] =	ssyncadd.s32 $0xFFFFE000  }
0x1d5: {  	[spmem:s3] =	stream.indirect.scatter.add.f32 [tilespmem:s28], [sflag:$0x6], $0x80, s18, s22, $0xb8;
	[tilespmem:$0x1FC00] =	vst v63  }
0x1d6: {  	_ =	swait.ge [sflag:s20], $0x2000  }
0x1d7: {  	[sflag:s20] =	ssyncset.done $0x0  }
0x1d8: {  	[sflag:s20] =	ssyncadd.s32 $0xFFFFE000  }
0x1d9: {  	[tilespmem:s28], [sflag:$0x3] =	stream.indirect.gather [hbm4b:s1+s22], $0x80, s26, s22, $0xb8;
	[tilespmem:$0x1FC00] =	vst v63  }
0x1da: {  	_ =	swait.ge [sflag:s8], $0x2000  }
0x1db: {  	[sflag:s8] =	ssyncset.done $0x0  }
0x1dc: {  	[sflag:s8] =	ssyncadd.s32 $0xFFFFE000  }
0x1dd: {  	[spmem:s3] =	stream.indirect.scatter.add.f32 [tilespmem:s30], [sflag:$0x6], $0x80, s19, s22, $0xb8;
	[tilespmem:$0x1FC00] =	vst v63  }
0x1de: {  	_ =	swait.ge [sflag:s20], $0x2000  }
0x1df: {  	[sflag:s20] =	ssyncset.done $0x0  }
0x1e0: {  	[sflag:s20] =	ssyncadd.s32 $0xFFFFE000  }
0x1e1: {  	[tilespmem:s30], [sflag:$0x4] =	stream.indirect.gather [hbm4b:s1+s22], $0x80, s29, s22, $0xb8;
	[tilespmem:$0x1FC00] =	vst v63  }
0x1e2: {  	_ =	swait.ge [sflag:s0], $0x2000  }
0x1e3: {  	[sflag:s0] =	ssyncset.done $0x0  }
0x1e4: {  	s17 =	simm.s32 $0x2000;
	[sflag:s0] =	ssyncadd.s32 $0xFFFFE000  }
0x1e5: {  	[spmem:s3] =	stream.indirect.scatter.add.f32 [tilespmem:s23], [sflag:$0x6], $0x80, s17, s22, $0xb8;
	[tilespmem:$0x1FC00] =	vst v63  }
0x1e6: {  	_ =	swait.ge [sflag:s20], $0x2000  }
0x1e7: {  	[sflag:s20] =	ssyncset.done $0x0  }
0x1e8: {  	s16 =	simm.s32 $0x200;
	[sflag:s20] =	ssyncadd.s32 $0xFFFFE000  }
0x1e9: {  	[tilespmem:s23], [sflag:$0x1] =	stream.indirect.gather [hbm4b:s1+s22], $0x80, s16, s22, $0xb8;
	[tilespmem:$0x1FC00] =	vst v63  }
0x1ea: {  	_ =	swait.ge [sflag:s5], $0x2000  }
0x1eb: {  	[sflag:s5] =	ssyncset.done $0x0  }
0x1ec: {  	s17 =	simm.s32 $0x2080;
	[sflag:s5] =	ssyncadd.s32 $0xFFFFE000  }
0x1ed: {  	[spmem:s3] =	stream.indirect.scatter.add.f32 [tilespmem:s25], [sflag:$0x6], $0x80, s17, s22, $0xb8;
	[tilespmem:$0x1FC00] =	vst v63  }
0x1ee: {  	_ =	swait.ge [sflag:s20], $0x2000  }
0x1ef: {  	[sflag:s20] =	ssyncset.done $0x0  }
0x1f0: {  	s16 =	simm.s32 $0x280;
	[sflag:s20] =	ssyncadd.s32 $0xFFFFE000  }
0x1f1: {  	[tilespmem:s25], [sflag:$0x2] =	stream.indirect.gather [hbm4b:s1+s22], $0x80, s16, s22, $0xb8;
	[tilespmem:$0x1FC00] =	vst v63  }
0x1f2: {  	_ =	swait.ge [sflag:s6], $0x2000  }
0x1f3: {  	[sflag:s6] =	ssyncset.done $0x0  }
0x1f4: {  	s17 =	simm.s32 $0x2100;
	[sflag:s6] =	ssyncadd.s32 $0xFFFFE000  }
0x1f5: {  	[spmem:s3] =	stream.indirect.scatter.add.f32 [tilespmem:s28], [sflag:$0x6], $0x80, s17, s22, $0xb8;
	[tilespmem:$0x1FC00] =	vst v63  }
0x1f6: {  	_ =	swait.ge [sflag:s20], $0x2000  }
0x1f7: {  	[sflag:s20] =	ssyncset.done $0x0  }
0x1f8: {  	s16 =	simm.s32 $0x300;
	[sflag:s20] =	ssyncadd.s32 $0xFFFFE000  }
0x1f9: {  	[tilespmem:s28], [sflag:$0x3] =	stream.indirect.gather [hbm4b:s1+s22], $0x80, s16, s22, $0xb8;
	[tilespmem:$0x1FC00] =	vst v63  }
0x1fa: {  	_ =	swait.ge [sflag:s8], $0x2000  }
0x1fb: {  	[sflag:s8] =	ssyncset.done $0x0  }
0x1fc: {  	s17 =	simm.s32 $0x2180;
	[sflag:s8] =	ssyncadd.s32 $0xFFFFE000  }
0x1fd: {  	[spmem:s3] =	stream.indirect.scatter.add.f32 [tilespmem:s30], [sflag:$0x6], $0x80, s17, s22, $0xb8;
	[tilespmem:$0x1FC00] =	vst v63  }
0x1fe: {  	_ =	swait.ge [sflag:s20], $0x2000  }
0x1ff: {  	[sflag:s20] =	ssyncset.done $0x0  }
0x200: {  	s16 =	simm.s32 $0x800;
	s17 =	simm.s32 $0x380;
	[sflag:s20] =	ssyncadd.s32 $0xFFFFE000  }
.LBB2_10:
0x201: {  	[tilespmem:s30], [sflag:$0x4] =	stream.indirect.gather [hbm4b:s1+s22], $0x80, s17, s22, $0xb8;
	[tilespmem:$0x1FC00] =	vst v63  }
0x202: {  	s2 =	smov.u32 s16  }
0x203: {  	p0 =	sne.s32 s16, $0x3000;
	s16 =	sadd.s32 $0x800, s16;
	_ =	swait.ge [sflag:s0], $0x2000  }
0x204: {  	s17 =	sshra.s32 s2, $0x2;
	[sflag:s0] =	ssyncset.done $0x0  }
0x205: {  	s2 =	sadd.s32 $0x2000, s17;
	[sflag:s0] =	ssyncadd.s32 $0xFFFFE000  }
0x206: {  	[spmem:s3] =	stream.indirect.scatter.add.f32 [tilespmem:s23], [sflag:$0x6], $0x80, s2, s22, $0xb8;
	[tilespmem:$0x1FC00] =	vst v63  }
0x207: {  	_ =	swait.ge [sflag:s20], $0x2000  }
0x208: {  	[sflag:s20] =	ssyncset.done $0x0  }
0x209: {  	s2 =	sadd.s32 $0x200, s17;
	[sflag:s20] =	ssyncadd.s32 $0xFFFFE000  }
0x20a: {  	[tilespmem:s23], [sflag:$0x1] =	stream.indirect.gather [hbm4b:s1+s22], $0x80, s2, s22, $0xb8;
	[tilespmem:$0x1FC00] =	vst v63  }
0x20b: {  	_ =	swait.ge [sflag:s5], $0x2000  }
0x20c: {  	[sflag:s5] =	ssyncset.done $0x0  }
0x20d: {  	s2 =	sadd.s32 $0x2080, s17;
	[sflag:s5] =	ssyncadd.s32 $0xFFFFE000  }
0x20e: {  	[spmem:s3] =	stream.indirect.scatter.add.f32 [tilespmem:s25], [sflag:$0x6], $0x80, s2, s22, $0xb8;
	[tilespmem:$0x1FC00] =	vst v63  }
0x20f: {  	_ =	swait.ge [sflag:s20], $0x2000  }
0x210: {  	[sflag:s20] =	ssyncset.done $0x0  }
0x211: {  	s2 =	sadd.s32 $0x280, s17;
	[sflag:s20] =	ssyncadd.s32 $0xFFFFE000  }
0x212: {  	[tilespmem:s25], [sflag:$0x2] =	stream.indirect.gather [hbm4b:s1+s22], $0x80, s2, s22, $0xb8;
	[tilespmem:$0x1FC00] =	vst v63  }
0x213: {  	_ =	swait.ge [sflag:s6], $0x2000  }
0x214: {  	[sflag:s6] =	ssyncset.done $0x0  }
0x215: {  	s2 =	sadd.s32 $0x2100, s17;
	[sflag:s6] =	ssyncadd.s32 $0xFFFFE000  }
0x216: {  	[spmem:s3] =	stream.indirect.scatter.add.f32 [tilespmem:s28], [sflag:$0x6], $0x80, s2, s22, $0xb8;
	[tilespmem:$0x1FC00] =	vst v63  }
0x217: {  	_ =	swait.ge [sflag:s20], $0x2000  }
0x218: {  	[sflag:s20] =	ssyncset.done $0x0  }
0x219: {  	s2 =	sadd.s32 $0x300, s17;
	[sflag:s20] =	ssyncadd.s32 $0xFFFFE000  }
0x21a: {  	[tilespmem:s28], [sflag:$0x3] =	stream.indirect.gather [hbm4b:s1+s22], $0x80, s2, s22, $0xb8;
	[tilespmem:$0x1FC00] =	vst v63  }
0x21b: {  	_ =	swait.ge [sflag:s8], $0x2000  }
0x21c: {  	[sflag:s8] =	ssyncset.done $0x0  }
.Ltmp4:
0x21d: {  	s2 =	sadd.s32 $0x2180, s17;
	[sflag:s8] =	ssyncadd.s32 $0xFFFFE000;
	(pc) =	sbr.rel @p0 .LBB2_10-.Ltmp4, $4  }
0x21e: {  	[spmem:s3] =	stream.indirect.scatter.add.f32 [tilespmem:s30], [sflag:$0x6], $0x80, s2, s22, $0xb8;
	[tilespmem:$0x1FC00] =	vst v63  }
0x21f: {  	_ =	swait.ge [sflag:s20], $0x2000  }
0x220: {  	[sflag:s20] =	ssyncset.done $0x0  }
0x221: {  	s17 =	sadd.s32 $0x380, s17;
	[sflag:s20] =	ssyncadd.s32 $0xFFFFE000  }
0x222: {  	[tilespmem:s30], [sflag:$0x4] =	stream.indirect.gather [hbm4b:s1+s22], $0x80, s17, s22, $0xb8;
	[tilespmem:$0x1FC00] =	vst v63  }
0x223: {  	_ =	swait.ge [sflag:s0], $0x2000  }
0x224: {  	[sflag:s0] =	ssyncset.done $0x0  }
0x225: {  	[sflag:s0] =	ssyncadd.s32 $0xFFFFE000  }
0x226: {  	[spmem:s3] =	stream.indirect.scatter.add.f32 [tilespmem:s23], [sflag:$0x6], $0x80, s10, s22, $0xb8;
	[tilespmem:$0x1FC00] =	vst v63  }
0x227: {  	_ =	swait.ge [sflag:s20], $0x2000  }
0x228: {  	[sflag:s20] =	ssyncset.done $0x0  }
0x229: {  	[sflag:s20] =	ssyncadd.s32 $0xFFFFE000  }
0x22a: {  	_ =	swait.ge [sflag:s5], $0x2000  }
0x22b: {  	[sflag:s5] =	ssyncset.done $0x0  }
0x22c: {  	[sflag:s5] =	ssyncadd.s32 $0xFFFFE000  }
0x22d: {  	[spmem:s3] =	stream.indirect.scatter.add.f32 [tilespmem:s25], [sflag:$0x6], $0x80, s11, s22, $0xb8;
	[tilespmem:$0x1FC00] =	vst v63  }
0x22e: {  	_ =	swait.ge [sflag:s20], $0x2000  }
0x22f: {  	[sflag:s20] =	ssyncset.done $0x0  }
0x230: {  	[sflag:s20] =	ssyncadd.s32 $0xFFFFE000  }
0x231: {  	_ =	swait.ge [sflag:s6], $0x2000  }
0x232: {  	[sflag:s6] =	ssyncset.done $0x0  }
0x233: {  	[sflag:s6] =	ssyncadd.s32 $0xFFFFE000  }
0x234: {  	[spmem:s3] =	stream.indirect.scatter.add.f32 [tilespmem:s28], [sflag:$0x6], $0x80, s13, s22, $0xb8;
	[tilespmem:$0x1FC00] =	vst v63  }
0x235: {  	_ =	swait.ge [sflag:s20], $0x2000  }
0x236: {  	[sflag:s20] =	ssyncset.done $0x0  }
0x237: {  	[sflag:s20] =	ssyncadd.s32 $0xFFFFE000  }
0x238: {  	_ =	swait.ge [sflag:s8], $0x2000  }
0x239: {  	[sflag:s8] =	ssyncset.done $0x0  }
0x23a: {  	[sflag:s8] =	ssyncadd.s32 $0xFFFFE000  }
0x23b: {  	[spmem:s3] =	stream.indirect.scatter.add.f32 [tilespmem:s30], [sflag:$0x6], $0x80, s15, s22, $0xb8;
	[tilespmem:$0x1FC00] =	vst v63  }
0x23c: {  	_ =	swait.ge [sflag:s20], $0x2000  }
0x23d: {  	[sflag:s20] =	ssyncset.done $0x0  }
0x23e: {  	[sflag:s20] =	ssyncadd.s32 $0xFFFFE000  }
0x23f: {  	[bflag:$0x0] =	sbarrier.arrive $0xFFFF  }
0x240: {  	s2 =	rddreg [dreg:$0x10]  }
0x241: {  	[hbm:s2], [sflag:s7] =	dma.local [spmem:s14], $0x2780  }
0x242: {  	_ =	swait.ge [sflag:s20], $0x2780  }
0x243: {  	s12 =	sadd.s32 $0x1, s12;
	s17 =	rddreg [dreg:$0x11]  }
0x244: {  	p0 =	sne.s32 s12, s17  }
.Ltmp5:
0x245: {  	_ = 	snop;
	(pc) =	sbr.rel @p0 .LBB2_1-.Ltmp5, $3  }
0x246: {  	_ =	sdelay $0x1  }
0x247: {  	[sflag:s20] =	ssyncset.done $0x0  }
0x248: {  	[sflag:s20] =	ssyncadd.s32 $0xFFFFD880  }
0x249: {  	_ =	sfence.sel $0x180000  }
0x24a: {  	[bflag:$0x0] =	sbarrier.arrive $0xFFFF  }
0x24b: {  	_ =	strace $0x90000047  }
0x24c: {  	s0 =	stileid.u32;
	[bflag:$0x2] =	sbarrier.arrive $0xFFFF  }
0x24d: {  	p0 =	sne.s32 s0, $0x0;
	s0 =	rddreg [dreg:$0x3]  }
0x24e: {  	s0 =	sadd.s32 @!p0 $0x100000, s0  }
0x24f: {  	[sflag:s0] =	ssyncadd.tile.s32 @!p0 $0x1;
	_ =	shalt  }
.Lfunc_end2:
_tile_overlayer_lowered:
.L_overlay_start_2:
0x250: {  	(tag) =	ssettag $0x2  }
0x251: {  	s0 =	rddreg [dreg:$0x0];
	s2 =	stileid.u32  }
0x252: {  	s1 =	rddreg [dreg:$0x1];
	p0 =	sne.s32 s2, $0x0  }
0x253: {  	s3 =	rddreg [dreg:$0x2];
	[bflag:$0x3] =	sbarrier.arrive $0xFFFF;
	s2 =	simm.s32 @!p0 $0x1C06  }
0x254: {  	[timem:s3], [sflag:s2] =	dma.local @!p0 [hbm:s0], s1  }
0x255: {  	s0 =	simm.s32 @!p0 $0x6  }
0x256: {  	_ =	swait.ge @!p0 [sflag:s0], s1  }
0x257: {  	s1 =	ssub.s32 @!p0 $0x0, s1;
	[sflag:s0] =	ssyncset.done @!p0 $0x0  }
0x258: {  	[sflag:s0] =	ssyncadd.s32 @!p0 s1  }
0x259: {  	[bflag:$0x3] =	sbarrier.arrive $0xFFFF  }
0x25a: {  	_ =	shalt  }

// kernel: kernel.9.cloned.1.call-start
scs
__scs_entry_jumppad:
0x0: {  	(pc) =	sbr.rel $0x88, $3  }
0x1: {  	(tag) =	ssettag $0x0;
	lr =	simm.s32 $0x1  }
0x2: {  	[smem:$0x3F97] =	sst lr;
	_ =	strace $0xD0000000  }
0x3: {  	_ = 	snop  }
0x4: {  	_ = 	snop  }
0x5: {  	_ = 	snop  }
0x6: {  	_ = 	snop  }
0x7: {  	_ = 	snop  }
__scs_overlays_trampoline_lowered:
0x8: {  	[smem:$0x3FA6] =	sst s0  }
0x9: {  	[smem:$0x3FA7] =	sst s1  }
0xa: {  	[smem:$0x3FA8] =	sst s2  }
0xb: {  	[smem:$0x3FA9] =	sst s3  }
0xc: {  	[smem:$0x3FAA] =	sst s4  }
0xd: {  	[smem:$0x3FAB] =	sst s5  }
0xe: {  	[smem:$0x3FAC] =	sst s6  }
0xf: {  	[smem:$0x3FAD] =	sst s7  }
0x10: {  	[smem:$0x3FAE] =	sst s8  }
0x11: {  	[smem:$0x3FAF] =	sst s9;
	s0 =	simm.s32 @!p0 $0x0  }
0x12: {  	s1 =	sld [smem:$0x3F95];
	s0 =	simm.s32 @p0 $0x1  }
0x13: {  	[smem:$0x3FB0] =	sst s0;
	s0 =	simm.s32 @!p1 $0x0  }
0x14: {  	s2 =	sld [smem:$0x3F94];
	s0 =	simm.s32 @p1 $0x1  }
0x15: {  	[smem:$0x3FB1] =	sst s0;
	s0 =	simm.s32 @!p2 $0x0  }
0x16: {  	s3 =	sld [smem:$0x3FDB];
	s0 =	simm.s32 @p2 $0x1  }
0x17: {  	s4 =	simm.s32 $0x1BF5;
	[smem:$0x3FB3] =	sst s0  }
0x18: {  	s0 =	sld [smem:$0x3F96];
	_ =	swait.ge [sflag:s4], $0x0  }
0x19: {  	s7 =	sld [smem:$0x3F97]  }
0x1a: {  	s8 =	sadd.s32 $0xFFFFE003, lr  }
0x1b: {  	s9 =	sadd.s32 $0xFFFFFEF7, lr;
	s5 =	simm.s32 $0xFFFFFFFF;
	p2 =	slt.u32 s8, $0xFFFFF086  }
0x1c: {  	p1 =	slt.u32 s9, $0xF7A;
	s5 =	simm.s32 @!p2 $0x0  }
0x1d: {  	s5 =	simm.s32 @p1 $0x1;
	p0 =	seq.s32 s7, s2  }
0x1e: {  	s7 =	smul.u32 @!p0 $0xF7A, s2;
	p2 =	seq.s32 @!p0 s5, $0x0  }
0x1f: {  	s9 =	smul.u32 $0xF7A, s1;
	s8 =	simm.s32 @!p0 $0x1BF5;
	p2 =	por !p2, p0  }
0x20: {  	[sflag:s8] =	ssyncset.s32 @!p0 $0xFFFFF086;
	s6 =	sadd.s32 @!p0 s3, s7;
	s7 =	simm.s32 @!p0 $0x108  }
0x21: {  	s3 =	sadd.s32 s3, s9;
	s6 =	sadd.s32 @!p0 $0x88, s6;
	s7 =	simm.s32 @p2 $0x1082  }
0x22: {  	[simem:s7], [sflag:s8] =	dma.local @!p0 [hbm:s6], $0xF7A  }
0x23: {  	s9 =	sor.u32 $0xD0000000, s2;
	s6 =	simm.s32 $0x108;
	_ =	swait.ge @!p0 [sflag:s8], $0x0  }
0x24: {  	s3 =	sadd.s32 $0x88, s3;
	s6 =	simm.s32 @!p1 $0x1082;
	[sflag:s4] =	ssyncset.s32 $0xFFFFF086  }
0x25: {  	[simem:s6], [sflag:s4] =	dma.local [hbm:s3], $0xF7A  }
0x26: {  	[smem:$0x3F97] =	sst s1;
	(tag) =	ssettag s2;
	_ =	strace s9  }
0x27: {  	s1 =	sld [smem:$0x3FA7]  }
0x28: {  	s2 =	sld [smem:$0x3FA8]  }
0x29: {  	s4 =	sld [smem:$0x3FAA]  }
0x2a: {  	p0 =	seq.s32 s5, $0x0;
	s5 =	sld [smem:$0x3FAB]  }
0x2b: {  	s6 =	sld [smem:$0x3FAC]  }
0x2c: {  	s7 =	sld [smem:$0x3FAD]  }
0x2d: {  	s3 =	simm.s32 $0x108;
	s8 =	sld [smem:$0x3FAE]  }
0x2e: {  	s3 =	simm.s32 @!p0 $0x1082;
	s9 =	sld [smem:$0x3FAF]  }
0x2f: {  	lr =	sadd.s32 s0, s3;
	s0 =	sld [smem:$0x3FA6]  }
0x30: {  	s3 =	sld [smem:$0x3FA9]  }
0x31: {  	[smem:$0x3FB2] =	sst s10  }
0x32: {  	s10 =	sld [smem:$0x3FB0];
	_ =	sdelay $0x3  }
0x33: {  	p0 =	seq.s32 s10, $0x1;
	s10 =	sld [smem:$0x3FB2];
	_ =	sdelay $0x3  }
0x34: {  	[smem:$0x3FB2] =	sst s10  }
0x35: {  	s10 =	sld [smem:$0x3FB1];
	_ =	sdelay $0x3  }
0x36: {  	p1 =	seq.s32 s10, $0x1;
	s10 =	sld [smem:$0x3FB2];
	_ =	sdelay $0x3  }
0x37: {  	[smem:$0x3FB2] =	sst s10  }
0x38: {  	s10 =	sld [smem:$0x3FB3]  }
0x39: {  	_ = 	snop;
	(pc) =	sbr.ind lr, $3  }
0x3a: {  	_ = 	snop  }
0x3b: {  	_ = 	snop  }
0x3c: {  	p2 =	seq.s32 s10, $0x1;
	s10 =	sld [smem:$0x3FB2]  }
0x3d: {  	_ =	shalt  }
0x3e: {  	_ =	shalt  }
0x3f: {  	_ =	shalt  }
0x40: {  	_ =	shalt  }
0x41: {  	_ =	shalt  }
0x42: {  	_ =	shalt  }
0x43: {  	_ =	shalt  }
0x44: {  	_ =	shalt  }
0x45: {  	_ =	shalt  }
0x46: {  	_ =	shalt  }
0x47: {  	_ =	shalt  }
0x48: {  	_ =	shalt  }
0x49: {  	_ =	shalt  }
0x4a: {  	_ =	shalt  }
0x4b: {  	_ =	shalt  }
0x4c: {  	_ =	shalt  }
0x4d: {  	_ =	shalt  }
0x4e: {  	_ =	shalt  }
0x4f: {  	_ =	shalt  }
0x50: {  	_ =	shalt  }
0x51: {  	_ =	shalt  }
0x52: {  	_ =	shalt  }
0x53: {  	_ =	shalt  }
0x54: {  	_ =	shalt  }
0x55: {  	_ =	shalt  }
0x56: {  	_ =	shalt  }
0x57: {  	_ =	shalt  }
0x58: {  	_ =	shalt  }
0x59: {  	_ =	shalt  }
0x5a: {  	_ =	shalt  }
0x5b: {  	_ =	shalt  }
0x5c: {  	_ =	shalt  }
0x5d: {  	_ =	shalt  }
0x5e: {  	_ =	shalt  }
0x5f: {  	_ =	shalt  }
0x60: {  	_ =	shalt  }
0x61: {  	_ =	shalt  }
0x62: {  	_ =	shalt  }
0x63: {  	_ =	shalt  }
0x64: {  	_ =	shalt  }
0x65: {  	_ =	shalt  }
0x66: {  	_ =	shalt  }
0x67: {  	_ =	shalt  }
0x68: {  	_ =	shalt  }
0x69: {  	_ =	shalt  }
0x6a: {  	_ =	shalt  }
0x6b: {  	_ =	shalt  }
0x6c: {  	_ =	shalt  }
0x6d: {  	_ =	shalt  }
0x6e: {  	_ =	shalt  }
0x6f: {  	_ =	shalt  }
0x70: {  	_ =	shalt  }
0x71: {  	_ =	shalt  }
0x72: {  	_ =	shalt  }
0x73: {  	_ =	shalt  }
0x74: {  	_ =	shalt  }
0x75: {  	_ =	shalt  }
0x76: {  	_ =	shalt  }
0x77: {  	_ =	shalt  }
0x78: {  	_ =	shalt  }
0x79: {  	_ =	shalt  }
0x7a: {  	_ =	shalt  }
0x7b: {  	_ =	shalt  }
0x7c: {  	_ =	shalt  }
0x7d: {  	_ =	shalt  }
0x7e: {  	_ =	shalt  }
0x7f: {  	_ =	shalt  }
0x80: {  	_ =	shalt  }
0x81: {  	_ =	shalt  }
0x82: {  	_ =	shalt  }
0x83: {  	_ =	shalt  }
0x84: {  	_ =	shalt  }
0x85: {  	_ =	shalt  }
0x86: {  	_ =	shalt  }
0x87: {  	_ =	shalt  }
.Lfunc_end0:
.L_simem_size_0:
called_computation.1_lowered:
.L_overlay_start_0:
0x88: {  	s2 =	sld [smem:$0x3FD9]  }
0x89: {  	s3 =	sld [smem:$0x3FFE];
	_ =	sdelay $0x1  }
0x8a: {  	s1 =	srdreg.scid  }
0x8b: {  	s0 =	sand.u32 $0x1, s1  }
0x8c: {  	s17 =	sshll.u32 s0, $0xA;
	s2 =	sadd.s32 s3, s2  }
0x8d: {  	s2 =	sadd.s32 s2, s17  }
0x8e: {  	[smem:$0x3FBE] =	sst s2  }
0x8f: {  	_ = 	snop  }
0x90: {  	s2 =	sld [smem:$0x3FD0];
	(tm) =	ssettm $0x1  }
0x91: {  	s18 =	sld [smem:$0x3FFB];
	_ =	sdelay $0x3  }
0x92: {  	_ =	strace s18  }
0x93: {  	s3 =	sld [smem:$0x3FFC];
	_ =	sdelay $0x3  }
0x94: {  	_ =	strace s3  }
0x95: {  	s3 =	sld [smem:$0x3FFD];
	_ =	sdelay $0x3  }
0x96: {  	_ =	strace s3  }
0x97: {  	_ =	strace $0x8FFFFFFF  }
0x98: {  	s19 =	sld [smem:$0x3FDB];
	_ =	sdelay $0x1  }
0x99: {  	s4 =	simm.s32 $_scs_section_size  }
0x9a: {  	s5 =	simm.s32 $_size__tile_overlayer_lowered;
	s6 =	simm.s32 $_tile_overlayer_lowered  }
0x9b: {  	s22 =	simm.s32 $0x1BFF;
	s21 =	sshll.u32 s6, $0x1;
	s3 =	sadd.s32 s4, s19  }
0x9c: {  	s7 =	simm.s32 $0x0;
	s20 =	sshll.u32 s5, $0x1;
	s5 =	sadd.s32 s21, s3  }
0x9d: {  	[timem:s7], [sflag:s22] =	dma.local [hbm:s5], s20  }
0x9e: {  	_ =	swait.ge [sflag:s22], s20  }
0x9f: {  	s4 =	ssub.s32 $0x0, s20;
	[sflag:s22] =	ssyncset.done $0x0  }
0xa0: {  	[sflag:s22] =	ssyncadd.s32 s4;
	_ =	sdelay $0x1  }
0xa1: {  	s23 =	simm.s32 $0x1B8B  }
0xa2: {  	_ =	swait.ge [sflag:s23], $0x1  }
0xa3: {  	[sflag:s23] =	ssyncset.done $0x0  }
0xa4: {  	s25 =	simm.s32 $0x1B8E;
	s24 =	sld [smem:$0x3FFE];
	[sflag:s23] =	ssyncadd.s32 $0xFFFFFFFF  }
0xa5: {  	s26 =	simm.s32 $execute0_lowered;
	[smem:$0x3FD2] =	sst s25  }
0xa6: {  	s5 =	sshll.u32 s26, $0x1;
	_ =	strace $0x80000049;
	[dreg:$0x1] =	wrdreg $0xFFFFFFFF  }
0xa7: {  	s28 =	simm.s32 $_size_execute0_lowered;
	s3 =	sadd.s32 s3, s5;
	[dreg:$0x0] =	wrdreg $0x0  }
0xa8: {  	s5 =	sshll.u32 s28, $0x1;
	[dreg:$0x2] =	wrdreg s3  }
0xa9: {  	[dreg:$0x3] =	wrdreg s5  }
0xaa: {  	[dreg:$0x4] =	wrdreg $0xC0  }
0xab: {  	_ =	task [dreg:s7], $0x5FFFF  }
0xac: {  	[dreg:$0x1] =	wrdreg $0xFFFFFFFF  }
0xad: {  	[dreg:$0x0] =	wrdreg $0x60  }
0xae: {  	[dreg:$0x2] =	wrdreg s2  }
0xaf: {  	[dreg:$0x3] =	wrdreg s24  }
0xb0: {  	[dreg:$0x4] =	wrdreg $0xC0000  }
0xb1: {  	[dreg:$0x5] =	wrdreg $0x9  }
0xb2: {  	_ =	task.clear_ibuf [dreg:s7], $0x6FFFF;
	_ =	strace $0x90000049  }
0xb3: {  	s29 =	simm.s32 $0x9;
	_ =	strace $0x8000004B  }
0xb4: {  	_ =	swait.ge [sflag:s29], $0x1  }
0xb5: {  	[sflag:s29] =	ssyncadd.s32 $0xFFFFFFFF  }
0xb6: {  	_ =	strace $0x9000004B  }
0xb7: {  	_ =	sfence  }
0xb8: {  	s30 =	sld [smem:$0x0];
	_ =	sdelay $0x2  }
0xb9: {  	s31 =	sshll.u32 s1, $0xD;
	s1 =	sshrl.u32 s1, $0x2  }
0xba: {  	s3 =	sand.u32 $0x4000, s31;
	s1 =	sadd.s32 s1, s30  }
0xbb: {  	s0 =	sor.u32 s3, s0;
	s1 =	sshll.u32 s1, $0x11  }
0xbc: {  	s0 =	sor.u32 s1, s0  }
0xbd: {  	s0 =	sadd.s32 $0x8F2B, s0  }
0xbe: {  	[sflag:s0] =	ssyncadd.remote.s32 $0x1  }
0xbf: {  	_ =	sfence.sel $0xFFFF  }
0xc0: {  	[dreg:$0x0] =	wrdreg $0xFFFFFFFF;
	(pc) =	sbr.abs _section_cstart, $3  }
0xc1: {  	[dreg:$0x1] =	wrdreg $0xFFFFFFFF  }
0xc2: {  	_ =	task.clear_ibuf [dreg:s7], $0x2FFFF;
	_ =	strace $0x9FFFFFFF  }
0xc3: {  	(tm) =	ssettm $0x7FFFFFFF  }
tec
execute0_lowered:
.L_overlay_start_1:
0x0: {  	(tag) =	ssettag $0x1  }
0x1: {  	s1 =	rddreg [dreg:$0x0]  }
0x2: {  	s0 =	rddreg [dreg:$0x1]  }
0x3: {  	s11 =	stileid.u32;
	s2 =	srdreg.scid  }
0x4: {  	s3 =	rddreg [dreg:$0x2];
	s4 =	simm.s32 $0x0;
	s28 =	simm.s32 $0x8000  }
0x5: {  	s29 =	simm.s32 $0x180;
	s30 =	simm.s32 $0xA000;
	s31 =	simm.s32 $0x1000  }
0x6: {  	s5 =	smul.u32 $0x13C00, s11;
	s2 =	sand.u32 $0x1, s2;
	[smem:$0x7FF] =	sst s4  }
0x7: {  	s12 =	sadd.s32 $0x16000, s0;
	s8 =	sadd.s32 $0x2000, s0;
	s10 =	smul.u32 $0x4F000, s11  }
0x8: {  	s16 =	sshll.u32 s11, $0x6;
	s6 =	smul.u32 $0x13C000, s2;
	_ =	strace $0x8000004A  }
0x9: {  	s9 =	ssub.s32 $0x2, s2;
	s2 =	sshll.u32 s2, $0x4;
	s7 =	sshrl.u32 s5, $0x3  }
0xa: {  	s13 =	sshrl.u32 s9, $0x1;
	s2 =	sor.u32 s11, s2;
	s14 =	sshrl.u32 s10, $0x2  }
0xb: {  	s10 =	simm.s32 $0x2E00;
	s11 =	simm.s32 $0x2E80;
	s5 =	sadd.s32 s5, s6  }
0xc: {  	s7 =	sadd.s32 s7, s0;
	s15 =	smul.u32 $0x5000, s2;
	s5 =	sshrl.u32 s5, $0x3  }
0xd: {  	s2 =	smul.u32 $0xA00, s2;
	s7 =	sadd.s32 $0x2A000, s7;
	s0 =	sadd.s32 s5, s0  }
0xe: {  	s5 =	ssub.s32 s9, s13;
	s9 =	sadd.s32 s14, s3;
	[dreg:$0x5] =	wrdreg s7  }
0xf: {  	s7 =	sor.u32 $0x1C06, s16;
	s18 =	sadd.s32 s12, s2;
	[dreg:$0x4] =	wrdreg s9  }
0x10: {  	s17 =	sshrl.u32 s15, $0x3;
	s2 =	sadd.s32 s8, s2;
	[dreg:$0x6] =	wrdreg s18  }
0x11: {  	s13 =	simm.s32 $0x2F00;
	s15 =	simm.s32 $0x2F80;
	[dreg:$0x7] =	wrdreg s2  }
0x12: {  	s19 =	sadd.s32 $0x200, s17;
	s21 =	sadd.s32 $0x400, s17;
	s23 =	sadd.s32 $0x600, s17  }
0x13: {  	s25 =	sadd.s32 $0x800, s17;
	s0 =	sadd.s32 $0x51800, s0;
	s26 =	smax.u32 s5, $0x1  }
0x14: {  	s5 =	simm.s32 $0x2;
	s9 =	simm.s32 $0x5;
	[dreg:$0x10] =	wrdreg s0  }
0x15: {  	s18 =	simm.s32 $0x3F00;
	s20 =	sadd.s32 s12, s19;
	[dreg:$0x11] =	wrdreg s26  }
0x16: {  	s2 =	sadd.s32 s8, s19;
	s22 =	sadd.s32 s12, s21;
	[dreg:$0x8] =	wrdreg s20  }
0x17: {  	s24 =	sadd.s32 s12, s23;
	s6 =	sadd.s32 s12, s25;
	[dreg:$0x9] =	wrdreg s2  }
0x18: {  	s26 =	simm.s32 $0x100;
	s0 =	simm.s32 $0x1;
	[dreg:$0xa] =	wrdreg s22  }
0x19: {  	s19 =	simm.s32 $0x3F80;
	s12 =	simm.s32 $0x0;
	[dreg:$0xc] =	wrdreg s24  }
0x1a: {  	s2 =	sadd.s32 s8, s21;
	[dreg:$0xe] =	wrdreg s6;
	s20 =	simm.s32 $0x6  }
0x1b: {  	s21 =	simm.s32 $0x2000;
	s22 =	simm.s32 $0x40;
	s24 =	simm.s32 $0x80  }
0x1c: {  	s6 =	simm.s32 $0x3;
	[dreg:$0xb] =	wrdreg s2;
	s2 =	sadd.s32 s8, s23  }
0x1d: {  	s23 =	simm.s32 $0x4000;
	[dreg:$0xd] =	wrdreg s2;
	s2 =	sadd.s32 s8, s25  }
0x1e: {  	s25 =	simm.s32 $0x6000;
	s8 =	simm.s32 $0x4;
	[dreg:$0xf] =	wrdreg s2  }
.LBB2_1:
0x1f: {  	s2 =	rddreg [dreg:$0x4]  }
0x20: {  	s17 =	rddreg [dreg:$0x5];
	s14 =	sshrl.u32 s2, $0x3  }
0x21: {  	[spmem:s14], [sflag:s7] =	dma.local [hbm:s17], $0x2780  }
0x22: {  	_ =	swait.ge [sflag:s20], $0x2780  }
0x23: {  	[sflag:s20] =	ssyncset.done $0x0  }
0x24: {  	[sflag:s20] =	ssyncadd.s32 $0xFFFFD880  }
0x25: {  	[bflag:$0x0] =	sbarrier.arrive $0xFFFF  }
0x26: {  	s16 =	rddreg [dreg:$0x6]  }
0x27: {  	[tilespmem:s4], [sflag:$0x6] =	stream.linear.gather [hbm4b:s16+s4], $0x1000, $0x38;
	[tilespmem:$0x1FC00] =	vst v63  }
0x28: {  	_ =	swait.ge [sflag:s20], $0x1000  }
0x29: {  	[sflag:s20] =	ssyncset.done $0x0  }
0x2a: {  	s17 =	rddreg [dreg:$0x7];
	[sflag:s20] =	ssyncadd.s32 $0xFFFFF000  }
0x2b: {  	[tilespmem:s21], [sflag:$0x6] =	stream.linear.gather [hbm4b:s17+s4], $0x1000, $0x38;
	[tilespmem:$0x1FC00] =	vst v63  }
0x2c: {  	_ =	swait.ge [sflag:s20], $0x1000  }
0x2d: {  	[sflag:s20] =	ssyncset.done $0x0  }
0x2e: {  	[sflag:s20] =	ssyncadd.s32 $0xFFFFF000  }
0x2f: {  	[tilespmem:s23], [sflag:$0x1] =	stream.indirect.gather [hbm4b:s1+s22], $0x80, s4, s22, $0xb8;
	[tilespmem:$0x1FC00] =	vst v63  }
0x30: {  	_ = 	snop  }
0x31: {  	[tilespmem:s25], [sflag:$0x2] =	stream.indirect.gather [hbm4b:s1+s22], $0x80, s24, s22, $0xb8;
	[tilespmem:$0x1FC00] =	vst v63  }
0x32: {  	_ = 	snop  }
0x33: {  	[tilespmem:s28], [sflag:$0x3] =	stream.indirect.gather [hbm4b:s1+s22], $0x80, s26, s22, $0xb8;
	[tilespmem:$0x1FC00] =	vst v63  }
0x34: {  	_ = 	snop  }
0x35: {  	[tilespmem:s30], [sflag:$0x4] =	stream.indirect.gather [hbm4b:s1+s22], $0x80, s29, s22, $0xb8;
	[tilespmem:$0x1FC00] =	vst v63  }
0x36: {  	s16 =	rddreg [dreg:$0x8]  }
0x37: {  	[tilespmem:s31], [sflag:$0x5] =	stream.linear.gather [hbm4b:s16+s4], $0x1000, $0x38;
	[tilespmem:$0x1FC00] =	vst v63  }
0x38: {  	s17 =	rddreg [dreg:$0x9];
	s16 =	simm.s32 $0x3000  }
0x39: {  	[tilespmem:s16], [sflag:$0x5] =	stream.linear.gather [hbm4b:s17+s4], $0x1000, $0x38;
	[tilespmem:$0x1FC00] =	vst v63  }
0x3a: {  	_ =	swait.ge [sflag:s0], $0x2000  }
0x3b: {  	[sflag:s0] =	ssyncset.done $0x0  }
0x3c: {  	s17 =	simm.s32 $0x2000;
	[sflag:s0] =	ssyncadd.s32 $0xFFFFE000  }
0x3d: {  	[spmem:s3] =	stream.indirect.scatter.add.f32 [tilespmem:s23], [sflag:$0x6], $0x80, s17, s22, $0xb8;
	[tilespmem:$0x1FC00] =	vst v63  }
0x3e: {  	_ =	swait.ge [sflag:s20], $0x2000  }
0x3f: {  	[sflag:s20] =	ssyncset.done $0x0  }
0x40: {  	s2 =	simm.s32 $0x200;
	[sflag:s20] =	ssyncadd.s32 $0xFFFFE000  }
0x41: {  	[tilespmem:s23], [sflag:$0x1] =	stream.indirect.gather [hbm4b:s1+s22], $0x80, s2, s22, $0xb8;
	[tilespmem:$0x1FC00] =	vst v63  }
0x42: {  	_ =	swait.ge [sflag:s5], $0x2000  }
0x43: {  	[sflag:s5] =	ssyncset.done $0x0  }
0x44: {  	s17 =	simm.s32 $0x2080;
	[sflag:s5] =	ssyncadd.s32 $0xFFFFE000  }
0x45: {  	[spmem:s3] =	stream.indirect.scatter.add.f32 [tilespmem:s25], [sflag:$0x6], $0x80, s17, s22, $0xb8;
	[tilespmem:$0x1FC00] =	vst v63  }
0x46: {  	_ =	swait.ge [sflag:s20], $0x2000  }
0x47: {  	[sflag:s20] =	ssyncset.done $0x0  }
0x48: {  	s2 =	simm.s32 $0x280;
	[sflag:s20] =	ssyncadd.s32 $0xFFFFE000  }
0x49: {  	[tilespmem:s25], [sflag:$0x2] =	stream.indirect.gather [hbm4b:s1+s22], $0x80, s2, s22, $0xb8;
	[tilespmem:$0x1FC00] =	vst v63  }
0x4a: {  	_ =	swait.ge [sflag:s6], $0x2000  }
0x4b: {  	[sflag:s6] =	ssyncset.done $0x0  }
0x4c: {  	s17 =	simm.s32 $0x2100;
	[sflag:s6] =	ssyncadd.s32 $0xFFFFE000  }
0x4d: {  	[spmem:s3] =	stream.indirect.scatter.add.f32 [tilespmem:s28], [sflag:$0x6], $0x80, s17, s22, $0xb8;
	[tilespmem:$0x1FC00] =	vst v63  }
0x4e: {  	_ =	swait.ge [sflag:s20], $0x2000  }
0x4f: {  	[sflag:s20] =	ssyncset.done $0x0  }
0x50: {  	s2 =	simm.s32 $0x300;
	[sflag:s20] =	ssyncadd.s32 $0xFFFFE000  }
0x51: {  	[tilespmem:s28], [sflag:$0x3] =	stream.indirect.gather [hbm4b:s1+s22], $0x80, s2, s22, $0xb8;
	[tilespmem:$0x1FC00] =	vst v63  }
0x52: {  	_ =	swait.ge [sflag:s8], $0x2000  }
0x53: {  	[sflag:s8] =	ssyncset.done $0x0  }
0x54: {  	s17 =	simm.s32 $0x2180;
	[sflag:s8] =	ssyncadd.s32 $0xFFFFE000  }
0x55: {  	[spmem:s3] =	stream.indirect.scatter.add.f32 [tilespmem:s30], [sflag:$0x6], $0x80, s17, s22, $0xb8;
	[tilespmem:$0x1FC00] =	vst v63  }
0x56: {  	_ =	swait.ge [sflag:s20], $0x2000  }
0x57: {  	[sflag:s20] =	ssyncset.done $0x0  }
0x58: {  	s16 =	simm.s32 $0x800;
	s17 =	simm.s32 $0x380;
	[sflag:s20] =	ssyncadd.s32 $0xFFFFE000  }
.LBB2_2:
0x59: {  	[tilespmem:s30], [sflag:$0x4] =	stream.indirect.gather [hbm4b:s1+s22], $0x80, s17, s22, $0xb8;
	[tilespmem:$0x1FC00] =	vst v63  }
0x5a: {  	s17 =	smov.u32 s16  }
0x5b: {  	p0 =	sne.s32 s16, $0x3000;
	s16 =	sadd.s32 $0x800, s16;
	_ =	swait.ge [sflag:s0], $0x2000  }
0x5c: {  	s17 =	sshra.s32 s17, $0x2;
	[sflag:s0] =	ssyncset.done $0x0  }
0x5d: {  	s2 =	sadd.s32 $0x2000, s17;
	[sflag:s0] =	ssyncadd.s32 $0xFFFFE000  }
0x5e: {  	[spmem:s3] =	stream.indirect.scatter.add.f32 [tilespmem:s23], [sflag:$0x6], $0x80, s2, s22, $0xb8;
	[tilespmem:$0x1FC00] =	vst v63  }
0x5f: {  	_ =	swait.ge [sflag:s20], $0x2000  }
0x60: {  	[sflag:s20] =	ssyncset.done $0x0  }
0x61: {  	s2 =	sadd.s32 $0x200, s17;
	[sflag:s20] =	ssyncadd.s32 $0xFFFFE000  }
0x62: {  	[tilespmem:s23], [sflag:$0x1] =	stream.indirect.gather [hbm4b:s1+s22], $0x80, s2, s22, $0xb8;
	[tilespmem:$0x1FC00] =	vst v63  }
0x63: {  	_ =	swait.ge [sflag:s5], $0x2000  }
0x64: {  	[sflag:s5] =	ssyncset.done $0x0  }
0x65: {  	s2 =	sadd.s32 $0x2080, s17;
	[sflag:s5] =	ssyncadd.s32 $0xFFFFE000  }
0x66: {  	[spmem:s3] =	stream.indirect.scatter.add.f32 [tilespmem:s25], [sflag:$0x6], $0x80, s2, s22, $0xb8;
	[tilespmem:$0x1FC00] =	vst v63  }
0x67: {  	_ =	swait.ge [sflag:s20], $0x2000  }
0x68: {  	[sflag:s20] =	ssyncset.done $0x0  }
0x69: {  	s2 =	sadd.s32 $0x280, s17;
	[sflag:s20] =	ssyncadd.s32 $0xFFFFE000  }
0x6a: {  	[tilespmem:s25], [sflag:$0x2] =	stream.indirect.gather [hbm4b:s1+s22], $0x80, s2, s22, $0xb8;
	[tilespmem:$0x1FC00] =	vst v63  }
0x6b: {  	_ =	swait.ge [sflag:s6], $0x2000  }
0x6c: {  	[sflag:s6] =	ssyncset.done $0x0  }
0x6d: {  	s2 =	sadd.s32 $0x2100, s17;
	[sflag:s6] =	ssyncadd.s32 $0xFFFFE000  }
0x6e: {  	[spmem:s3] =	stream.indirect.scatter.add.f32 [tilespmem:s28], [sflag:$0x6], $0x80, s2, s22, $0xb8;
	[tilespmem:$0x1FC00] =	vst v63  }
0x6f: {  	_ =	swait.ge [sflag:s20], $0x2000  }
0x70: {  	[sflag:s20] =	ssyncset.done $0x0  }
0x71: {  	s2 =	sadd.s32 $0x300, s17;
	[sflag:s20] =	ssyncadd.s32 $0xFFFFE000  }
0x72: {  	[tilespmem:s28], [sflag:$0x3] =	stream.indirect.gather [hbm4b:s1+s22], $0x80, s2, s22, $0xb8;
	[tilespmem:$0x1FC00] =	vst v63  }
0x73: {  	_ =	swait.ge [sflag:s8], $0x2000  }
0x74: {  	[sflag:s8] =	ssyncset.done $0x0  }
.Ltmp0:
0x75: {  	s2 =	sadd.s32 $0x2180, s17;
	[sflag:s8] =	ssyncadd.s32 $0xFFFFE000;
	(pc) =	sbr.rel @p0 .LBB2_2-.Ltmp0, $4  }
0x76: {  	[spmem:s3] =	stream.indirect.scatter.add.f32 [tilespmem:s30], [sflag:$0x6], $0x80, s2, s22, $0xb8;
	[tilespmem:$0x1FC00] =	vst v63  }
0x77: {  	_ =	swait.ge [sflag:s20], $0x2000  }
0x78: {  	[sflag:s20] =	ssyncset.done $0x0  }
0x79: {  	s17 =	sadd.s32 $0x380, s17;
	[sflag:s20] =	ssyncadd.s32 $0xFFFFE000  }
0x7a: {  	[tilespmem:s30], [sflag:$0x4] =	stream.indirect.gather [hbm4b:s1+s22], $0x80, s17, s22, $0xb8;
	[tilespmem:$0x1FC00] =	vst v63  }
0x7b: {  	_ =	swait.ge [sflag:s9], $0x1000  }
0x7c: {  	[sflag:s9] =	ssyncset.done $0x0  }
0x7d: {  	[sflag:s9] =	ssyncadd.s32 $0xFFFFF000  }
0x7e: {  	_ =	swait.ge [sflag:s9], $0x1000  }
0x7f: {  	[sflag:s9] =	ssyncset.done $0x0  }
0x80: {  	[sflag:s9] =	ssyncadd.s32 $0xFFFFF000  }
0x81: {  	_ =	swait.ge [sflag:s0], $0x2000  }
0x82: {  	[sflag:s0] =	ssyncset.done $0x0  }
0x83: {  	[sflag:s0] =	ssyncadd.s32 $0xFFFFE000  }
0x84: {  	[spmem:s3] =	stream.indirect.scatter.add.f32 [tilespmem:s23], [sflag:$0x6], $0x80, s10, s22, $0xb8;
	[tilespmem:$0x1FC00] =	vst v63  }
0x85: {  	_ =	swait.ge [sflag:s20], $0x2000  }
0x86: {  	[sflag:s20] =	ssyncset.done $0x0  }
0x87: {  	[sflag:s20] =	ssyncadd.s32 $0xFFFFE000  }
0x88: {  	[tilespmem:s23], [sflag:$0x1] =	stream.indirect.gather [hbm4b:s1+s22], $0x80, s31, s22, $0xb8;
	[tilespmem:$0x1FC00] =	vst v63  }
0x89: {  	_ =	swait.ge [sflag:s5], $0x2000  }
0x8a: {  	[sflag:s5] =	ssyncset.done $0x0  }
0x8b: {  	[sflag:s5] =	ssyncadd.s32 $0xFFFFE000  }
0x8c: {  	[spmem:s3] =	stream.indirect.scatter.add.f32 [tilespmem:s25], [sflag:$0x6], $0x80, s11, s22, $0xb8;
	[tilespmem:$0x1FC00] =	vst v63  }
0x8d: {  	_ =	swait.ge [sflag:s20], $0x2000  }
0x8e: {  	[sflag:s20] =	ssyncset.done $0x0  }
0x8f: {  	s2 =	simm.s32 $0x1080;
	[sflag:s20] =	ssyncadd.s32 $0xFFFFE000  }
0x90: {  	[tilespmem:s25], [sflag:$0x2] =	stream.indirect.gather [hbm4b:s1+s22], $0x80, s2, s22, $0xb8;
	[tilespmem:$0x1FC00] =	vst v63  }
0x91: {  	_ =	swait.ge [sflag:s6], $0x2000  }
0x92: {  	[sflag:s6] =	ssyncset.done $0x0  }
0x93: {  	[sflag:s6] =	ssyncadd.s32 $0xFFFFE000  }
0x94: {  	[spmem:s3] =	stream.indirect.scatter.add.f32 [tilespmem:s28], [sflag:$0x6], $0x80, s13, s22, $0xb8;
	[tilespmem:$0x1FC00] =	vst v63  }
0x95: {  	_ =	swait.ge [sflag:s20], $0x2000  }
0x96: {  	[sflag:s20] =	ssyncset.done $0x0  }
0x97: {  	s17 =	simm.s32 $0x1100;
	[sflag:s20] =	ssyncadd.s32 $0xFFFFE000  }
0x98: {  	[tilespmem:s28], [sflag:$0x3] =	stream.indirect.gather [hbm4b:s1+s22], $0x80, s17, s22, $0xb8;
	[tilespmem:$0x1FC00] =	vst v63  }
0x99: {  	_ =	swait.ge [sflag:s8], $0x2000  }
0x9a: {  	[sflag:s8] =	ssyncset.done $0x0  }
0x9b: {  	[sflag:s8] =	ssyncadd.s32 $0xFFFFE000  }
0x9c: {  	[spmem:s3] =	stream.indirect.scatter.add.f32 [tilespmem:s30], [sflag:$0x6], $0x80, s15, s22, $0xb8;
	[tilespmem:$0x1FC00] =	vst v63  }
0x9d: {  	_ =	swait.ge [sflag:s20], $0x2000  }
0x9e: {  	[sflag:s20] =	ssyncset.done $0x0  }
0x9f: {  	s16 =	simm.s32 $0x1180;
	[sflag:s20] =	ssyncadd.s32 $0xFFFFE000  }
0xa0: {  	[tilespmem:s30], [sflag:$0x4] =	stream.indirect.gather [hbm4b:s1+s22], $0x80, s16, s22, $0xb8;
	[tilespmem:$0x1FC00] =	vst v63  }
0xa1: {  	s2 =	simm.s32 $0x0;
	s16 =	rddreg [dreg:$0xa]  }
0xa2: {  	[tilespmem:s2], [sflag:$0x5] =	stream.linear.gather [hbm4b:s16+s2], $0x1000, $0x38;
	[tilespmem:$0x1FC00] =	vst v63  }
0xa3: {  	s17 =	rddreg [dreg:$0xb]  }
0xa4: {  	[tilespmem:s21], [sflag:$0x5] =	stream.linear.gather [hbm4b:s17+s2], $0x1000, $0x38;
	[tilespmem:$0x1FC00] =	vst v63  }
0xa5: {  	_ =	swait.ge [sflag:s0], $0x2000  }
0xa6: {  	[sflag:s0] =	ssyncset.done $0x0  }
0xa7: {  	s17 =	simm.s32 $0x3000;
	[sflag:s0] =	ssyncadd.s32 $0xFFFFE000  }
0xa8: {  	[spmem:s3] =	stream.indirect.scatter.add.f32 [tilespmem:s23], [sflag:$0x6], $0x80, s17, s22, $0xb8;
	[tilespmem:$0x1FC00] =	vst v63  }
0xa9: {  	_ =	swait.ge [sflag:s20], $0x2000  }
0xaa: {  	[sflag:s20] =	ssyncset.done $0x0  }
0xab: {  	s16 =	simm.s32 $0x1200;
	[sflag:s20] =	ssyncadd.s32 $0xFFFFE000  }
0xac: {  	[tilespmem:s23], [sflag:$0x1] =	stream.indirect.gather [hbm4b:s1+s22], $0x80, s16, s22, $0xb8;
	[tilespmem:$0x1FC00] =	vst v63  }
0xad: {  	_ =	swait.ge [sflag:s5], $0x2000  }
0xae: {  	[sflag:s5] =	ssyncset.done $0x0  }
0xaf: {  	s17 =	simm.s32 $0x3080;
	[sflag:s5] =	ssyncadd.s32 $0xFFFFE000  }
0xb0: {  	[spmem:s3] =	stream.indirect.scatter.add.f32 [tilespmem:s25], [sflag:$0x6], $0x80, s17, s22, $0xb8;
	[tilespmem:$0x1FC00] =	vst v63  }
0xb1: {  	_ =	swait.ge [sflag:s20], $0x2000  }
0xb2: {  	[sflag:s20] =	ssyncset.done $0x0  }
0xb3: {  	s16 =	simm.s32 $0x1280;
	[sflag:s20] =	ssyncadd.s32 $0xFFFFE000  }
0xb4: {  	[tilespmem:s25], [sflag:$0x2] =	stream.indirect.gather [hbm4b:s1+s22], $0x80, s16, s22, $0xb8;
	[tilespmem:$0x1FC00] =	vst v63  }
0xb5: {  	_ =	swait.ge [sflag:s6], $0x2000  }
0xb6: {  	[sflag:s6] =	ssyncset.done $0x0  }
0xb7: {  	s17 =	simm.s32 $0x3100;
	[sflag:s6] =	ssyncadd.s32 $0xFFFFE000  }
0xb8: {  	[spmem:s3] =	stream.indirect.scatter.add.f32 [tilespmem:s28], [sflag:$0x6], $0x80, s17, s22, $0xb8;
	[tilespmem:$0x1FC00] =	vst v63  }
0xb9: {  	_ =	swait.ge [sflag:s20], $0x2000  }
0xba: {  	[sflag:s20] =	ssyncset.done $0x0  }
0xbb: {  	s16 =	simm.s32 $0x1300;
	[sflag:s20] =	ssyncadd.s32 $0xFFFFE000  }
0xbc: {  	[tilespmem:s28], [sflag:$0x3] =	stream.indirect.gather [hbm4b:s1+s22], $0x80, s16, s22, $0xb8;
	[tilespmem:$0x1FC00] =	vst v63  }
0xbd: {  	_ =	swait.ge [sflag:s8], $0x2000  }
0xbe: {  	[sflag:s8] =	ssyncset.done $0x0  }
0xbf: {  	s17 =	simm.s32 $0x3180;
	[sflag:s8] =	ssyncadd.s32 $0xFFFFE000  }
0xc0: {  	[spmem:s3] =	stream.indirect.scatter.add.f32 [tilespmem:s30], [sflag:$0x6], $0x80, s17, s22, $0xb8;
	[tilespmem:$0x1FC00] =	vst v63  }
0xc1: {  	_ =	swait.ge [sflag:s20], $0x2000  }
0xc2: {  	[sflag:s20] =	ssyncset.done $0x0  }
0xc3: {  	s16 =	simm.s32 $0x800;
	s17 =	simm.s32 $0x1380;
	[sflag:s20] =	ssyncadd.s32 $0xFFFFE000  }
.LBB2_4:
0xc4: {  	[tilespmem:s30], [sflag:$0x4] =	stream.indirect.gather [hbm4b:s1+s22], $0x80, s17, s22, $0xb8;
	[tilespmem:$0x1FC00] =	vst v63  }
0xc5: {  	s2 =	smov.u32 s16  }
0xc6: {  	p0 =	sne.s32 s16, $0x3000;
	s16 =	sadd.s32 $0x800, s16;
	_ =	swait.ge [sflag:s0], $0x2000  }
0xc7: {  	s17 =	sshra.s32 s2, $0x2;
	[sflag:s0] =	ssyncset.done $0x0  }
0xc8: {  	s2 =	sadd.s32 $0x3000, s17;
	[sflag:s0] =	ssyncadd.s32 $0xFFFFE000  }
0xc9: {  	[spmem:s3] =	stream.indirect.scatter.add.f32 [tilespmem:s23], [sflag:$0x6], $0x80, s2, s22, $0xb8;
	[tilespmem:$0x1FC00] =	vst v63  }
0xca: {  	_ =	swait.ge [sflag:s20], $0x2000  }
0xcb: {  	[sflag:s20] =	ssyncset.done $0x0  }
0xcc: {  	s2 =	sadd.s32 $0x1200, s17;
	[sflag:s20] =	ssyncadd.s32 $0xFFFFE000  }
0xcd: {  	[tilespmem:s23], [sflag:$0x1] =	stream.indirect.gather [hbm4b:s1+s22], $0x80, s2, s22, $0xb8;
	[tilespmem:$0x1FC00] =	vst v63  }
0xce: {  	_ =	swait.ge [sflag:s5], $0x2000  }
0xcf: {  	[sflag:s5] =	ssyncset.done $0x0  }
0xd0: {  	s2 =	sadd.s32 $0x3080, s17;
	[sflag:s5] =	ssyncadd.s32 $0xFFFFE000  }
0xd1: {  	[spmem:s3] =	stream.indirect.scatter.add.f32 [tilespmem:s25], [sflag:$0x6], $0x80, s2, s22, $0xb8;
	[tilespmem:$0x1FC00] =	vst v63  }
0xd2: {  	_ =	swait.ge [sflag:s20], $0x2000  }
0xd3: {  	[sflag:s20] =	ssyncset.done $0x0  }
0xd4: {  	s2 =	sadd.s32 $0x1280, s17;
	[sflag:s20] =	ssyncadd.s32 $0xFFFFE000  }
0xd5: {  	[tilespmem:s25], [sflag:$0x2] =	stream.indirect.gather [hbm4b:s1+s22], $0x80, s2, s22, $0xb8;
	[tilespmem:$0x1FC00] =	vst v63  }
0xd6: {  	_ =	swait.ge [sflag:s6], $0x2000  }
0xd7: {  	[sflag:s6] =	ssyncset.done $0x0  }
0xd8: {  	s2 =	sadd.s32 $0x3100, s17;
	[sflag:s6] =	ssyncadd.s32 $0xFFFFE000  }
0xd9: {  	[spmem:s3] =	stream.indirect.scatter.add.f32 [tilespmem:s28], [sflag:$0x6], $0x80, s2, s22, $0xb8;
	[tilespmem:$0x1FC00] =	vst v63  }
0xda: {  	_ =	swait.ge [sflag:s20], $0x2000  }
0xdb: {  	[sflag:s20] =	ssyncset.done $0x0  }
0xdc: {  	s2 =	sadd.s32 $0x1300, s17;
	[sflag:s20] =	ssyncadd.s32 $0xFFFFE000  }
0xdd: {  	[tilespmem:s28], [sflag:$0x3] =	stream.indirect.gather [hbm4b:s1+s22], $0x80, s2, s22, $0xb8;
	[tilespmem:$0x1FC00] =	vst v63  }
0xde: {  	_ =	swait.ge [sflag:s8], $0x2000  }
0xdf: {  	[sflag:s8] =	ssyncset.done $0x0  }
.Ltmp1:
0xe0: {  	s2 =	sadd.s32 $0x3180, s17;
	[sflag:s8] =	ssyncadd.s32 $0xFFFFE000;
	(pc) =	sbr.rel @p0 .LBB2_4-.Ltmp1, $4  }
0xe1: {  	[spmem:s3] =	stream.indirect.scatter.add.f32 [tilespmem:s30], [sflag:$0x6], $0x80, s2, s22, $0xb8;
	[tilespmem:$0x1FC00] =	vst v63  }
0xe2: {  	_ =	swait.ge [sflag:s20], $0x2000  }
0xe3: {  	[sflag:s20] =	ssyncset.done $0x0  }
0xe4: {  	s17 =	sadd.s32 $0x1380, s17;
	[sflag:s20] =	ssyncadd.s32 $0xFFFFE000  }
0xe5: {  	[tilespmem:s30], [sflag:$0x4] =	stream.indirect.gather [hbm4b:s1+s22], $0x80, s17, s22, $0xb8;
	[tilespmem:$0x1FC00] =	vst v63  }
0xe6: {  	_ =	swait.ge [sflag:s9], $0x1000  }
0xe7: {  	[sflag:s9] =	ssyncset.done $0x0  }
0xe8: {  	[sflag:s9] =	ssyncadd.s32 $0xFFFFF000  }
0xe9: {  	_ =	swait.ge [sflag:s9], $0x1000  }
0xea: {  	[sflag:s9] =	ssyncset.done $0x0  }
0xeb: {  	[sflag:s9] =	ssyncadd.s32 $0xFFFFF000  }
0xec: {  	_ =	swait.ge [sflag:s0], $0x2000  }
0xed: {  	[sflag:s0] =	ssyncset.done $0x0  }
0xee: {  	s2 =	simm.s32 $0x3E00;
	[sflag:s0] =	ssyncadd.s32 $0xFFFFE000  }
0xef: {  	[spmem:s3] =	stream.indirect.scatter.add.f32 [tilespmem:s23], [sflag:$0x6], $0x80, s2, s22, $0xb8;
	[tilespmem:$0x1FC00] =	vst v63  }
0xf0: {  	_ =	swait.ge [sflag:s20], $0x2000  }
0xf1: {  	[sflag:s20] =	ssyncset.done $0x0  }
0xf2: {  	s2 =	simm.s32 $0x0;
	[sflag:s20] =	ssyncadd.s32 $0xFFFFE000  }
0xf3: {  	[tilespmem:s23], [sflag:$0x1] =	stream.indirect.gather [hbm4b:s1+s22], $0x80, s2, s22, $0xb8;
	[tilespmem:$0x1FC00] =	vst v63  }
0xf4: {  	_ =	swait.ge [sflag:s5], $0x2000  }
0xf5: {  	[sflag:s5] =	ssyncset.done $0x0  }
0xf6: {  	s16 =	simm.s32 $0x3E80;
	[sflag:s5] =	ssyncadd.s32 $0xFFFFE000  }
0xf7: {  	[spmem:s3] =	stream.indirect.scatter.add.f32 [tilespmem:s25], [sflag:$0x6], $0x80, s16, s22, $0xb8;
	[tilespmem:$0x1FC00] =	vst v63  }
0xf8: {  	_ =	swait.ge [sflag:s20], $0x2000  }
0xf9: {  	[sflag:s20] =	ssyncset.done $0x0  }
0xfa: {  	[sflag:s20] =	ssyncadd.s32 $0xFFFFE000  }
0xfb: {  	[tilespmem:s25], [sflag:$0x2] =	stream.indirect.gather [hbm4b:s1+s22], $0x80, s24, s22, $0xb8;
	[tilespmem:$0x1FC00] =	vst v63  }
0xfc: {  	_ =	swait.ge [sflag:s6], $0x2000  }
0xfd: {  	[sflag:s6] =	ssyncset.done $0x0  }
0xfe: {  	[sflag:s6] =	ssyncadd.s32 $0xFFFFE000  }
0xff: {  	[spmem:s3] =	stream.indirect.scatter.add.f32 [tilespmem:s28], [sflag:$0x6], $0x80, s18, s22, $0xb8;
	[tilespmem:$0x1FC00] =	vst v63  }
0x100: {  	_ =	swait.ge [sflag:s20], $0x2000  }
0x101: {  	[sflag:s20] =	ssyncset.done $0x0  }
0x102: {  	[sflag:s20] =	ssyncadd.s32 $0xFFFFE000  }
0x103: {  	[tilespmem:s28], [sflag:$0x3] =	stream.indirect.gather [hbm4b:s1+s22], $0x80, s26, s22, $0xb8;
	[tilespmem:$0x1FC00] =	vst v63  }
0x104: {  	_ =	swait.ge [sflag:s8], $0x2000  }
0x105: {  	[sflag:s8] =	ssyncset.done $0x0  }
0x106: {  	[sflag:s8] =	ssyncadd.s32 $0xFFFFE000  }
0x107: {  	[spmem:s3] =	stream.indirect.scatter.add.f32 [tilespmem:s30], [sflag:$0x6], $0x80, s19, s22, $0xb8;
	[tilespmem:$0x1FC00] =	vst v63  }
0x108: {  	_ =	swait.ge [sflag:s20], $0x2000  }
0x109: {  	[sflag:s20] =	ssyncset.done $0x0  }
0x10a: {  	[sflag:s20] =	ssyncadd.s32 $0xFFFFE000  }
0x10b: {  	[tilespmem:s30], [sflag:$0x4] =	stream.indirect.gather [hbm4b:s1+s22], $0x80, s29, s22, $0xb8;
	[tilespmem:$0x1FC00] =	vst v63  }
0x10c: {  	s17 =	rddreg [dreg:$0xc]  }
0x10d: {  	[tilespmem:s31], [sflag:$0x5] =	stream.linear.gather [hbm4b:s17+s2], $0x1000, $0x38;
	[tilespmem:$0x1FC00] =	vst v63  }
0x10e: {  	s16 =	rddreg [dreg:$0xd];
	s17 =	simm.s32 $0x3000  }
0x10f: {  	[tilespmem:s17], [sflag:$0x5] =	stream.linear.gather [hbm4b:s16+s2], $0x1000, $0x38;
	[tilespmem:$0x1FC00] =	vst v63  }
0x110: {  	_ =	swait.ge [sflag:s0], $0x2000  }
0x111: {  	[sflag:s0] =	ssyncset.done $0x0  }
0x112: {  	s17 =	simm.s32 $0x2000;
	[sflag:s0] =	ssyncadd.s32 $0xFFFFE000  }
0x113: {  	[spmem:s3] =	stream.indirect.scatter.add.f32 [tilespmem:s23], [sflag:$0x6], $0x80, s17, s22, $0xb8;
	[tilespmem:$0x1FC00] =	vst v63  }
0x114: {  	_ =	swait.ge [sflag:s20], $0x2000  }
0x115: {  	[sflag:s20] =	ssyncset.done $0x0  }
0x116: {  	s16 =	simm.s32 $0x200;
	[sflag:s20] =	ssyncadd.s32 $0xFFFFE000  }
0x117: {  	[tilespmem:s23], [sflag:$0x1] =	stream.indirect.gather [hbm4b:s1+s22], $0x80, s16, s22, $0xb8;
	[tilespmem:$0x1FC00] =	vst v63  }
0x118: {  	_ =	swait.ge [sflag:s5], $0x2000  }
0x119: {  	[sflag:s5] =	ssyncset.done $0x0  }
0x11a: {  	s17 =	simm.s32 $0x2080;
	[sflag:s5] =	ssyncadd.s32 $0xFFFFE000  }
0x11b: {  	[spmem:s3] =	stream.indirect.scatter.add.f32 [tilespmem:s25], [sflag:$0x6], $0x80, s17, s22, $0xb8;
	[tilespmem:$0x1FC00] =	vst v63  }
0x11c: {  	_ =	swait.ge [sflag:s20], $0x2000  }
0x11d: {  	[sflag:s20] =	ssyncset.done $0x0  }
0x11e: {  	s16 =	simm.s32 $0x280;
	[sflag:s20] =	ssyncadd.s32 $0xFFFFE000  }
0x11f: {  	[tilespmem:s25], [sflag:$0x2] =	stream.indirect.gather [hbm4b:s1+s22], $0x80, s16, s22, $0xb8;
	[tilespmem:$0x1FC00] =	vst v63  }
0x120: {  	_ =	swait.ge [sflag:s6], $0x2000  }
0x121: {  	[sflag:s6] =	ssyncset.done $0x0  }
0x122: {  	s17 =	simm.s32 $0x2100;
	[sflag:s6] =	ssyncadd.s32 $0xFFFFE000  }
0x123: {  	[spmem:s3] =	stream.indirect.scatter.add.f32 [tilespmem:s28], [sflag:$0x6], $0x80, s17, s22, $0xb8;
	[tilespmem:$0x1FC00] =	vst v63  }
0x124: {  	_ =	swait.ge [sflag:s20], $0x2000  }
0x125: {  	[sflag:s20] =	ssyncset.done $0x0  }
0x126: {  	s16 =	simm.s32 $0x300;
	[sflag:s20] =	ssyncadd.s32 $0xFFFFE000  }
0x127: {  	[tilespmem:s28], [sflag:$0x3] =	stream.indirect.gather [hbm4b:s1+s22], $0x80, s16, s22, $0xb8;
	[tilespmem:$0x1FC00] =	vst v63  }
0x128: {  	_ =	swait.ge [sflag:s8], $0x2000  }
0x129: {  	[sflag:s8] =	ssyncset.done $0x0  }
0x12a: {  	s17 =	simm.s32 $0x2180;
	[sflag:s8] =	ssyncadd.s32 $0xFFFFE000  }
0x12b: {  	[spmem:s3] =	stream.indirect.scatter.add.f32 [tilespmem:s30], [sflag:$0x6], $0x80, s17, s22, $0xb8;
	[tilespmem:$0x1FC00] =	vst v63  }
0x12c: {  	_ =	swait.ge [sflag:s20], $0x2000  }
0x12d: {  	[sflag:s20] =	ssyncset.done $0x0  }
0x12e: {  	s16 =	simm.s32 $0x800;
	s17 =	simm.s32 $0x380;
	[sflag:s20] =	ssyncadd.s32 $0xFFFFE000  }
.LBB2_6:
0x12f: {  	[tilespmem:s30], [sflag:$0x4] =	stream.indirect.gather [hbm4b:s1+s22], $0x80, s17, s22, $0xb8;
	[tilespmem:$0x1FC00] =	vst v63  }
0x130: {  	s2 =	smov.u32 s16  }
0x131: {  	p0 =	sne.s32 s16, $0x3000;
	s16 =	sadd.s32 $0x800, s16;
	_ =	swait.ge [sflag:s0], $0x2000  }
0x132: {  	s17 =	sshra.s32 s2, $0x2;
	[sflag:s0] =	ssyncset.done $0x0  }
0x133: {  	s2 =	sadd.s32 $0x2000, s17;
	[sflag:s0] =	ssyncadd.s32 $0xFFFFE000  }
0x134: {  	[spmem:s3] =	stream.indirect.scatter.add.f32 [tilespmem:s23], [sflag:$0x6], $0x80, s2, s22, $0xb8;
	[tilespmem:$0x1FC00] =	vst v63  }
0x135: {  	_ =	swait.ge [sflag:s20], $0x2000  }
0x136: {  	[sflag:s20] =	ssyncset.done $0x0  }
0x137: {  	s2 =	sadd.s32 $0x200, s17;
	[sflag:s20] =	ssyncadd.s32 $0xFFFFE000  }
0x138: {  	[tilespmem:s23], [sflag:$0x1] =	stream.indirect.gather [hbm4b:s1+s22], $0x80, s2, s22, $0xb8;
	[tilespmem:$0x1FC00] =	vst v63  }
0x139: {  	_ =	swait.ge [sflag:s5], $0x2000  }
0x13a: {  	[sflag:s5] =	ssyncset.done $0x0  }
0x13b: {  	s2 =	sadd.s32 $0x2080, s17;
	[sflag:s5] =	ssyncadd.s32 $0xFFFFE000  }
0x13c: {  	[spmem:s3] =	stream.indirect.scatter.add.f32 [tilespmem:s25], [sflag:$0x6], $0x80, s2, s22, $0xb8;
	[tilespmem:$0x1FC00] =	vst v63  }
0x13d: {  	_ =	swait.ge [sflag:s20], $0x2000  }
0x13e: {  	[sflag:s20] =	ssyncset.done $0x0  }
0x13f: {  	s2 =	sadd.s32 $0x280, s17;
	[sflag:s20] =	ssyncadd.s32 $0xFFFFE000  }
0x140: {  	[tilespmem:s25], [sflag:$0x2] =	stream.indirect.gather [hbm4b:s1+s22], $0x80, s2, s22, $0xb8;
	[tilespmem:$0x1FC00] =	vst v63  }
0x141: {  	_ =	swait.ge [sflag:s6], $0x2000  }
0x142: {  	[sflag:s6] =	ssyncset.done $0x0  }
0x143: {  	s2 =	sadd.s32 $0x2100, s17;
	[sflag:s6] =	ssyncadd.s32 $0xFFFFE000  }
0x144: {  	[spmem:s3] =	stream.indirect.scatter.add.f32 [tilespmem:s28], [sflag:$0x6], $0x80, s2, s22, $0xb8;
	[tilespmem:$0x1FC00] =	vst v63  }
0x145: {  	_ =	swait.ge [sflag:s20], $0x2000  }
0x146: {  	[sflag:s20] =	ssyncset.done $0x0  }
0x147: {  	s2 =	sadd.s32 $0x300, s17;
	[sflag:s20] =	ssyncadd.s32 $0xFFFFE000  }
0x148: {  	[tilespmem:s28], [sflag:$0x3] =	stream.indirect.gather [hbm4b:s1+s22], $0x80, s2, s22, $0xb8;
	[tilespmem:$0x1FC00] =	vst v63  }
0x149: {  	_ =	swait.ge [sflag:s8], $0x2000  }
0x14a: {  	[sflag:s8] =	ssyncset.done $0x0  }
.Ltmp2:
0x14b: {  	s2 =	sadd.s32 $0x2180, s17;
	[sflag:s8] =	ssyncadd.s32 $0xFFFFE000;
	(pc) =	sbr.rel @p0 .LBB2_6-.Ltmp2, $4  }
0x14c: {  	[spmem:s3] =	stream.indirect.scatter.add.f32 [tilespmem:s30], [sflag:$0x6], $0x80, s2, s22, $0xb8;
	[tilespmem:$0x1FC00] =	vst v63  }
0x14d: {  	_ =	swait.ge [sflag:s20], $0x2000  }
0x14e: {  	[sflag:s20] =	ssyncset.done $0x0  }
0x14f: {  	s17 =	sadd.s32 $0x380, s17;
	[sflag:s20] =	ssyncadd.s32 $0xFFFFE000  }
0x150: {  	[tilespmem:s30], [sflag:$0x4] =	stream.indirect.gather [hbm4b:s1+s22], $0x80, s17, s22, $0xb8;
	[tilespmem:$0x1FC00] =	vst v63  }
0x151: {  	_ =	swait.ge [sflag:s9], $0x1000  }
0x152: {  	[sflag:s9] =	ssyncset.done $0x0  }
0x153: {  	[sflag:s9] =	ssyncadd.s32 $0xFFFFF000  }
0x154: {  	_ =	swait.ge [sflag:s9], $0x1000  }
0x155: {  	[sflag:s9] =	ssyncset.done $0x0  }
0x156: {  	[sflag:s9] =	ssyncadd.s32 $0xFFFFF000  }
0x157: {  	_ =	swait.ge [sflag:s0], $0x2000  }
0x158: {  	[sflag:s0] =	ssyncset.done $0x0  }
0x159: {  	[sflag:s0] =	ssyncadd.s32 $0xFFFFE000  }
0x15a: {  	[spmem:s3] =	stream.indirect.scatter.add.f32 [tilespmem:s23], [sflag:$0x6], $0x80, s10, s22, $0xb8;
	[tilespmem:$0x1FC00] =	vst v63  }
0x15b: {  	_ =	swait.ge [sflag:s20], $0x2000  }
0x15c: {  	[sflag:s20] =	ssyncset.done $0x0  }
0x15d: {  	[sflag:s20] =	ssyncadd.s32 $0xFFFFE000  }
0x15e: {  	[tilespmem:s23], [sflag:$0x1] =	stream.indirect.gather [hbm4b:s1+s22], $0x80, s31, s22, $0xb8;
	[tilespmem:$0x1FC00] =	vst v63  }
0x15f: {  	_ =	swait.ge [sflag:s5], $0x2000  }
0x160: {  	[sflag:s5] =	ssyncset.done $0x0  }
0x161: {  	[sflag:s5] =	ssyncadd.s32 $0xFFFFE000  }
0x162: {  	[spmem:s3] =	stream.indirect.scatter.add.f32 [tilespmem:s25], [sflag:$0x6], $0x80, s11, s22, $0xb8;
	[tilespmem:$0x1FC00] =	vst v63  }
0x163: {  	_ =	swait.ge [sflag:s20], $0x2000  }
0x164: {  	[sflag:s20] =	ssyncset.done $0x0  }
0x165: {  	s2 =	simm.s32 $0x1080;
	[sflag:s20] =	ssyncadd.s32 $0xFFFFE000  }
0x166: {  	[tilespmem:s25], [sflag:$0x2] =	stream.indirect.gather [hbm4b:s1+s22], $0x80, s2, s22, $0xb8;
	[tilespmem:$0x1FC00] =	vst v63  }
0x167: {  	_ =	swait.ge [sflag:s6], $0x2000  }
0x168: {  	[sflag:s6] =	ssyncset.done $0x0  }
0x169: {  	[sflag:s6] =	ssyncadd.s32 $0xFFFFE000  }
0x16a: {  	[spmem:s3] =	stream.indirect.scatter.add.f32 [tilespmem:s28], [sflag:$0x6], $0x80, s13, s22, $0xb8;
	[tilespmem:$0x1FC00] =	vst v63  }
0x16b: {  	_ =	swait.ge [sflag:s20], $0x2000  }
0x16c: {  	[sflag:s20] =	ssyncset.done $0x0  }
0x16d: {  	s17 =	simm.s32 $0x1100;
	[sflag:s20] =	ssyncadd.s32 $0xFFFFE000  }
0x16e: {  	[tilespmem:s28], [sflag:$0x3] =	stream.indirect.gather [hbm4b:s1+s22], $0x80, s17, s22, $0xb8;
	[tilespmem:$0x1FC00] =	vst v63  }
0x16f: {  	_ =	swait.ge [sflag:s8], $0x2000  }
0x170: {  	[sflag:s8] =	ssyncset.done $0x0  }
0x171: {  	[sflag:s8] =	ssyncadd.s32 $0xFFFFE000  }
0x172: {  	[spmem:s3] =	stream.indirect.scatter.add.f32 [tilespmem:s30], [sflag:$0x6], $0x80, s15, s22, $0xb8;
	[tilespmem:$0x1FC00] =	vst v63  }
0x173: {  	_ =	swait.ge [sflag:s20], $0x2000  }
0x174: {  	[sflag:s20] =	ssyncset.done $0x0  }
0x175: {  	s16 =	simm.s32 $0x1180;
	[sflag:s20] =	ssyncadd.s32 $0xFFFFE000  }
0x176: {  	[tilespmem:s30], [sflag:$0x4] =	stream.indirect.gather [hbm4b:s1+s22], $0x80, s16, s22, $0xb8;
	[tilespmem:$0x1FC00] =	vst v63  }
0x177: {  	s2 =	simm.s32 $0x0;
	s16 =	rddreg [dreg:$0xe]  }
0x178: {  	[tilespmem:s2], [sflag:$0x5] =	stream.linear.gather [hbm4b:s16+s2], $0x1000, $0x38;
	[tilespmem:$0x1FC00] =	vst v63  }
0x179: {  	s17 =	rddreg [dreg:$0xf]  }
0x17a: {  	[tilespmem:s21], [sflag:$0x5] =	stream.linear.gather [hbm4b:s17+s2], $0x1000, $0x38;
	[tilespmem:$0x1FC00] =	vst v63  }
0x17b: {  	_ =	swait.ge [sflag:s0], $0x2000  }
0x17c: {  	[sflag:s0] =	ssyncset.done $0x0  }
0x17d: {  	s17 =	simm.s32 $0x3000;
	[sflag:s0] =	ssyncadd.s32 $0xFFFFE000  }
0x17e: {  	[spmem:s3] =	stream.indirect.scatter.add.f32 [tilespmem:s23], [sflag:$0x6], $0x80, s17, s22, $0xb8;
	[tilespmem:$0x1FC00] =	vst v63  }
0x17f: {  	_ =	swait.ge [sflag:s20], $0x2000  }
0x180: {  	[sflag:s20] =	ssyncset.done $0x0  }
0x181: {  	s16 =	simm.s32 $0x1200;
	[sflag:s20] =	ssyncadd.s32 $0xFFFFE000  }
0x182: {  	[tilespmem:s23], [sflag:$0x1] =	stream.indirect.gather [hbm4b:s1+s22], $0x80, s16, s22, $0xb8;
	[tilespmem:$0x1FC00] =	vst v63  }
0x183: {  	_ =	swait.ge [sflag:s5], $0x2000  }
0x184: {  	[sflag:s5] =	ssyncset.done $0x0  }
0x185: {  	s17 =	simm.s32 $0x3080;
	[sflag:s5] =	ssyncadd.s32 $0xFFFFE000  }
0x186: {  	[spmem:s3] =	stream.indirect.scatter.add.f32 [tilespmem:s25], [sflag:$0x6], $0x80, s17, s22, $0xb8;
	[tilespmem:$0x1FC00] =	vst v63  }
0x187: {  	_ =	swait.ge [sflag:s20], $0x2000  }
0x188: {  	[sflag:s20] =	ssyncset.done $0x0  }
0x189: {  	s16 =	simm.s32 $0x1280;
	[sflag:s20] =	ssyncadd.s32 $0xFFFFE000  }
0x18a: {  	[tilespmem:s25], [sflag:$0x2] =	stream.indirect.gather [hbm4b:s1+s22], $0x80, s16, s22, $0xb8;
	[tilespmem:$0x1FC00] =	vst v63  }
0x18b: {  	_ =	swait.ge [sflag:s6], $0x2000  }
0x18c: {  	[sflag:s6] =	ssyncset.done $0x0  }
0x18d: {  	s17 =	simm.s32 $0x3100;
	[sflag:s6] =	ssyncadd.s32 $0xFFFFE000  }
0x18e: {  	[spmem:s3] =	stream.indirect.scatter.add.f32 [tilespmem:s28], [sflag:$0x6], $0x80, s17, s22, $0xb8;
	[tilespmem:$0x1FC00] =	vst v63  }
0x18f: {  	_ =	swait.ge [sflag:s20], $0x2000  }
0x190: {  	[sflag:s20] =	ssyncset.done $0x0  }
0x191: {  	s16 =	simm.s32 $0x1300;
	[sflag:s20] =	ssyncadd.s32 $0xFFFFE000  }
0x192: {  	[tilespmem:s28], [sflag:$0x3] =	stream.indirect.gather [hbm4b:s1+s22], $0x80, s16, s22, $0xb8;
	[tilespmem:$0x1FC00] =	vst v63  }
0x193: {  	_ =	swait.ge [sflag:s8], $0x2000  }
0x194: {  	[sflag:s8] =	ssyncset.done $0x0  }
0x195: {  	s17 =	simm.s32 $0x3180;
	[sflag:s8] =	ssyncadd.s32 $0xFFFFE000  }
0x196: {  	[spmem:s3] =	stream.indirect.scatter.add.f32 [tilespmem:s30], [sflag:$0x6], $0x80, s17, s22, $0xb8;
	[tilespmem:$0x1FC00] =	vst v63  }
0x197: {  	_ =	swait.ge [sflag:s20], $0x2000  }
0x198: {  	[sflag:s20] =	ssyncset.done $0x0  }
0x199: {  	s16 =	simm.s32 $0x800;
	s17 =	simm.s32 $0x1380;
	[sflag:s20] =	ssyncadd.s32 $0xFFFFE000  }
.LBB2_8:
0x19a: {  	[tilespmem:s30], [sflag:$0x4] =	stream.indirect.gather [hbm4b:s1+s22], $0x80, s17, s22, $0xb8;
	[tilespmem:$0x1FC00] =	vst v63  }
0x19b: {  	s2 =	smov.u32 s16  }
0x19c: {  	p0 =	sne.s32 s16, $0x3000;
	s16 =	sadd.s32 $0x800, s16;
	_ =	swait.ge [sflag:s0], $0x2000  }
0x19d: {  	s17 =	sshra.s32 s2, $0x2;
	[sflag:s0] =	ssyncset.done $0x0  }
0x19e: {  	s2 =	sadd.s32 $0x3000, s17;
	[sflag:s0] =	ssyncadd.s32 $0xFFFFE000  }
0x19f: {  	[spmem:s3] =	stream.indirect.scatter.add.f32 [tilespmem:s23], [sflag:$0x6], $0x80, s2, s22, $0xb8;
	[tilespmem:$0x1FC00] =	vst v63  }
0x1a0: {  	_ =	swait.ge [sflag:s20], $0x2000  }
0x1a1: {  	[sflag:s20] =	ssyncset.done $0x0  }
0x1a2: {  	s2 =	sadd.s32 $0x1200, s17;
	[sflag:s20] =	ssyncadd.s32 $0xFFFFE000  }
0x1a3: {  	[tilespmem:s23], [sflag:$0x1] =	stream.indirect.gather [hbm4b:s1+s22], $0x80, s2, s22, $0xb8;
	[tilespmem:$0x1FC00] =	vst v63  }
0x1a4: {  	_ =	swait.ge [sflag:s5], $0x2000  }
0x1a5: {  	[sflag:s5] =	ssyncset.done $0x0  }
0x1a6: {  	s2 =	sadd.s32 $0x3080, s17;
	[sflag:s5] =	ssyncadd.s32 $0xFFFFE000  }
0x1a7: {  	[spmem:s3] =	stream.indirect.scatter.add.f32 [tilespmem:s25], [sflag:$0x6], $0x80, s2, s22, $0xb8;
	[tilespmem:$0x1FC00] =	vst v63  }
0x1a8: {  	_ =	swait.ge [sflag:s20], $0x2000  }
0x1a9: {  	[sflag:s20] =	ssyncset.done $0x0  }
0x1aa: {  	s2 =	sadd.s32 $0x1280, s17;
	[sflag:s20] =	ssyncadd.s32 $0xFFFFE000  }
0x1ab: {  	[tilespmem:s25], [sflag:$0x2] =	stream.indirect.gather [hbm4b:s1+s22], $0x80, s2, s22, $0xb8;
	[tilespmem:$0x1FC00] =	vst v63  }
0x1ac: {  	_ =	swait.ge [sflag:s6], $0x2000  }
0x1ad: {  	[sflag:s6] =	ssyncset.done $0x0  }
0x1ae: {  	s2 =	sadd.s32 $0x3100, s17;
	[sflag:s6] =	ssyncadd.s32 $0xFFFFE000  }
0x1af: {  	[spmem:s3] =	stream.indirect.scatter.add.f32 [tilespmem:s28], [sflag:$0x6], $0x80, s2, s22, $0xb8;
	[tilespmem:$0x1FC00] =	vst v63  }
0x1b0: {  	_ =	swait.ge [sflag:s20], $0x2000  }
0x1b1: {  	[sflag:s20] =	ssyncset.done $0x0  }
0x1b2: {  	s2 =	sadd.s32 $0x1300, s17;
	[sflag:s20] =	ssyncadd.s32 $0xFFFFE000  }
0x1b3: {  	[tilespmem:s28], [sflag:$0x3] =	stream.indirect.gather [hbm4b:s1+s22], $0x80, s2, s22, $0xb8;
	[tilespmem:$0x1FC00] =	vst v63  }
0x1b4: {  	_ =	swait.ge [sflag:s8], $0x2000  }
0x1b5: {  	[sflag:s8] =	ssyncset.done $0x0  }
.Ltmp3:
0x1b6: {  	s2 =	sadd.s32 $0x3180, s17;
	[sflag:s8] =	ssyncadd.s32 $0xFFFFE000;
	(pc) =	sbr.rel @p0 .LBB2_8-.Ltmp3, $4  }
0x1b7: {  	[spmem:s3] =	stream.indirect.scatter.add.f32 [tilespmem:s30], [sflag:$0x6], $0x80, s2, s22, $0xb8;
	[tilespmem:$0x1FC00] =	vst v63  }
0x1b8: {  	_ =	swait.ge [sflag:s20], $0x2000  }
0x1b9: {  	[sflag:s20] =	ssyncset.done $0x0  }
0x1ba: {  	s17 =	sadd.s32 $0x1380, s17;
	[sflag:s20] =	ssyncadd.s32 $0xFFFFE000  }
0x1bb: {  	[tilespmem:s30], [sflag:$0x4] =	stream.indirect.gather [hbm4b:s1+s22], $0x80, s17, s22, $0xb8;
	[tilespmem:$0x1FC00] =	vst v63  }
0x1bc: {  	_ =	swait.ge [sflag:s9], $0x1000  }
0x1bd: {  	[sflag:s9] =	ssyncset.done $0x0  }
0x1be: {  	[sflag:s9] =	ssyncadd.s32 $0xFFFFF000  }
0x1bf: {  	_ =	swait.ge [sflag:s9], $0x1000  }
0x1c0: {  	[sflag:s9] =	ssyncset.done $0x0  }
0x1c1: {  	[sflag:s9] =	ssyncadd.s32 $0xFFFFF000  }
0x1c2: {  	_ =	swait.ge [sflag:s0], $0x2000  }
0x1c3: {  	[sflag:s0] =	ssyncset.done $0x0  }
0x1c4: {  	s2 =	simm.s32 $0x3E00;
	[sflag:s0] =	ssyncadd.s32 $0xFFFFE000  }
0x1c5: {  	[spmem:s3] =	stream.indirect.scatter.add.f32 [tilespmem:s23], [sflag:$0x6], $0x80, s2, s22, $0xb8;
	[tilespmem:$0x1FC00] =	vst v63  }
0x1c6: {  	_ =	swait.ge [sflag:s20], $0x2000  }
0x1c7: {  	[sflag:s20] =	ssyncset.done $0x0  }
0x1c8: {  	s17 =	simm.s32 $0x0;
	[sflag:s20] =	ssyncadd.s32 $0xFFFFE000  }
0x1c9: {  	[tilespmem:s23], [sflag:$0x1] =	stream.indirect.gather [hbm4b:s1+s22], $0x80, s17, s22, $0xb8;
	[tilespmem:$0x1FC00] =	vst v63  }
0x1ca: {  	_ =	swait.ge [sflag:s5], $0x2000  }
0x1cb: {  	[sflag:s5] =	ssyncset.done $0x0  }
0x1cc: {  	s16 =	simm.s32 $0x3E80;
	[sflag:s5] =	ssyncadd.s32 $0xFFFFE000  }
0x1cd: {  	[spmem:s3] =	stream.indirect.scatter.add.f32 [tilespmem:s25], [sflag:$0x6], $0x80, s16, s22, $0xb8;
	[tilespmem:$0x1FC00] =	vst v63  }
0x1ce: {  	_ =	swait.ge [sflag:s20], $0x2000  }
0x1cf: {  	[sflag:s20] =	ssyncset.done $0x0  }
0x1d0: {  	[sflag:s20] =	ssyncadd.s32 $0xFFFFE000  }
0x1d1: {  	[tilespmem:s25], [sflag:$0x2] =	stream.indirect.gather [hbm4b:s1+s22], $0x80, s24, s22, $0xb8;
	[tilespmem:$0x1FC00] =	vst v63  }
0x1d2: {  	_ =	swait.ge [sflag:s6], $0x2000  }
0x1d3: {  	[sflag:s6] =	ssyncset.done $0x0  }
0x1d4: {  	[sflag:s6] =	ssyncadd.s32 $0xFFFFE000  }
0x1d5: {  	[spmem:s3] =	stream.indirect.scatter.add.f32 [tilespmem:s28], [sflag:$0x6], $0x80, s18, s22, $0xb8;
	[tilespmem:$0x1FC00] =	vst v63  }
0x1d6: {  	_ =	swait.ge [sflag:s20], $0x2000  }
0x1d7: {  	[sflag:s20] =	ssyncset.done $0x0  }
0x1d8: {  	[sflag:s20] =	ssyncadd.s32 $0xFFFFE000  }
0x1d9: {  	[tilespmem:s28], [sflag:$0x3] =	stream.indirect.gather [hbm4b:s1+s22], $0x80, s26, s22, $0xb8;
	[tilespmem:$0x1FC00] =	vst v63  }
0x1da: {  	_ =	swait.ge [sflag:s8], $0x2000  }
0x1db: {  	[sflag:s8] =	ssyncset.done $0x0  }
0x1dc: {  	[sflag:s8] =	ssyncadd.s32 $0xFFFFE000  }
0x1dd: {  	[spmem:s3] =	stream.indirect.scatter.add.f32 [tilespmem:s30], [sflag:$0x6], $0x80, s19, s22, $0xb8;
	[tilespmem:$0x1FC00] =	vst v63  }
0x1de: {  	_ =	swait.ge [sflag:s20], $0x2000  }
0x1df: {  	[sflag:s20] =	ssyncset.done $0x0  }
0x1e0: {  	[sflag:s20] =	ssyncadd.s32 $0xFFFFE000  }
0x1e1: {  	[tilespmem:s30], [sflag:$0x4] =	stream.indirect.gather [hbm4b:s1+s22], $0x80, s29, s22, $0xb8;
	[tilespmem:$0x1FC00] =	vst v63  }
0x1e2: {  	_ =	swait.ge [sflag:s0], $0x2000  }
0x1e3: {  	[sflag:s0] =	ssyncset.done $0x0  }
0x1e4: {  	s17 =	simm.s32 $0x2000;
	[sflag:s0] =	ssyncadd.s32 $0xFFFFE000  }
0x1e5: {  	[spmem:s3] =	stream.indirect.scatter.add.f32 [tilespmem:s23], [sflag:$0x6], $0x80, s17, s22, $0xb8;
	[tilespmem:$0x1FC00] =	vst v63  }
0x1e6: {  	_ =	swait.ge [sflag:s20], $0x2000  }
0x1e7: {  	[sflag:s20] =	ssyncset.done $0x0  }
0x1e8: {  	s16 =	simm.s32 $0x200;
	[sflag:s20] =	ssyncadd.s32 $0xFFFFE000  }
0x1e9: {  	[tilespmem:s23], [sflag:$0x1] =	stream.indirect.gather [hbm4b:s1+s22], $0x80, s16, s22, $0xb8;
	[tilespmem:$0x1FC00] =	vst v63  }
0x1ea: {  	_ =	swait.ge [sflag:s5], $0x2000  }
0x1eb: {  	[sflag:s5] =	ssyncset.done $0x0  }
0x1ec: {  	s17 =	simm.s32 $0x2080;
	[sflag:s5] =	ssyncadd.s32 $0xFFFFE000  }
0x1ed: {  	[spmem:s3] =	stream.indirect.scatter.add.f32 [tilespmem:s25], [sflag:$0x6], $0x80, s17, s22, $0xb8;
	[tilespmem:$0x1FC00] =	vst v63  }
0x1ee: {  	_ =	swait.ge [sflag:s20], $0x2000  }
0x1ef: {  	[sflag:s20] =	ssyncset.done $0x0  }
0x1f0: {  	s16 =	simm.s32 $0x280;
	[sflag:s20] =	ssyncadd.s32 $0xFFFFE000  }
0x1f1: {  	[tilespmem:s25], [sflag:$0x2] =	stream.indirect.gather [hbm4b:s1+s22], $0x80, s16, s22, $0xb8;
	[tilespmem:$0x1FC00] =	vst v63  }
0x1f2: {  	_ =	swait.ge [sflag:s6], $0x2000  }
0x1f3: {  	[sflag:s6] =	ssyncset.done $0x0  }
0x1f4: {  	s17 =	simm.s32 $0x2100;
	[sflag:s6] =	ssyncadd.s32 $0xFFFFE000  }
0x1f5: {  	[spmem:s3] =	stream.indirect.scatter.add.f32 [tilespmem:s28], [sflag:$0x6], $0x80, s17, s22, $0xb8;
	[tilespmem:$0x1FC00] =	vst v63  }
0x1f6: {  	_ =	swait.ge [sflag:s20], $0x2000  }
0x1f7: {  	[sflag:s20] =	ssyncset.done $0x0  }
0x1f8: {  	s16 =	simm.s32 $0x300;
	[sflag:s20] =	ssyncadd.s32 $0xFFFFE000  }
0x1f9: {  	[tilespmem:s28], [sflag:$0x3] =	stream.indirect.gather [hbm4b:s1+s22], $0x80, s16, s22, $0xb8;
	[tilespmem:$0x1FC00] =	vst v63  }
0x1fa: {  	_ =	swait.ge [sflag:s8], $0x2000  }
0x1fb: {  	[sflag:s8] =	ssyncset.done $0x0  }
0x1fc: {  	s17 =	simm.s32 $0x2180;
	[sflag:s8] =	ssyncadd.s32 $0xFFFFE000  }
0x1fd: {  	[spmem:s3] =	stream.indirect.scatter.add.f32 [tilespmem:s30], [sflag:$0x6], $0x80, s17, s22, $0xb8;
	[tilespmem:$0x1FC00] =	vst v63  }
0x1fe: {  	_ =	swait.ge [sflag:s20], $0x2000  }
0x1ff: {  	[sflag:s20] =	ssyncset.done $0x0  }
0x200: {  	s16 =	simm.s32 $0x800;
	s17 =	simm.s32 $0x380;
	[sflag:s20] =	ssyncadd.s32 $0xFFFFE000  }
.LBB2_10:
0x201: {  	[tilespmem:s30], [sflag:$0x4] =	stream.indirect.gather [hbm4b:s1+s22], $0x80, s17, s22, $0xb8;
	[tilespmem:$0x1FC00] =	vst v63  }
0x202: {  	s2 =	smov.u32 s16  }
0x203: {  	p0 =	sne.s32 s16, $0x3000;
	s16 =	sadd.s32 $0x800, s16;
	_ =	swait.ge [sflag:s0], $0x2000  }
0x204: {  	s17 =	sshra.s32 s2, $0x2;
	[sflag:s0] =	ssyncset.done $0x0  }
0x205: {  	s2 =	sadd.s32 $0x2000, s17;
	[sflag:s0] =	ssyncadd.s32 $0xFFFFE000  }
0x206: {  	[spmem:s3] =	stream.indirect.scatter.add.f32 [tilespmem:s23], [sflag:$0x6], $0x80, s2, s22, $0xb8;
	[tilespmem:$0x1FC00] =	vst v63  }
0x207: {  	_ =	swait.ge [sflag:s20], $0x2000  }
0x208: {  	[sflag:s20] =	ssyncset.done $0x0  }
0x209: {  	s2 =	sadd.s32 $0x200, s17;
	[sflag:s20] =	ssyncadd.s32 $0xFFFFE000  }
0x20a: {  	[tilespmem:s23], [sflag:$0x1] =	stream.indirect.gather [hbm4b:s1+s22], $0x80, s2, s22, $0xb8;
	[tilespmem:$0x1FC00] =	vst v63  }
0x20b: {  	_ =	swait.ge [sflag:s5], $0x2000  }
0x20c: {  	[sflag:s5] =	ssyncset.done $0x0  }
0x20d: {  	s2 =	sadd.s32 $0x2080, s17;
	[sflag:s5] =	ssyncadd.s32 $0xFFFFE000  }
0x20e: {  	[spmem:s3] =	stream.indirect.scatter.add.f32 [tilespmem:s25], [sflag:$0x6], $0x80, s2, s22, $0xb8;
	[tilespmem:$0x1FC00] =	vst v63  }
0x20f: {  	_ =	swait.ge [sflag:s20], $0x2000  }
0x210: {  	[sflag:s20] =	ssyncset.done $0x0  }
0x211: {  	s2 =	sadd.s32 $0x280, s17;
	[sflag:s20] =	ssyncadd.s32 $0xFFFFE000  }
0x212: {  	[tilespmem:s25], [sflag:$0x2] =	stream.indirect.gather [hbm4b:s1+s22], $0x80, s2, s22, $0xb8;
	[tilespmem:$0x1FC00] =	vst v63  }
0x213: {  	_ =	swait.ge [sflag:s6], $0x2000  }
0x214: {  	[sflag:s6] =	ssyncset.done $0x0  }
0x215: {  	s2 =	sadd.s32 $0x2100, s17;
	[sflag:s6] =	ssyncadd.s32 $0xFFFFE000  }
0x216: {  	[spmem:s3] =	stream.indirect.scatter.add.f32 [tilespmem:s28], [sflag:$0x6], $0x80, s2, s22, $0xb8;
	[tilespmem:$0x1FC00] =	vst v63  }
0x217: {  	_ =	swait.ge [sflag:s20], $0x2000  }
0x218: {  	[sflag:s20] =	ssyncset.done $0x0  }
0x219: {  	s2 =	sadd.s32 $0x300, s17;
	[sflag:s20] =	ssyncadd.s32 $0xFFFFE000  }
0x21a: {  	[tilespmem:s28], [sflag:$0x3] =	stream.indirect.gather [hbm4b:s1+s22], $0x80, s2, s22, $0xb8;
	[tilespmem:$0x1FC00] =	vst v63  }
0x21b: {  	_ =	swait.ge [sflag:s8], $0x2000  }
0x21c: {  	[sflag:s8] =	ssyncset.done $0x0  }
.Ltmp4:
0x21d: {  	s2 =	sadd.s32 $0x2180, s17;
	[sflag:s8] =	ssyncadd.s32 $0xFFFFE000;
	(pc) =	sbr.rel @p0 .LBB2_10-.Ltmp4, $4  }
0x21e: {  	[spmem:s3] =	stream.indirect.scatter.add.f32 [tilespmem:s30], [sflag:$0x6], $0x80, s2, s22, $0xb8;
	[tilespmem:$0x1FC00] =	vst v63  }
0x21f: {  	_ =	swait.ge [sflag:s20], $0x2000  }
0x220: {  	[sflag:s20] =	ssyncset.done $0x0  }
0x221: {  	s17 =	sadd.s32 $0x380, s17;
	[sflag:s20] =	ssyncadd.s32 $0xFFFFE000  }
0x222: {  	[tilespmem:s30], [sflag:$0x4] =	stream.indirect.gather [hbm4b:s1+s22], $0x80, s17, s22, $0xb8;
	[tilespmem:$0x1FC00] =	vst v63  }
0x223: {  	_ =	swait.ge [sflag:s0], $0x2000  }
0x224: {  	[sflag:s0] =	ssyncset.done $0x0  }
0x225: {  	[sflag:s0] =	ssyncadd.s32 $0xFFFFE000  }
0x226: {  	[spmem:s3] =	stream.indirect.scatter.add.f32 [tilespmem:s23], [sflag:$0x6], $0x80, s10, s22, $0xb8;
	[tilespmem:$0x1FC00] =	vst v63  }
0x227: {  	_ =	swait.ge [sflag:s20], $0x2000  }
0x228: {  	[sflag:s20] =	ssyncset.done $0x0  }
0x229: {  	[sflag:s20] =	ssyncadd.s32 $0xFFFFE000  }
0x22a: {  	_ =	swait.ge [sflag:s5], $0x2000  }
0x22b: {  	[sflag:s5] =	ssyncset.done $0x0  }
0x22c: {  	[sflag:s5] =	ssyncadd.s32 $0xFFFFE000  }
0x22d: {  	[spmem:s3] =	stream.indirect.scatter.add.f32 [tilespmem:s25], [sflag:$0x6], $0x80, s11, s22, $0xb8;
	[tilespmem:$0x1FC00] =	vst v63  }
0x22e: {  	_ =	swait.ge [sflag:s20], $0x2000  }
0x22f: {  	[sflag:s20] =	ssyncset.done $0x0  }
0x230: {  	[sflag:s20] =	ssyncadd.s32 $0xFFFFE000  }
0x231: {  	_ =	swait.ge [sflag:s6], $0x2000  }
0x232: {  	[sflag:s6] =	ssyncset.done $0x0  }
0x233: {  	[sflag:s6] =	ssyncadd.s32 $0xFFFFE000  }
0x234: {  	[spmem:s3] =	stream.indirect.scatter.add.f32 [tilespmem:s28], [sflag:$0x6], $0x80, s13, s22, $0xb8;
	[tilespmem:$0x1FC00] =	vst v63  }
0x235: {  	_ =	swait.ge [sflag:s20], $0x2000  }
0x236: {  	[sflag:s20] =	ssyncset.done $0x0  }
0x237: {  	[sflag:s20] =	ssyncadd.s32 $0xFFFFE000  }
0x238: {  	_ =	swait.ge [sflag:s8], $0x2000  }
0x239: {  	[sflag:s8] =	ssyncset.done $0x0  }
0x23a: {  	[sflag:s8] =	ssyncadd.s32 $0xFFFFE000  }
0x23b: {  	[spmem:s3] =	stream.indirect.scatter.add.f32 [tilespmem:s30], [sflag:$0x6], $0x80, s15, s22, $0xb8;
	[tilespmem:$0x1FC00] =	vst v63  }
0x23c: {  	_ =	swait.ge [sflag:s20], $0x2000  }
0x23d: {  	[sflag:s20] =	ssyncset.done $0x0  }
0x23e: {  	[sflag:s20] =	ssyncadd.s32 $0xFFFFE000  }
0x23f: {  	[bflag:$0x0] =	sbarrier.arrive $0xFFFF  }
0x240: {  	s2 =	rddreg [dreg:$0x10]  }
0x241: {  	[hbm:s2], [sflag:s7] =	dma.local [spmem:s14], $0x2780  }
0x242: {  	_ =	swait.ge [sflag:s20], $0x2780  }
0x243: {  	s12 =	sadd.s32 $0x1, s12;
	s17 =	rddreg [dreg:$0x11]  }
0x244: {  	p0 =	sne.s32 s12, s17  }
.Ltmp5:
0x245: {  	_ = 	snop;
	(pc) =	sbr.rel @p0 .LBB2_1-.Ltmp5, $3  }
0x246: {  	_ =	sdelay $0x1  }
0x247: {  	[sflag:s20] =	ssyncset.done $0x0  }
0x248: {  	[sflag:s20] =	ssyncadd.s32 $0xFFFFD880  }
0x249: {  	_ =	sfence.sel $0x180000  }
0x24a: {  	[bflag:$0x0] =	sbarrier.arrive $0xFFFF  }
0x24b: {  	_ =	strace $0x9000004A  }
0x24c: {  	s0 =	stileid.u32;
	[bflag:$0x2] =	sbarrier.arrive $0xFFFF  }
0x24d: {  	p0 =	sne.s32 s0, $0x0;
	s0 =	rddreg [dreg:$0x3]  }
0x24e: {  	s0 =	sadd.s32 @!p0 $0x100000, s0  }
0x24f: {  	[sflag:s0] =	ssyncadd.tile.s32 @!p0 $0x1;
	_ =	shalt  }
.Lfunc_end2:
_tile_overlayer_lowered:
.L_overlay_start_2:
0x250: {  	(tag) =	ssettag $0x2  }
0x251: {  	s0 =	rddreg [dreg:$0x0];
	s2 =	stileid.u32  }
0x252: {  	s1 =	rddreg [dreg:$0x1];
	p0 =	sne.s32 s2, $0x0  }
0x253: {  	s3 =	rddreg [dreg:$0x2];
	[bflag:$0x3] =	sbarrier.arrive $0xFFFF;
	s2 =	simm.s32 @!p0 $0x1C06  }
0x254: {  	[timem:s3], [sflag:s2] =	dma.local @!p0 [hbm:s0], s1  }
0x255: {  	s0 =	simm.s32 @!p0 $0x6  }
0x256: {  	_ =	swait.ge @!p0 [sflag:s0], s1  }
0x257: {  	s1 =	ssub.s32 @!p0 $0x0, s1;
	[sflag:s0] =	ssyncset.done @!p0 $0x0  }
0x258: {  	[sflag:s0] =	ssyncadd.s32 @!p0 s1  }
0x259: {  	[bflag:$0x3] =	sbarrier.arrive $0xFFFF  }
0x25a: {  	_ =	shalt  }

</sc_bundles>
